<compile_context>
chip_gen: v7x
topology: tpu7x:2x2x1
jax: 0.10.2.dev20260603
libtpu: 0.0.44.dev20260713+nightly
codegen_flags: <defaults>
</compile_context>

<pallas_src>
import functools

import jax
import jax.numpy as jnp
from jax import lax
from jax.experimental import pallas as pl
from jax.experimental.pallas import tpu as pltpu
import jax.experimental.pallas.tpu_sc as plsc

N_TOKENS = 16384
N_SYMBOLS = 8192
WEIGHT = 0.1

NUM_SUBCORES = 16
TOK_PER_SC = N_TOKENS // NUM_SUBCORES
IDX_ROWS = TOK_PER_SC // 128
BINS_PER_SC = N_SYMBOLS // NUM_SUBCORES
VECS_PER_SC = BINS_PER_SC // 16

_LN2 = 0.6931471805599453
_SQRT2 = 1.4142135623730951
_TINY = 2e-38


def _vlog(x):
    bits = lax.bitcast_convert_type(x, jnp.int32)
    e = lax.shift_right_logical(bits, 23) - 127
    m = lax.bitcast_convert_type(
        (bits & jnp.int32(0x007FFFFF)) | jnp.int32(0x3F800000), jnp.float32)
    big = m >= _SQRT2
    e = jnp.where(big, e + 1, e)
    m = jnp.where(big, m * 0.5, m)
    t = (m - 1.0) / (m + 1.0)
    t2 = t * t
    ln_m = t * (2.0 + t2 * (2.0 / 3.0 + t2 * (2.0 / 5.0 + t2 * (2.0 / 7.0))))
    return ln_m + e.astype(jnp.float32) * _LN2


def _hsum_splat(x):
    acc = jnp.full((16,), x[0], jnp.float32)
    for l in range(1, 16):
        acc = acc + jnp.full((16,), x[l], jnp.float32)
    return acc


def _sc_body(idx_hbm, histy_hbm, out_hbm,
             idx_v, ones_v, cnt_v, histy_v, iota_v, out_v,
             hist_sh, acc_sh, sem):
    sid = lax.axis_index("s")

    for j in range(IDX_ROWS):
        for k in range(128 // 16):
            ones_v[j, pl.ds(k * 16, 16)] = jnp.ones((16,), jnp.float32)
    for k in range(VECS_PER_SC):
        cnt_v[pl.ds(k * 16, 16)] = jnp.zeros((16,), jnp.float32)
    iota_v[pl.ds(0, 16)] = lax.iota(jnp.int32, 16)
    iota_v[pl.ds(16, 16)] = lax.iota(jnp.int32, 16) + 16

    c_idx = pltpu.async_copy(idx_hbm.at[sid], idx_v, sem)
    c_hty = pltpu.async_copy(
        histy_hbm.at[pl.ds(sid * BINS_PER_SC, BINS_PER_SC)], histy_v, sem)
    pltpu.sync_copy(cnt_v, hist_sh.at[pl.ds(sid * BINS_PER_SC, BINS_PER_SC)])

    @pl.when(sid == 0)
    def _():
        pltpu.sync_copy(cnt_v.at[pl.ds(0, 32)], acc_sh)

    c_idx.wait()
    c_hty.wait()
    plsc.subcore_barrier()

    scatters = [
        pltpu.async_copy(ones_v.at[j], hist_sh.at[idx_v.at[j]], sem, add=True)
        for j in range(IDX_ROWS)
    ]
    for c in scatters:
        c.wait()
    plsc.subcore_barrier()

    pltpu.sync_copy(hist_sh.at[pl.ds(sid * BINS_PER_SC, BINS_PER_SC)], cnt_v)

    acc = jnp.zeros((16,), jnp.float32)
    for k in range(VECS_PER_SC):
        h = (histy_v[pl.ds(k * 16, 16)] * 0.95
             + cnt_v[pl.ds(k * 16, 16)] * (0.05 / N_TOKENS))
        cnt_v[pl.ds(k * 16, 16)] = h
        acc = acc + h
    out_v[pl.ds(0, 16)] = acc
    e1 = jnp.zeros((16,), jnp.float32)
    for k in range(VECS_PER_SC):
        h = cnt_v[pl.ds(k * 16, 16)]
        e1 = e1 + h * _vlog(h + _TINY)
    out_v[pl.ds(16, 16)] = e1
    pltpu.sync_copy(out_v, acc_sh.at[iota_v], add=True)
    plsc.subcore_barrier()

    @pl.when(sid == 0)
    def _():
        pltpu.sync_copy(acc_sh, cnt_v.at[pl.ds(0, 32)])
        e2_tot = _hsum_splat(cnt_v[pl.ds(0, 16)])
        e1_tot = _hsum_splat(cnt_v[pl.ds(16, 16)])
        inv = 1.0 / (e2_tot + 1e-9)
        out_v[pl.ds(0, 16)] = WEIGHT * inv * (e1_tot + _vlog(inv) * e2_tot)
        pltpu.sync_copy(out_v.at[pl.ds(0, 16)], out_hbm)


@functools.partial(
    pl.kernel,
    out_type=jax.ShapeDtypeStruct((16,), jnp.float32),
    mesh=plsc.VectorSubcoreMesh(core_axis_name="c", subcore_axis_name="s",
                                num_cores=1),
    scratch_types=[
        pltpu.VMEM((IDX_ROWS, 128), jnp.int32),
        pltpu.VMEM((IDX_ROWS, 128), jnp.float32),
        pltpu.VMEM((BINS_PER_SC,), jnp.float32),
        pltpu.VMEM((BINS_PER_SC,), jnp.float32),
        pltpu.VMEM((32,), jnp.int32),
        pltpu.VMEM((32,), jnp.float32),
        pltpu.VMEM_SHARED((N_SYMBOLS,), jnp.float32),
        pltpu.VMEM_SHARED((32,), jnp.float32),
        pltpu.SemaphoreType.DMA,
    ],
)
def _sc_loss(idx_hbm, histy_hbm, out_hbm, *rest):
    _sc_body(idx_hbm, histy_hbm, out_hbm, *rest)


def kernel(semantic_indices, semantic_history):
    idx = semantic_indices.reshape(NUM_SUBCORES, IDX_ROWS, 128).astype(jnp.int32)
    out = _sc_loss(idx, semantic_history)
    return out[0]

# --- scband reference (transcript-rebuilt; emitter-appended) ---
"""Pipeline reference for scband-enhanced-diversity-loss-24902220382617 (READ-ONLY COPY).

The authoritative reference and input builder live on the scoring server;
editing this copy changes nothing except your own understanding.
"""

import jax, jax.numpy as jnp
import numpy as np

N_TOKENS = 16384
N_SYMBOLS = 8192
WEIGHT = 0.1


def setup_inputs(seed: int = 0) -> dict:
    key = jax.random.key(seed)
    k1 = jax.random.fold_in(key, 1)
    semantic_indices = jax.random.randint(k1, (N_TOKENS,), 0, N_SYMBOLS, dtype=jnp.int64 if jax.config.jax_enable_x64 else jnp.int32).astype(jnp.int32)
    semantic_history = jnp.zeros((N_SYMBOLS,), dtype=jnp.float32)
    return {"semantic_indices": semantic_indices, "semantic_history": semantic_history}


def reference(semantic_indices, semantic_history):
    # onehot = F.one_hot(semantic_indices, K).float()
    onehot = jax.nn.one_hot(semantic_indices, N_SYMBOLS, dtype=jnp.float32)
    # semantic_history.mul_(0.95).add_(onehot.mean(dim=0), alpha=0.05)
    new_history = semantic_history * 0.95 + onehot.mean(axis=0) * 0.05
    # probs = history / (history.sum() + 1e-9)
    probs = new_history / (new_history.sum() + 1e-9)
    # loss = weight * sum(probs * log(probs + 1e-9))
    loss = WEIGHT * (probs * jnp.log(probs + 1e-9)).sum()
    return loss

if __name__ == "__main__":
    import jax
    _d = setup_inputs()
    print(jax.jit(kernel)(*tuple(_d.values())))

</pallas_src>

<mosaic_0001>
#map = affine_map<(d0, d1) -> (0, 0, 0)>
#map1 = affine_map<(d0, d1) -> (0)>
module attributes {stable_mosaic.version = 14 : i64} {
  func.func @_sc_loss(%arg0: i32, %arg1: i32, %arg2: memref<16x8x128xi32, #tpu.memory_space<hbm>>, %arg3: memref<8192xf32, #tpu.memory_space<hbm>>, %arg4: memref<16xf32, #tpu.memory_space<hbm>>, %arg5: memref<8x128xi32, #tpu.memory_space<vmem>>, %arg6: memref<8x128xf32, #tpu.memory_space<vmem>>, %arg7: memref<512xf32, #tpu.memory_space<vmem>>, %arg8: memref<512xf32, #tpu.memory_space<vmem>>, %arg9: memref<32xi32, #tpu.memory_space<vmem>>, %arg10: memref<32xf32, #tpu.memory_space<vmem>>, %arg11: memref<8192xf32, #tpu.memory_space<vmem_shared>>, %arg12: memref<32xf32, #tpu.memory_space<vmem_shared>>, %arg13: memref<!tpu.dma_semaphore, #tpu.memory_space<semaphore_mem>>) attributes {dimension_semantics = [#tpu.dimension_semantics<core_parallel>, #tpu.dimension_semantics<subcore_parallel>], iteration_bounds = array<i64: 1, 16>, scalar_prefetch = 0 : i64, scratch_operands = 9 : i64, tpu.core_type = #tpu.core_type<sc_vector_subcore>, window_params = [{transform_indices = #map}, {transform_indices = #map1}, {transform_indices = #map1}]} {
    %broadcast_in_dim3A = arith.constant 1.000000e+00 : f32
    %broadcast_in_dim3A_0 = vector.broadcast %broadcast_in_dim3A : f32 to vector<16xf32>
    %swap3A = arith.constant 0 : i32
    %swap3A_1 = arith.index_cast %swap3A : i32 to index
    %swap3A_2 = arith.constant 0 : index
    %swap3A_3 = tpu.vector_load %arg6[%swap3A_1, %swap3A_2] {strides = array<i32>} : memref<8x128xf32, #tpu.memory_space<vmem>>, vector<1x16xf32>,
    %swap3A_4 = vector.shape_cast %swap3A_3 : vector<1x16xf32> to vector<16xf32>
    %swap3A_5 = vector.shape_cast %broadcast_in_dim3A_0 : vector<16xf32> to vector<1x16xf32>
    tpu.vector_store %arg6[%swap3A_1, %swap3A_2], %swap3A_5 {strides = array<i32>} : memref<8x128xf32, #tpu.memory_space<vmem>>, vector<1x16xf32>,
    %broadcast_in_dim3A_6 = arith.constant 1.000000e+00 : f32
    %broadcast_in_dim3A_7 = vector.broadcast %broadcast_in_dim3A_6 : f32 to vector<16xf32>
    %swap3A_8 = arith.constant 0 : i32
    %swap3A_9 = arith.index_cast %swap3A_8 : i32 to index
    %swap3A_10 = arith.constant 16 : index
    %swap3A_11 = tpu.vector_load %arg6[%swap3A_9, %swap3A_10] {strides = array<i32>} : memref<8x128xf32, #tpu.memory_space<vmem>>, vector<1x16xf32>,
    %swap3A_12 = vector.shape_cast %swap3A_11 : vector<1x16xf32> to vector<16xf32>
    %swap3A_13 = vector.shape_cast %broadcast_in_dim3A_7 : vector<16xf32> to vector<1x16xf32>
    tpu.vector_store %arg6[%swap3A_9, %swap3A_10], %swap3A_13 {strides = array<i32>} : memref<8x128xf32, #tpu.memory_space<vmem>>, vector<1x16xf32>,
    %broadcast_in_dim3A_14 = arith.constant 1.000000e+00 : f32
    %broadcast_in_dim3A_15 = vector.broadcast %broadcast_in_dim3A_14 : f32 to vector<16xf32>
    %swap3A_16 = arith.constant 0 : i32
    %swap3A_17 = arith.index_cast %swap3A_16 : i32 to index
    %swap3A_18 = arith.constant 32 : index
    %swap3A_19 = tpu.vector_load %arg6[%swap3A_17, %swap3A_18] {strides = array<i32>} : memref<8x128xf32, #tpu.memory_space<vmem>>, vector<1x16xf32>,
    %swap3A_20 = vector.shape_cast %swap3A_19 : vector<1x16xf32> to vector<16xf32>
    %swap3A_21 = vector.shape_cast %broadcast_in_dim3A_15 : vector<16xf32> to vector<1x16xf32>
    tpu.vector_store %arg6[%swap3A_17, %swap3A_18], %swap3A_21 {strides = array<i32>} : memref<8x128xf32, #tpu.memory_space<vmem>>, vector<1x16xf32>,
    %broadcast_in_dim3A_22 = arith.constant 1.000000e+00 : f32
    %broadcast_in_dim3A_23 = vector.broadcast %broadcast_in_dim3A_22 : f32 to vector<16xf32>
    %swap3A_24 = arith.constant 0 : i32
    %swap3A_25 = arith.index_cast %swap3A_24 : i32 to index
    %swap3A_26 = arith.constant 48 : index
    %swap3A_27 = tpu.vector_load %arg6[%swap3A_25, %swap3A_26] {strides = array<i32>} : memref<8x128xf32, #tpu.memory_space<vmem>>, vector<1x16xf32>,
    %swap3A_28 = vector.shape_cast %swap3A_27 : vector<1x16xf32> to vector<16xf32>
    %swap3A_29 = vector.shape_cast %broadcast_in_dim3A_23 : vector<16xf32> to vector<1x16xf32>
    tpu.vector_store %arg6[%swap3A_25, %swap3A_26], %swap3A_29 {strides = array<i32>} : memref<8x128xf32, #tpu.memory_space<vmem>>, vector<1x16xf32>,
    %broadcast_in_dim3A_30 = arith.constant 1.000000e+00 : f32
    %broadcast_in_dim3A_31 = vector.broadcast %broadcast_in_dim3A_30 : f32 to vector<16xf32>
    %swap3A_32 = arith.constant 0 : i32
    %swap3A_33 = arith.index_cast %swap3A_32 : i32 to index
    %swap3A_34 = arith.constant 64 : index
    %swap3A_35 = tpu.vector_load %arg6[%swap3A_33, %swap3A_34] {strides = array<i32>} : memref<8x128xf32, #tpu.memory_space<vmem>>, vector<1x16xf32>,
    %swap3A_36 = vector.shape_cast %swap3A_35 : vector<1x16xf32> to vector<16xf32>
    %swap3A_37 = vector.shape_cast %broadcast_in_dim3A_31 : vector<16xf32> to vector<1x16xf32>
    tpu.vector_store %arg6[%swap3A_33, %swap3A_34], %swap3A_37 {strides = array<i32>} : memref<8x128xf32, #tpu.memory_space<vmem>>, vector<1x16xf32>,
    %broadcast_in_dim3A_38 = arith.constant 1.000000e+00 : f32
    %broadcast_in_dim3A_39 = vector.broadcast %broadcast_in_dim3A_38 : f32 to vector<16xf32>
    %swap3A_40 = arith.constant 0 : i32
    %swap3A_41 = arith.index_cast %swap3A_40 : i32 to index
    %swap3A_42 = arith.constant 80 : index
    %swap3A_43 = tpu.vector_load %arg6[%swap3A_41, %swap3A_42] {strides = array<i32>} : memref<8x128xf32, #tpu.memory_space<vmem>>, vector<1x16xf32>,
    %swap3A_44 = vector.shape_cast %swap3A_43 : vector<1x16xf32> to vector<16xf32>
    %swap3A_45 = vector.shape_cast %broadcast_in_dim3A_39 : vector<16xf32> to vector<1x16xf32>
    tpu.vector_store %arg6[%swap3A_41, %swap3A_42], %swap3A_45 {strides = array<i32>} : memref<8x128xf32, #tpu.memory_space<vmem>>, vector<1x16xf32>,
    %broadcast_in_dim3A_46 = arith.constant 1.000000e+00 : f32
    %broadcast_in_dim3A_47 = vector.broadcast %broadcast_in_dim3A_46 : f32 to vector<16xf32>
    %swap3A_48 = arith.constant 0 : i32
    %swap3A_49 = arith.index_cast %swap3A_48 : i32 to index
    %swap3A_50 = arith.constant 96 : index
    %swap3A_51 = tpu.vector_load %arg6[%swap3A_49, %swap3A_50] {strides = array<i32>} : memref<8x128xf32, #tpu.memory_space<vmem>>, vector<1x16xf32>,
    %swap3A_52 = vector.shape_cast %swap3A_51 : vector<1x16xf32> to vector<16xf32>
    %swap3A_53 = vector.shape_cast %broadcast_in_dim3A_47 : vector<16xf32> to vector<1x16xf32>
    tpu.vector_store %arg6[%swap3A_49, %swap3A_50], %swap3A_53 {strides = array<i32>} : memref<8x128xf32, #tpu.memory_space<vmem>>, vector<1x16xf32>,
    %broadcast_in_dim3A_54 = arith.constant 1.000000e+00 : f32
    %broadcast_in_dim3A_55 = vector.broadcast %broadcast_in_dim3A_54 : f32 to vector<16xf32>
    %swap3A_56 = arith.constant 0 : i32
    %swap3A_57 = arith.index_cast %swap3A_56 : i32 to index
    %swap3A_58 = arith.constant 112 : index
    %swap3A_59 = tpu.vector_load %arg6[%swap3A_57, %swap3A_58] {strides = array<i32>} : memref<8x128xf32, #tpu.memory_space<vmem>>, vector<1x16xf32>,
    %swap3A_60 = vector.shape_cast %swap3A_59 : vector<1x16xf32> to vector<16xf32>
    %swap3A_61 = vector.shape_cast %broadcast_in_dim3A_55 : vector<16xf32> to vector<1x16xf32>
    tpu.vector_store %arg6[%swap3A_57, %swap3A_58], %swap3A_61 {strides = array<i32>} : memref<8x128xf32, #tpu.memory_space<vmem>>, vector<1x16xf32>,
    %broadcast_in_dim3A_62 = arith.constant 1.000000e+00 : f32
    %broadcast_in_dim3A_63 = vector.broadcast %broadcast_in_dim3A_62 : f32 to vector<16xf32>
    %swap3A_64 = arith.constant 1 : i32
    %swap3A_65 = arith.index_cast %swap3A_64 : i32 to index
    %swap3A_66 = arith.constant 0 : index
    %swap3A_67 = tpu.vector_load %arg6[%swap3A_65, %swap3A_66] {strides = array<i32>} : memref<8x128xf32, #tpu.memory_space<vmem>>, vector<1x16xf32>,
    %swap3A_68 = vector.shape_cast %swap3A_67 : vector<1x16xf32> to vector<16xf32>
    %swap3A_69 = vector.shape_cast %broadcast_in_dim3A_63 : vector<16xf32> to vector<1x16xf32>
    tpu.vector_store %arg6[%swap3A_65, %swap3A_66], %swap3A_69 {strides = array<i32>} : memref<8x128xf32, #tpu.memory_space<vmem>>, vector<1x16xf32>,
    %broadcast_in_dim3A_70 = arith.constant 1.000000e+00 : f32
    %broadcast_in_dim3A_71 = vector.broadcast %broadcast_in_dim3A_70 : f32 to vector<16xf32>
    %swap3A_72 = arith.constant 1 : i32
    %swap3A_73 = arith.index_cast %swap3A_72 : i32 to index
    %swap3A_74 = arith.constant 16 : index
    %swap3A_75 = tpu.vector_load %arg6[%swap3A_73, %swap3A_74] {strides = array<i32>} : memref<8x128xf32, #tpu.memory_space<vmem>>, vector<1x16xf32>,
    %swap3A_76 = vector.shape_cast %swap3A_75 : vector<1x16xf32> to vector<16xf32>
    %swap3A_77 = vector.shape_cast %broadcast_in_dim3A_71 : vector<16xf32> to vector<1x16xf32>
    tpu.vector_store %arg6[%swap3A_73, %swap3A_74], %swap3A_77 {strides = array<i32>} : memref<8x128xf32, #tpu.memory_space<vmem>>, vector<1x16xf32>,
    %broadcast_in_dim3A_78 = arith.constant 1.000000e+00 : f32
    %broadcast_in_dim3A_79 = vector.broadcast %broadcast_in_dim3A_78 : f32 to vector<16xf32>
    %swap3A_80 = arith.constant 1 : i32
    %swap3A_81 = arith.index_cast %swap3A_80 : i32 to index
    %swap3A_82 = arith.constant 32 : index
    %swap3A_83 = tpu.vector_load %arg6[%swap3A_81, %swap3A_82] {strides = array<i32>} : memref<8x128xf32, #tpu.memory_space<vmem>>, vector<1x16xf32>,
    %swap3A_84 = vector.shape_cast %swap3A_83 : vector<1x16xf32> to vector<16xf32>
    %swap3A_85 = vector.shape_cast %broadcast_in_dim3A_79 : vector<16xf32> to vector<1x16xf32>
    tpu.vector_store %arg6[%swap3A_81, %swap3A_82], %swap3A_85 {strides = array<i32>} : memref<8x128xf32, #tpu.memory_space<vmem>>, vector<1x16xf32>,
    %broadcast_in_dim3A_86 = arith.constant 1.000000e+00 : f32
    %broadcast_in_dim3A_87 = vector.broadcast %broadcast_in_dim3A_86 : f32 to vector<16xf32>
    %swap3A_88 = arith.constant 1 : i32
    %swap3A_89 = arith.index_cast %swap3A_88 : i32 to index
    %swap3A_90 = arith.constant 48 : index
    %swap3A_91 = tpu.vector_load %arg6[%swap3A_89, %swap3A_90] {strides = array<i32>} : memref<8x128xf32, #tpu.memory_space<vmem>>, vector<1x16xf32>,
    %swap3A_92 = vector.shape_cast %swap3A_91 : vector<1x16xf32> to vector<16xf32>
    %swap3A_93 = vector.shape_cast %broadcast_in_dim3A_87 : vector<16xf32> to vector<1x16xf32>
    tpu.vector_store %arg6[%swap3A_89, %swap3A_90], %swap3A_93 {strides = array<i32>} : memref<8x128xf32, #tpu.memory_space<vmem>>, vector<1x16xf32>,
    %broadcast_in_dim3A_94 = arith.constant 1.000000e+00 : f32
    %broadcast_in_dim3A_95 = vector.broadcast %broadcast_in_dim3A_94 : f32 to vector<16xf32>
    %swap3A_96 = arith.constant 1 : i32
    %swap3A_97 = arith.index_cast %swap3A_96 : i32 to index
    %swap3A_98 = arith.constant 64 : index
    %swap3A_99 = tpu.vector_load %arg6[%swap3A_97, %swap3A_98] {strides = array<i32>} : memref<8x128xf32, #tpu.memory_space<vmem>>, vector<1x16xf32>,
    %swap3A_100 = vector.shape_cast %swap3A_99 : vector<1x16xf32> to vector<16xf32>
    %swap3A_101 = vector.shape_cast %broadcast_in_dim3A_95 : vector<16xf32> to vector<1x16xf32>
    tpu.vector_store %arg6[%swap3A_97, %swap3A_98], %swap3A_101 {strides = array<i32>} : memref<8x128xf32, #tpu.memory_space<vmem>>, vector<1x16xf32>,
    %broadcast_in_dim3A_102 = arith.constant 1.000000e+00 : f32
    %broadcast_in_dim3A_103 = vector.broadcast %broadcast_in_dim3A_102 : f32 to vector<16xf32>
    %swap3A_104 = arith.constant 1 : i32
    %swap3A_105 = arith.index_cast %swap3A_104 : i32 to index
    %swap3A_106 = arith.constant 80 : index
    %swap3A_107 = tpu.vector_load %arg6[%swap3A_105, %swap3A_106] {strides = array<i32>} : memref<8x128xf32, #tpu.memory_space<vmem>>, vector<1x16xf32>,
    %swap3A_108 = vector.shape_cast %swap3A_107 : vector<1x16xf32> to vector<16xf32>
    %swap3A_109 = vector.shape_cast %broadcast_in_dim3A_103 : vector<16xf32> to vector<1x16xf32>
    tpu.vector_store %arg6[%swap3A_105, %swap3A_106], %swap3A_109 {strides = array<i32>} : memref<8x128xf32, #tpu.memory_space<vmem>>, vector<1x16xf32>,
    %broadcast_in_dim3A_110 = arith.constant 1.000000e+00 : f32
    %broadcast_in_dim3A_111 = vector.broadcast %broadcast_in_dim3A_110 : f32 to vector<16xf32>
    %swap3A_112 = arith.constant 1 : i32
    %swap3A_113 = arith.index_cast %swap3A_112 : i32 to index
    %swap3A_114 = arith.constant 96 : index
    %swap3A_115 = tpu.vector_load %arg6[%swap3A_113, %swap3A_114] {strides = array<i32>} : memref<8x128xf32, #tpu.memory_space<vmem>>, vector<1x16xf32>,
    %swap3A_116 = vector.shape_cast %swap3A_115 : vector<1x16xf32> to vector<16xf32>
    %swap3A_117 = vector.shape_cast %broadcast_in_dim3A_111 : vector<16xf32> to vector<1x16xf32>
    tpu.vector_store %arg6[%swap3A_113, %swap3A_114], %swap3A_117 {strides = array<i32>} : memref<8x128xf32, #tpu.memory_space<vmem>>, vector<1x16xf32>,
    %broadcast_in_dim3A_118 = arith.constant 1.000000e+00 : f32
    %broadcast_in_dim3A_119 = vector.broadcast %broadcast_in_dim3A_118 : f32 to vector<16xf32>
    %swap3A_120 = arith.constant 1 : i32
    %swap3A_121 = arith.index_cast %swap3A_120 : i32 to index
    %swap3A_122 = arith.constant 112 : index
    %swap3A_123 = tpu.vector_load %arg6[%swap3A_121, %swap3A_122] {strides = array<i32>} : memref<8x128xf32, #tpu.memory_space<vmem>>, vector<1x16xf32>,
    %swap3A_124 = vector.shape_cast %swap3A_123 : vector<1x16xf32> to vector<16xf32>
    %swap3A_125 = vector.shape_cast %broadcast_in_dim3A_119 : vector<16xf32> to vector<1x16xf32>
    tpu.vector_store %arg6[%swap3A_121, %swap3A_122], %swap3A_125 {strides = array<i32>} : memref<8x128xf32, #tpu.memory_space<vmem>>, vector<1x16xf32>,
    %broadcast_in_dim3A_126 = arith.constant 1.000000e+00 : f32
    %broadcast_in_dim3A_127 = vector.broadcast %broadcast_in_dim3A_126 : f32 to vector<16xf32>
    %swap3A_128 = arith.constant 2 : i32
    %swap3A_129 = arith.index_cast %swap3A_128 : i32 to index
    %swap3A_130 = arith.constant 0 : index
    %swap3A_131 = tpu.vector_load %arg6[%swap3A_129, %swap3A_130] {strides = array<i32>} : memref<8x128xf32, #tpu.memory_space<vmem>>, vector<1x16xf32>,
    %swap3A_132 = vector.shape_cast %swap3A_131 : vector<1x16xf32> to vector<16xf32>
    %swap3A_133 = vector.shape_cast %broadcast_in_dim3A_127 : vector<16xf32> to vector<1x16xf32>
    tpu.vector_store %arg6[%swap3A_129, %swap3A_130], %swap3A_133 {strides = array<i32>} : memref<8x128xf32, #tpu.memory_space<vmem>>, vector<1x16xf32>,
    %broadcast_in_dim3A_134 = arith.constant 1.000000e+00 : f32
    %broadcast_in_dim3A_135 = vector.broadcast %broadcast_in_dim3A_134 : f32 to vector<16xf32>
    %swap3A_136 = arith.constant 2 : i32
    %swap3A_137 = arith.index_cast %swap3A_136 : i32 to index
    %swap3A_138 = arith.constant 16 : index
    %swap3A_139 = tpu.vector_load %arg6[%swap3A_137, %swap3A_138] {strides = array<i32>} : memref<8x128xf32, #tpu.memory_space<vmem>>, vector<1x16xf32>,
    %swap3A_140 = vector.shape_cast %swap3A_139 : vector<1x16xf32> to vector<16xf32>
    %swap3A_141 = vector.shape_cast %broadcast_in_dim3A_135 : vector<16xf32> to vector<1x16xf32>
    tpu.vector_store %arg6[%swap3A_137, %swap3A_138], %swap3A_141 {strides = array<i32>} : memref<8x128xf32, #tpu.memory_space<vmem>>, vector<1x16xf32>,
    %broadcast_in_dim3A_142 = arith.constant 1.000000e+00 : f32
    %broadcast_in_dim3A_143 = vector.broadcast %broadcast_in_dim3A_142 : f32 to vector<16xf32>
    %swap3A_144 = arith.constant 2 : i32
    %swap3A_145 = arith.index_cast %swap3A_144 : i32 to index
    %swap3A_146 = arith.constant 32 : index
    %swap3A_147 = tpu.vector_load %arg6[%swap3A_145, %swap3A_146] {strides = array<i32>} : memref<8x128xf32, #tpu.memory_space<vmem>>, vector<1x16xf32>,
    %swap3A_148 = vector.shape_cast %swap3A_147 : vector<1x16xf32> to vector<16xf32>
    %swap3A_149 = vector.shape_cast %broadcast_in_dim3A_143 : vector<16xf32> to vector<1x16xf32>
    tpu.vector_store %arg6[%swap3A_145, %swap3A_146], %swap3A_149 {strides = array<i32>} : memref<8x128xf32, #tpu.memory_space<vmem>>, vector<1x16xf32>,
    %broadcast_in_dim3A_150 = arith.constant 1.000000e+00 : f32
    %broadcast_in_dim3A_151 = vector.broadcast %broadcast_in_dim3A_150 : f32 to vector<16xf32>
    %swap3A_152 = arith.constant 2 : i32
    %swap3A_153 = arith.index_cast %swap3A_152 : i32 to index
    %swap3A_154 = arith.constant 48 : index
    %swap3A_155 = tpu.vector_load %arg6[%swap3A_153, %swap3A_154] {strides = array<i32>} : memref<8x128xf32, #tpu.memory_space<vmem>>, vector<1x16xf32>,
    %swap3A_156 = vector.shape_cast %swap3A_155 : vector<1x16xf32> to vector<16xf32>
    %swap3A_157 = vector.shape_cast %broadcast_in_dim3A_151 : vector<16xf32> to vector<1x16xf32>
    tpu.vector_store %arg6[%swap3A_153, %swap3A_154], %swap3A_157 {strides = array<i32>} : memref<8x128xf32, #tpu.memory_space<vmem>>, vector<1x16xf32>,
    %broadcast_in_dim3A_158 = arith.constant 1.000000e+00 : f32
    %broadcast_in_dim3A_159 = vector.broadcast %broadcast_in_dim3A_158 : f32 to vector<16xf32>
    %swap3A_160 = arith.constant 2 : i32
    %swap3A_161 = arith.index_cast %swap3A_160 : i32 to index
    %swap3A_162 = arith.constant 64 : index
    %swap3A_163 = tpu.vector_load %arg6[%swap3A_161, %swap3A_162] {strides = array<i32>} : memref<8x128xf32, #tpu.memory_space<vmem>>, vector<1x16xf32>,
    %swap3A_164 = vector.shape_cast %swap3A_163 : vector<1x16xf32> to vector<16xf32>
    %swap3A_165 = vector.shape_cast %broadcast_in_dim3A_159 : vector<16xf32> to vector<1x16xf32>
    tpu.vector_store %arg6[%swap3A_161, %swap3A_162], %swap3A_165 {strides = array<i32>} : memref<8x128xf32, #tpu.memory_space<vmem>>, vector<1x16xf32>,
    %broadcast_in_dim3A_166 = arith.constant 1.000000e+00 : f32
    %broadcast_in_dim3A_167 = vector.broadcast %broadcast_in_dim3A_166 : f32 to vector<16xf32>
    %swap3A_168 = arith.constant 2 : i32
    %swap3A_169 = arith.index_cast %swap3A_168 : i32 to index
    %swap3A_170 = arith.constant 80 : index
    %swap3A_171 = tpu.vector_load %arg6[%swap3A_169, %swap3A_170] {strides = array<i32>} : memref<8x128xf32, #tpu.memory_space<vmem>>, vector<1x16xf32>,
    %swap3A_172 = vector.shape_cast %swap3A_171 : vector<1x16xf32> to vector<16xf32>
    %swap3A_173 = vector.shape_cast %broadcast_in_dim3A_167 : vector<16xf32> to vector<1x16xf32>
    tpu.vector_store %arg6[%swap3A_169, %swap3A_170], %swap3A_173 {strides = array<i32>} : memref<8x128xf32, #tpu.memory_space<vmem>>, vector<1x16xf32>,
    %broadcast_in_dim3A_174 = arith.constant 1.000000e+00 : f32
    %broadcast_in_dim3A_175 = vector.broadcast %broadcast_in_dim3A_174 : f32 to vector<16xf32>
    %swap3A_176 = arith.constant 2 : i32
    %swap3A_177 = arith.index_cast %swap3A_176 : i32 to index
    %swap3A_178 = arith.constant 96 : index
    %swap3A_179 = tpu.vector_load %arg6[%swap3A_177, %swap3A_178] {strides = array<i32>} : memref<8x128xf32, #tpu.memory_space<vmem>>, vector<1x16xf32>,
    %swap3A_180 = vector.shape_cast %swap3A_179 : vector<1x16xf32> to vector<16xf32>
    %swap3A_181 = vector.shape_cast %broadcast_in_dim3A_175 : vector<16xf32> to vector<1x16xf32>
    tpu.vector_store %arg6[%swap3A_177, %swap3A_178], %swap3A_181 {strides = array<i32>} : memref<8x128xf32, #tpu.memory_space<vmem>>, vector<1x16xf32>,
    %broadcast_in_dim3A_182 = arith.constant 1.000000e+00 : f32
    %broadcast_in_dim3A_183 = vector.broadcast %broadcast_in_dim3A_182 : f32 to vector<16xf32>
    %swap3A_184 = arith.constant 2 : i32
    %swap3A_185 = arith.index_cast %swap3A_184 : i32 to index
    %swap3A_186 = arith.constant 112 : index
    %swap3A_187 = tpu.vector_load %arg6[%swap3A_185, %swap3A_186] {strides = array<i32>} : memref<8x128xf32, #tpu.memory_space<vmem>>, vector<1x16xf32>,
    %swap3A_188 = vector.shape_cast %swap3A_187 : vector<1x16xf32> to vector<16xf32>
    %swap3A_189 = vector.shape_cast %broadcast_in_dim3A_183 : vector<16xf32> to vector<1x16xf32>
    tpu.vector_store %arg6[%swap3A_185, %swap3A_186], %swap3A_189 {strides = array<i32>} : memref<8x128xf32, #tpu.memory_space<vmem>>, vector<1x16xf32>,
    %broadcast_in_dim3A_190 = arith.constant 1.000000e+00 : f32
    %broadcast_in_dim3A_191 = vector.broadcast %broadcast_in_dim3A_190 : f32 to vector<16xf32>
    %swap3A_192 = arith.constant 3 : i32
    %swap3A_193 = arith.index_cast %swap3A_192 : i32 to index
    %swap3A_194 = arith.constant 0 : index
    %swap3A_195 = tpu.vector_load %arg6[%swap3A_193, %swap3A_194] {strides = array<i32>} : memref<8x128xf32, #tpu.memory_space<vmem>>, vector<1x16xf32>,
    %swap3A_196 = vector.shape_cast %swap3A_195 : vector<1x16xf32> to vector<16xf32>
    %swap3A_197 = vector.shape_cast %broadcast_in_dim3A_191 : vector<16xf32> to vector<1x16xf32>
    tpu.vector_store %arg6[%swap3A_193, %swap3A_194], %swap3A_197 {strides = array<i32>} : memref<8x128xf32, #tpu.memory_space<vmem>>, vector<1x16xf32>,
    %broadcast_in_dim3A_198 = arith.constant 1.000000e+00 : f32
    %broadcast_in_dim3A_199 = vector.broadcast %broadcast_in_dim3A_198 : f32 to vector<16xf32>
    %swap3A_200 = arith.constant 3 : i32
    %swap3A_201 = arith.index_cast %swap3A_200 : i32 to index
    %swap3A_202 = arith.constant 16 : index
    %swap3A_203 = tpu.vector_load %arg6[%swap3A_201, %swap3A_202] {strides = array<i32>} : memref<8x128xf32, #tpu.memory_space<vmem>>, vector<1x16xf32>,
    %swap3A_204 = vector.shape_cast %swap3A_203 : vector<1x16xf32> to vector<16xf32>
    %swap3A_205 = vector.shape_cast %broadcast_in_dim3A_199 : vector<16xf32> to vector<1x16xf32>
    tpu.vector_store %arg6[%swap3A_201, %swap3A_202], %swap3A_205 {strides = array<i32>} : memref<8x128xf32, #tpu.memory_space<vmem>>, vector<1x16xf32>,
    %broadcast_in_dim3A_206 = arith.constant 1.000000e+00 : f32
    %broadcast_in_dim3A_207 = vector.broadcast %broadcast_in_dim3A_206 : f32 to vector<16xf32>
    %swap3A_208 = arith.constant 3 : i32
    %swap3A_209 = arith.index_cast %swap3A_208 : i32 to index
    %swap3A_210 = arith.constant 32 : index
    %swap3A_211 = tpu.vector_load %arg6[%swap3A_209, %swap3A_210] {strides = array<i32>} : memref<8x128xf32, #tpu.memory_space<vmem>>, vector<1x16xf32>,
    %swap3A_212 = vector.shape_cast %swap3A_211 : vector<1x16xf32> to vector<16xf32>
    %swap3A_213 = vector.shape_cast %broadcast_in_dim3A_207 : vector<16xf32> to vector<1x16xf32>
    tpu.vector_store %arg6[%swap3A_209, %swap3A_210], %swap3A_213 {strides = array<i32>} : memref<8x128xf32, #tpu.memory_space<vmem>>, vector<1x16xf32>,
    %broadcast_in_dim3A_214 = arith.constant 1.000000e+00 : f32
    %broadcast_in_dim3A_215 = vector.broadcast %broadcast_in_dim3A_214 : f32 to vector<16xf32>
    %swap3A_216 = arith.constant 3 : i32
    %swap3A_217 = arith.index_cast %swap3A_216 : i32 to index
    %swap3A_218 = arith.constant 48 : index
    %swap3A_219 = tpu.vector_load %arg6[%swap3A_217, %swap3A_218] {strides = array<i32>} : memref<8x128xf32, #tpu.memory_space<vmem>>, vector<1x16xf32>,
    %swap3A_220 = vector.shape_cast %swap3A_219 : vector<1x16xf32> to vector<16xf32>
    %swap3A_221 = vector.shape_cast %broadcast_in_dim3A_215 : vector<16xf32> to vector<1x16xf32>
    tpu.vector_store %arg6[%swap3A_217, %swap3A_218], %swap3A_221 {strides = array<i32>} : memref<8x128xf32, #tpu.memory_space<vmem>>, vector<1x16xf32>,
    %broadcast_in_dim3A_222 = arith.constant 1.000000e+00 : f32
    %broadcast_in_dim3A_223 = vector.broadcast %broadcast_in_dim3A_222 : f32 to vector<16xf32>
    %swap3A_224 = arith.constant 3 : i32
    %swap3A_225 = arith.index_cast %swap3A_224 : i32 to index
    %swap3A_226 = arith.constant 64 : index
    %swap3A_227 = tpu.vector_load %arg6[%swap3A_225, %swap3A_226] {strides = array<i32>} : memref<8x128xf32, #tpu.memory_space<vmem>>, vector<1x16xf32>,
    %swap3A_228 = vector.shape_cast %swap3A_227 : vector<1x16xf32> to vector<16xf32>
    %swap3A_229 = vector.shape_cast %broadcast_in_dim3A_223 : vector<16xf32> to vector<1x16xf32>
    tpu.vector_store %arg6[%swap3A_225, %swap3A_226], %swap3A_229 {strides = array<i32>} : memref<8x128xf32, #tpu.memory_space<vmem>>, vector<1x16xf32>,
    %broadcast_in_dim3A_230 = arith.constant 1.000000e+00 : f32
    %broadcast_in_dim3A_231 = vector.broadcast %broadcast_in_dim3A_230 : f32 to vector<16xf32>
    %swap3A_232 = arith.constant 3 : i32
    %swap3A_233 = arith.index_cast %swap3A_232 : i32 to index
    %swap3A_234 = arith.constant 80 : index
    %swap3A_235 = tpu.vector_load %arg6[%swap3A_233, %swap3A_234] {strides = array<i32>} : memref<8x128xf32, #tpu.memory_space<vmem>>, vector<1x16xf32>,
    %swap3A_236 = vector.shape_cast %swap3A_235 : vector<1x16xf32> to vector<16xf32>
    %swap3A_237 = vector.shape_cast %broadcast_in_dim3A_231 : vector<16xf32> to vector<1x16xf32>
    tpu.vector_store %arg6[%swap3A_233, %swap3A_234], %swap3A_237 {strides = array<i32>} : memref<8x128xf32, #tpu.memory_space<vmem>>, vector<1x16xf32>,
    %broadcast_in_dim3A_238 = arith.constant 1.000000e+00 : f32
    %broadcast_in_dim3A_239 = vector.broadcast %broadcast_in_dim3A_238 : f32 to vector<16xf32>
    %swap3A_240 = arith.constant 3 : i32
    %swap3A_241 = arith.index_cast %swap3A_240 : i32 to index
    %swap3A_242 = arith.constant 96 : index
    %swap3A_243 = tpu.vector_load %arg6[%swap3A_241, %swap3A_242] {strides = array<i32>} : memref<8x128xf32, #tpu.memory_space<vmem>>, vector<1x16xf32>,
    %swap3A_244 = vector.shape_cast %swap3A_243 : vector<1x16xf32> to vector<16xf32>
    %swap3A_245 = vector.shape_cast %broadcast_in_dim3A_239 : vector<16xf32> to vector<1x16xf32>
    tpu.vector_store %arg6[%swap3A_241, %swap3A_242], %swap3A_245 {strides = array<i32>} : memref<8x128xf32, #tpu.memory_space<vmem>>, vector<1x16xf32>,
    %broadcast_in_dim3A_246 = arith.constant 1.000000e+00 : f32
    %broadcast_in_dim3A_247 = vector.broadcast %broadcast_in_dim3A_246 : f32 to vector<16xf32>
    %swap3A_248 = arith.constant 3 : i32
    %swap3A_249 = arith.index_cast %swap3A_248 : i32 to index
    %swap3A_250 = arith.constant 112 : index
    %swap3A_251 = tpu.vector_load %arg6[%swap3A_249, %swap3A_250] {strides = array<i32>} : memref<8x128xf32, #tpu.memory_space<vmem>>, vector<1x16xf32>,
    %swap3A_252 = vector.shape_cast %swap3A_251 : vector<1x16xf32> to vector<16xf32>
    %swap3A_253 = vector.shape_cast %broadcast_in_dim3A_247 : vector<16xf32> to vector<1x16xf32>
    tpu.vector_store %arg6[%swap3A_249, %swap3A_250], %swap3A_253 {strides = array<i32>} : memref<8x128xf32, #tpu.memory_space<vmem>>, vector<1x16xf32>,
    %broadcast_in_dim3A_254 = arith.constant 1.000000e+00 : f32
    %broadcast_in_dim3A_255 = vector.broadcast %broadcast_in_dim3A_254 : f32 to vector<16xf32>
    %swap3A_256 = arith.constant 4 : i32
    %swap3A_257 = arith.index_cast %swap3A_256 : i32 to index
    %swap3A_258 = arith.constant 0 : index
    %swap3A_259 = tpu.vector_load %arg6[%swap3A_257, %swap3A_258] {strides = array<i32>} : memref<8x128xf32, #tpu.memory_space<vmem>>, vector<1x16xf32>,
    %swap3A_260 = vector.shape_cast %swap3A_259 : vector<1x16xf32> to vector<16xf32>
    %swap3A_261 = vector.shape_cast %broadcast_in_dim3A_255 : vector<16xf32> to vector<1x16xf32>
    tpu.vector_store %arg6[%swap3A_257, %swap3A_258], %swap3A_261 {strides = array<i32>} : memref<8x128xf32, #tpu.memory_space<vmem>>, vector<1x16xf32>,
    %broadcast_in_dim3A_262 = arith.constant 1.000000e+00 : f32
    %broadcast_in_dim3A_263 = vector.broadcast %broadcast_in_dim3A_262 : f32 to vector<16xf32>
    %swap3A_264 = arith.constant 4 : i32
    %swap3A_265 = arith.index_cast %swap3A_264 : i32 to index
    %swap3A_266 = arith.constant 16 : index
    %swap3A_267 = tpu.vector_load %arg6[%swap3A_265, %swap3A_266] {strides = array<i32>} : memref<8x128xf32, #tpu.memory_space<vmem>>, vector<1x16xf32>,
    %swap3A_268 = vector.shape_cast %swap3A_267 : vector<1x16xf32> to vector<16xf32>
    %swap3A_269 = vector.shape_cast %broadcast_in_dim3A_263 : vector<16xf32> to vector<1x16xf32>
    tpu.vector_store %arg6[%swap3A_265, %swap3A_266], %swap3A_269 {strides = array<i32>} : memref<8x128xf32, #tpu.memory_space<vmem>>, vector<1x16xf32>,
    %broadcast_in_dim3A_270 = arith.constant 1.000000e+00 : f32
    %broadcast_in_dim3A_271 = vector.broadcast %broadcast_in_dim3A_270 : f32 to vector<16xf32>
    %swap3A_272 = arith.constant 4 : i32
    %swap3A_273 = arith.index_cast %swap3A_272 : i32 to index
    %swap3A_274 = arith.constant 32 : index
    %swap3A_275 = tpu.vector_load %arg6[%swap3A_273, %swap3A_274] {strides = array<i32>} : memref<8x128xf32, #tpu.memory_space<vmem>>, vector<1x16xf32>,
    %swap3A_276 = vector.shape_cast %swap3A_275 : vector<1x16xf32> to vector<16xf32>
    %swap3A_277 = vector.shape_cast %broadcast_in_dim3A_271 : vector<16xf32> to vector<1x16xf32>
    tpu.vector_store %arg6[%swap3A_273, %swap3A_274], %swap3A_277 {strides = array<i32>} : memref<8x128xf32, #tpu.memory_space<vmem>>, vector<1x16xf32>,
    %broadcast_in_dim3A_278 = arith.constant 1.000000e+00 : f32
    %broadcast_in_dim3A_279 = vector.broadcast %broadcast_in_dim3A_278 : f32 to vector<16xf32>
    %swap3A_280 = arith.constant 4 : i32
    %swap3A_281 = arith.index_cast %swap3A_280 : i32 to index
    %swap3A_282 = arith.constant 48 : index
    %swap3A_283 = tpu.vector_load %arg6[%swap3A_281, %swap3A_282] {strides = array<i32>} : memref<8x128xf32, #tpu.memory_space<vmem>>, vector<1x16xf32>,
    %swap3A_284 = vector.shape_cast %swap3A_283 : vector<1x16xf32> to vector<16xf32>
    %swap3A_285 = vector.shape_cast %broadcast_in_dim3A_279 : vector<16xf32> to vector<1x16xf32>
    tpu.vector_store %arg6[%swap3A_281, %swap3A_282], %swap3A_285 {strides = array<i32>} : memref<8x128xf32, #tpu.memory_space<vmem>>, vector<1x16xf32>,
    %broadcast_in_dim3A_286 = arith.constant 1.000000e+00 : f32
    %broadcast_in_dim3A_287 = vector.broadcast %broadcast_in_dim3A_286 : f32 to vector<16xf32>
    %swap3A_288 = arith.constant 4 : i32
    %swap3A_289 = arith.index_cast %swap3A_288 : i32 to index
    %swap3A_290 = arith.constant 64 : index
    %swap3A_291 = tpu.vector_load %arg6[%swap3A_289, %swap3A_290] {strides = array<i32>} : memref<8x128xf32, #tpu.memory_space<vmem>>, vector<1x16xf32>,
    %swap3A_292 = vector.shape_cast %swap3A_291 : vector<1x16xf32> to vector<16xf32>
    %swap3A_293 = vector.shape_cast %broadcast_in_dim3A_287 : vector<16xf32> to vector<1x16xf32>
    tpu.vector_store %arg6[%swap3A_289, %swap3A_290], %swap3A_293 {strides = array<i32>} : memref<8x128xf32, #tpu.memory_space<vmem>>, vector<1x16xf32>,
    %broadcast_in_dim3A_294 = arith.constant 1.000000e+00 : f32
    %broadcast_in_dim3A_295 = vector.broadcast %broadcast_in_dim3A_294 : f32 to vector<16xf32>
    %swap3A_296 = arith.constant 4 : i32
    %swap3A_297 = arith.index_cast %swap3A_296 : i32 to index
    %swap3A_298 = arith.constant 80 : index
    %swap3A_299 = tpu.vector_load %arg6[%swap3A_297, %swap3A_298] {strides = array<i32>} : memref<8x128xf32, #tpu.memory_space<vmem>>, vector<1x16xf32>,
    %swap3A_300 = vector.shape_cast %swap3A_299 : vector<1x16xf32> to vector<16xf32>
    %swap3A_301 = vector.shape_cast %broadcast_in_dim3A_295 : vector<16xf32> to vector<1x16xf32>
    tpu.vector_store %arg6[%swap3A_297, %swap3A_298], %swap3A_301 {strides = array<i32>} : memref<8x128xf32, #tpu.memory_space<vmem>>, vector<1x16xf32>,
    %broadcast_in_dim3A_302 = arith.constant 1.000000e+00 : f32
    %broadcast_in_dim3A_303 = vector.broadcast %broadcast_in_dim3A_302 : f32 to vector<16xf32>
    %swap3A_304 = arith.constant 4 : i32
    %swap3A_305 = arith.index_cast %swap3A_304 : i32 to index
    %swap3A_306 = arith.constant 96 : index
    %swap3A_307 = tpu.vector_load %arg6[%swap3A_305, %swap3A_306] {strides = array<i32>} : memref<8x128xf32, #tpu.memory_space<vmem>>, vector<1x16xf32>,
    %swap3A_308 = vector.shape_cast %swap3A_307 : vector<1x16xf32> to vector<16xf32>
    %swap3A_309 = vector.shape_cast %broadcast_in_dim3A_303 : vector<16xf32> to vector<1x16xf32>
    tpu.vector_store %arg6[%swap3A_305, %swap3A_306], %swap3A_309 {strides = array<i32>} : memref<8x128xf32, #tpu.memory_space<vmem>>, vector<1x16xf32>,
    %broadcast_in_dim3A_310 = arith.constant 1.000000e+00 : f32
    %broadcast_in_dim3A_311 = vector.broadcast %broadcast_in_dim3A_310 : f32 to vector<16xf32>
    %swap3A_312 = arith.constant 4 : i32
    %swap3A_313 = arith.index_cast %swap3A_312 : i32 to index
    %swap3A_314 = arith.constant 112 : index
    %swap3A_315 = tpu.vector_load %arg6[%swap3A_313, %swap3A_314] {strides = array<i32>} : memref<8x128xf32, #tpu.memory_space<vmem>>, vector<1x16xf32>,
    %swap3A_316 = vector.shape_cast %swap3A_315 : vector<1x16xf32> to vector<16xf32>
    %swap3A_317 = vector.shape_cast %broadcast_in_dim3A_311 : vector<16xf32> to vector<1x16xf32>
    tpu.vector_store %arg6[%swap3A_313, %swap3A_314], %swap3A_317 {strides = array<i32>} : memref<8x128xf32, #tpu.memory_space<vmem>>, vector<1x16xf32>,
    %broadcast_in_dim3A_318 = arith.constant 1.000000e+00 : f32
    %broadcast_in_dim3A_319 = vector.broadcast %broadcast_in_dim3A_318 : f32 to vector<16xf32>
    %swap3A_320 = arith.constant 5 : i32
    %swap3A_321 = arith.index_cast %swap3A_320 : i32 to index
    %swap3A_322 = arith.constant 0 : index
    %swap3A_323 = tpu.vector_load %arg6[%swap3A_321, %swap3A_322] {strides = array<i32>} : memref<8x128xf32, #tpu.memory_space<vmem>>, vector<1x16xf32>,
    %swap3A_324 = vector.shape_cast %swap3A_323 : vector<1x16xf32> to vector<16xf32>
    %swap3A_325 = vector.shape_cast %broadcast_in_dim3A_319 : vector<16xf32> to vector<1x16xf32>
    tpu.vector_store %arg6[%swap3A_321, %swap3A_322], %swap3A_325 {strides = array<i32>} : memref<8x128xf32, #tpu.memory_space<vmem>>, vector<1x16xf32>,
    %broadcast_in_dim3A_326 = arith.constant 1.000000e+00 : f32
    %broadcast_in_dim3A_327 = vector.broadcast %broadcast_in_dim3A_326 : f32 to vector<16xf32>
    %swap3A_328 = arith.constant 5 : i32
    %swap3A_329 = arith.index_cast %swap3A_328 : i32 to index
    %swap3A_330 = arith.constant 16 : index
    %swap3A_331 = tpu.vector_load %arg6[%swap3A_329, %swap3A_330] {strides = array<i32>} : memref<8x128xf32, #tpu.memory_space<vmem>>, vector<1x16xf32>,
    %swap3A_332 = vector.shape_cast %swap3A_331 : vector<1x16xf32> to vector<16xf32>
    %swap3A_333 = vector.shape_cast %broadcast_in_dim3A_327 : vector<16xf32> to vector<1x16xf32>
    tpu.vector_store %arg6[%swap3A_329, %swap3A_330], %swap3A_333 {strides = array<i32>} : memref<8x128xf32, #tpu.memory_space<vmem>>, vector<1x16xf32>,
    %broadcast_in_dim3A_334 = arith.constant 1.000000e+00 : f32
    %broadcast_in_dim3A_335 = vector.broadcast %broadcast_in_dim3A_334 : f32 to vector<16xf32>
    %swap3A_336 = arith.constant 5 : i32
    %swap3A_337 = arith.index_cast %swap3A_336 : i32 to index
    %swap3A_338 = arith.constant 32 : index
    %swap3A_339 = tpu.vector_load %arg6[%swap3A_337, %swap3A_338] {strides = array<i32>} : memref<8x128xf32, #tpu.memory_space<vmem>>, vector<1x16xf32>,
    %swap3A_340 = vector.shape_cast %swap3A_339 : vector<1x16xf32> to vector<16xf32>
    %swap3A_341 = vector.shape_cast %broadcast_in_dim3A_335 : vector<16xf32> to vector<1x16xf32>
    tpu.vector_store %arg6[%swap3A_337, %swap3A_338], %swap3A_341 {strides = array<i32>} : memref<8x128xf32, #tpu.memory_space<vmem>>, vector<1x16xf32>,
    %broadcast_in_dim3A_342 = arith.constant 1.000000e+00 : f32
    %broadcast_in_dim3A_343 = vector.broadcast %broadcast_in_dim3A_342 : f32 to vector<16xf32>
    %swap3A_344 = arith.constant 5 : i32
    %swap3A_345 = arith.index_cast %swap3A_344 : i32 to index
    %swap3A_346 = arith.constant 48 : index
    %swap3A_347 = tpu.vector_load %arg6[%swap3A_345, %swap3A_346] {strides = array<i32>} : memref<8x128xf32, #tpu.memory_space<vmem>>, vector<1x16xf32>,
    %swap3A_348 = vector.shape_cast %swap3A_347 : vector<1x16xf32> to vector<16xf32>
    %swap3A_349 = vector.shape_cast %broadcast_in_dim3A_343 : vector<16xf32> to vector<1x16xf32>
    tpu.vector_store %arg6[%swap3A_345, %swap3A_346], %swap3A_349 {strides = array<i32>} : memref<8x128xf32, #tpu.memory_space<vmem>>, vector<1x16xf32>,
    %broadcast_in_dim3A_350 = arith.constant 1.000000e+00 : f32
    %broadcast_in_dim3A_351 = vector.broadcast %broadcast_in_dim3A_350 : f32 to vector<16xf32>
    %swap3A_352 = arith.constant 5 : i32
    %swap3A_353 = arith.index_cast %swap3A_352 : i32 to index
    %swap3A_354 = arith.constant 64 : index
    %swap3A_355 = tpu.vector_load %arg6[%swap3A_353, %swap3A_354] {strides = array<i32>} : memref<8x128xf32, #tpu.memory_space<vmem>>, vector<1x16xf32>,
    %swap3A_356 = vector.shape_cast %swap3A_355 : vector<1x16xf32> to vector<16xf32>
    %swap3A_357 = vector.shape_cast %broadcast_in_dim3A_351 : vector<16xf32> to vector<1x16xf32>
    tpu.vector_store %arg6[%swap3A_353, %swap3A_354], %swap3A_357 {strides = array<i32>} : memref<8x128xf32, #tpu.memory_space<vmem>>, vector<1x16xf32>,
    %broadcast_in_dim3A_358 = arith.constant 1.000000e+00 : f32
    %broadcast_in_dim3A_359 = vector.broadcast %broadcast_in_dim3A_358 : f32 to vector<16xf32>
    %swap3A_360 = arith.constant 5 : i32
    %swap3A_361 = arith.index_cast %swap3A_360 : i32 to index
    %swap3A_362 = arith.constant 80 : index
    %swap3A_363 = tpu.vector_load %arg6[%swap3A_361, %swap3A_362] {strides = array<i32>} : memref<8x128xf32, #tpu.memory_space<vmem>>, vector<1x16xf32>,
    %swap3A_364 = vector.shape_cast %swap3A_363 : vector<1x16xf32> to vector<16xf32>
    %swap3A_365 = vector.shape_cast %broadcast_in_dim3A_359 : vector<16xf32> to vector<1x16xf32>
    tpu.vector_store %arg6[%swap3A_361, %swap3A_362], %swap3A_365 {strides = array<i32>} : memref<8x128xf32, #tpu.memory_space<vmem>>, vector<1x16xf32>,
    %broadcast_in_dim3A_366 = arith.constant 1.000000e+00 : f32
    %broadcast_in_dim3A_367 = vector.broadcast %broadcast_in_dim3A_366 : f32 to vector<16xf32>
    %swap3A_368 = arith.constant 5 : i32
    %swap3A_369 = arith.index_cast %swap3A_368 : i32 to index
    %swap3A_370 = arith.constant 96 : index
    %swap3A_371 = tpu.vector_load %arg6[%swap3A_369, %swap3A_370] {strides = array<i32>} : memref<8x128xf32, #tpu.memory_space<vmem>>, vector<1x16xf32>,
    %swap3A_372 = vector.shape_cast %swap3A_371 : vector<1x16xf32> to vector<16xf32>
    %swap3A_373 = vector.shape_cast %broadcast_in_dim3A_367 : vector<16xf32> to vector<1x16xf32>
    tpu.vector_store %arg6[%swap3A_369, %swap3A_370], %swap3A_373 {strides = array<i32>} : memref<8x128xf32, #tpu.memory_space<vmem>>, vector<1x16xf32>,
    %broadcast_in_dim3A_374 = arith.constant 1.000000e+00 : f32
    %broadcast_in_dim3A_375 = vector.broadcast %broadcast_in_dim3A_374 : f32 to vector<16xf32>
    %swap3A_376 = arith.constant 5 : i32
    %swap3A_377 = arith.index_cast %swap3A_376 : i32 to index
    %swap3A_378 = arith.constant 112 : index
    %swap3A_379 = tpu.vector_load %arg6[%swap3A_377, %swap3A_378] {strides = array<i32>} : memref<8x128xf32, #tpu.memory_space<vmem>>, vector<1x16xf32>,
    %swap3A_380 = vector.shape_cast %swap3A_379 : vector<1x16xf32> to vector<16xf32>
    %swap3A_381 = vector.shape_cast %broadcast_in_dim3A_375 : vector<16xf32> to vector<1x16xf32>
    tpu.vector_store %arg6[%swap3A_377, %swap3A_378], %swap3A_381 {strides = array<i32>} : memref<8x128xf32, #tpu.memory_space<vmem>>, vector<1x16xf32>,
    %broadcast_in_dim3A_382 = arith.constant 1.000000e+00 : f32
    %broadcast_in_dim3A_383 = vector.broadcast %broadcast_in_dim3A_382 : f32 to vector<16xf32>
    %swap3A_384 = arith.constant 6 : i32
    %swap3A_385 = arith.index_cast %swap3A_384 : i32 to index
    %swap3A_386 = arith.constant 0 : index
    %swap3A_387 = tpu.vector_load %arg6[%swap3A_385, %swap3A_386] {strides = array<i32>} : memref<8x128xf32, #tpu.memory_space<vmem>>, vector<1x16xf32>,
    %swap3A_388 = vector.shape_cast %swap3A_387 : vector<1x16xf32> to vector<16xf32>
    %swap3A_389 = vector.shape_cast %broadcast_in_dim3A_383 : vector<16xf32> to vector<1x16xf32>
    tpu.vector_store %arg6[%swap3A_385, %swap3A_386], %swap3A_389 {strides = array<i32>} : memref<8x128xf32, #tpu.memory_space<vmem>>, vector<1x16xf32>,
    %broadcast_in_dim3A_390 = arith.constant 1.000000e+00 : f32
    %broadcast_in_dim3A_391 = vector.broadcast %broadcast_in_dim3A_390 : f32 to vector<16xf32>
    %swap3A_392 = arith.constant 6 : i32
    %swap3A_393 = arith.index_cast %swap3A_392 : i32 to index
    %swap3A_394 = arith.constant 16 : index
    %swap3A_395 = tpu.vector_load %arg6[%swap3A_393, %swap3A_394] {strides = array<i32>} : memref<8x128xf32, #tpu.memory_space<vmem>>, vector<1x16xf32>,
    %swap3A_396 = vector.shape_cast %swap3A_395 : vector<1x16xf32> to vector<16xf32>
    %swap3A_397 = vector.shape_cast %broadcast_in_dim3A_391 : vector<16xf32> to vector<1x16xf32>
    tpu.vector_store %arg6[%swap3A_393, %swap3A_394], %swap3A_397 {strides = array<i32>} : memref<8x128xf32, #tpu.memory_space<vmem>>, vector<1x16xf32>,
    %broadcast_in_dim3A_398 = arith.constant 1.000000e+00 : f32
    %broadcast_in_dim3A_399 = vector.broadcast %broadcast_in_dim3A_398 : f32 to vector<16xf32>
    %swap3A_400 = arith.constant 6 : i32
    %swap3A_401 = arith.index_cast %swap3A_400 : i32 to index
    %swap3A_402 = arith.constant 32 : index
    %swap3A_403 = tpu.vector_load %arg6[%swap3A_401, %swap3A_402] {strides = array<i32>} : memref<8x128xf32, #tpu.memory_space<vmem>>, vector<1x16xf32>,
    %swap3A_404 = vector.shape_cast %swap3A_403 : vector<1x16xf32> to vector<16xf32>
    %swap3A_405 = vector.shape_cast %broadcast_in_dim3A_399 : vector<16xf32> to vector<1x16xf32>
    tpu.vector_store %arg6[%swap3A_401, %swap3A_402], %swap3A_405 {strides = array<i32>} : memref<8x128xf32, #tpu.memory_space<vmem>>, vector<1x16xf32>,
    %broadcast_in_dim3A_406 = arith.constant 1.000000e+00 : f32
    %broadcast_in_dim3A_407 = vector.broadcast %broadcast_in_dim3A_406 : f32 to vector<16xf32>
    %swap3A_408 = arith.constant 6 : i32
    %swap3A_409 = arith.index_cast %swap3A_408 : i32 to index
    %swap3A_410 = arith.constant 48 : index
    %swap3A_411 = tpu.vector_load %arg6[%swap3A_409, %swap3A_410] {strides = array<i32>} : memref<8x128xf32, #tpu.memory_space<vmem>>, vector<1x16xf32>,
    %swap3A_412 = vector.shape_cast %swap3A_411 : vector<1x16xf32> to vector<16xf32>
    %swap3A_413 = vector.shape_cast %broadcast_in_dim3A_407 : vector<16xf32> to vector<1x16xf32>
    tpu.vector_store %arg6[%swap3A_409, %swap3A_410], %swap3A_413 {strides = array<i32>} : memref<8x128xf32, #tpu.memory_space<vmem>>, vector<1x16xf32>,
    %broadcast_in_dim3A_414 = arith.constant 1.000000e+00 : f32
    %broadcast_in_dim3A_415 = vector.broadcast %broadcast_in_dim3A_414 : f32 to vector<16xf32>
    %swap3A_416 = arith.constant 6 : i32
    %swap3A_417 = arith.index_cast %swap3A_416 : i32 to index
    %swap3A_418 = arith.constant 64 : index
    %swap3A_419 = tpu.vector_load %arg6[%swap3A_417, %swap3A_418] {strides = array<i32>} : memref<8x128xf32, #tpu.memory_space<vmem>>, vector<1x16xf32>,
    %swap3A_420 = vector.shape_cast %swap3A_419 : vector<1x16xf32> to vector<16xf32>
    %swap3A_421 = vector.shape_cast %broadcast_in_dim3A_415 : vector<16xf32> to vector<1x16xf32>
    tpu.vector_store %arg6[%swap3A_417, %swap3A_418], %swap3A_421 {strides = array<i32>} : memref<8x128xf32, #tpu.memory_space<vmem>>, vector<1x16xf32>,
    %broadcast_in_dim3A_422 = arith.constant 1.000000e+00 : f32
    %broadcast_in_dim3A_423 = vector.broadcast %broadcast_in_dim3A_422 : f32 to vector<16xf32>
    %swap3A_424 = arith.constant 6 : i32
    %swap3A_425 = arith.index_cast %swap3A_424 : i32 to index
    %swap3A_426 = arith.constant 80 : index
    %swap3A_427 = tpu.vector_load %arg6[%swap3A_425, %swap3A_426] {strides = array<i32>} : memref<8x128xf32, #tpu.memory_space<vmem>>, vector<1x16xf32>,
    %swap3A_428 = vector.shape_cast %swap3A_427 : vector<1x16xf32> to vector<16xf32>
    %swap3A_429 = vector.shape_cast %broadcast_in_dim3A_423 : vector<16xf32> to vector<1x16xf32>
    tpu.vector_store %arg6[%swap3A_425, %swap3A_426], %swap3A_429 {strides = array<i32>} : memref<8x128xf32, #tpu.memory_space<vmem>>, vector<1x16xf32>,
    %broadcast_in_dim3A_430 = arith.constant 1.000000e+00 : f32
    %broadcast_in_dim3A_431 = vector.broadcast %broadcast_in_dim3A_430 : f32 to vector<16xf32>
    %swap3A_432 = arith.constant 6 : i32
    %swap3A_433 = arith.index_cast %swap3A_432 : i32 to index
    %swap3A_434 = arith.constant 96 : index
    %swap3A_435 = tpu.vector_load %arg6[%swap3A_433, %swap3A_434] {strides = array<i32>} : memref<8x128xf32, #tpu.memory_space<vmem>>, vector<1x16xf32>,
    %swap3A_436 = vector.shape_cast %swap3A_435 : vector<1x16xf32> to vector<16xf32>
    %swap3A_437 = vector.shape_cast %broadcast_in_dim3A_431 : vector<16xf32> to vector<1x16xf32>
    tpu.vector_store %arg6[%swap3A_433, %swap3A_434], %swap3A_437 {strides = array<i32>} : memref<8x128xf32, #tpu.memory_space<vmem>>, vector<1x16xf32>,
    %broadcast_in_dim3A_438 = arith.constant 1.000000e+00 : f32
    %broadcast_in_dim3A_439 = vector.broadcast %broadcast_in_dim3A_438 : f32 to vector<16xf32>
    %swap3A_440 = arith.constant 6 : i32
    %swap3A_441 = arith.index_cast %swap3A_440 : i32 to index
    %swap3A_442 = arith.constant 112 : index
    %swap3A_443 = tpu.vector_load %arg6[%swap3A_441, %swap3A_442] {strides = array<i32>} : memref<8x128xf32, #tpu.memory_space<vmem>>, vector<1x16xf32>,
    %swap3A_444 = vector.shape_cast %swap3A_443 : vector<1x16xf32> to vector<16xf32>
    %swap3A_445 = vector.shape_cast %broadcast_in_dim3A_439 : vector<16xf32> to vector<1x16xf32>
    tpu.vector_store %arg6[%swap3A_441, %swap3A_442], %swap3A_445 {strides = array<i32>} : memref<8x128xf32, #tpu.memory_space<vmem>>, vector<1x16xf32>,
    %broadcast_in_dim3A_446 = arith.constant 1.000000e+00 : f32
    %broadcast_in_dim3A_447 = vector.broadcast %broadcast_in_dim3A_446 : f32 to vector<16xf32>
    %swap3A_448 = arith.constant 7 : i32
    %swap3A_449 = arith.index_cast %swap3A_448 : i32 to index
    %swap3A_450 = arith.constant 0 : index
    %swap3A_451 = tpu.vector_load %arg6[%swap3A_449, %swap3A_450] {strides = array<i32>} : memref<8x128xf32, #tpu.memory_space<vmem>>, vector<1x16xf32>,
    %swap3A_452 = vector.shape_cast %swap3A_451 : vector<1x16xf32> to vector<16xf32>
    %swap3A_453 = vector.shape_cast %broadcast_in_dim3A_447 : vector<16xf32> to vector<1x16xf32>
    tpu.vector_store %arg6[%swap3A_449, %swap3A_450], %swap3A_453 {strides = array<i32>} : memref<8x128xf32, #tpu.memory_space<vmem>>, vector<1x16xf32>,
    %broadcast_in_dim3A_454 = arith.constant 1.000000e+00 : f32
    %broadcast_in_dim3A_455 = vector.broadcast %broadcast_in_dim3A_454 : f32 to vector<16xf32>
    %swap3A_456 = arith.constant 7 : i32
    %swap3A_457 = arith.index_cast %swap3A_456 : i32 to index
    %swap3A_458 = arith.constant 16 : index
    %swap3A_459 = tpu.vector_load %arg6[%swap3A_457, %swap3A_458] {strides = array<i32>} : memref<8x128xf32, #tpu.memory_space<vmem>>, vector<1x16xf32>,
    %swap3A_460 = vector.shape_cast %swap3A_459 : vector<1x16xf32> to vector<16xf32>
    %swap3A_461 = vector.shape_cast %broadcast_in_dim3A_455 : vector<16xf32> to vector<1x16xf32>
    tpu.vector_store %arg6[%swap3A_457, %swap3A_458], %swap3A_461 {strides = array<i32>} : memref<8x128xf32, #tpu.memory_space<vmem>>, vector<1x16xf32>,
    %broadcast_in_dim3A_462 = arith.constant 1.000000e+00 : f32
    %broadcast_in_dim3A_463 = vector.broadcast %broadcast_in_dim3A_462 : f32 to vector<16xf32>
    %swap3A_464 = arith.constant 7 : i32
    %swap3A_465 = arith.index_cast %swap3A_464 : i32 to index
    %swap3A_466 = arith.constant 32 : index
    %swap3A_467 = tpu.vector_load %arg6[%swap3A_465, %swap3A_466] {strides = array<i32>} : memref<8x128xf32, #tpu.memory_space<vmem>>, vector<1x16xf32>,
    %swap3A_468 = vector.shape_cast %swap3A_467 : vector<1x16xf32> to vector<16xf32>
    %swap3A_469 = vector.shape_cast %broadcast_in_dim3A_463 : vector<16xf32> to vector<1x16xf32>
    tpu.vector_store %arg6[%swap3A_465, %swap3A_466], %swap3A_469 {strides = array<i32>} : memref<8x128xf32, #tpu.memory_space<vmem>>, vector<1x16xf32>,
    %broadcast_in_dim3A_470 = arith.constant 1.000000e+00 : f32
    %broadcast_in_dim3A_471 = vector.broadcast %broadcast_in_dim3A_470 : f32 to vector<16xf32>
    %swap3A_472 = arith.constant 7 : i32
    %swap3A_473 = arith.index_cast %swap3A_472 : i32 to index
    %swap3A_474 = arith.constant 48 : index
    %swap3A_475 = tpu.vector_load %arg6[%swap3A_473, %swap3A_474] {strides = array<i32>} : memref<8x128xf32, #tpu.memory_space<vmem>>, vector<1x16xf32>,
    %swap3A_476 = vector.shape_cast %swap3A_475 : vector<1x16xf32> to vector<16xf32>
    %swap3A_477 = vector.shape_cast %broadcast_in_dim3A_471 : vector<16xf32> to vector<1x16xf32>
    tpu.vector_store %arg6[%swap3A_473, %swap3A_474], %swap3A_477 {strides = array<i32>} : memref<8x128xf32, #tpu.memory_space<vmem>>, vector<1x16xf32>,
    %broadcast_in_dim3A_478 = arith.constant 1.000000e+00 : f32
    %broadcast_in_dim3A_479 = vector.broadcast %broadcast_in_dim3A_478 : f32 to vector<16xf32>
    %swap3A_480 = arith.constant 7 : i32
    %swap3A_481 = arith.index_cast %swap3A_480 : i32 to index
    %swap3A_482 = arith.constant 64 : index
    %swap3A_483 = tpu.vector_load %arg6[%swap3A_481, %swap3A_482] {strides = array<i32>} : memref<8x128xf32, #tpu.memory_space<vmem>>, vector<1x16xf32>,
    %swap3A_484 = vector.shape_cast %swap3A_483 : vector<1x16xf32> to vector<16xf32>
    %swap3A_485 = vector.shape_cast %broadcast_in_dim3A_479 : vector<16xf32> to vector<1x16xf32>
    tpu.vector_store %arg6[%swap3A_481, %swap3A_482], %swap3A_485 {strides = array<i32>} : memref<8x128xf32, #tpu.memory_space<vmem>>, vector<1x16xf32>,
    %broadcast_in_dim3A_486 = arith.constant 1.000000e+00 : f32
    %broadcast_in_dim3A_487 = vector.broadcast %broadcast_in_dim3A_486 : f32 to vector<16xf32>
    %swap3A_488 = arith.constant 7 : i32
    %swap3A_489 = arith.index_cast %swap3A_488 : i32 to index
    %swap3A_490 = arith.constant 80 : index
    %swap3A_491 = tpu.vector_load %arg6[%swap3A_489, %swap3A_490] {strides = array<i32>} : memref<8x128xf32, #tpu.memory_space<vmem>>, vector<1x16xf32>,
    %swap3A_492 = vector.shape_cast %swap3A_491 : vector<1x16xf32> to vector<16xf32>
    %swap3A_493 = vector.shape_cast %broadcast_in_dim3A_487 : vector<16xf32> to vector<1x16xf32>
    tpu.vector_store %arg6[%swap3A_489, %swap3A_490], %swap3A_493 {strides = array<i32>} : memref<8x128xf32, #tpu.memory_space<vmem>>, vector<1x16xf32>,
    %broadcast_in_dim3A_494 = arith.constant 1.000000e+00 : f32
    %broadcast_in_dim3A_495 = vector.broadcast %broadcast_in_dim3A_494 : f32 to vector<16xf32>
    %swap3A_496 = arith.constant 7 : i32
    %swap3A_497 = arith.index_cast %swap3A_496 : i32 to index
    %swap3A_498 = arith.constant 96 : index
    %swap3A_499 = tpu.vector_load %arg6[%swap3A_497, %swap3A_498] {strides = array<i32>} : memref<8x128xf32, #tpu.memory_space<vmem>>, vector<1x16xf32>,
    %swap3A_500 = vector.shape_cast %swap3A_499 : vector<1x16xf32> to vector<16xf32>
    %swap3A_501 = vector.shape_cast %broadcast_in_dim3A_495 : vector<16xf32> to vector<1x16xf32>
    tpu.vector_store %arg6[%swap3A_497, %swap3A_498], %swap3A_501 {strides = array<i32>} : memref<8x128xf32, #tpu.memory_space<vmem>>, vector<1x16xf32>,
    %broadcast_in_dim3A_502 = arith.constant 1.000000e+00 : f32
    %broadcast_in_dim3A_503 = vector.broadcast %broadcast_in_dim3A_502 : f32 to vector<16xf32>
    %swap3A_504 = arith.constant 7 : i32
    %swap3A_505 = arith.index_cast %swap3A_504 : i32 to index
    %swap3A_506 = arith.constant 112 : index
    %swap3A_507 = tpu.vector_load %arg6[%swap3A_505, %swap3A_506] {strides = array<i32>} : memref<8x128xf32, #tpu.memory_space<vmem>>, vector<1x16xf32>,
    %swap3A_508 = vector.shape_cast %swap3A_507 : vector<1x16xf32> to vector<16xf32>
    %swap3A_509 = vector.shape_cast %broadcast_in_dim3A_503 : vector<16xf32> to vector<1x16xf32>
    tpu.vector_store %arg6[%swap3A_505, %swap3A_506], %swap3A_509 {strides = array<i32>} : memref<8x128xf32, #tpu.memory_space<vmem>>, vector<1x16xf32>,
    %broadcast_in_dim3A_510 = arith.constant 0.000000e+00 : f32
    %broadcast_in_dim3A_511 = vector.broadcast %broadcast_in_dim3A_510 : f32 to vector<16xf32>
    %swap3A_512 = arith.constant 0 : index
    %swap3A_513 = tpu.vector_load %arg7[%swap3A_512] {strides = array<i32>} : memref<512xf32, #tpu.memory_space<vmem>>, vector<16xf32>,
    %swap3A_514 = vector.shape_cast %swap3A_513 : vector<16xf32> to vector<16xf32>
    %swap3A_515 = vector.shape_cast %broadcast_in_dim3A_511 : vector<16xf32> to vector<16xf32>
    tpu.vector_store %arg7[%swap3A_512], %swap3A_515 {strides = array<i32>} : memref<512xf32, #tpu.memory_space<vmem>>, vector<16xf32>,
    %broadcast_in_dim3A_516 = arith.constant 0.000000e+00 : f32
    %broadcast_in_dim3A_517 = vector.broadcast %broadcast_in_dim3A_516 : f32 to vector<16xf32>
    %swap3A_518 = arith.constant 16 : index
    %swap3A_519 = tpu.vector_load %arg7[%swap3A_518] {strides = array<i32>} : memref<512xf32, #tpu.memory_space<vmem>>, vector<16xf32>,
    %swap3A_520 = vector.shape_cast %swap3A_519 : vector<16xf32> to vector<16xf32>
    %swap3A_521 = vector.shape_cast %broadcast_in_dim3A_517 : vector<16xf32> to vector<16xf32>
    tpu.vector_store %arg7[%swap3A_518], %swap3A_521 {strides = array<i32>} : memref<512xf32, #tpu.memory_space<vmem>>, vector<16xf32>,
    %broadcast_in_dim3A_522 = arith.constant 0.000000e+00 : f32
    %broadcast_in_dim3A_523 = vector.broadcast %broadcast_in_dim3A_522 : f32 to vector<16xf32>
    %swap3A_524 = arith.constant 32 : index
    %swap3A_525 = tpu.vector_load %arg7[%swap3A_524] {strides = array<i32>} : memref<512xf32, #tpu.memory_space<vmem>>, vector<16xf32>,
    %swap3A_526 = vector.shape_cast %swap3A_525 : vector<16xf32> to vector<16xf32>
    %swap3A_527 = vector.shape_cast %broadcast_in_dim3A_523 : vector<16xf32> to vector<16xf32>
    tpu.vector_store %arg7[%swap3A_524], %swap3A_527 {strides = array<i32>} : memref<512xf32, #tpu.memory_space<vmem>>, vector<16xf32>,
    %broadcast_in_dim3A_528 = arith.constant 0.000000e+00 : f32
    %broadcast_in_dim3A_529 = vector.broadcast %broadcast_in_dim3A_528 : f32 to vector<16xf32>
    %swap3A_530 = arith.constant 48 : index
    %swap3A_531 = tpu.vector_load %arg7[%swap3A_530] {strides = array<i32>} : memref<512xf32, #tpu.memory_space<vmem>>, vector<16xf32>,
    %swap3A_532 = vector.shape_cast %swap3A_531 : vector<16xf32> to vector<16xf32>
    %swap3A_533 = vector.shape_cast %broadcast_in_dim3A_529 : vector<16xf32> to vector<16xf32>
    tpu.vector_store %arg7[%swap3A_530], %swap3A_533 {strides = array<i32>} : memref<512xf32, #tpu.memory_space<vmem>>, vector<16xf32>,
    %broadcast_in_dim3A_534 = arith.constant 0.000000e+00 : f32
    %broadcast_in_dim3A_535 = vector.broadcast %broadcast_in_dim3A_534 : f32 to vector<16xf32>
    %swap3A_536 = arith.constant 64 : index
    %swap3A_537 = tpu.vector_load %arg7[%swap3A_536] {strides = array<i32>} : memref<512xf32, #tpu.memory_space<vmem>>, vector<16xf32>,
    %swap3A_538 = vector.shape_cast %swap3A_537 : vector<16xf32> to vector<16xf32>
    %swap3A_539 = vector.shape_cast %broadcast_in_dim3A_535 : vector<16xf32> to vector<16xf32>
    tpu.vector_store %arg7[%swap3A_536], %swap3A_539 {strides = array<i32>} : memref<512xf32, #tpu.memory_space<vmem>>, vector<16xf32>,
    %broadcast_in_dim3A_540 = arith.constant 0.000000e+00 : f32
    %broadcast_in_dim3A_541 = vector.broadcast %broadcast_in_dim3A_540 : f32 to vector<16xf32>
    %swap3A_542 = arith.constant 80 : index
    %swap3A_543 = tpu.vector_load %arg7[%swap3A_542] {strides = array<i32>} : memref<512xf32, #tpu.memory_space<vmem>>, vector<16xf32>,
    %swap3A_544 = vector.shape_cast %swap3A_543 : vector<16xf32> to vector<16xf32>
    %swap3A_545 = vector.shape_cast %broadcast_in_dim3A_541 : vector<16xf32> to vector<16xf32>
    tpu.vector_store %arg7[%swap3A_542], %swap3A_545 {strides = array<i32>} : memref<512xf32, #tpu.memory_space<vmem>>, vector<16xf32>,
    %broadcast_in_dim3A_546 = arith.constant 0.000000e+00 : f32
    %broadcast_in_dim3A_547 = vector.broadcast %broadcast_in_dim3A_546 : f32 to vector<16xf32>
    %swap3A_548 = arith.constant 96 : index
    %swap3A_549 = tpu.vector_load %arg7[%swap3A_548] {strides = array<i32>} : memref<512xf32, #tpu.memory_space<vmem>>, vector<16xf32>,
    %swap3A_550 = vector.shape_cast %swap3A_549 : vector<16xf32> to vector<16xf32>
    %swap3A_551 = vector.shape_cast %broadcast_in_dim3A_547 : vector<16xf32> to vector<16xf32>
    tpu.vector_store %arg7[%swap3A_548], %swap3A_551 {strides = array<i32>} : memref<512xf32, #tpu.memory_space<vmem>>, vector<16xf32>,
    %broadcast_in_dim3A_552 = arith.constant 0.000000e+00 : f32
    %broadcast_in_dim3A_553 = vector.broadcast %broadcast_in_dim3A_552 : f32 to vector<16xf32>
    %swap3A_554 = arith.constant 112 : index
    %swap3A_555 = tpu.vector_load %arg7[%swap3A_554] {strides = array<i32>} : memref<512xf32, #tpu.memory_space<vmem>>, vector<16xf32>,
    %swap3A_556 = vector.shape_cast %swap3A_555 : vector<16xf32> to vector<16xf32>
    %swap3A_557 = vector.shape_cast %broadcast_in_dim3A_553 : vector<16xf32> to vector<16xf32>
    tpu.vector_store %arg7[%swap3A_554], %swap3A_557 {strides = array<i32>} : memref<512xf32, #tpu.memory_space<vmem>>, vector<16xf32>,
    %broadcast_in_dim3A_558 = arith.constant 0.000000e+00 : f32
    %broadcast_in_dim3A_559 = vector.broadcast %broadcast_in_dim3A_558 : f32 to vector<16xf32>
    %swap3A_560 = arith.constant 128 : index
    %swap3A_561 = tpu.vector_load %arg7[%swap3A_560] {strides = array<i32>} : memref<512xf32, #tpu.memory_space<vmem>>, vector<16xf32>,
    %swap3A_562 = vector.shape_cast %swap3A_561 : vector<16xf32> to vector<16xf32>
    %swap3A_563 = vector.shape_cast %broadcast_in_dim3A_559 : vector<16xf32> to vector<16xf32>
    tpu.vector_store %arg7[%swap3A_560], %swap3A_563 {strides = array<i32>} : memref<512xf32, #tpu.memory_space<vmem>>, vector<16xf32>,
    %broadcast_in_dim3A_564 = arith.constant 0.000000e+00 : f32
    %broadcast_in_dim3A_565 = vector.broadcast %broadcast_in_dim3A_564 : f32 to vector<16xf32>
    %swap3A_566 = arith.constant 144 : index
    %swap3A_567 = tpu.vector_load %arg7[%swap3A_566] {strides = array<i32>} : memref<512xf32, #tpu.memory_space<vmem>>, vector<16xf32>,
    %swap3A_568 = vector.shape_cast %swap3A_567 : vector<16xf32> to vector<16xf32>
    %swap3A_569 = vector.shape_cast %broadcast_in_dim3A_565 : vector<16xf32> to vector<16xf32>
    tpu.vector_store %arg7[%swap3A_566], %swap3A_569 {strides = array<i32>} : memref<512xf32, #tpu.memory_space<vmem>>, vector<16xf32>,
    %broadcast_in_dim3A_570 = arith.constant 0.000000e+00 : f32
    %broadcast_in_dim3A_571 = vector.broadcast %broadcast_in_dim3A_570 : f32 to vector<16xf32>
    %swap3A_572 = arith.constant 160 : index
    %swap3A_573 = tpu.vector_load %arg7[%swap3A_572] {strides = array<i32>} : memref<512xf32, #tpu.memory_space<vmem>>, vector<16xf32>,
    %swap3A_574 = vector.shape_cast %swap3A_573 : vector<16xf32> to vector<16xf32>
    %swap3A_575 = vector.shape_cast %broadcast_in_dim3A_571 : vector<16xf32> to vector<16xf32>
    tpu.vector_store %arg7[%swap3A_572], %swap3A_575 {strides = array<i32>} : memref<512xf32, #tpu.memory_space<vmem>>, vector<16xf32>,
    %broadcast_in_dim3A_576 = arith.constant 0.000000e+00 : f32
    %broadcast_in_dim3A_577 = vector.broadcast %broadcast_in_dim3A_576 : f32 to vector<16xf32>
    %swap3A_578 = arith.constant 176 : index
    %swap3A_579 = tpu.vector_load %arg7[%swap3A_578] {strides = array<i32>} : memref<512xf32, #tpu.memory_space<vmem>>, vector<16xf32>,
    %swap3A_580 = vector.shape_cast %swap3A_579 : vector<16xf32> to vector<16xf32>
    %swap3A_581 = vector.shape_cast %broadcast_in_dim3A_577 : vector<16xf32> to vector<16xf32>
    tpu.vector_store %arg7[%swap3A_578], %swap3A_581 {strides = array<i32>} : memref<512xf32, #tpu.memory_space<vmem>>, vector<16xf32>,
    %broadcast_in_dim3A_582 = arith.constant 0.000000e+00 : f32
    %broadcast_in_dim3A_583 = vector.broadcast %broadcast_in_dim3A_582 : f32 to vector<16xf32>
    %swap3A_584 = arith.constant 192 : index
    %swap3A_585 = tpu.vector_load %arg7[%swap3A_584] {strides = array<i32>} : memref<512xf32, #tpu.memory_space<vmem>>, vector<16xf32>,
    %swap3A_586 = vector.shape_cast %swap3A_585 : vector<16xf32> to vector<16xf32>
    %swap3A_587 = vector.shape_cast %broadcast_in_dim3A_583 : vector<16xf32> to vector<16xf32>
    tpu.vector_store %arg7[%swap3A_584], %swap3A_587 {strides = array<i32>} : memref<512xf32, #tpu.memory_space<vmem>>, vector<16xf32>,
    %broadcast_in_dim3A_588 = arith.constant 0.000000e+00 : f32
    %broadcast_in_dim3A_589 = vector.broadcast %broadcast_in_dim3A_588 : f32 to vector<16xf32>
    %swap3A_590 = arith.constant 208 : index
    %swap3A_591 = tpu.vector_load %arg7[%swap3A_590] {strides = array<i32>} : memref<512xf32, #tpu.memory_space<vmem>>, vector<16xf32>,
    %swap3A_592 = vector.shape_cast %swap3A_591 : vector<16xf32> to vector<16xf32>
    %swap3A_593 = vector.shape_cast %broadcast_in_dim3A_589 : vector<16xf32> to vector<16xf32>
    tpu.vector_store %arg7[%swap3A_590], %swap3A_593 {strides = array<i32>} : memref<512xf32, #tpu.memory_space<vmem>>, vector<16xf32>,
    %broadcast_in_dim3A_594 = arith.constant 0.000000e+00 : f32
    %broadcast_in_dim3A_595 = vector.broadcast %broadcast_in_dim3A_594 : f32 to vector<16xf32>
    %swap3A_596 = arith.constant 224 : index
    %swap3A_597 = tpu.vector_load %arg7[%swap3A_596] {strides = array<i32>} : memref<512xf32, #tpu.memory_space<vmem>>, vector<16xf32>,
    %swap3A_598 = vector.shape_cast %swap3A_597 : vector<16xf32> to vector<16xf32>
    %swap3A_599 = vector.shape_cast %broadcast_in_dim3A_595 : vector<16xf32> to vector<16xf32>
    tpu.vector_store %arg7[%swap3A_596], %swap3A_599 {strides = array<i32>} : memref<512xf32, #tpu.memory_space<vmem>>, vector<16xf32>,
    %broadcast_in_dim3A_600 = arith.constant 0.000000e+00 : f32
    %broadcast_in_dim3A_601 = vector.broadcast %broadcast_in_dim3A_600 : f32 to vector<16xf32>
    %swap3A_602 = arith.constant 240 : index
    %swap3A_603 = tpu.vector_load %arg7[%swap3A_602] {strides = array<i32>} : memref<512xf32, #tpu.memory_space<vmem>>, vector<16xf32>,
    %swap3A_604 = vector.shape_cast %swap3A_603 : vector<16xf32> to vector<16xf32>
    %swap3A_605 = vector.shape_cast %broadcast_in_dim3A_601 : vector<16xf32> to vector<16xf32>
    tpu.vector_store %arg7[%swap3A_602], %swap3A_605 {strides = array<i32>} : memref<512xf32, #tpu.memory_space<vmem>>, vector<16xf32>,
    %broadcast_in_dim3A_606 = arith.constant 0.000000e+00 : f32
    %broadcast_in_dim3A_607 = vector.broadcast %broadcast_in_dim3A_606 : f32 to vector<16xf32>
    %swap3A_608 = arith.constant 256 : index
    %swap3A_609 = tpu.vector_load %arg7[%swap3A_608] {strides = array<i32>} : memref<512xf32, #tpu.memory_space<vmem>>, vector<16xf32>,
    %swap3A_610 = vector.shape_cast %swap3A_609 : vector<16xf32> to vector<16xf32>
    %swap3A_611 = vector.shape_cast %broadcast_in_dim3A_607 : vector<16xf32> to vector<16xf32>
    tpu.vector_store %arg7[%swap3A_608], %swap3A_611 {strides = array<i32>} : memref<512xf32, #tpu.memory_space<vmem>>, vector<16xf32>,
    %broadcast_in_dim3A_612 = arith.constant 0.000000e+00 : f32
    %broadcast_in_dim3A_613 = vector.broadcast %broadcast_in_dim3A_612 : f32 to vector<16xf32>
    %swap3A_614 = arith.constant 272 : index
    %swap3A_615 = tpu.vector_load %arg7[%swap3A_614] {strides = array<i32>} : memref<512xf32, #tpu.memory_space<vmem>>, vector<16xf32>,
    %swap3A_616 = vector.shape_cast %swap3A_615 : vector<16xf32> to vector<16xf32>
    %swap3A_617 = vector.shape_cast %broadcast_in_dim3A_613 : vector<16xf32> to vector<16xf32>
    tpu.vector_store %arg7[%swap3A_614], %swap3A_617 {strides = array<i32>} : memref<512xf32, #tpu.memory_space<vmem>>, vector<16xf32>,
    %broadcast_in_dim3A_618 = arith.constant 0.000000e+00 : f32
    %broadcast_in_dim3A_619 = vector.broadcast %broadcast_in_dim3A_618 : f32 to vector<16xf32>
    %swap3A_620 = arith.constant 288 : index
    %swap3A_621 = tpu.vector_load %arg7[%swap3A_620] {strides = array<i32>} : memref<512xf32, #tpu.memory_space<vmem>>, vector<16xf32>,
    %swap3A_622 = vector.shape_cast %swap3A_621 : vector<16xf32> to vector<16xf32>
    %swap3A_623 = vector.shape_cast %broadcast_in_dim3A_619 : vector<16xf32> to vector<16xf32>
    tpu.vector_store %arg7[%swap3A_620], %swap3A_623 {strides = array<i32>} : memref<512xf32, #tpu.memory_space<vmem>>, vector<16xf32>,
    %broadcast_in_dim3A_624 = arith.constant 0.000000e+00 : f32
    %broadcast_in_dim3A_625 = vector.broadcast %broadcast_in_dim3A_624 : f32 to vector<16xf32>
    %swap3A_626 = arith.constant 304 : index
    %swap3A_627 = tpu.vector_load %arg7[%swap3A_626] {strides = array<i32>} : memref<512xf32, #tpu.memory_space<vmem>>, vector<16xf32>,
    %swap3A_628 = vector.shape_cast %swap3A_627 : vector<16xf32> to vector<16xf32>
    %swap3A_629 = vector.shape_cast %broadcast_in_dim3A_625 : vector<16xf32> to vector<16xf32>
    tpu.vector_store %arg7[%swap3A_626], %swap3A_629 {strides = array<i32>} : memref<512xf32, #tpu.memory_space<vmem>>, vector<16xf32>,
    %broadcast_in_dim3A_630 = arith.constant 0.000000e+00 : f32
    %broadcast_in_dim3A_631 = vector.broadcast %broadcast_in_dim3A_630 : f32 to vector<16xf32>
    %swap3A_632 = arith.constant 320 : index
    %swap3A_633 = tpu.vector_load %arg7[%swap3A_632] {strides = array<i32>} : memref<512xf32, #tpu.memory_space<vmem>>, vector<16xf32>,
    %swap3A_634 = vector.shape_cast %swap3A_633 : vector<16xf32> to vector<16xf32>
    %swap3A_635 = vector.shape_cast %broadcast_in_dim3A_631 : vector<16xf32> to vector<16xf32>
    tpu.vector_store %arg7[%swap3A_632], %swap3A_635 {strides = array<i32>} : memref<512xf32, #tpu.memory_space<vmem>>, vector<16xf32>,
    %broadcast_in_dim3A_636 = arith.constant 0.000000e+00 : f32
    %broadcast_in_dim3A_637 = vector.broadcast %broadcast_in_dim3A_636 : f32 to vector<16xf32>
    %swap3A_638 = arith.constant 336 : index
    %swap3A_639 = tpu.vector_load %arg7[%swap3A_638] {strides = array<i32>} : memref<512xf32, #tpu.memory_space<vmem>>, vector<16xf32>,
    %swap3A_640 = vector.shape_cast %swap3A_639 : vector<16xf32> to vector<16xf32>
    %swap3A_641 = vector.shape_cast %broadcast_in_dim3A_637 : vector<16xf32> to vector<16xf32>
    tpu.vector_store %arg7[%swap3A_638], %swap3A_641 {strides = array<i32>} : memref<512xf32, #tpu.memory_space<vmem>>, vector<16xf32>,
    %broadcast_in_dim3A_642 = arith.constant 0.000000e+00 : f32
    %broadcast_in_dim3A_643 = vector.broadcast %broadcast_in_dim3A_642 : f32 to vector<16xf32>
    %swap3A_644 = arith.constant 352 : index
    %swap3A_645 = tpu.vector_load %arg7[%swap3A_644] {strides = array<i32>} : memref<512xf32, #tpu.memory_space<vmem>>, vector<16xf32>,
    %swap3A_646 = vector.shape_cast %swap3A_645 : vector<16xf32> to vector<16xf32>
    %swap3A_647 = vector.shape_cast %broadcast_in_dim3A_643 : vector<16xf32> to vector<16xf32>
    tpu.vector_store %arg7[%swap3A_644], %swap3A_647 {strides = array<i32>} : memref<512xf32, #tpu.memory_space<vmem>>, vector<16xf32>,
    %broadcast_in_dim3A_648 = arith.constant 0.000000e+00 : f32
    %broadcast_in_dim3A_649 = vector.broadcast %broadcast_in_dim3A_648 : f32 to vector<16xf32>
    %swap3A_650 = arith.constant 368 : index
    %swap3A_651 = tpu.vector_load %arg7[%swap3A_650] {strides = array<i32>} : memref<512xf32, #tpu.memory_space<vmem>>, vector<16xf32>,
    %swap3A_652 = vector.shape_cast %swap3A_651 : vector<16xf32> to vector<16xf32>
    %swap3A_653 = vector.shape_cast %broadcast_in_dim3A_649 : vector<16xf32> to vector<16xf32>
    tpu.vector_store %arg7[%swap3A_650], %swap3A_653 {strides = array<i32>} : memref<512xf32, #tpu.memory_space<vmem>>, vector<16xf32>,
    %broadcast_in_dim3A_654 = arith.constant 0.000000e+00 : f32
    %broadcast_in_dim3A_655 = vector.broadcast %broadcast_in_dim3A_654 : f32 to vector<16xf32>
    %swap3A_656 = arith.constant 384 : index
    %swap3A_657 = tpu.vector_load %arg7[%swap3A_656] {strides = array<i32>} : memref<512xf32, #tpu.memory_space<vmem>>, vector<16xf32>,
    %swap3A_658 = vector.shape_cast %swap3A_657 : vector<16xf32> to vector<16xf32>
    %swap3A_659 = vector.shape_cast %broadcast_in_dim3A_655 : vector<16xf32> to vector<16xf32>
    tpu.vector_store %arg7[%swap3A_656], %swap3A_659 {strides = array<i32>} : memref<512xf32, #tpu.memory_space<vmem>>, vector<16xf32>,
    %broadcast_in_dim3A_660 = arith.constant 0.000000e+00 : f32
    %broadcast_in_dim3A_661 = vector.broadcast %broadcast_in_dim3A_660 : f32 to vector<16xf32>
    %swap3A_662 = arith.constant 400 : index
    %swap3A_663 = tpu.vector_load %arg7[%swap3A_662] {strides = array<i32>} : memref<512xf32, #tpu.memory_space<vmem>>, vector<16xf32>,
    %swap3A_664 = vector.shape_cast %swap3A_663 : vector<16xf32> to vector<16xf32>
    %swap3A_665 = vector.shape_cast %broadcast_in_dim3A_661 : vector<16xf32> to vector<16xf32>
    tpu.vector_store %arg7[%swap3A_662], %swap3A_665 {strides = array<i32>} : memref<512xf32, #tpu.memory_space<vmem>>, vector<16xf32>,
    %broadcast_in_dim3A_666 = arith.constant 0.000000e+00 : f32
    %broadcast_in_dim3A_667 = vector.broadcast %broadcast_in_dim3A_666 : f32 to vector<16xf32>
    %swap3A_668 = arith.constant 416 : index
    %swap3A_669 = tpu.vector_load %arg7[%swap3A_668] {strides = array<i32>} : memref<512xf32, #tpu.memory_space<vmem>>, vector<16xf32>,
    %swap3A_670 = vector.shape_cast %swap3A_669 : vector<16xf32> to vector<16xf32>
    %swap3A_671 = vector.shape_cast %broadcast_in_dim3A_667 : vector<16xf32> to vector<16xf32>
    tpu.vector_store %arg7[%swap3A_668], %swap3A_671 {strides = array<i32>} : memref<512xf32, #tpu.memory_space<vmem>>, vector<16xf32>,
    %broadcast_in_dim3A_672 = arith.constant 0.000000e+00 : f32
    %broadcast_in_dim3A_673 = vector.broadcast %broadcast_in_dim3A_672 : f32 to vector<16xf32>
    %swap3A_674 = arith.constant 432 : index
    %swap3A_675 = tpu.vector_load %arg7[%swap3A_674] {strides = array<i32>} : memref<512xf32, #tpu.memory_space<vmem>>, vector<16xf32>,
    %swap3A_676 = vector.shape_cast %swap3A_675 : vector<16xf32> to vector<16xf32>
    %swap3A_677 = vector.shape_cast %broadcast_in_dim3A_673 : vector<16xf32> to vector<16xf32>
    tpu.vector_store %arg7[%swap3A_674], %swap3A_677 {strides = array<i32>} : memref<512xf32, #tpu.memory_space<vmem>>, vector<16xf32>,
    %broadcast_in_dim3A_678 = arith.constant 0.000000e+00 : f32
    %broadcast_in_dim3A_679 = vector.broadcast %broadcast_in_dim3A_678 : f32 to vector<16xf32>
    %swap3A_680 = arith.constant 448 : index
    %swap3A_681 = tpu.vector_load %arg7[%swap3A_680] {strides = array<i32>} : memref<512xf32, #tpu.memory_space<vmem>>, vector<16xf32>,
    %swap3A_682 = vector.shape_cast %swap3A_681 : vector<16xf32> to vector<16xf32>
    %swap3A_683 = vector.shape_cast %broadcast_in_dim3A_679 : vector<16xf32> to vector<16xf32>
    tpu.vector_store %arg7[%swap3A_680], %swap3A_683 {strides = array<i32>} : memref<512xf32, #tpu.memory_space<vmem>>, vector<16xf32>,
    %broadcast_in_dim3A_684 = arith.constant 0.000000e+00 : f32
    %broadcast_in_dim3A_685 = vector.broadcast %broadcast_in_dim3A_684 : f32 to vector<16xf32>
    %swap3A_686 = arith.constant 464 : index
    %swap3A_687 = tpu.vector_load %arg7[%swap3A_686] {strides = array<i32>} : memref<512xf32, #tpu.memory_space<vmem>>, vector<16xf32>,
    %swap3A_688 = vector.shape_cast %swap3A_687 : vector<16xf32> to vector<16xf32>
    %swap3A_689 = vector.shape_cast %broadcast_in_dim3A_685 : vector<16xf32> to vector<16xf32>
    tpu.vector_store %arg7[%swap3A_686], %swap3A_689 {strides = array<i32>} : memref<512xf32, #tpu.memory_space<vmem>>, vector<16xf32>,
    %broadcast_in_dim3A_690 = arith.constant 0.000000e+00 : f32
    %broadcast_in_dim3A_691 = vector.broadcast %broadcast_in_dim3A_690 : f32 to vector<16xf32>
    %swap3A_692 = arith.constant 480 : index
    %swap3A_693 = tpu.vector_load %arg7[%swap3A_692] {strides = array<i32>} : memref<512xf32, #tpu.memory_space<vmem>>, vector<16xf32>,
    %swap3A_694 = vector.shape_cast %swap3A_693 : vector<16xf32> to vector<16xf32>
    %swap3A_695 = vector.shape_cast %broadcast_in_dim3A_691 : vector<16xf32> to vector<16xf32>
    tpu.vector_store %arg7[%swap3A_692], %swap3A_695 {strides = array<i32>} : memref<512xf32, #tpu.memory_space<vmem>>, vector<16xf32>,
    %broadcast_in_dim3A_696 = arith.constant 0.000000e+00 : f32
    %broadcast_in_dim3A_697 = vector.broadcast %broadcast_in_dim3A_696 : f32 to vector<16xf32>
    %swap3A_698 = arith.constant 496 : index
    %swap3A_699 = tpu.vector_load %arg7[%swap3A_698] {strides = array<i32>} : memref<512xf32, #tpu.memory_space<vmem>>, vector<16xf32>,
    %swap3A_700 = vector.shape_cast %swap3A_699 : vector<16xf32> to vector<16xf32>
    %swap3A_701 = vector.shape_cast %broadcast_in_dim3A_697 : vector<16xf32> to vector<16xf32>
    tpu.vector_store %arg7[%swap3A_698], %swap3A_701 {strides = array<i32>} : memref<512xf32, #tpu.memory_space<vmem>>, vector<16xf32>,
    %iota3A = tpu.iota {dimensions = array<i32: 0>} : vector<16xi32>
    %swap3A_702 = arith.constant 0 : index
    %swap3A_703 = tpu.vector_load %arg9[%swap3A_702] {strides = array<i32>} : memref<32xi32, #tpu.memory_space<vmem>>, vector<16xi32>,
    %swap3A_704 = vector.shape_cast %swap3A_703 : vector<16xi32> to vector<16xi32>
    %swap3A_705 = vector.shape_cast %iota3A : vector<16xi32> to vector<16xi32>
    tpu.vector_store %arg9[%swap3A_702], %swap3A_705 {strides = array<i32>} : memref<32xi32, #tpu.memory_space<vmem>>, vector<16xi32>,
    %iota3A_706 = tpu.iota {dimensions = array<i32: 0>} : vector<16xi32>
    %add3A = arith.constant 16 : i32
    %add3A_707 = vector.broadcast %add3A : i32 to vector<16xi32>
    %add3A_708 = arith.addi %iota3A_706, %add3A_707 : vector<16xi32>
    %swap3A_709 = arith.constant 16 : index
    %swap3A_710 = tpu.vector_load %arg9[%swap3A_709] {strides = array<i32>} : memref<32xi32, #tpu.memory_space<vmem>>, vector<16xi32>,
    %swap3A_711 = vector.shape_cast %swap3A_710 : vector<16xi32> to vector<16xi32>
    %swap3A_712 = vector.shape_cast %add3A_708 : vector<16xi32> to vector<16xi32>
    tpu.vector_store %arg9[%swap3A_709], %swap3A_712 {strides = array<i32>} : memref<32xi32, #tpu.memory_space<vmem>>, vector<16xi32>,
    %dma_start3A = arith.constant 0 : i32
    %dma_start3A_713 = arith.constant 0 : i32
    %dma_start3A_714 = tpu.memref_slice %arg2[%arg1, %dma_start3A, %dma_start3A_713] : memref<16x8x128xi32, #tpu.memory_space<hbm>> -> memref<1x8x128xi32, #tpu.memory_space<hbm>>
    %dma_start3A_715 = tpu.memref_squeeze %dma_start3A_714 : memref<1x8x128xi32, #tpu.memory_space<hbm>> -> memref<8x128xi32, #tpu.memory_space<hbm>>
    %dma_start3A_716 = arith.constant 0 : i32
    %dma_start3A_717 = arith.constant 0 : i32
    %dma_start3A_718 = tpu.memref_slice %arg2[%arg1, %dma_start3A_716, %dma_start3A_717] : memref<16x8x128xi32, #tpu.memory_space<hbm>> -> memref<1x8x128xi32, #tpu.memory_space<hbm>>
    %dma_start3A_719 = tpu.memref_squeeze %dma_start3A_718 : memref<1x8x128xi32, #tpu.memory_space<hbm>> -> memref<8x128xi32, #tpu.memory_space<hbm>>
    tpu.enqueue_dma source(%dma_start3A_719 : memref<8x128xi32, #tpu.memory_space<hbm>>) target(%arg5 : memref<8x128xi32, #tpu.memory_space<vmem>>) target_semaphore(%arg13 : memref<!tpu.dma_semaphore, #tpu.memory_space<semaphore_mem>>)
    %mul3A = arith.constant 512 : i32
    %mul3A_720 = arith.muli %arg1, %mul3A : i32
    %dma_start3A_721 = tpu.memref_slice %arg3[%mul3A_720] : memref<8192xf32, #tpu.memory_space<hbm>> -> memref<512xf32, #tpu.memory_space<hbm>>
    %dma_start3A_722 = tpu.memref_slice %arg3[%mul3A_720] : memref<8192xf32, #tpu.memory_space<hbm>> -> memref<512xf32, #tpu.memory_space<hbm>>
    tpu.enqueue_dma source(%dma_start3A_722 : memref<512xf32, #tpu.memory_space<hbm>>) target(%arg8 : memref<512xf32, #tpu.memory_space<vmem>>) target_semaphore(%arg13 : memref<!tpu.dma_semaphore, #tpu.memory_space<semaphore_mem>>)
    %mul3A_723 = arith.constant 512 : i32
    %mul3A_724 = arith.muli %arg1, %mul3A_723 : i32
    "tpu.region"() ({
      %run_scoped3A = tpu.sem_alloc : memref<!tpu.dma_semaphore, #tpu.memory_space<semaphore_mem>>
      %dma_start3A_3436 = tpu.memref_slice %arg11[%mul3A_724] : memref<8192xf32, #tpu.memory_space<vmem_shared>> -> memref<512xf32, #tpu.memory_space<vmem_shared>>
      %dma_start3A_3437 = tpu.memref_slice %arg11[%mul3A_724] : memref<8192xf32, #tpu.memory_space<vmem_shared>> -> memref<512xf32, #tpu.memory_space<vmem_shared>>
      tpu.enqueue_dma source(%arg7 : memref<512xf32, #tpu.memory_space<vmem>>) target(%dma_start3A_3437 : memref<512xf32, #tpu.memory_space<vmem_shared>>) target_semaphore(%run_scoped3A : memref<!tpu.dma_semaphore, #tpu.memory_space<semaphore_mem>>)
      %dma_wait3A_3438 = tpu.memref_slice %arg11[%mul3A_724] : memref<8192xf32, #tpu.memory_space<vmem_shared>> -> memref<512xf32, #tpu.memory_space<vmem_shared>>
      %dma_wait3A_3439 = tpu.memref_slice %arg11[%mul3A_724] : memref<8192xf32, #tpu.memory_space<vmem_shared>> -> memref<512xf32, #tpu.memory_space<vmem_shared>>
      tpu.wait_dma2 semaphore(%run_scoped3A : memref<!tpu.dma_semaphore, #tpu.memory_space<semaphore_mem>>) src(%arg7 : memref<512xf32, #tpu.memory_space<vmem>>) dst(%dma_wait3A_3439 : memref<512xf32, #tpu.memory_space<vmem_shared>>)
      tpu.yield
    }) : () -> ()
    %eq3A = arith.constant 0 : i32
    %eq3A_725 = arith.cmpi eq, %arg1, %eq3A : i32
    %convert_element_type3A = arith.extui %eq3A_725 : i1 to i32
    %cond3A = arith.constant 0 : i32
    %cond3A_726 = arith.cmpi ne, %convert_element_type3A, %cond3A : i32
    scf.if %cond3A_726 {
      "tpu.region"() ({
        %run_scoped3A = tpu.sem_alloc : memref<!tpu.dma_semaphore, #tpu.memory_space<semaphore_mem>>
        %dma_start3A_3436 = arith.constant 0 : i32
        %dma_start3A_3437 = tpu.memref_slice %arg7[%dma_start3A_3436] : memref<512xf32, #tpu.memory_space<vmem>> -> memref<32xf32, #tpu.memory_space<vmem>>
        %dma_start3A_3438 = arith.constant 0 : i32
        %dma_start3A_3439 = tpu.memref_slice %arg7[%dma_start3A_3438] : memref<512xf32, #tpu.memory_space<vmem>> -> memref<32xf32, #tpu.memory_space<vmem>>
        tpu.enqueue_dma source(%dma_start3A_3439 : memref<32xf32, #tpu.memory_space<vmem>>) target(%arg12 : memref<32xf32, #tpu.memory_space<vmem_shared>>) target_semaphore(%run_scoped3A : memref<!tpu.dma_semaphore, #tpu.memory_space<semaphore_mem>>)
        %dma_wait3A_3440 = arith.constant 0 : i32
        %dma_wait3A_3441 = tpu.memref_slice %arg7[%dma_wait3A_3440] : memref<512xf32, #tpu.memory_space<vmem>> -> memref<32xf32, #tpu.memory_space<vmem>>
        %dma_wait3A_3442 = arith.constant 0 : i32
        %dma_wait3A_3443 = tpu.memref_slice %arg7[%dma_wait3A_3442] : memref<512xf32, #tpu.memory_space<vmem>> -> memref<32xf32, #tpu.memory_space<vmem>>
        tpu.wait_dma2 semaphore(%run_scoped3A : memref<!tpu.dma_semaphore, #tpu.memory_space<semaphore_mem>>) src(%dma_wait3A_3443 : memref<32xf32, #tpu.memory_space<vmem>>) dst(%arg12 : memref<32xf32, #tpu.memory_space<vmem_shared>>)
        tpu.yield
      }) : () -> ()
    } else {
    }
    %dma_wait3A = arith.constant 0 : i32
    %dma_wait3A_727 = arith.constant 0 : i32
    %dma_wait3A_728 = tpu.memref_slice %arg2[%arg1, %dma_wait3A, %dma_wait3A_727] : memref<16x8x128xi32, #tpu.memory_space<hbm>> -> memref<1x8x128xi32, #tpu.memory_space<hbm>>
    %dma_wait3A_729 = tpu.memref_squeeze %dma_wait3A_728 : memref<1x8x128xi32, #tpu.memory_space<hbm>> -> memref<8x128xi32, #tpu.memory_space<hbm>>
    %dma_wait3A_730 = arith.constant 0 : i32
    %dma_wait3A_731 = arith.constant 0 : i32
    %dma_wait3A_732 = tpu.memref_slice %arg2[%arg1, %dma_wait3A_730, %dma_wait3A_731] : memref<16x8x128xi32, #tpu.memory_space<hbm>> -> memref<1x8x128xi32, #tpu.memory_space<hbm>>
    %dma_wait3A_733 = tpu.memref_squeeze %dma_wait3A_732 : memref<1x8x128xi32, #tpu.memory_space<hbm>> -> memref<8x128xi32, #tpu.memory_space<hbm>>
    tpu.wait_dma2 semaphore(%arg13 : memref<!tpu.dma_semaphore, #tpu.memory_space<semaphore_mem>>) src(%dma_wait3A_733 : memref<8x128xi32, #tpu.memory_space<hbm>>) dst(%arg5 : memref<8x128xi32, #tpu.memory_space<vmem>>)
    %dma_wait3A_734 = tpu.memref_slice %arg3[%mul3A_720] : memref<8192xf32, #tpu.memory_space<hbm>> -> memref<512xf32, #tpu.memory_space<hbm>>
    %dma_wait3A_735 = tpu.memref_slice %arg3[%mul3A_720] : memref<8192xf32, #tpu.memory_space<hbm>> -> memref<512xf32, #tpu.memory_space<hbm>>
    tpu.wait_dma2 semaphore(%arg13 : memref<!tpu.dma_semaphore, #tpu.memory_space<semaphore_mem>>) src(%dma_wait3A_735 : memref<512xf32, #tpu.memory_space<hbm>>) dst(%arg8 : memref<512xf32, #tpu.memory_space<vmem>>)
    %barrier3A = arith.constant 0 : index
    tpu.barrier barrier_id(%barrier3A)
    %dma_start3A_736 = arith.constant 0 : i32
    %dma_start3A_737 = arith.constant 0 : i32
    %dma_start3A_738 = arith.constant 0 : i32
    %dma_start3A_739 = tpu.memref_slice %arg6[%dma_start3A_736, %dma_start3A_738] : memref<8x128xf32, #tpu.memory_space<vmem>> -> memref<1x128xf32, #tpu.memory_space<vmem>>
    %dma_start3A_740 = tpu.memref_squeeze %dma_start3A_739 : memref<1x128xf32, #tpu.memory_space<vmem>> -> memref<128xf32, #tpu.memory_space<vmem>>
    %dma_start3A_741 = arith.constant 0 : i32
    %dma_start3A_742 = tpu.memref_slice %arg5[%dma_start3A_737, %dma_start3A_741] : memref<8x128xi32, #tpu.memory_space<vmem>> -> memref<1x128xi32, #tpu.memory_space<vmem>>
    %dma_start3A_743 = tpu.memref_squeeze %dma_start3A_742 : memref<1x128xi32, #tpu.memory_space<vmem>> -> memref<128xi32, #tpu.memory_space<vmem>>
    %dma_start3A_744 = arith.constant 0 : i32
    %dma_start3A_745 = tpu.memref_slice %arg11[%dma_start3A_744] : memref<8192xf32, #tpu.memory_space<vmem_shared>> -> memref<8192xf32, #tpu.memory_space<vmem_shared>>
    tpu.enqueue_indirect_dma source(%dma_start3A_740 : memref<128xf32, #tpu.memory_space<vmem>>) target(%dma_start3A_745 : memref<8192xf32, #tpu.memory_space<vmem_shared>>) offsets(%dma_start3A_743 : memref<128xi32, #tpu.memory_space<vmem>>) semaphore(%arg13 : memref<!tpu.dma_semaphore, #tpu.memory_space<semaphore_mem>>) {add = true}
    %dma_start3A_746 = arith.constant 1 : i32
    %dma_start3A_747 = arith.constant 1 : i32
    %dma_start3A_748 = arith.constant 0 : i32
    %dma_start3A_749 = tpu.memref_slice %arg6[%dma_start3A_746, %dma_start3A_748] : memref<8x128xf32, #tpu.memory_space<vmem>> -> memref<1x128xf32, #tpu.memory_space<vmem>>
    %dma_start3A_750 = tpu.memref_squeeze %dma_start3A_749 : memref<1x128xf32, #tpu.memory_space<vmem>> -> memref<128xf32, #tpu.memory_space<vmem>>
    %dma_start3A_751 = arith.constant 0 : i32
    %dma_start3A_752 = tpu.memref_slice %arg5[%dma_start3A_747, %dma_start3A_751] : memref<8x128xi32, #tpu.memory_space<vmem>> -> memref<1x128xi32, #tpu.memory_space<vmem>>
    %dma_start3A_753 = tpu.memref_squeeze %dma_start3A_752 : memref<1x128xi32, #tpu.memory_space<vmem>> -> memref<128xi32, #tpu.memory_space<vmem>>
    %dma_start3A_754 = arith.constant 0 : i32
    %dma_start3A_755 = tpu.memref_slice %arg11[%dma_start3A_754] : memref<8192xf32, #tpu.memory_space<vmem_shared>> -> memref<8192xf32, #tpu.memory_space<vmem_shared>>
    tpu.enqueue_indirect_dma source(%dma_start3A_750 : memref<128xf32, #tpu.memory_space<vmem>>) target(%dma_start3A_755 : memref<8192xf32, #tpu.memory_space<vmem_shared>>) offsets(%dma_start3A_753 : memref<128xi32, #tpu.memory_space<vmem>>) semaphore(%arg13 : memref<!tpu.dma_semaphore, #tpu.memory_space<semaphore_mem>>) {add = true}
    %dma_start3A_756 = arith.constant 2 : i32
    %dma_start3A_757 = arith.constant 2 : i32
    %dma_start3A_758 = arith.constant 0 : i32
    %dma_start3A_759 = tpu.memref_slice %arg6[%dma_start3A_756, %dma_start3A_758] : memref<8x128xf32, #tpu.memory_space<vmem>> -> memref<1x128xf32, #tpu.memory_space<vmem>>
    %dma_start3A_760 = tpu.memref_squeeze %dma_start3A_759 : memref<1x128xf32, #tpu.memory_space<vmem>> -> memref<128xf32, #tpu.memory_space<vmem>>
    %dma_start3A_761 = arith.constant 0 : i32
    %dma_start3A_762 = tpu.memref_slice %arg5[%dma_start3A_757, %dma_start3A_761] : memref<8x128xi32, #tpu.memory_space<vmem>> -> memref<1x128xi32, #tpu.memory_space<vmem>>
    %dma_start3A_763 = tpu.memref_squeeze %dma_start3A_762 : memref<1x128xi32, #tpu.memory_space<vmem>> -> memref<128xi32, #tpu.memory_space<vmem>>
    %dma_start3A_764 = arith.constant 0 : i32
    %dma_start3A_765 = tpu.memref_slice %arg11[%dma_start3A_764] : memref<8192xf32, #tpu.memory_space<vmem_shared>> -> memref<8192xf32, #tpu.memory_space<vmem_shared>>
    tpu.enqueue_indirect_dma source(%dma_start3A_760 : memref<128xf32, #tpu.memory_space<vmem>>) target(%dma_start3A_765 : memref<8192xf32, #tpu.memory_space<vmem_shared>>) offsets(%dma_start3A_763 : memref<128xi32, #tpu.memory_space<vmem>>) semaphore(%arg13 : memref<!tpu.dma_semaphore, #tpu.memory_space<semaphore_mem>>) {add = true}
    %dma_start3A_766 = arith.constant 3 : i32
    %dma_start3A_767 = arith.constant 3 : i32
    %dma_start3A_768 = arith.constant 0 : i32
    %dma_start3A_769 = tpu.memref_slice %arg6[%dma_start3A_766, %dma_start3A_768] : memref<8x128xf32, #tpu.memory_space<vmem>> -> memref<1x128xf32, #tpu.memory_space<vmem>>
    %dma_start3A_770 = tpu.memref_squeeze %dma_start3A_769 : memref<1x128xf32, #tpu.memory_space<vmem>> -> memref<128xf32, #tpu.memory_space<vmem>>
    %dma_start3A_771 = arith.constant 0 : i32
    %dma_start3A_772 = tpu.memref_slice %arg5[%dma_start3A_767, %dma_start3A_771] : memref<8x128xi32, #tpu.memory_space<vmem>> -> memref<1x128xi32, #tpu.memory_space<vmem>>
    %dma_start3A_773 = tpu.memref_squeeze %dma_start3A_772 : memref<1x128xi32, #tpu.memory_space<vmem>> -> memref<128xi32, #tpu.memory_space<vmem>>
    %dma_start3A_774 = arith.constant 0 : i32
    %dma_start3A_775 = tpu.memref_slice %arg11[%dma_start3A_774] : memref<8192xf32, #tpu.memory_space<vmem_shared>> -> memref<8192xf32, #tpu.memory_space<vmem_shared>>
    tpu.enqueue_indirect_dma source(%dma_start3A_770 : memref<128xf32, #tpu.memory_space<vmem>>) target(%dma_start3A_775 : memref<8192xf32, #tpu.memory_space<vmem_shared>>) offsets(%dma_start3A_773 : memref<128xi32, #tpu.memory_space<vmem>>) semaphore(%arg13 : memref<!tpu.dma_semaphore, #tpu.memory_space<semaphore_mem>>) {add = true}
    %dma_start3A_776 = arith.constant 4 : i32
    %dma_start3A_777 = arith.constant 4 : i32
    %dma_start3A_778 = arith.constant 0 : i32
    %dma_start3A_779 = tpu.memref_slice %arg6[%dma_start3A_776, %dma_start3A_778] : memref<8x128xf32, #tpu.memory_space<vmem>> -> memref<1x128xf32, #tpu.memory_space<vmem>>
    %dma_start3A_780 = tpu.memref_squeeze %dma_start3A_779 : memref<1x128xf32, #tpu.memory_space<vmem>> -> memref<128xf32, #tpu.memory_space<vmem>>
    %dma_start3A_781 = arith.constant 0 : i32
    %dma_start3A_782 = tpu.memref_slice %arg5[%dma_start3A_777, %dma_start3A_781] : memref<8x128xi32, #tpu.memory_space<vmem>> -> memref<1x128xi32, #tpu.memory_space<vmem>>
    %dma_start3A_783 = tpu.memref_squeeze %dma_start3A_782 : memref<1x128xi32, #tpu.memory_space<vmem>> -> memref<128xi32, #tpu.memory_space<vmem>>
    %dma_start3A_784 = arith.constant 0 : i32
    %dma_start3A_785 = tpu.memref_slice %arg11[%dma_start3A_784] : memref<8192xf32, #tpu.memory_space<vmem_shared>> -> memref<8192xf32, #tpu.memory_space<vmem_shared>>
    tpu.enqueue_indirect_dma source(%dma_start3A_780 : memref<128xf32, #tpu.memory_space<vmem>>) target(%dma_start3A_785 : memref<8192xf32, #tpu.memory_space<vmem_shared>>) offsets(%dma_start3A_783 : memref<128xi32, #tpu.memory_space<vmem>>) semaphore(%arg13 : memref<!tpu.dma_semaphore, #tpu.memory_space<semaphore_mem>>) {add = true}
    %dma_start3A_786 = arith.constant 5 : i32
    %dma_start3A_787 = arith.constant 5 : i32
    %dma_start3A_788 = arith.constant 0 : i32
    %dma_start3A_789 = tpu.memref_slice %arg6[%dma_start3A_786, %dma_start3A_788] : memref<8x128xf32, #tpu.memory_space<vmem>> -> memref<1x128xf32, #tpu.memory_space<vmem>>
    %dma_start3A_790 = tpu.memref_squeeze %dma_start3A_789 : memref<1x128xf32, #tpu.memory_space<vmem>> -> memref<128xf32, #tpu.memory_space<vmem>>
    %dma_start3A_791 = arith.constant 0 : i32
    %dma_start3A_792 = tpu.memref_slice %arg5[%dma_start3A_787, %dma_start3A_791] : memref<8x128xi32, #tpu.memory_space<vmem>> -> memref<1x128xi32, #tpu.memory_space<vmem>>
    %dma_start3A_793 = tpu.memref_squeeze %dma_start3A_792 : memref<1x128xi32, #tpu.memory_space<vmem>> -> memref<128xi32, #tpu.memory_space<vmem>>
    %dma_start3A_794 = arith.constant 0 : i32
    %dma_start3A_795 = tpu.memref_slice %arg11[%dma_start3A_794] : memref<8192xf32, #tpu.memory_space<vmem_shared>> -> memref<8192xf32, #tpu.memory_space<vmem_shared>>
    tpu.enqueue_indirect_dma source(%dma_start3A_790 : memref<128xf32, #tpu.memory_space<vmem>>) target(%dma_start3A_795 : memref<8192xf32, #tpu.memory_space<vmem_shared>>) offsets(%dma_start3A_793 : memref<128xi32, #tpu.memory_space<vmem>>) semaphore(%arg13 : memref<!tpu.dma_semaphore, #tpu.memory_space<semaphore_mem>>) {add = true}
    %dma_start3A_796 = arith.constant 6 : i32
    %dma_start3A_797 = arith.constant 6 : i32
    %dma_start3A_798 = arith.constant 0 : i32
    %dma_start3A_799 = tpu.memref_slice %arg6[%dma_start3A_796, %dma_start3A_798] : memref<8x128xf32, #tpu.memory_space<vmem>> -> memref<1x128xf32, #tpu.memory_space<vmem>>
    %dma_start3A_800 = tpu.memref_squeeze %dma_start3A_799 : memref<1x128xf32, #tpu.memory_space<vmem>> -> memref<128xf32, #tpu.memory_space<vmem>>
    %dma_start3A_801 = arith.constant 0 : i32
    %dma_start3A_802 = tpu.memref_slice %arg5[%dma_start3A_797, %dma_start3A_801] : memref<8x128xi32, #tpu.memory_space<vmem>> -> memref<1x128xi32, #tpu.memory_space<vmem>>
    %dma_start3A_803 = tpu.memref_squeeze %dma_start3A_802 : memref<1x128xi32, #tpu.memory_space<vmem>> -> memref<128xi32, #tpu.memory_space<vmem>>
    %dma_start3A_804 = arith.constant 0 : i32
    %dma_start3A_805 = tpu.memref_slice %arg11[%dma_start3A_804] : memref<8192xf32, #tpu.memory_space<vmem_shared>> -> memref<8192xf32, #tpu.memory_space<vmem_shared>>
    tpu.enqueue_indirect_dma source(%dma_start3A_800 : memref<128xf32, #tpu.memory_space<vmem>>) target(%dma_start3A_805 : memref<8192xf32, #tpu.memory_space<vmem_shared>>) offsets(%dma_start3A_803 : memref<128xi32, #tpu.memory_space<vmem>>) semaphore(%arg13 : memref<!tpu.dma_semaphore, #tpu.memory_space<semaphore_mem>>) {add = true}
    %dma_start3A_806 = arith.constant 7 : i32
    %dma_start3A_807 = arith.constant 7 : i32
    %dma_start3A_808 = arith.constant 0 : i32
    %dma_start3A_809 = tpu.memref_slice %arg6[%dma_start3A_806, %dma_start3A_808] : memref<8x128xf32, #tpu.memory_space<vmem>> -> memref<1x128xf32, #tpu.memory_space<vmem>>
    %dma_start3A_810 = tpu.memref_squeeze %dma_start3A_809 : memref<1x128xf32, #tpu.memory_space<vmem>> -> memref<128xf32, #tpu.memory_space<vmem>>
    %dma_start3A_811 = arith.constant 0 : i32
    %dma_start3A_812 = tpu.memref_slice %arg5[%dma_start3A_807, %dma_start3A_811] : memref<8x128xi32, #tpu.memory_space<vmem>> -> memref<1x128xi32, #tpu.memory_space<vmem>>
    %dma_start3A_813 = tpu.memref_squeeze %dma_start3A_812 : memref<1x128xi32, #tpu.memory_space<vmem>> -> memref<128xi32, #tpu.memory_space<vmem>>
    %dma_start3A_814 = arith.constant 0 : i32
    %dma_start3A_815 = tpu.memref_slice %arg11[%dma_start3A_814] : memref<8192xf32, #tpu.memory_space<vmem_shared>> -> memref<8192xf32, #tpu.memory_space<vmem_shared>>
    tpu.enqueue_indirect_dma source(%dma_start3A_810 : memref<128xf32, #tpu.memory_space<vmem>>) target(%dma_start3A_815 : memref<8192xf32, #tpu.memory_space<vmem_shared>>) offsets(%dma_start3A_813 : memref<128xi32, #tpu.memory_space<vmem>>) semaphore(%arg13 : memref<!tpu.dma_semaphore, #tpu.memory_space<semaphore_mem>>) {add = true}
    %dma_wait3A_816 = arith.constant 0 : i32
    %dma_wait3A_817 = arith.constant 0 : i32
    %dma_wait3A_818 = arith.constant 0 : i32
    %dma_wait3A_819 = tpu.memref_slice %arg6[%dma_wait3A_816, %dma_wait3A_818] : memref<8x128xf32, #tpu.memory_space<vmem>> -> memref<1x128xf32, #tpu.memory_space<vmem>>
    %dma_wait3A_820 = tpu.memref_squeeze %dma_wait3A_819 : memref<1x128xf32, #tpu.memory_space<vmem>> -> memref<128xf32, #tpu.memory_space<vmem>>
    %dma_wait3A_821 = arith.constant 0 : i32
    %dma_wait3A_822 = tpu.memref_slice %arg5[%dma_wait3A_817, %dma_wait3A_821] : memref<8x128xi32, #tpu.memory_space<vmem>> -> memref<1x128xi32, #tpu.memory_space<vmem>>
    %dma_wait3A_823 = tpu.memref_squeeze %dma_wait3A_822 : memref<1x128xi32, #tpu.memory_space<vmem>> -> memref<128xi32, #tpu.memory_space<vmem>>
    %dma_wait3A_824 = arith.constant 0 : i32
    %dma_wait3A_825 = tpu.memref_slice %arg11[%dma_wait3A_824] : memref<8192xf32, #tpu.memory_space<vmem_shared>> -> memref<8192xf32, #tpu.memory_space<vmem_shared>>
    tpu.wait_indirect_dma semaphore(%arg13 : memref<!tpu.dma_semaphore, #tpu.memory_space<semaphore_mem>>) src(%dma_wait3A_820 : memref<128xf32, #tpu.memory_space<vmem>>) dst(%dma_wait3A_825 : memref<8192xf32, #tpu.memory_space<vmem_shared>>)
    %dma_wait3A_826 = arith.constant 1 : i32
    %dma_wait3A_827 = arith.constant 1 : i32
    %dma_wait3A_828 = arith.constant 0 : i32
    %dma_wait3A_829 = tpu.memref_slice %arg6[%dma_wait3A_826, %dma_wait3A_828] : memref<8x128xf32, #tpu.memory_space<vmem>> -> memref<1x128xf32, #tpu.memory_space<vmem>>
    %dma_wait3A_830 = tpu.memref_squeeze %dma_wait3A_829 : memref<1x128xf32, #tpu.memory_space<vmem>> -> memref<128xf32, #tpu.memory_space<vmem>>
    %dma_wait3A_831 = arith.constant 0 : i32
    %dma_wait3A_832 = tpu.memref_slice %arg5[%dma_wait3A_827, %dma_wait3A_831] : memref<8x128xi32, #tpu.memory_space<vmem>> -> memref<1x128xi32, #tpu.memory_space<vmem>>
    %dma_wait3A_833 = tpu.memref_squeeze %dma_wait3A_832 : memref<1x128xi32, #tpu.memory_space<vmem>> -> memref<128xi32, #tpu.memory_space<vmem>>
    %dma_wait3A_834 = arith.constant 0 : i32
    %dma_wait3A_835 = tpu.memref_slice %arg11[%dma_wait3A_834] : memref<8192xf32, #tpu.memory_space<vmem_shared>> -> memref<8192xf32, #tpu.memory_space<vmem_shared>>
    tpu.wait_indirect_dma semaphore(%arg13 : memref<!tpu.dma_semaphore, #tpu.memory_space<semaphore_mem>>) src(%dma_wait3A_830 : memref<128xf32, #tpu.memory_space<vmem>>) dst(%dma_wait3A_835 : memref<8192xf32, #tpu.memory_space<vmem_shared>>)
    %dma_wait3A_836 = arith.constant 2 : i32
    %dma_wait3A_837 = arith.constant 2 : i32
    %dma_wait3A_838 = arith.constant 0 : i32
    %dma_wait3A_839 = tpu.memref_slice %arg6[%dma_wait3A_836, %dma_wait3A_838] : memref<8x128xf32, #tpu.memory_space<vmem>> -> memref<1x128xf32, #tpu.memory_space<vmem>>
    %dma_wait3A_840 = tpu.memref_squeeze %dma_wait3A_839 : memref<1x128xf32, #tpu.memory_space<vmem>> -> memref<128xf32, #tpu.memory_space<vmem>>
    %dma_wait3A_841 = arith.constant 0 : i32
    %dma_wait3A_842 = tpu.memref_slice %arg5[%dma_wait3A_837, %dma_wait3A_841] : memref<8x128xi32, #tpu.memory_space<vmem>> -> memref<1x128xi32, #tpu.memory_space<vmem>>
    %dma_wait3A_843 = tpu.memref_squeeze %dma_wait3A_842 : memref<1x128xi32, #tpu.memory_space<vmem>> -> memref<128xi32, #tpu.memory_space<vmem>>
    %dma_wait3A_844 = arith.constant 0 : i32
    %dma_wait3A_845 = tpu.memref_slice %arg11[%dma_wait3A_844] : memref<8192xf32, #tpu.memory_space<vmem_shared>> -> memref<8192xf32, #tpu.memory_space<vmem_shared>>
    tpu.wait_indirect_dma semaphore(%arg13 : memref<!tpu.dma_semaphore, #tpu.memory_space<semaphore_mem>>) src(%dma_wait3A_840 : memref<128xf32, #tpu.memory_space<vmem>>) dst(%dma_wait3A_845 : memref<8192xf32, #tpu.memory_space<vmem_shared>>)
    %dma_wait3A_846 = arith.constant 3 : i32
    %dma_wait3A_847 = arith.constant 3 : i32
    %dma_wait3A_848 = arith.constant 0 : i32
    %dma_wait3A_849 = tpu.memref_slice %arg6[%dma_wait3A_846, %dma_wait3A_848] : memref<8x128xf32, #tpu.memory_space<vmem>> -> memref<1x128xf32, #tpu.memory_space<vmem>>
    %dma_wait3A_850 = tpu.memref_squeeze %dma_wait3A_849 : memref<1x128xf32, #tpu.memory_space<vmem>> -> memref<128xf32, #tpu.memory_space<vmem>>
    %dma_wait3A_851 = arith.constant 0 : i32
    %dma_wait3A_852 = tpu.memref_slice %arg5[%dma_wait3A_847, %dma_wait3A_851] : memref<8x128xi32, #tpu.memory_space<vmem>> -> memref<1x128xi32, #tpu.memory_space<vmem>>
    %dma_wait3A_853 = tpu.memref_squeeze %dma_wait3A_852 : memref<1x128xi32, #tpu.memory_space<vmem>> -> memref<128xi32, #tpu.memory_space<vmem>>
    %dma_wait3A_854 = arith.constant 0 : i32
    %dma_wait3A_855 = tpu.memref_slice %arg11[%dma_wait3A_854] : memref<8192xf32, #tpu.memory_space<vmem_shared>> -> memref<8192xf32, #tpu.memory_space<vmem_shared>>
    tpu.wait_indirect_dma semaphore(%arg13 : memref<!tpu.dma_semaphore, #tpu.memory_space<semaphore_mem>>) src(%dma_wait3A_850 : memref<128xf32, #tpu.memory_space<vmem>>) dst(%dma_wait3A_855 : memref<8192xf32, #tpu.memory_space<vmem_shared>>)
    %dma_wait3A_856 = arith.constant 4 : i32
    %dma_wait3A_857 = arith.constant 4 : i32
    %dma_wait3A_858 = arith.constant 0 : i32
    %dma_wait3A_859 = tpu.memref_slice %arg6[%dma_wait3A_856, %dma_wait3A_858] : memref<8x128xf32, #tpu.memory_space<vmem>> -> memref<1x128xf32, #tpu.memory_space<vmem>>
    %dma_wait3A_860 = tpu.memref_squeeze %dma_wait3A_859 : memref<1x128xf32, #tpu.memory_space<vmem>> -> memref<128xf32, #tpu.memory_space<vmem>>
    %dma_wait3A_861 = arith.constant 0 : i32
    %dma_wait3A_862 = tpu.memref_slice %arg5[%dma_wait3A_857, %dma_wait3A_861] : memref<8x128xi32, #tpu.memory_space<vmem>> -> memref<1x128xi32, #tpu.memory_space<vmem>>
    %dma_wait3A_863 = tpu.memref_squeeze %dma_wait3A_862 : memref<1x128xi32, #tpu.memory_space<vmem>> -> memref<128xi32, #tpu.memory_space<vmem>>
    %dma_wait3A_864 = arith.constant 0 : i32
    %dma_wait3A_865 = tpu.memref_slice %arg11[%dma_wait3A_864] : memref<8192xf32, #tpu.memory_space<vmem_shared>> -> memref<8192xf32, #tpu.memory_space<vmem_shared>>
    tpu.wait_indirect_dma semaphore(%arg13 : memref<!tpu.dma_semaphore, #tpu.memory_space<semaphore_mem>>) src(%dma_wait3A_860 : memref<128xf32, #tpu.memory_space<vmem>>) dst(%dma_wait3A_865 : memref<8192xf32, #tpu.memory_space<vmem_shared>>)
    %dma_wait3A_866 = arith.constant 5 : i32
    %dma_wait3A_867 = arith.constant 5 : i32
    %dma_wait3A_868 = arith.constant 0 : i32
    %dma_wait3A_869 = tpu.memref_slice %arg6[%dma_wait3A_866, %dma_wait3A_868] : memref<8x128xf32, #tpu.memory_space<vmem>> -> memref<1x128xf32, #tpu.memory_space<vmem>>
    %dma_wait3A_870 = tpu.memref_squeeze %dma_wait3A_869 : memref<1x128xf32, #tpu.memory_space<vmem>> -> memref<128xf32, #tpu.memory_space<vmem>>
    %dma_wait3A_871 = arith.constant 0 : i32
    %dma_wait3A_872 = tpu.memref_slice %arg5[%dma_wait3A_867, %dma_wait3A_871] : memref<8x128xi32, #tpu.memory_space<vmem>> -> memref<1x128xi32, #tpu.memory_space<vmem>>
    %dma_wait3A_873 = tpu.memref_squeeze %dma_wait3A_872 : memref<1x128xi32, #tpu.memory_space<vmem>> -> memref<128xi32, #tpu.memory_space<vmem>>
    %dma_wait3A_874 = arith.constant 0 : i32
    %dma_wait3A_875 = tpu.memref_slice %arg11[%dma_wait3A_874] : memref<8192xf32, #tpu.memory_space<vmem_shared>> -> memref<8192xf32, #tpu.memory_space<vmem_shared>>
    tpu.wait_indirect_dma semaphore(%arg13 : memref<!tpu.dma_semaphore, #tpu.memory_space<semaphore_mem>>) src(%dma_wait3A_870 : memref<128xf32, #tpu.memory_space<vmem>>) dst(%dma_wait3A_875 : memref<8192xf32, #tpu.memory_space<vmem_shared>>)
    %dma_wait3A_876 = arith.constant 6 : i32
    %dma_wait3A_877 = arith.constant 6 : i32
    %dma_wait3A_878 = arith.constant 0 : i32
    %dma_wait3A_879 = tpu.memref_slice %arg6[%dma_wait3A_876, %dma_wait3A_878] : memref<8x128xf32, #tpu.memory_space<vmem>> -> memref<1x128xf32, #tpu.memory_space<vmem>>
    %dma_wait3A_880 = tpu.memref_squeeze %dma_wait3A_879 : memref<1x128xf32, #tpu.memory_space<vmem>> -> memref<128xf32, #tpu.memory_space<vmem>>
    %dma_wait3A_881 = arith.constant 0 : i32
    %dma_wait3A_882 = tpu.memref_slice %arg5[%dma_wait3A_877, %dma_wait3A_881] : memref<8x128xi32, #tpu.memory_space<vmem>> -> memref<1x128xi32, #tpu.memory_space<vmem>>
    %dma_wait3A_883 = tpu.memref_squeeze %dma_wait3A_882 : memref<1x128xi32, #tpu.memory_space<vmem>> -> memref<128xi32, #tpu.memory_space<vmem>>
    %dma_wait3A_884 = arith.constant 0 : i32
    %dma_wait3A_885 = tpu.memref_slice %arg11[%dma_wait3A_884] : memref<8192xf32, #tpu.memory_space<vmem_shared>> -> memref<8192xf32, #tpu.memory_space<vmem_shared>>
    tpu.wait_indirect_dma semaphore(%arg13 : memref<!tpu.dma_semaphore, #tpu.memory_space<semaphore_mem>>) src(%dma_wait3A_880 : memref<128xf32, #tpu.memory_space<vmem>>) dst(%dma_wait3A_885 : memref<8192xf32, #tpu.memory_space<vmem_shared>>)
    %dma_wait3A_886 = arith.constant 7 : i32
    %dma_wait3A_887 = arith.constant 7 : i32
    %dma_wait3A_888 = arith.constant 0 : i32
    %dma_wait3A_889 = tpu.memref_slice %arg6[%dma_wait3A_886, %dma_wait3A_888] : memref<8x128xf32, #tpu.memory_space<vmem>> -> memref<1x128xf32, #tpu.memory_space<vmem>>
    %dma_wait3A_890 = tpu.memref_squeeze %dma_wait3A_889 : memref<1x128xf32, #tpu.memory_space<vmem>> -> memref<128xf32, #tpu.memory_space<vmem>>
    %dma_wait3A_891 = arith.constant 0 : i32
    %dma_wait3A_892 = tpu.memref_slice %arg5[%dma_wait3A_887, %dma_wait3A_891] : memref<8x128xi32, #tpu.memory_space<vmem>> -> memref<1x128xi32, #tpu.memory_space<vmem>>
    %dma_wait3A_893 = tpu.memref_squeeze %dma_wait3A_892 : memref<1x128xi32, #tpu.memory_space<vmem>> -> memref<128xi32, #tpu.memory_space<vmem>>
    %dma_wait3A_894 = arith.constant 0 : i32
    %dma_wait3A_895 = tpu.memref_slice %arg11[%dma_wait3A_894] : memref<8192xf32, #tpu.memory_space<vmem_shared>> -> memref<8192xf32, #tpu.memory_space<vmem_shared>>
    tpu.wait_indirect_dma semaphore(%arg13 : memref<!tpu.dma_semaphore, #tpu.memory_space<semaphore_mem>>) src(%dma_wait3A_890 : memref<128xf32, #tpu.memory_space<vmem>>) dst(%dma_wait3A_895 : memref<8192xf32, #tpu.memory_space<vmem_shared>>)
    %barrier3A_896 = arith.constant 0 : index
    tpu.barrier barrier_id(%barrier3A_896)
    %mul3A_897 = arith.constant 512 : i32
    %mul3A_898 = arith.muli %arg1, %mul3A_897 : i32
    "tpu.region"() ({
      %run_scoped3A = tpu.sem_alloc : memref<!tpu.dma_semaphore, #tpu.memory_space<semaphore_mem>>
      %dma_start3A_3436 = tpu.memref_slice %arg11[%mul3A_898] : memref<8192xf32, #tpu.memory_space<vmem_shared>> -> memref<512xf32, #tpu.memory_space<vmem_shared>>
      %dma_start3A_3437 = tpu.memref_slice %arg11[%mul3A_898] : memref<8192xf32, #tpu.memory_space<vmem_shared>> -> memref<512xf32, #tpu.memory_space<vmem_shared>>
      tpu.enqueue_dma source(%dma_start3A_3437 : memref<512xf32, #tpu.memory_space<vmem_shared>>) target(%arg7 : memref<512xf32, #tpu.memory_space<vmem>>) target_semaphore(%run_scoped3A : memref<!tpu.dma_semaphore, #tpu.memory_space<semaphore_mem>>)
      %dma_wait3A_3438 = tpu.memref_slice %arg11[%mul3A_898] : memref<8192xf32, #tpu.memory_space<vmem_shared>> -> memref<512xf32, #tpu.memory_space<vmem_shared>>
      %dma_wait3A_3439 = tpu.memref_slice %arg11[%mul3A_898] : memref<8192xf32, #tpu.memory_space<vmem_shared>> -> memref<512xf32, #tpu.memory_space<vmem_shared>>
      tpu.wait_dma2 semaphore(%run_scoped3A : memref<!tpu.dma_semaphore, #tpu.memory_space<semaphore_mem>>) src(%dma_wait3A_3439 : memref<512xf32, #tpu.memory_space<vmem_shared>>) dst(%arg7 : memref<512xf32, #tpu.memory_space<vmem>>)
      tpu.yield
    }) : () -> ()
    %broadcast_in_dim3A_899 = arith.constant 0.000000e+00 : f32
    %broadcast_in_dim3A_900 = vector.broadcast %broadcast_in_dim3A_899 : f32 to vector<16xf32>
    %get3A = arith.constant 0 : index
    %get3A_901 = tpu.vector_load %arg8[%get3A] {strides = array<i32>} : memref<512xf32, #tpu.memory_space<vmem>>, vector<16xf32>,
    %get3A_902 = vector.shape_cast %get3A_901 : vector<16xf32> to vector<16xf32>
    %mul3A_903 = arith.constant 0.949999988 : f32
    %mul3A_904 = vector.broadcast %mul3A_903 : f32 to vector<16xf32>
    %mul3A_905 = arith.mulf %get3A_902, %mul3A_904 : vector<16xf32>
    %get3A_906 = arith.constant 0 : index
    %get3A_907 = tpu.vector_load %arg7[%get3A_906] {strides = array<i32>} : memref<512xf32, #tpu.memory_space<vmem>>, vector<16xf32>,
    %get3A_908 = vector.shape_cast %get3A_907 : vector<16xf32> to vector<16xf32>
    %mul3A_909 = arith.constant 3.05175786E-6 : f32
    %mul3A_910 = vector.broadcast %mul3A_909 : f32 to vector<16xf32>
    %mul3A_911 = arith.mulf %get3A_908, %mul3A_910 : vector<16xf32>
    %add3A_912 = arith.addf %mul3A_905, %mul3A_911 : vector<16xf32>
    %swap3A_913 = arith.constant 0 : index
    %swap3A_914 = tpu.vector_load %arg7[%swap3A_913] {strides = array<i32>} : memref<512xf32, #tpu.memory_space<vmem>>, vector<16xf32>,
    %swap3A_915 = vector.shape_cast %swap3A_914 : vector<16xf32> to vector<16xf32>
    %swap3A_916 = vector.shape_cast %add3A_912 : vector<16xf32> to vector<16xf32>
    tpu.vector_store %arg7[%swap3A_913], %swap3A_916 {strides = array<i32>} : memref<512xf32, #tpu.memory_space<vmem>>, vector<16xf32>,
    %add3A_917 = arith.addf %broadcast_in_dim3A_900, %add3A_912 : vector<16xf32>
    %get3A_918 = arith.constant 16 : index
    %get3A_919 = tpu.vector_load %arg8[%get3A_918] {strides = array<i32>} : memref<512xf32, #tpu.memory_space<vmem>>, vector<16xf32>,
    %get3A_920 = vector.shape_cast %get3A_919 : vector<16xf32> to vector<16xf32>
    %mul3A_921 = arith.constant 0.949999988 : f32
    %mul3A_922 = vector.broadcast %mul3A_921 : f32 to vector<16xf32>
    %mul3A_923 = arith.mulf %get3A_920, %mul3A_922 : vector<16xf32>
    %get3A_924 = arith.constant 16 : index
    %get3A_925 = tpu.vector_load %arg7[%get3A_924] {strides = array<i32>} : memref<512xf32, #tpu.memory_space<vmem>>, vector<16xf32>,
    %get3A_926 = vector.shape_cast %get3A_925 : vector<16xf32> to vector<16xf32>
    %mul3A_927 = arith.constant 3.05175786E-6 : f32
    %mul3A_928 = vector.broadcast %mul3A_927 : f32 to vector<16xf32>
    %mul3A_929 = arith.mulf %get3A_926, %mul3A_928 : vector<16xf32>
    %add3A_930 = arith.addf %mul3A_923, %mul3A_929 : vector<16xf32>
    %swap3A_931 = arith.constant 16 : index
    %swap3A_932 = tpu.vector_load %arg7[%swap3A_931] {strides = array<i32>} : memref<512xf32, #tpu.memory_space<vmem>>, vector<16xf32>,
    %swap3A_933 = vector.shape_cast %swap3A_932 : vector<16xf32> to vector<16xf32>
    %swap3A_934 = vector.shape_cast %add3A_930 : vector<16xf32> to vector<16xf32>
    tpu.vector_store %arg7[%swap3A_931], %swap3A_934 {strides = array<i32>} : memref<512xf32, #tpu.memory_space<vmem>>, vector<16xf32>,
    %add3A_935 = arith.addf %add3A_917, %add3A_930 : vector<16xf32>
    %get3A_936 = arith.constant 32 : index
    %get3A_937 = tpu.vector_load %arg8[%get3A_936] {strides = array<i32>} : memref<512xf32, #tpu.memory_space<vmem>>, vector<16xf32>,
    %get3A_938 = vector.shape_cast %get3A_937 : vector<16xf32> to vector<16xf32>
    %mul3A_939 = arith.constant 0.949999988 : f32
    %mul3A_940 = vector.broadcast %mul3A_939 : f32 to vector<16xf32>
    %mul3A_941 = arith.mulf %get3A_938, %mul3A_940 : vector<16xf32>
    %get3A_942 = arith.constant 32 : index
    %get3A_943 = tpu.vector_load %arg7[%get3A_942] {strides = array<i32>} : memref<512xf32, #tpu.memory_space<vmem>>, vector<16xf32>,
    %get3A_944 = vector.shape_cast %get3A_943 : vector<16xf32> to vector<16xf32>
    %mul3A_945 = arith.constant 3.05175786E-6 : f32
    %mul3A_946 = vector.broadcast %mul3A_945 : f32 to vector<16xf32>
    %mul3A_947 = arith.mulf %get3A_944, %mul3A_946 : vector<16xf32>
    %add3A_948 = arith.addf %mul3A_941, %mul3A_947 : vector<16xf32>
    %swap3A_949 = arith.constant 32 : index
    %swap3A_950 = tpu.vector_load %arg7[%swap3A_949] {strides = array<i32>} : memref<512xf32, #tpu.memory_space<vmem>>, vector<16xf32>,
    %swap3A_951 = vector.shape_cast %swap3A_950 : vector<16xf32> to vector<16xf32>
    %swap3A_952 = vector.shape_cast %add3A_948 : vector<16xf32> to vector<16xf32>
    tpu.vector_store %arg7[%swap3A_949], %swap3A_952 {strides = array<i32>} : memref<512xf32, #tpu.memory_space<vmem>>, vector<16xf32>,
    %add3A_953 = arith.addf %add3A_935, %add3A_948 : vector<16xf32>
    %get3A_954 = arith.constant 48 : index
    %get3A_955 = tpu.vector_load %arg8[%get3A_954] {strides = array<i32>} : memref<512xf32, #tpu.memory_space<vmem>>, vector<16xf32>,
    %get3A_956 = vector.shape_cast %get3A_955 : vector<16xf32> to vector<16xf32>
    %mul3A_957 = arith.constant 0.949999988 : f32
    %mul3A_958 = vector.broadcast %mul3A_957 : f32 to vector<16xf32>
    %mul3A_959 = arith.mulf %get3A_956, %mul3A_958 : vector<16xf32>
    %get3A_960 = arith.constant 48 : index
    %get3A_961 = tpu.vector_load %arg7[%get3A_960] {strides = array<i32>} : memref<512xf32, #tpu.memory_space<vmem>>, vector<16xf32>,
    %get3A_962 = vector.shape_cast %get3A_961 : vector<16xf32> to vector<16xf32>
    %mul3A_963 = arith.constant 3.05175786E-6 : f32
    %mul3A_964 = vector.broadcast %mul3A_963 : f32 to vector<16xf32>
    %mul3A_965 = arith.mulf %get3A_962, %mul3A_964 : vector<16xf32>
    %add3A_966 = arith.addf %mul3A_959, %mul3A_965 : vector<16xf32>
    %swap3A_967 = arith.constant 48 : index
    %swap3A_968 = tpu.vector_load %arg7[%swap3A_967] {strides = array<i32>} : memref<512xf32, #tpu.memory_space<vmem>>, vector<16xf32>,
    %swap3A_969 = vector.shape_cast %swap3A_968 : vector<16xf32> to vector<16xf32>
    %swap3A_970 = vector.shape_cast %add3A_966 : vector<16xf32> to vector<16xf32>
    tpu.vector_store %arg7[%swap3A_967], %swap3A_970 {strides = array<i32>} : memref<512xf32, #tpu.memory_space<vmem>>, vector<16xf32>,
    %add3A_971 = arith.addf %add3A_953, %add3A_966 : vector<16xf32>
    %get3A_972 = arith.constant 64 : index
    %get3A_973 = tpu.vector_load %arg8[%get3A_972] {strides = array<i32>} : memref<512xf32, #tpu.memory_space<vmem>>, vector<16xf32>,
    %get3A_974 = vector.shape_cast %get3A_973 : vector<16xf32> to vector<16xf32>
    %mul3A_975 = arith.constant 0.949999988 : f32
    %mul3A_976 = vector.broadcast %mul3A_975 : f32 to vector<16xf32>
    %mul3A_977 = arith.mulf %get3A_974, %mul3A_976 : vector<16xf32>
    %get3A_978 = arith.constant 64 : index
    %get3A_979 = tpu.vector_load %arg7[%get3A_978] {strides = array<i32>} : memref<512xf32, #tpu.memory_space<vmem>>, vector<16xf32>,
    %get3A_980 = vector.shape_cast %get3A_979 : vector<16xf32> to vector<16xf32>
    %mul3A_981 = arith.constant 3.05175786E-6 : f32
    %mul3A_982 = vector.broadcast %mul3A_981 : f32 to vector<16xf32>
    %mul3A_983 = arith.mulf %get3A_980, %mul3A_982 : vector<16xf32>
    %add3A_984 = arith.addf %mul3A_977, %mul3A_983 : vector<16xf32>
    %swap3A_985 = arith.constant 64 : index
    %swap3A_986 = tpu.vector_load %arg7[%swap3A_985] {strides = array<i32>} : memref<512xf32, #tpu.memory_space<vmem>>, vector<16xf32>,
    %swap3A_987 = vector.shape_cast %swap3A_986 : vector<16xf32> to vector<16xf32>
    %swap3A_988 = vector.shape_cast %add3A_984 : vector<16xf32> to vector<16xf32>
    tpu.vector_store %arg7[%swap3A_985], %swap3A_988 {strides = array<i32>} : memref<512xf32, #tpu.memory_space<vmem>>, vector<16xf32>,
    %add3A_989 = arith.addf %add3A_971, %add3A_984 : vector<16xf32>
    %get3A_990 = arith.constant 80 : index
    %get3A_991 = tpu.vector_load %arg8[%get3A_990] {strides = array<i32>} : memref<512xf32, #tpu.memory_space<vmem>>, vector<16xf32>,
    %get3A_992 = vector.shape_cast %get3A_991 : vector<16xf32> to vector<16xf32>
    %mul3A_993 = arith.constant 0.949999988 : f32
    %mul3A_994 = vector.broadcast %mul3A_993 : f32 to vector<16xf32>
    %mul3A_995 = arith.mulf %get3A_992, %mul3A_994 : vector<16xf32>
    %get3A_996 = arith.constant 80 : index
    %get3A_997 = tpu.vector_load %arg7[%get3A_996] {strides = array<i32>} : memref<512xf32, #tpu.memory_space<vmem>>, vector<16xf32>,
    %get3A_998 = vector.shape_cast %get3A_997 : vector<16xf32> to vector<16xf32>
    %mul3A_999 = arith.constant 3.05175786E-6 : f32
    %mul3A_1000 = vector.broadcast %mul3A_999 : f32 to vector<16xf32>
    %mul3A_1001 = arith.mulf %get3A_998, %mul3A_1000 : vector<16xf32>
    %add3A_1002 = arith.addf %mul3A_995, %mul3A_1001 : vector<16xf32>
    %swap3A_1003 = arith.constant 80 : index
    %swap3A_1004 = tpu.vector_load %arg7[%swap3A_1003] {strides = array<i32>} : memref<512xf32, #tpu.memory_space<vmem>>, vector<16xf32>,
    %swap3A_1005 = vector.shape_cast %swap3A_1004 : vector<16xf32> to vector<16xf32>
    %swap3A_1006 = vector.shape_cast %add3A_1002 : vector<16xf32> to vector<16xf32>
    tpu.vector_store %arg7[%swap3A_1003], %swap3A_1006 {strides = array<i32>} : memref<512xf32, #tpu.memory_space<vmem>>, vector<16xf32>,
    %add3A_1007 = arith.addf %add3A_989, %add3A_1002 : vector<16xf32>
    %get3A_1008 = arith.constant 96 : index
    %get3A_1009 = tpu.vector_load %arg8[%get3A_1008] {strides = array<i32>} : memref<512xf32, #tpu.memory_space<vmem>>, vector<16xf32>,
    %get3A_1010 = vector.shape_cast %get3A_1009 : vector<16xf32> to vector<16xf32>
    %mul3A_1011 = arith.constant 0.949999988 : f32
    %mul3A_1012 = vector.broadcast %mul3A_1011 : f32 to vector<16xf32>
    %mul3A_1013 = arith.mulf %get3A_1010, %mul3A_1012 : vector<16xf32>
    %get3A_1014 = arith.constant 96 : index
    %get3A_1015 = tpu.vector_load %arg7[%get3A_1014] {strides = array<i32>} : memref<512xf32, #tpu.memory_space<vmem>>, vector<16xf32>,
    %get3A_1016 = vector.shape_cast %get3A_1015 : vector<16xf32> to vector<16xf32>
    %mul3A_1017 = arith.constant 3.05175786E-6 : f32
    %mul3A_1018 = vector.broadcast %mul3A_1017 : f32 to vector<16xf32>
    %mul3A_1019 = arith.mulf %get3A_1016, %mul3A_1018 : vector<16xf32>
    %add3A_1020 = arith.addf %mul3A_1013, %mul3A_1019 : vector<16xf32>
    %swap3A_1021 = arith.constant 96 : index
    %swap3A_1022 = tpu.vector_load %arg7[%swap3A_1021] {strides = array<i32>} : memref<512xf32, #tpu.memory_space<vmem>>, vector<16xf32>,
    %swap3A_1023 = vector.shape_cast %swap3A_1022 : vector<16xf32> to vector<16xf32>
    %swap3A_1024 = vector.shape_cast %add3A_1020 : vector<16xf32> to vector<16xf32>
    tpu.vector_store %arg7[%swap3A_1021], %swap3A_1024 {strides = array<i32>} : memref<512xf32, #tpu.memory_space<vmem>>, vector<16xf32>,
    %add3A_1025 = arith.addf %add3A_1007, %add3A_1020 : vector<16xf32>
    %get3A_1026 = arith.constant 112 : index
    %get3A_1027 = tpu.vector_load %arg8[%get3A_1026] {strides = array<i32>} : memref<512xf32, #tpu.memory_space<vmem>>, vector<16xf32>,
    %get3A_1028 = vector.shape_cast %get3A_1027 : vector<16xf32> to vector<16xf32>
    %mul3A_1029 = arith.constant 0.949999988 : f32
    %mul3A_1030 = vector.broadcast %mul3A_1029 : f32 to vector<16xf32>
    %mul3A_1031 = arith.mulf %get3A_1028, %mul3A_1030 : vector<16xf32>
    %get3A_1032 = arith.constant 112 : index
    %get3A_1033 = tpu.vector_load %arg7[%get3A_1032] {strides = array<i32>} : memref<512xf32, #tpu.memory_space<vmem>>, vector<16xf32>,
    %get3A_1034 = vector.shape_cast %get3A_1033 : vector<16xf32> to vector<16xf32>
    %mul3A_1035 = arith.constant 3.05175786E-6 : f32
    %mul3A_1036 = vector.broadcast %mul3A_1035 : f32 to vector<16xf32>
    %mul3A_1037 = arith.mulf %get3A_1034, %mul3A_1036 : vector<16xf32>
    %add3A_1038 = arith.addf %mul3A_1031, %mul3A_1037 : vector<16xf32>
    %swap3A_1039 = arith.constant 112 : index
    %swap3A_1040 = tpu.vector_load %arg7[%swap3A_1039] {strides = array<i32>} : memref<512xf32, #tpu.memory_space<vmem>>, vector<16xf32>,
    %swap3A_1041 = vector.shape_cast %swap3A_1040 : vector<16xf32> to vector<16xf32>
    %swap3A_1042 = vector.shape_cast %add3A_1038 : vector<16xf32> to vector<16xf32>
    tpu.vector_store %arg7[%swap3A_1039], %swap3A_1042 {strides = array<i32>} : memref<512xf32, #tpu.memory_space<vmem>>, vector<16xf32>,
    %add3A_1043 = arith.addf %add3A_1025, %add3A_1038 : vector<16xf32>
    %get3A_1044 = arith.constant 128 : index
    %get3A_1045 = tpu.vector_load %arg8[%get3A_1044] {strides = array<i32>} : memref<512xf32, #tpu.memory_space<vmem>>, vector<16xf32>,
    %get3A_1046 = vector.shape_cast %get3A_1045 : vector<16xf32> to vector<16xf32>
    %mul3A_1047 = arith.constant 0.949999988 : f32
    %mul3A_1048 = vector.broadcast %mul3A_1047 : f32 to vector<16xf32>
    %mul3A_1049 = arith.mulf %get3A_1046, %mul3A_1048 : vector<16xf32>
    %get3A_1050 = arith.constant 128 : index
    %get3A_1051 = tpu.vector_load %arg7[%get3A_1050] {strides = array<i32>} : memref<512xf32, #tpu.memory_space<vmem>>, vector<16xf32>,
    %get3A_1052 = vector.shape_cast %get3A_1051 : vector<16xf32> to vector<16xf32>
    %mul3A_1053 = arith.constant 3.05175786E-6 : f32
    %mul3A_1054 = vector.broadcast %mul3A_1053 : f32 to vector<16xf32>
    %mul3A_1055 = arith.mulf %get3A_1052, %mul3A_1054 : vector<16xf32>
    %add3A_1056 = arith.addf %mul3A_1049, %mul3A_1055 : vector<16xf32>
    %swap3A_1057 = arith.constant 128 : index
    %swap3A_1058 = tpu.vector_load %arg7[%swap3A_1057] {strides = array<i32>} : memref<512xf32, #tpu.memory_space<vmem>>, vector<16xf32>,
    %swap3A_1059 = vector.shape_cast %swap3A_1058 : vector<16xf32> to vector<16xf32>
    %swap3A_1060 = vector.shape_cast %add3A_1056 : vector<16xf32> to vector<16xf32>
    tpu.vector_store %arg7[%swap3A_1057], %swap3A_1060 {strides = array<i32>} : memref<512xf32, #tpu.memory_space<vmem>>, vector<16xf32>,
    %add3A_1061 = arith.addf %add3A_1043, %add3A_1056 : vector<16xf32>
    %get3A_1062 = arith.constant 144 : index
    %get3A_1063 = tpu.vector_load %arg8[%get3A_1062] {strides = array<i32>} : memref<512xf32, #tpu.memory_space<vmem>>, vector<16xf32>,
    %get3A_1064 = vector.shape_cast %get3A_1063 : vector<16xf32> to vector<16xf32>
    %mul3A_1065 = arith.constant 0.949999988 : f32
    %mul3A_1066 = vector.broadcast %mul3A_1065 : f32 to vector<16xf32>
    %mul3A_1067 = arith.mulf %get3A_1064, %mul3A_1066 : vector<16xf32>
    %get3A_1068 = arith.constant 144 : index
    %get3A_1069 = tpu.vector_load %arg7[%get3A_1068] {strides = array<i32>} : memref<512xf32, #tpu.memory_space<vmem>>, vector<16xf32>,
    %get3A_1070 = vector.shape_cast %get3A_1069 : vector<16xf32> to vector<16xf32>
    %mul3A_1071 = arith.constant 3.05175786E-6 : f32
    %mul3A_1072 = vector.broadcast %mul3A_1071 : f32 to vector<16xf32>
    %mul3A_1073 = arith.mulf %get3A_1070, %mul3A_1072 : vector<16xf32>
    %add3A_1074 = arith.addf %mul3A_1067, %mul3A_1073 : vector<16xf32>
    %swap3A_1075 = arith.constant 144 : index
    %swap3A_1076 = tpu.vector_load %arg7[%swap3A_1075] {strides = array<i32>} : memref<512xf32, #tpu.memory_space<vmem>>, vector<16xf32>,
    %swap3A_1077 = vector.shape_cast %swap3A_1076 : vector<16xf32> to vector<16xf32>
    %swap3A_1078 = vector.shape_cast %add3A_1074 : vector<16xf32> to vector<16xf32>
    tpu.vector_store %arg7[%swap3A_1075], %swap3A_1078 {strides = array<i32>} : memref<512xf32, #tpu.memory_space<vmem>>, vector<16xf32>,
    %add3A_1079 = arith.addf %add3A_1061, %add3A_1074 : vector<16xf32>
    %get3A_1080 = arith.constant 160 : index
    %get3A_1081 = tpu.vector_load %arg8[%get3A_1080] {strides = array<i32>} : memref<512xf32, #tpu.memory_space<vmem>>, vector<16xf32>,
    %get3A_1082 = vector.shape_cast %get3A_1081 : vector<16xf32> to vector<16xf32>
    %mul3A_1083 = arith.constant 0.949999988 : f32
    %mul3A_1084 = vector.broadcast %mul3A_1083 : f32 to vector<16xf32>
    %mul3A_1085 = arith.mulf %get3A_1082, %mul3A_1084 : vector<16xf32>
    %get3A_1086 = arith.constant 160 : index
    %get3A_1087 = tpu.vector_load %arg7[%get3A_1086] {strides = array<i32>} : memref<512xf32, #tpu.memory_space<vmem>>, vector<16xf32>,
    %get3A_1088 = vector.shape_cast %get3A_1087 : vector<16xf32> to vector<16xf32>
    %mul3A_1089 = arith.constant 3.05175786E-6 : f32
    %mul3A_1090 = vector.broadcast %mul3A_1089 : f32 to vector<16xf32>
    %mul3A_1091 = arith.mulf %get3A_1088, %mul3A_1090 : vector<16xf32>
    %add3A_1092 = arith.addf %mul3A_1085, %mul3A_1091 : vector<16xf32>
    %swap3A_1093 = arith.constant 160 : index
    %swap3A_1094 = tpu.vector_load %arg7[%swap3A_1093] {strides = array<i32>} : memref<512xf32, #tpu.memory_space<vmem>>, vector<16xf32>,
    %swap3A_1095 = vector.shape_cast %swap3A_1094 : vector<16xf32> to vector<16xf32>
    %swap3A_1096 = vector.shape_cast %add3A_1092 : vector<16xf32> to vector<16xf32>
    tpu.vector_store %arg7[%swap3A_1093], %swap3A_1096 {strides = array<i32>} : memref<512xf32, #tpu.memory_space<vmem>>, vector<16xf32>,
    %add3A_1097 = arith.addf %add3A_1079, %add3A_1092 : vector<16xf32>
    %get3A_1098 = arith.constant 176 : index
    %get3A_1099 = tpu.vector_load %arg8[%get3A_1098] {strides = array<i32>} : memref<512xf32, #tpu.memory_space<vmem>>, vector<16xf32>,
    %get3A_1100 = vector.shape_cast %get3A_1099 : vector<16xf32> to vector<16xf32>
    %mul3A_1101 = arith.constant 0.949999988 : f32
    %mul3A_1102 = vector.broadcast %mul3A_1101 : f32 to vector<16xf32>
    %mul3A_1103 = arith.mulf %get3A_1100, %mul3A_1102 : vector<16xf32>
    %get3A_1104 = arith.constant 176 : index
    %get3A_1105 = tpu.vector_load %arg7[%get3A_1104] {strides = array<i32>} : memref<512xf32, #tpu.memory_space<vmem>>, vector<16xf32>,
    %get3A_1106 = vector.shape_cast %get3A_1105 : vector<16xf32> to vector<16xf32>
    %mul3A_1107 = arith.constant 3.05175786E-6 : f32
    %mul3A_1108 = vector.broadcast %mul3A_1107 : f32 to vector<16xf32>
    %mul3A_1109 = arith.mulf %get3A_1106, %mul3A_1108 : vector<16xf32>
    %add3A_1110 = arith.addf %mul3A_1103, %mul3A_1109 : vector<16xf32>
    %swap3A_1111 = arith.constant 176 : index
    %swap3A_1112 = tpu.vector_load %arg7[%swap3A_1111] {strides = array<i32>} : memref<512xf32, #tpu.memory_space<vmem>>, vector<16xf32>,
    %swap3A_1113 = vector.shape_cast %swap3A_1112 : vector<16xf32> to vector<16xf32>
    %swap3A_1114 = vector.shape_cast %add3A_1110 : vector<16xf32> to vector<16xf32>
    tpu.vector_store %arg7[%swap3A_1111], %swap3A_1114 {strides = array<i32>} : memref<512xf32, #tpu.memory_space<vmem>>, vector<16xf32>,
    %add3A_1115 = arith.addf %add3A_1097, %add3A_1110 : vector<16xf32>
    %get3A_1116 = arith.constant 192 : index
    %get3A_1117 = tpu.vector_load %arg8[%get3A_1116] {strides = array<i32>} : memref<512xf32, #tpu.memory_space<vmem>>, vector<16xf32>,
    %get3A_1118 = vector.shape_cast %get3A_1117 : vector<16xf32> to vector<16xf32>
    %mul3A_1119 = arith.constant 0.949999988 : f32
    %mul3A_1120 = vector.broadcast %mul3A_1119 : f32 to vector<16xf32>
    %mul3A_1121 = arith.mulf %get3A_1118, %mul3A_1120 : vector<16xf32>
    %get3A_1122 = arith.constant 192 : index
    %get3A_1123 = tpu.vector_load %arg7[%get3A_1122] {strides = array<i32>} : memref<512xf32, #tpu.memory_space<vmem>>, vector<16xf32>,
    %get3A_1124 = vector.shape_cast %get3A_1123 : vector<16xf32> to vector<16xf32>
    %mul3A_1125 = arith.constant 3.05175786E-6 : f32
    %mul3A_1126 = vector.broadcast %mul3A_1125 : f32 to vector<16xf32>
    %mul3A_1127 = arith.mulf %get3A_1124, %mul3A_1126 : vector<16xf32>
    %add3A_1128 = arith.addf %mul3A_1121, %mul3A_1127 : vector<16xf32>
    %swap3A_1129 = arith.constant 192 : index
    %swap3A_1130 = tpu.vector_load %arg7[%swap3A_1129] {strides = array<i32>} : memref<512xf32, #tpu.memory_space<vmem>>, vector<16xf32>,
    %swap3A_1131 = vector.shape_cast %swap3A_1130 : vector<16xf32> to vector<16xf32>
    %swap3A_1132 = vector.shape_cast %add3A_1128 : vector<16xf32> to vector<16xf32>
    tpu.vector_store %arg7[%swap3A_1129], %swap3A_1132 {strides = array<i32>} : memref<512xf32, #tpu.memory_space<vmem>>, vector<16xf32>,
    %add3A_1133 = arith.addf %add3A_1115, %add3A_1128 : vector<16xf32>
    %get3A_1134 = arith.constant 208 : index
    %get3A_1135 = tpu.vector_load %arg8[%get3A_1134] {strides = array<i32>} : memref<512xf32, #tpu.memory_space<vmem>>, vector<16xf32>,
    %get3A_1136 = vector.shape_cast %get3A_1135 : vector<16xf32> to vector<16xf32>
    %mul3A_1137 = arith.constant 0.949999988 : f32
    %mul3A_1138 = vector.broadcast %mul3A_1137 : f32 to vector<16xf32>
    %mul3A_1139 = arith.mulf %get3A_1136, %mul3A_1138 : vector<16xf32>
    %get3A_1140 = arith.constant 208 : index
    %get3A_1141 = tpu.vector_load %arg7[%get3A_1140] {strides = array<i32>} : memref<512xf32, #tpu.memory_space<vmem>>, vector<16xf32>,
    %get3A_1142 = vector.shape_cast %get3A_1141 : vector<16xf32> to vector<16xf32>
    %mul3A_1143 = arith.constant 3.05175786E-6 : f32
    %mul3A_1144 = vector.broadcast %mul3A_1143 : f32 to vector<16xf32>
    %mul3A_1145 = arith.mulf %get3A_1142, %mul3A_1144 : vector<16xf32>
    %add3A_1146 = arith.addf %mul3A_1139, %mul3A_1145 : vector<16xf32>
    %swap3A_1147 = arith.constant 208 : index
    %swap3A_1148 = tpu.vector_load %arg7[%swap3A_1147] {strides = array<i32>} : memref<512xf32, #tpu.memory_space<vmem>>, vector<16xf32>,
    %swap3A_1149 = vector.shape_cast %swap3A_1148 : vector<16xf32> to vector<16xf32>
    %swap3A_1150 = vector.shape_cast %add3A_1146 : vector<16xf32> to vector<16xf32>
    tpu.vector_store %arg7[%swap3A_1147], %swap3A_1150 {strides = array<i32>} : memref<512xf32, #tpu.memory_space<vmem>>, vector<16xf32>,
    %add3A_1151 = arith.addf %add3A_1133, %add3A_1146 : vector<16xf32>
    %get3A_1152 = arith.constant 224 : index
    %get3A_1153 = tpu.vector_load %arg8[%get3A_1152] {strides = array<i32>} : memref<512xf32, #tpu.memory_space<vmem>>, vector<16xf32>,
    %get3A_1154 = vector.shape_cast %get3A_1153 : vector<16xf32> to vector<16xf32>
    %mul3A_1155 = arith.constant 0.949999988 : f32
    %mul3A_1156 = vector.broadcast %mul3A_1155 : f32 to vector<16xf32>
    %mul3A_1157 = arith.mulf %get3A_1154, %mul3A_1156 : vector<16xf32>
    %get3A_1158 = arith.constant 224 : index
    %get3A_1159 = tpu.vector_load %arg7[%get3A_1158] {strides = array<i32>} : memref<512xf32, #tpu.memory_space<vmem>>, vector<16xf32>,
    %get3A_1160 = vector.shape_cast %get3A_1159 : vector<16xf32> to vector<16xf32>
    %mul3A_1161 = arith.constant 3.05175786E-6 : f32
    %mul3A_1162 = vector.broadcast %mul3A_1161 : f32 to vector<16xf32>
    %mul3A_1163 = arith.mulf %get3A_1160, %mul3A_1162 : vector<16xf32>
    %add3A_1164 = arith.addf %mul3A_1157, %mul3A_1163 : vector<16xf32>
    %swap3A_1165 = arith.constant 224 : index
    %swap3A_1166 = tpu.vector_load %arg7[%swap3A_1165] {strides = array<i32>} : memref<512xf32, #tpu.memory_space<vmem>>, vector<16xf32>,
    %swap3A_1167 = vector.shape_cast %swap3A_1166 : vector<16xf32> to vector<16xf32>
    %swap3A_1168 = vector.shape_cast %add3A_1164 : vector<16xf32> to vector<16xf32>
    tpu.vector_store %arg7[%swap3A_1165], %swap3A_1168 {strides = array<i32>} : memref<512xf32, #tpu.memory_space<vmem>>, vector<16xf32>,
    %add3A_1169 = arith.addf %add3A_1151, %add3A_1164 : vector<16xf32>
    %get3A_1170 = arith.constant 240 : index
    %get3A_1171 = tpu.vector_load %arg8[%get3A_1170] {strides = array<i32>} : memref<512xf32, #tpu.memory_space<vmem>>, vector<16xf32>,
    %get3A_1172 = vector.shape_cast %get3A_1171 : vector<16xf32> to vector<16xf32>
    %mul3A_1173 = arith.constant 0.949999988 : f32
    %mul3A_1174 = vector.broadcast %mul3A_1173 : f32 to vector<16xf32>
    %mul3A_1175 = arith.mulf %get3A_1172, %mul3A_1174 : vector<16xf32>
    %get3A_1176 = arith.constant 240 : index
    %get3A_1177 = tpu.vector_load %arg7[%get3A_1176] {strides = array<i32>} : memref<512xf32, #tpu.memory_space<vmem>>, vector<16xf32>,
    %get3A_1178 = vector.shape_cast %get3A_1177 : vector<16xf32> to vector<16xf32>
    %mul3A_1179 = arith.constant 3.05175786E-6 : f32
    %mul3A_1180 = vector.broadcast %mul3A_1179 : f32 to vector<16xf32>
    %mul3A_1181 = arith.mulf %get3A_1178, %mul3A_1180 : vector<16xf32>
    %add3A_1182 = arith.addf %mul3A_1175, %mul3A_1181 : vector<16xf32>
    %swap3A_1183 = arith.constant 240 : index
    %swap3A_1184 = tpu.vector_load %arg7[%swap3A_1183] {strides = array<i32>} : memref<512xf32, #tpu.memory_space<vmem>>, vector<16xf32>,
    %swap3A_1185 = vector.shape_cast %swap3A_1184 : vector<16xf32> to vector<16xf32>
    %swap3A_1186 = vector.shape_cast %add3A_1182 : vector<16xf32> to vector<16xf32>
    tpu.vector_store %arg7[%swap3A_1183], %swap3A_1186 {strides = array<i32>} : memref<512xf32, #tpu.memory_space<vmem>>, vector<16xf32>,
    %add3A_1187 = arith.addf %add3A_1169, %add3A_1182 : vector<16xf32>
    %get3A_1188 = arith.constant 256 : index
    %get3A_1189 = tpu.vector_load %arg8[%get3A_1188] {strides = array<i32>} : memref<512xf32, #tpu.memory_space<vmem>>, vector<16xf32>,
    %get3A_1190 = vector.shape_cast %get3A_1189 : vector<16xf32> to vector<16xf32>
    %mul3A_1191 = arith.constant 0.949999988 : f32
    %mul3A_1192 = vector.broadcast %mul3A_1191 : f32 to vector<16xf32>
    %mul3A_1193 = arith.mulf %get3A_1190, %mul3A_1192 : vector<16xf32>
    %get3A_1194 = arith.constant 256 : index
    %get3A_1195 = tpu.vector_load %arg7[%get3A_1194] {strides = array<i32>} : memref<512xf32, #tpu.memory_space<vmem>>, vector<16xf32>,
    %get3A_1196 = vector.shape_cast %get3A_1195 : vector<16xf32> to vector<16xf32>
    %mul3A_1197 = arith.constant 3.05175786E-6 : f32
    %mul3A_1198 = vector.broadcast %mul3A_1197 : f32 to vector<16xf32>
    %mul3A_1199 = arith.mulf %get3A_1196, %mul3A_1198 : vector<16xf32>
    %add3A_1200 = arith.addf %mul3A_1193, %mul3A_1199 : vector<16xf32>
    %swap3A_1201 = arith.constant 256 : index
    %swap3A_1202 = tpu.vector_load %arg7[%swap3A_1201] {strides = array<i32>} : memref<512xf32, #tpu.memory_space<vmem>>, vector<16xf32>,
    %swap3A_1203 = vector.shape_cast %swap3A_1202 : vector<16xf32> to vector<16xf32>
    %swap3A_1204 = vector.shape_cast %add3A_1200 : vector<16xf32> to vector<16xf32>
    tpu.vector_store %arg7[%swap3A_1201], %swap3A_1204 {strides = array<i32>} : memref<512xf32, #tpu.memory_space<vmem>>, vector<16xf32>,
    %add3A_1205 = arith.addf %add3A_1187, %add3A_1200 : vector<16xf32>
    %get3A_1206 = arith.constant 272 : index
    %get3A_1207 = tpu.vector_load %arg8[%get3A_1206] {strides = array<i32>} : memref<512xf32, #tpu.memory_space<vmem>>, vector<16xf32>,
    %get3A_1208 = vector.shape_cast %get3A_1207 : vector<16xf32> to vector<16xf32>
    %mul3A_1209 = arith.constant 0.949999988 : f32
    %mul3A_1210 = vector.broadcast %mul3A_1209 : f32 to vector<16xf32>
    %mul3A_1211 = arith.mulf %get3A_1208, %mul3A_1210 : vector<16xf32>
    %get3A_1212 = arith.constant 272 : index
    %get3A_1213 = tpu.vector_load %arg7[%get3A_1212] {strides = array<i32>} : memref<512xf32, #tpu.memory_space<vmem>>, vector<16xf32>,
    %get3A_1214 = vector.shape_cast %get3A_1213 : vector<16xf32> to vector<16xf32>
    %mul3A_1215 = arith.constant 3.05175786E-6 : f32
    %mul3A_1216 = vector.broadcast %mul3A_1215 : f32 to vector<16xf32>
    %mul3A_1217 = arith.mulf %get3A_1214, %mul3A_1216 : vector<16xf32>
    %add3A_1218 = arith.addf %mul3A_1211, %mul3A_1217 : vector<16xf32>
    %swap3A_1219 = arith.constant 272 : index
    %swap3A_1220 = tpu.vector_load %arg7[%swap3A_1219] {strides = array<i32>} : memref<512xf32, #tpu.memory_space<vmem>>, vector<16xf32>,
    %swap3A_1221 = vector.shape_cast %swap3A_1220 : vector<16xf32> to vector<16xf32>
    %swap3A_1222 = vector.shape_cast %add3A_1218 : vector<16xf32> to vector<16xf32>
    tpu.vector_store %arg7[%swap3A_1219], %swap3A_1222 {strides = array<i32>} : memref<512xf32, #tpu.memory_space<vmem>>, vector<16xf32>,
    %add3A_1223 = arith.addf %add3A_1205, %add3A_1218 : vector<16xf32>
    %get3A_1224 = arith.constant 288 : index
    %get3A_1225 = tpu.vector_load %arg8[%get3A_1224] {strides = array<i32>} : memref<512xf32, #tpu.memory_space<vmem>>, vector<16xf32>,
    %get3A_1226 = vector.shape_cast %get3A_1225 : vector<16xf32> to vector<16xf32>
    %mul3A_1227 = arith.constant 0.949999988 : f32
    %mul3A_1228 = vector.broadcast %mul3A_1227 : f32 to vector<16xf32>
    %mul3A_1229 = arith.mulf %get3A_1226, %mul3A_1228 : vector<16xf32>
    %get3A_1230 = arith.constant 288 : index
    %get3A_1231 = tpu.vector_load %arg7[%get3A_1230] {strides = array<i32>} : memref<512xf32, #tpu.memory_space<vmem>>, vector<16xf32>,
    %get3A_1232 = vector.shape_cast %get3A_1231 : vector<16xf32> to vector<16xf32>
    %mul3A_1233 = arith.constant 3.05175786E-6 : f32
    %mul3A_1234 = vector.broadcast %mul3A_1233 : f32 to vector<16xf32>
    %mul3A_1235 = arith.mulf %get3A_1232, %mul3A_1234 : vector<16xf32>
    %add3A_1236 = arith.addf %mul3A_1229, %mul3A_1235 : vector<16xf32>
    %swap3A_1237 = arith.constant 288 : index
    %swap3A_1238 = tpu.vector_load %arg7[%swap3A_1237] {strides = array<i32>} : memref<512xf32, #tpu.memory_space<vmem>>, vector<16xf32>,
    %swap3A_1239 = vector.shape_cast %swap3A_1238 : vector<16xf32> to vector<16xf32>
    %swap3A_1240 = vector.shape_cast %add3A_1236 : vector<16xf32> to vector<16xf32>
    tpu.vector_store %arg7[%swap3A_1237], %swap3A_1240 {strides = array<i32>} : memref<512xf32, #tpu.memory_space<vmem>>, vector<16xf32>,
    %add3A_1241 = arith.addf %add3A_1223, %add3A_1236 : vector<16xf32>
    %get3A_1242 = arith.constant 304 : index
    %get3A_1243 = tpu.vector_load %arg8[%get3A_1242] {strides = array<i32>} : memref<512xf32, #tpu.memory_space<vmem>>, vector<16xf32>,
    %get3A_1244 = vector.shape_cast %get3A_1243 : vector<16xf32> to vector<16xf32>
    %mul3A_1245 = arith.constant 0.949999988 : f32
    %mul3A_1246 = vector.broadcast %mul3A_1245 : f32 to vector<16xf32>
    %mul3A_1247 = arith.mulf %get3A_1244, %mul3A_1246 : vector<16xf32>
    %get3A_1248 = arith.constant 304 : index
    %get3A_1249 = tpu.vector_load %arg7[%get3A_1248] {strides = array<i32>} : memref<512xf32, #tpu.memory_space<vmem>>, vector<16xf32>,
    %get3A_1250 = vector.shape_cast %get3A_1249 : vector<16xf32> to vector<16xf32>
    %mul3A_1251 = arith.constant 3.05175786E-6 : f32
    %mul3A_1252 = vector.broadcast %mul3A_1251 : f32 to vector<16xf32>
    %mul3A_1253 = arith.mulf %get3A_1250, %mul3A_1252 : vector<16xf32>
    %add3A_1254 = arith.addf %mul3A_1247, %mul3A_1253 : vector<16xf32>
    %swap3A_1255 = arith.constant 304 : index
    %swap3A_1256 = tpu.vector_load %arg7[%swap3A_1255] {strides = array<i32>} : memref<512xf32, #tpu.memory_space<vmem>>, vector<16xf32>,
    %swap3A_1257 = vector.shape_cast %swap3A_1256 : vector<16xf32> to vector<16xf32>
    %swap3A_1258 = vector.shape_cast %add3A_1254 : vector<16xf32> to vector<16xf32>
    tpu.vector_store %arg7[%swap3A_1255], %swap3A_1258 {strides = array<i32>} : memref<512xf32, #tpu.memory_space<vmem>>, vector<16xf32>,
    %add3A_1259 = arith.addf %add3A_1241, %add3A_1254 : vector<16xf32>
    %get3A_1260 = arith.constant 320 : index
    %get3A_1261 = tpu.vector_load %arg8[%get3A_1260] {strides = array<i32>} : memref<512xf32, #tpu.memory_space<vmem>>, vector<16xf32>,
    %get3A_1262 = vector.shape_cast %get3A_1261 : vector<16xf32> to vector<16xf32>
    %mul3A_1263 = arith.constant 0.949999988 : f32
    %mul3A_1264 = vector.broadcast %mul3A_1263 : f32 to vector<16xf32>
    %mul3A_1265 = arith.mulf %get3A_1262, %mul3A_1264 : vector<16xf32>
    %get3A_1266 = arith.constant 320 : index
    %get3A_1267 = tpu.vector_load %arg7[%get3A_1266] {strides = array<i32>} : memref<512xf32, #tpu.memory_space<vmem>>, vector<16xf32>,
    %get3A_1268 = vector.shape_cast %get3A_1267 : vector<16xf32> to vector<16xf32>
    %mul3A_1269 = arith.constant 3.05175786E-6 : f32
    %mul3A_1270 = vector.broadcast %mul3A_1269 : f32 to vector<16xf32>
    %mul3A_1271 = arith.mulf %get3A_1268, %mul3A_1270 : vector<16xf32>
    %add3A_1272 = arith.addf %mul3A_1265, %mul3A_1271 : vector<16xf32>
    %swap3A_1273 = arith.constant 320 : index
    %swap3A_1274 = tpu.vector_load %arg7[%swap3A_1273] {strides = array<i32>} : memref<512xf32, #tpu.memory_space<vmem>>, vector<16xf32>,
    %swap3A_1275 = vector.shape_cast %swap3A_1274 : vector<16xf32> to vector<16xf32>
    %swap3A_1276 = vector.shape_cast %add3A_1272 : vector<16xf32> to vector<16xf32>
    tpu.vector_store %arg7[%swap3A_1273], %swap3A_1276 {strides = array<i32>} : memref<512xf32, #tpu.memory_space<vmem>>, vector<16xf32>,
    %add3A_1277 = arith.addf %add3A_1259, %add3A_1272 : vector<16xf32>
    %get3A_1278 = arith.constant 336 : index
    %get3A_1279 = tpu.vector_load %arg8[%get3A_1278] {strides = array<i32>} : memref<512xf32, #tpu.memory_space<vmem>>, vector<16xf32>,
    %get3A_1280 = vector.shape_cast %get3A_1279 : vector<16xf32> to vector<16xf32>
    %mul3A_1281 = arith.constant 0.949999988 : f32
    %mul3A_1282 = vector.broadcast %mul3A_1281 : f32 to vector<16xf32>
    %mul3A_1283 = arith.mulf %get3A_1280, %mul3A_1282 : vector<16xf32>
    %get3A_1284 = arith.constant 336 : index
    %get3A_1285 = tpu.vector_load %arg7[%get3A_1284] {strides = array<i32>} : memref<512xf32, #tpu.memory_space<vmem>>, vector<16xf32>,
    %get3A_1286 = vector.shape_cast %get3A_1285 : vector<16xf32> to vector<16xf32>
    %mul3A_1287 = arith.constant 3.05175786E-6 : f32
    %mul3A_1288 = vector.broadcast %mul3A_1287 : f32 to vector<16xf32>
    %mul3A_1289 = arith.mulf %get3A_1286, %mul3A_1288 : vector<16xf32>
    %add3A_1290 = arith.addf %mul3A_1283, %mul3A_1289 : vector<16xf32>
    %swap3A_1291 = arith.constant 336 : index
    %swap3A_1292 = tpu.vector_load %arg7[%swap3A_1291] {strides = array<i32>} : memref<512xf32, #tpu.memory_space<vmem>>, vector<16xf32>,
    %swap3A_1293 = vector.shape_cast %swap3A_1292 : vector<16xf32> to vector<16xf32>
    %swap3A_1294 = vector.shape_cast %add3A_1290 : vector<16xf32> to vector<16xf32>
    tpu.vector_store %arg7[%swap3A_1291], %swap3A_1294 {strides = array<i32>} : memref<512xf32, #tpu.memory_space<vmem>>, vector<16xf32>,
    %add3A_1295 = arith.addf %add3A_1277, %add3A_1290 : vector<16xf32>
    %get3A_1296 = arith.constant 352 : index
    %get3A_1297 = tpu.vector_load %arg8[%get3A_1296] {strides = array<i32>} : memref<512xf32, #tpu.memory_space<vmem>>, vector<16xf32>,
    %get3A_1298 = vector.shape_cast %get3A_1297 : vector<16xf32> to vector<16xf32>
    %mul3A_1299 = arith.constant 0.949999988 : f32
    %mul3A_1300 = vector.broadcast %mul3A_1299 : f32 to vector<16xf32>
    %mul3A_1301 = arith.mulf %get3A_1298, %mul3A_1300 : vector<16xf32>
    %get3A_1302 = arith.constant 352 : index
    %get3A_1303 = tpu.vector_load %arg7[%get3A_1302] {strides = array<i32>} : memref<512xf32, #tpu.memory_space<vmem>>, vector<16xf32>,
    %get3A_1304 = vector.shape_cast %get3A_1303 : vector<16xf32> to vector<16xf32>
    %mul3A_1305 = arith.constant 3.05175786E-6 : f32
    %mul3A_1306 = vector.broadcast %mul3A_1305 : f32 to vector<16xf32>
    %mul3A_1307 = arith.mulf %get3A_1304, %mul3A_1306 : vector<16xf32>
    %add3A_1308 = arith.addf %mul3A_1301, %mul3A_1307 : vector<16xf32>
    %swap3A_1309 = arith.constant 352 : index
    %swap3A_1310 = tpu.vector_load %arg7[%swap3A_1309] {strides = array<i32>} : memref<512xf32, #tpu.memory_space<vmem>>, vector<16xf32>,
    %swap3A_1311 = vector.shape_cast %swap3A_1310 : vector<16xf32> to vector<16xf32>
    %swap3A_1312 = vector.shape_cast %add3A_1308 : vector<16xf32> to vector<16xf32>
    tpu.vector_store %arg7[%swap3A_1309], %swap3A_1312 {strides = array<i32>} : memref<512xf32, #tpu.memory_space<vmem>>, vector<16xf32>,
    %add3A_1313 = arith.addf %add3A_1295, %add3A_1308 : vector<16xf32>
    %get3A_1314 = arith.constant 368 : index
    %get3A_1315 = tpu.vector_load %arg8[%get3A_1314] {strides = array<i32>} : memref<512xf32, #tpu.memory_space<vmem>>, vector<16xf32>,
    %get3A_1316 = vector.shape_cast %get3A_1315 : vector<16xf32> to vector<16xf32>
    %mul3A_1317 = arith.constant 0.949999988 : f32
    %mul3A_1318 = vector.broadcast %mul3A_1317 : f32 to vector<16xf32>
    %mul3A_1319 = arith.mulf %get3A_1316, %mul3A_1318 : vector<16xf32>
    %get3A_1320 = arith.constant 368 : index
    %get3A_1321 = tpu.vector_load %arg7[%get3A_1320] {strides = array<i32>} : memref<512xf32, #tpu.memory_space<vmem>>, vector<16xf32>,
    %get3A_1322 = vector.shape_cast %get3A_1321 : vector<16xf32> to vector<16xf32>
    %mul3A_1323 = arith.constant 3.05175786E-6 : f32
    %mul3A_1324 = vector.broadcast %mul3A_1323 : f32 to vector<16xf32>
    %mul3A_1325 = arith.mulf %get3A_1322, %mul3A_1324 : vector<16xf32>
    %add3A_1326 = arith.addf %mul3A_1319, %mul3A_1325 : vector<16xf32>
    %swap3A_1327 = arith.constant 368 : index
    %swap3A_1328 = tpu.vector_load %arg7[%swap3A_1327] {strides = array<i32>} : memref<512xf32, #tpu.memory_space<vmem>>, vector<16xf32>,
    %swap3A_1329 = vector.shape_cast %swap3A_1328 : vector<16xf32> to vector<16xf32>
    %swap3A_1330 = vector.shape_cast %add3A_1326 : vector<16xf32> to vector<16xf32>
    tpu.vector_store %arg7[%swap3A_1327], %swap3A_1330 {strides = array<i32>} : memref<512xf32, #tpu.memory_space<vmem>>, vector<16xf32>,
    %add3A_1331 = arith.addf %add3A_1313, %add3A_1326 : vector<16xf32>
    %get3A_1332 = arith.constant 384 : index
    %get3A_1333 = tpu.vector_load %arg8[%get3A_1332] {strides = array<i32>} : memref<512xf32, #tpu.memory_space<vmem>>, vector<16xf32>,
    %get3A_1334 = vector.shape_cast %get3A_1333 : vector<16xf32> to vector<16xf32>
    %mul3A_1335 = arith.constant 0.949999988 : f32
    %mul3A_1336 = vector.broadcast %mul3A_1335 : f32 to vector<16xf32>
    %mul3A_1337 = arith.mulf %get3A_1334, %mul3A_1336 : vector<16xf32>
    %get3A_1338 = arith.constant 384 : index
    %get3A_1339 = tpu.vector_load %arg7[%get3A_1338] {strides = array<i32>} : memref<512xf32, #tpu.memory_space<vmem>>, vector<16xf32>,
    %get3A_1340 = vector.shape_cast %get3A_1339 : vector<16xf32> to vector<16xf32>
    %mul3A_1341 = arith.constant 3.05175786E-6 : f32
    %mul3A_1342 = vector.broadcast %mul3A_1341 : f32 to vector<16xf32>
    %mul3A_1343 = arith.mulf %get3A_1340, %mul3A_1342 : vector<16xf32>
    %add3A_1344 = arith.addf %mul3A_1337, %mul3A_1343 : vector<16xf32>
    %swap3A_1345 = arith.constant 384 : index
    %swap3A_1346 = tpu.vector_load %arg7[%swap3A_1345] {strides = array<i32>} : memref<512xf32, #tpu.memory_space<vmem>>, vector<16xf32>,
    %swap3A_1347 = vector.shape_cast %swap3A_1346 : vector<16xf32> to vector<16xf32>
    %swap3A_1348 = vector.shape_cast %add3A_1344 : vector<16xf32> to vector<16xf32>
    tpu.vector_store %arg7[%swap3A_1345], %swap3A_1348 {strides = array<i32>} : memref<512xf32, #tpu.memory_space<vmem>>, vector<16xf32>,
    %add3A_1349 = arith.addf %add3A_1331, %add3A_1344 : vector<16xf32>
    %get3A_1350 = arith.constant 400 : index
    %get3A_1351 = tpu.vector_load %arg8[%get3A_1350] {strides = array<i32>} : memref<512xf32, #tpu.memory_space<vmem>>, vector<16xf32>,
    %get3A_1352 = vector.shape_cast %get3A_1351 : vector<16xf32> to vector<16xf32>
    %mul3A_1353 = arith.constant 0.949999988 : f32
    %mul3A_1354 = vector.broadcast %mul3A_1353 : f32 to vector<16xf32>
    %mul3A_1355 = arith.mulf %get3A_1352, %mul3A_1354 : vector<16xf32>
    %get3A_1356 = arith.constant 400 : index
    %get3A_1357 = tpu.vector_load %arg7[%get3A_1356] {strides = array<i32>} : memref<512xf32, #tpu.memory_space<vmem>>, vector<16xf32>,
    %get3A_1358 = vector.shape_cast %get3A_1357 : vector<16xf32> to vector<16xf32>
    %mul3A_1359 = arith.constant 3.05175786E-6 : f32
    %mul3A_1360 = vector.broadcast %mul3A_1359 : f32 to vector<16xf32>
    %mul3A_1361 = arith.mulf %get3A_1358, %mul3A_1360 : vector<16xf32>
    %add3A_1362 = arith.addf %mul3A_1355, %mul3A_1361 : vector<16xf32>
    %swap3A_1363 = arith.constant 400 : index
    %swap3A_1364 = tpu.vector_load %arg7[%swap3A_1363] {strides = array<i32>} : memref<512xf32, #tpu.memory_space<vmem>>, vector<16xf32>,
    %swap3A_1365 = vector.shape_cast %swap3A_1364 : vector<16xf32> to vector<16xf32>
    %swap3A_1366 = vector.shape_cast %add3A_1362 : vector<16xf32> to vector<16xf32>
    tpu.vector_store %arg7[%swap3A_1363], %swap3A_1366 {strides = array<i32>} : memref<512xf32, #tpu.memory_space<vmem>>, vector<16xf32>,
    %add3A_1367 = arith.addf %add3A_1349, %add3A_1362 : vector<16xf32>
    %get3A_1368 = arith.constant 416 : index
    %get3A_1369 = tpu.vector_load %arg8[%get3A_1368] {strides = array<i32>} : memref<512xf32, #tpu.memory_space<vmem>>, vector<16xf32>,
    %get3A_1370 = vector.shape_cast %get3A_1369 : vector<16xf32> to vector<16xf32>
    %mul3A_1371 = arith.constant 0.949999988 : f32
    %mul3A_1372 = vector.broadcast %mul3A_1371 : f32 to vector<16xf32>
    %mul3A_1373 = arith.mulf %get3A_1370, %mul3A_1372 : vector<16xf32>
    %get3A_1374 = arith.constant 416 : index
    %get3A_1375 = tpu.vector_load %arg7[%get3A_1374] {strides = array<i32>} : memref<512xf32, #tpu.memory_space<vmem>>, vector<16xf32>,
    %get3A_1376 = vector.shape_cast %get3A_1375 : vector<16xf32> to vector<16xf32>
    %mul3A_1377 = arith.constant 3.05175786E-6 : f32
    %mul3A_1378 = vector.broadcast %mul3A_1377 : f32 to vector<16xf32>
    %mul3A_1379 = arith.mulf %get3A_1376, %mul3A_1378 : vector<16xf32>
    %add3A_1380 = arith.addf %mul3A_1373, %mul3A_1379 : vector<16xf32>
    %swap3A_1381 = arith.constant 416 : index
    %swap3A_1382 = tpu.vector_load %arg7[%swap3A_1381] {strides = array<i32>} : memref<512xf32, #tpu.memory_space<vmem>>, vector<16xf32>,
    %swap3A_1383 = vector.shape_cast %swap3A_1382 : vector<16xf32> to vector<16xf32>
    %swap3A_1384 = vector.shape_cast %add3A_1380 : vector<16xf32> to vector<16xf32>
    tpu.vector_store %arg7[%swap3A_1381], %swap3A_1384 {strides = array<i32>} : memref<512xf32, #tpu.memory_space<vmem>>, vector<16xf32>,
    %add3A_1385 = arith.addf %add3A_1367, %add3A_1380 : vector<16xf32>
    %get3A_1386 = arith.constant 432 : index
    %get3A_1387 = tpu.vector_load %arg8[%get3A_1386] {strides = array<i32>} : memref<512xf32, #tpu.memory_space<vmem>>, vector<16xf32>,
    %get3A_1388 = vector.shape_cast %get3A_1387 : vector<16xf32> to vector<16xf32>
    %mul3A_1389 = arith.constant 0.949999988 : f32
    %mul3A_1390 = vector.broadcast %mul3A_1389 : f32 to vector<16xf32>
    %mul3A_1391 = arith.mulf %get3A_1388, %mul3A_1390 : vector<16xf32>
    %get3A_1392 = arith.constant 432 : index
    %get3A_1393 = tpu.vector_load %arg7[%get3A_1392] {strides = array<i32>} : memref<512xf32, #tpu.memory_space<vmem>>, vector<16xf32>,
    %get3A_1394 = vector.shape_cast %get3A_1393 : vector<16xf32> to vector<16xf32>
    %mul3A_1395 = arith.constant 3.05175786E-6 : f32
    %mul3A_1396 = vector.broadcast %mul3A_1395 : f32 to vector<16xf32>
    %mul3A_1397 = arith.mulf %get3A_1394, %mul3A_1396 : vector<16xf32>
    %add3A_1398 = arith.addf %mul3A_1391, %mul3A_1397 : vector<16xf32>
    %swap3A_1399 = arith.constant 432 : index
    %swap3A_1400 = tpu.vector_load %arg7[%swap3A_1399] {strides = array<i32>} : memref<512xf32, #tpu.memory_space<vmem>>, vector<16xf32>,
    %swap3A_1401 = vector.shape_cast %swap3A_1400 : vector<16xf32> to vector<16xf32>
    %swap3A_1402 = vector.shape_cast %add3A_1398 : vector<16xf32> to vector<16xf32>
    tpu.vector_store %arg7[%swap3A_1399], %swap3A_1402 {strides = array<i32>} : memref<512xf32, #tpu.memory_space<vmem>>, vector<16xf32>,
    %add3A_1403 = arith.addf %add3A_1385, %add3A_1398 : vector<16xf32>
    %get3A_1404 = arith.constant 448 : index
    %get3A_1405 = tpu.vector_load %arg8[%get3A_1404] {strides = array<i32>} : memref<512xf32, #tpu.memory_space<vmem>>, vector<16xf32>,
    %get3A_1406 = vector.shape_cast %get3A_1405 : vector<16xf32> to vector<16xf32>
    %mul3A_1407 = arith.constant 0.949999988 : f32
    %mul3A_1408 = vector.broadcast %mul3A_1407 : f32 to vector<16xf32>
    %mul3A_1409 = arith.mulf %get3A_1406, %mul3A_1408 : vector<16xf32>
    %get3A_1410 = arith.constant 448 : index
    %get3A_1411 = tpu.vector_load %arg7[%get3A_1410] {strides = array<i32>} : memref<512xf32, #tpu.memory_space<vmem>>, vector<16xf32>,
    %get3A_1412 = vector.shape_cast %get3A_1411 : vector<16xf32> to vector<16xf32>
    %mul3A_1413 = arith.constant 3.05175786E-6 : f32
    %mul3A_1414 = vector.broadcast %mul3A_1413 : f32 to vector<16xf32>
    %mul3A_1415 = arith.mulf %get3A_1412, %mul3A_1414 : vector<16xf32>
    %add3A_1416 = arith.addf %mul3A_1409, %mul3A_1415 : vector<16xf32>
    %swap3A_1417 = arith.constant 448 : index
    %swap3A_1418 = tpu.vector_load %arg7[%swap3A_1417] {strides = array<i32>} : memref<512xf32, #tpu.memory_space<vmem>>, vector<16xf32>,
    %swap3A_1419 = vector.shape_cast %swap3A_1418 : vector<16xf32> to vector<16xf32>
    %swap3A_1420 = vector.shape_cast %add3A_1416 : vector<16xf32> to vector<16xf32>
    tpu.vector_store %arg7[%swap3A_1417], %swap3A_1420 {strides = array<i32>} : memref<512xf32, #tpu.memory_space<vmem>>, vector<16xf32>,
    %add3A_1421 = arith.addf %add3A_1403, %add3A_1416 : vector<16xf32>
    %get3A_1422 = arith.constant 464 : index
    %get3A_1423 = tpu.vector_load %arg8[%get3A_1422] {strides = array<i32>} : memref<512xf32, #tpu.memory_space<vmem>>, vector<16xf32>,
    %get3A_1424 = vector.shape_cast %get3A_1423 : vector<16xf32> to vector<16xf32>
    %mul3A_1425 = arith.constant 0.949999988 : f32
    %mul3A_1426 = vector.broadcast %mul3A_1425 : f32 to vector<16xf32>
    %mul3A_1427 = arith.mulf %get3A_1424, %mul3A_1426 : vector<16xf32>
    %get3A_1428 = arith.constant 464 : index
    %get3A_1429 = tpu.vector_load %arg7[%get3A_1428] {strides = array<i32>} : memref<512xf32, #tpu.memory_space<vmem>>, vector<16xf32>,
    %get3A_1430 = vector.shape_cast %get3A_1429 : vector<16xf32> to vector<16xf32>
    %mul3A_1431 = arith.constant 3.05175786E-6 : f32
    %mul3A_1432 = vector.broadcast %mul3A_1431 : f32 to vector<16xf32>
    %mul3A_1433 = arith.mulf %get3A_1430, %mul3A_1432 : vector<16xf32>
    %add3A_1434 = arith.addf %mul3A_1427, %mul3A_1433 : vector<16xf32>
    %swap3A_1435 = arith.constant 464 : index
    %swap3A_1436 = tpu.vector_load %arg7[%swap3A_1435] {strides = array<i32>} : memref<512xf32, #tpu.memory_space<vmem>>, vector<16xf32>,
    %swap3A_1437 = vector.shape_cast %swap3A_1436 : vector<16xf32> to vector<16xf32>
    %swap3A_1438 = vector.shape_cast %add3A_1434 : vector<16xf32> to vector<16xf32>
    tpu.vector_store %arg7[%swap3A_1435], %swap3A_1438 {strides = array<i32>} : memref<512xf32, #tpu.memory_space<vmem>>, vector<16xf32>,
    %add3A_1439 = arith.addf %add3A_1421, %add3A_1434 : vector<16xf32>
    %get3A_1440 = arith.constant 480 : index
    %get3A_1441 = tpu.vector_load %arg8[%get3A_1440] {strides = array<i32>} : memref<512xf32, #tpu.memory_space<vmem>>, vector<16xf32>,
    %get3A_1442 = vector.shape_cast %get3A_1441 : vector<16xf32> to vector<16xf32>
    %mul3A_1443 = arith.constant 0.949999988 : f32
    %mul3A_1444 = vector.broadcast %mul3A_1443 : f32 to vector<16xf32>
    %mul3A_1445 = arith.mulf %get3A_1442, %mul3A_1444 : vector<16xf32>
    %get3A_1446 = arith.constant 480 : index
    %get3A_1447 = tpu.vector_load %arg7[%get3A_1446] {strides = array<i32>} : memref<512xf32, #tpu.memory_space<vmem>>, vector<16xf32>,
    %get3A_1448 = vector.shape_cast %get3A_1447 : vector<16xf32> to vector<16xf32>
    %mul3A_1449 = arith.constant 3.05175786E-6 : f32
    %mul3A_1450 = vector.broadcast %mul3A_1449 : f32 to vector<16xf32>
    %mul3A_1451 = arith.mulf %get3A_1448, %mul3A_1450 : vector<16xf32>
    %add3A_1452 = arith.addf %mul3A_1445, %mul3A_1451 : vector<16xf32>
    %swap3A_1453 = arith.constant 480 : index
    %swap3A_1454 = tpu.vector_load %arg7[%swap3A_1453] {strides = array<i32>} : memref<512xf32, #tpu.memory_space<vmem>>, vector<16xf32>,
    %swap3A_1455 = vector.shape_cast %swap3A_1454 : vector<16xf32> to vector<16xf32>
    %swap3A_1456 = vector.shape_cast %add3A_1452 : vector<16xf32> to vector<16xf32>
    tpu.vector_store %arg7[%swap3A_1453], %swap3A_1456 {strides = array<i32>} : memref<512xf32, #tpu.memory_space<vmem>>, vector<16xf32>,
    %add3A_1457 = arith.addf %add3A_1439, %add3A_1452 : vector<16xf32>
    %get3A_1458 = arith.constant 496 : index
    %get3A_1459 = tpu.vector_load %arg8[%get3A_1458] {strides = array<i32>} : memref<512xf32, #tpu.memory_space<vmem>>, vector<16xf32>,
    %get3A_1460 = vector.shape_cast %get3A_1459 : vector<16xf32> to vector<16xf32>
    %mul3A_1461 = arith.constant 0.949999988 : f32
    %mul3A_1462 = vector.broadcast %mul3A_1461 : f32 to vector<16xf32>
    %mul3A_1463 = arith.mulf %get3A_1460, %mul3A_1462 : vector<16xf32>
    %get3A_1464 = arith.constant 496 : index
    %get3A_1465 = tpu.vector_load %arg7[%get3A_1464] {strides = array<i32>} : memref<512xf32, #tpu.memory_space<vmem>>, vector<16xf32>,
    %get3A_1466 = vector.shape_cast %get3A_1465 : vector<16xf32> to vector<16xf32>
    %mul3A_1467 = arith.constant 3.05175786E-6 : f32
    %mul3A_1468 = vector.broadcast %mul3A_1467 : f32 to vector<16xf32>
    %mul3A_1469 = arith.mulf %get3A_1466, %mul3A_1468 : vector<16xf32>
    %add3A_1470 = arith.addf %mul3A_1463, %mul3A_1469 : vector<16xf32>
    %swap3A_1471 = arith.constant 496 : index
    %swap3A_1472 = tpu.vector_load %arg7[%swap3A_1471] {strides = array<i32>} : memref<512xf32, #tpu.memory_space<vmem>>, vector<16xf32>,
    %swap3A_1473 = vector.shape_cast %swap3A_1472 : vector<16xf32> to vector<16xf32>
    %swap3A_1474 = vector.shape_cast %add3A_1470 : vector<16xf32> to vector<16xf32>
    tpu.vector_store %arg7[%swap3A_1471], %swap3A_1474 {strides = array<i32>} : memref<512xf32, #tpu.memory_space<vmem>>, vector<16xf32>,
    %add3A_1475 = arith.addf %add3A_1457, %add3A_1470 : vector<16xf32>
    %swap3A_1476 = arith.constant 0 : index
    %swap3A_1477 = tpu.vector_load %arg10[%swap3A_1476] {strides = array<i32>} : memref<32xf32, #tpu.memory_space<vmem>>, vector<16xf32>,
    %swap3A_1478 = vector.shape_cast %swap3A_1477 : vector<16xf32> to vector<16xf32>
    %swap3A_1479 = vector.shape_cast %add3A_1475 : vector<16xf32> to vector<16xf32>
    tpu.vector_store %arg10[%swap3A_1476], %swap3A_1479 {strides = array<i32>} : memref<32xf32, #tpu.memory_space<vmem>>, vector<16xf32>,
    %broadcast_in_dim3A_1480 = arith.constant 0.000000e+00 : f32
    %broadcast_in_dim3A_1481 = vector.broadcast %broadcast_in_dim3A_1480 : f32 to vector<16xf32>
    %get3A_1482 = arith.constant 0 : index
    %get3A_1483 = tpu.vector_load %arg7[%get3A_1482] {strides = array<i32>} : memref<512xf32, #tpu.memory_space<vmem>>, vector<16xf32>,
    %get3A_1484 = vector.shape_cast %get3A_1483 : vector<16xf32> to vector<16xf32>
    %add3A_1485 = arith.constant 2.000000e-38 : f32
    %add3A_1486 = vector.broadcast %add3A_1485 : f32 to vector<16xf32>
    %add3A_1487 = arith.addf %get3A_1484, %add3A_1486 : vector<16xf32>
    %bitcast_convert_type3A = tpu.bitcast %add3A_1487 : vector<16xf32> -> vector<16xi32>
    %shift_right_logical3A = arith.constant 23 : i32
    %shift_right_logical3A_1488 = vector.broadcast %shift_right_logical3A : i32 to vector<16xi32>
    %shift_right_logical3A_1489 = arith.shrui %bitcast_convert_type3A, %shift_right_logical3A_1488 : vector<16xi32>
    %sub3A = arith.constant 127 : i32
    %sub3A_1490 = vector.broadcast %sub3A : i32 to vector<16xi32>
    %sub3A_1491 = arith.subi %shift_right_logical3A_1489, %sub3A_1490 : vector<16xi32>
    %and3A = arith.constant 8388607 : i32
    %and3A_1492 = vector.broadcast %and3A : i32 to vector<16xi32>
    %and3A_1493 = arith.andi %bitcast_convert_type3A, %and3A_1492 : vector<16xi32>
    %or3A = arith.constant 1065353216 : i32
    %or3A_1494 = vector.broadcast %or3A : i32 to vector<16xi32>
    %or3A_1495 = arith.ori %and3A_1493, %or3A_1494 : vector<16xi32>
    %bitcast_convert_type3A_1496 = tpu.bitcast %or3A_1495 : vector<16xi32> -> vector<16xf32>
    %ge3A = arith.constant 1.41421354 : f32
    %ge3A_1497 = vector.broadcast %ge3A : f32 to vector<16xf32>
    %ge3A_1498 = arith.cmpf oge, %bitcast_convert_type3A_1496, %ge3A_1497 : vector<16xf32>
    %add3A_1499 = arith.constant 1 : i32
    %add3A_1500 = vector.broadcast %add3A_1499 : i32 to vector<16xi32>
    %add3A_1501 = arith.addi %sub3A_1491, %add3A_1500 : vector<16xi32>
    %select_n3A = arith.select %ge3A_1498, %add3A_1501, %sub3A_1491 : vector<16xi1>, vector<16xi32>
    %mul3A_1502 = arith.constant 5.000000e-01 : f32
    %mul3A_1503 = vector.broadcast %mul3A_1502 : f32 to vector<16xf32>
    %mul3A_1504 = arith.mulf %bitcast_convert_type3A_1496, %mul3A_1503 : vector<16xf32>
    %select_n3A_1505 = arith.select %ge3A_1498, %mul3A_1504, %bitcast_convert_type3A_1496 : vector<16xi1>, vector<16xf32>
    %sub3A_1506 = arith.constant 1.000000e+00 : f32
    %sub3A_1507 = vector.broadcast %sub3A_1506 : f32 to vector<16xf32>
    %sub3A_1508 = arith.subf %select_n3A_1505, %sub3A_1507 : vector<16xf32>
    %add3A_1509 = arith.constant 1.000000e+00 : f32
    %add3A_1510 = vector.broadcast %add3A_1509 : f32 to vector<16xf32>
    %add3A_1511 = arith.addf %select_n3A_1505, %add3A_1510 : vector<16xf32>
    %div3A = arith.divf %sub3A_1508, %add3A_1511 : vector<16xf32>
    %mul3A_1512 = arith.mulf %div3A, %div3A : vector<16xf32>
    %mul3A_1513 = arith.constant 0.285714298 : f32
    %mul3A_1514 = vector.broadcast %mul3A_1513 : f32 to vector<16xf32>
    %mul3A_1515 = arith.mulf %mul3A_1512, %mul3A_1514 : vector<16xf32>
    %add3A_1516 = arith.constant 4.000000e-01 : f32
    %add3A_1517 = vector.broadcast %add3A_1516 : f32 to vector<16xf32>
    %add3A_1518 = arith.addf %add3A_1517, %mul3A_1515 : vector<16xf32>
    %mul3A_1519 = arith.mulf %mul3A_1512, %add3A_1518 : vector<16xf32>
    %add3A_1520 = arith.constant 0.666666686 : f32
    %add3A_1521 = vector.broadcast %add3A_1520 : f32 to vector<16xf32>
    %add3A_1522 = arith.addf %add3A_1521, %mul3A_1519 : vector<16xf32>
    %mul3A_1523 = arith.mulf %mul3A_1512, %add3A_1522 : vector<16xf32>
    %add3A_1524 = arith.constant 2.000000e+00 : f32
    %add3A_1525 = vector.broadcast %add3A_1524 : f32 to vector<16xf32>
    %add3A_1526 = arith.addf %add3A_1525, %mul3A_1523 : vector<16xf32>
    %mul3A_1527 = arith.mulf %div3A, %add3A_1526 : vector<16xf32>
    %convert_element_type3A_1528 = arith.sitofp %select_n3A : vector<16xi32> to vector<16xf32>
    %mul3A_1529 = arith.constant 0.693147182 : f32
    %mul3A_1530 = vector.broadcast %mul3A_1529 : f32 to vector<16xf32>
    %mul3A_1531 = arith.mulf %convert_element_type3A_1528, %mul3A_1530 : vector<16xf32>
    %add3A_1532 = arith.addf %mul3A_1527, %mul3A_1531 : vector<16xf32>
    %mul3A_1533 = arith.mulf %get3A_1484, %add3A_1532 : vector<16xf32>
    %add3A_1534 = arith.addf %broadcast_in_dim3A_1481, %mul3A_1533 : vector<16xf32>
    %get3A_1535 = arith.constant 16 : index
    %get3A_1536 = tpu.vector_load %arg7[%get3A_1535] {strides = array<i32>} : memref<512xf32, #tpu.memory_space<vmem>>, vector<16xf32>,
    %get3A_1537 = vector.shape_cast %get3A_1536 : vector<16xf32> to vector<16xf32>
    %add3A_1538 = arith.constant 2.000000e-38 : f32
    %add3A_1539 = vector.broadcast %add3A_1538 : f32 to vector<16xf32>
    %add3A_1540 = arith.addf %get3A_1537, %add3A_1539 : vector<16xf32>
    %bitcast_convert_type3A_1541 = tpu.bitcast %add3A_1540 : vector<16xf32> -> vector<16xi32>
    %shift_right_logical3A_1542 = arith.constant 23 : i32
    %shift_right_logical3A_1543 = vector.broadcast %shift_right_logical3A_1542 : i32 to vector<16xi32>
    %shift_right_logical3A_1544 = arith.shrui %bitcast_convert_type3A_1541, %shift_right_logical3A_1543 : vector<16xi32>
    %sub3A_1545 = arith.constant 127 : i32
    %sub3A_1546 = vector.broadcast %sub3A_1545 : i32 to vector<16xi32>
    %sub3A_1547 = arith.subi %shift_right_logical3A_1544, %sub3A_1546 : vector<16xi32>
    %and3A_1548 = arith.constant 8388607 : i32
    %and3A_1549 = vector.broadcast %and3A_1548 : i32 to vector<16xi32>
    %and3A_1550 = arith.andi %bitcast_convert_type3A_1541, %and3A_1549 : vector<16xi32>
    %or3A_1551 = arith.constant 1065353216 : i32
    %or3A_1552 = vector.broadcast %or3A_1551 : i32 to vector<16xi32>
    %or3A_1553 = arith.ori %and3A_1550, %or3A_1552 : vector<16xi32>
    %bitcast_convert_type3A_1554 = tpu.bitcast %or3A_1553 : vector<16xi32> -> vector<16xf32>
    %ge3A_1555 = arith.constant 1.41421354 : f32
    %ge3A_1556 = vector.broadcast %ge3A_1555 : f32 to vector<16xf32>
    %ge3A_1557 = arith.cmpf oge, %bitcast_convert_type3A_1554, %ge3A_1556 : vector<16xf32>
    %add3A_1558 = arith.constant 1 : i32
    %add3A_1559 = vector.broadcast %add3A_1558 : i32 to vector<16xi32>
    %add3A_1560 = arith.addi %sub3A_1547, %add3A_1559 : vector<16xi32>
    %select_n3A_1561 = arith.select %ge3A_1557, %add3A_1560, %sub3A_1547 : vector<16xi1>, vector<16xi32>
    %mul3A_1562 = arith.constant 5.000000e-01 : f32
    %mul3A_1563 = vector.broadcast %mul3A_1562 : f32 to vector<16xf32>
    %mul3A_1564 = arith.mulf %bitcast_convert_type3A_1554, %mul3A_1563 : vector<16xf32>
    %select_n3A_1565 = arith.select %ge3A_1557, %mul3A_1564, %bitcast_convert_type3A_1554 : vector<16xi1>, vector<16xf32>
    %sub3A_1566 = arith.constant 1.000000e+00 : f32
    %sub3A_1567 = vector.broadcast %sub3A_1566 : f32 to vector<16xf32>
    %sub3A_1568 = arith.subf %select_n3A_1565, %sub3A_1567 : vector<16xf32>
    %add3A_1569 = arith.constant 1.000000e+00 : f32
    %add3A_1570 = vector.broadcast %add3A_1569 : f32 to vector<16xf32>
    %add3A_1571 = arith.addf %select_n3A_1565, %add3A_1570 : vector<16xf32>
    %div3A_1572 = arith.divf %sub3A_1568, %add3A_1571 : vector<16xf32>
    %mul3A_1573 = arith.mulf %div3A_1572, %div3A_1572 : vector<16xf32>
    %mul3A_1574 = arith.constant 0.285714298 : f32
    %mul3A_1575 = vector.broadcast %mul3A_1574 : f32 to vector<16xf32>
    %mul3A_1576 = arith.mulf %mul3A_1573, %mul3A_1575 : vector<16xf32>
    %add3A_1577 = arith.constant 4.000000e-01 : f32
    %add3A_1578 = vector.broadcast %add3A_1577 : f32 to vector<16xf32>
    %add3A_1579 = arith.addf %add3A_1578, %mul3A_1576 : vector<16xf32>
    %mul3A_1580 = arith.mulf %mul3A_1573, %add3A_1579 : vector<16xf32>
    %add3A_1581 = arith.constant 0.666666686 : f32
    %add3A_1582 = vector.broadcast %add3A_1581 : f32 to vector<16xf32>
    %add3A_1583 = arith.addf %add3A_1582, %mul3A_1580 : vector<16xf32>
    %mul3A_1584 = arith.mulf %mul3A_1573, %add3A_1583 : vector<16xf32>
    %add3A_1585 = arith.constant 2.000000e+00 : f32
    %add3A_1586 = vector.broadcast %add3A_1585 : f32 to vector<16xf32>
    %add3A_1587 = arith.addf %add3A_1586, %mul3A_1584 : vector<16xf32>
    %mul3A_1588 = arith.mulf %div3A_1572, %add3A_1587 : vector<16xf32>
    %convert_element_type3A_1589 = arith.sitofp %select_n3A_1561 : vector<16xi32> to vector<16xf32>
    %mul3A_1590 = arith.constant 0.693147182 : f32
    %mul3A_1591 = vector.broadcast %mul3A_1590 : f32 to vector<16xf32>
    %mul3A_1592 = arith.mulf %convert_element_type3A_1589, %mul3A_1591 : vector<16xf32>
    %add3A_1593 = arith.addf %mul3A_1588, %mul3A_1592 : vector<16xf32>
    %mul3A_1594 = arith.mulf %get3A_1537, %add3A_1593 : vector<16xf32>
    %add3A_1595 = arith.addf %add3A_1534, %mul3A_1594 : vector<16xf32>
    %get3A_1596 = arith.constant 32 : index
    %get3A_1597 = tpu.vector_load %arg7[%get3A_1596] {strides = array<i32>} : memref<512xf32, #tpu.memory_space<vmem>>, vector<16xf32>,
    %get3A_1598 = vector.shape_cast %get3A_1597 : vector<16xf32> to vector<16xf32>
    %add3A_1599 = arith.constant 2.000000e-38 : f32
    %add3A_1600 = vector.broadcast %add3A_1599 : f32 to vector<16xf32>
    %add3A_1601 = arith.addf %get3A_1598, %add3A_1600 : vector<16xf32>
    %bitcast_convert_type3A_1602 = tpu.bitcast %add3A_1601 : vector<16xf32> -> vector<16xi32>
    %shift_right_logical3A_1603 = arith.constant 23 : i32
    %shift_right_logical3A_1604 = vector.broadcast %shift_right_logical3A_1603 : i32 to vector<16xi32>
    %shift_right_logical3A_1605 = arith.shrui %bitcast_convert_type3A_1602, %shift_right_logical3A_1604 : vector<16xi32>
    %sub3A_1606 = arith.constant 127 : i32
    %sub3A_1607 = vector.broadcast %sub3A_1606 : i32 to vector<16xi32>
    %sub3A_1608 = arith.subi %shift_right_logical3A_1605, %sub3A_1607 : vector<16xi32>
    %and3A_1609 = arith.constant 8388607 : i32
    %and3A_1610 = vector.broadcast %and3A_1609 : i32 to vector<16xi32>
    %and3A_1611 = arith.andi %bitcast_convert_type3A_1602, %and3A_1610 : vector<16xi32>
    %or3A_1612 = arith.constant 1065353216 : i32
    %or3A_1613 = vector.broadcast %or3A_1612 : i32 to vector<16xi32>
    %or3A_1614 = arith.ori %and3A_1611, %or3A_1613 : vector<16xi32>
    %bitcast_convert_type3A_1615 = tpu.bitcast %or3A_1614 : vector<16xi32> -> vector<16xf32>
    %ge3A_1616 = arith.constant 1.41421354 : f32
    %ge3A_1617 = vector.broadcast %ge3A_1616 : f32 to vector<16xf32>
    %ge3A_1618 = arith.cmpf oge, %bitcast_convert_type3A_1615, %ge3A_1617 : vector<16xf32>
    %add3A_1619 = arith.constant 1 : i32
    %add3A_1620 = vector.broadcast %add3A_1619 : i32 to vector<16xi32>
    %add3A_1621 = arith.addi %sub3A_1608, %add3A_1620 : vector<16xi32>
    %select_n3A_1622 = arith.select %ge3A_1618, %add3A_1621, %sub3A_1608 : vector<16xi1>, vector<16xi32>
    %mul3A_1623 = arith.constant 5.000000e-01 : f32
    %mul3A_1624 = vector.broadcast %mul3A_1623 : f32 to vector<16xf32>
    %mul3A_1625 = arith.mulf %bitcast_convert_type3A_1615, %mul3A_1624 : vector<16xf32>
    %select_n3A_1626 = arith.select %ge3A_1618, %mul3A_1625, %bitcast_convert_type3A_1615 : vector<16xi1>, vector<16xf32>
    %sub3A_1627 = arith.constant 1.000000e+00 : f32
    %sub3A_1628 = vector.broadcast %sub3A_1627 : f32 to vector<16xf32>
    %sub3A_1629 = arith.subf %select_n3A_1626, %sub3A_1628 : vector<16xf32>
    %add3A_1630 = arith.constant 1.000000e+00 : f32
    %add3A_1631 = vector.broadcast %add3A_1630 : f32 to vector<16xf32>
    %add3A_1632 = arith.addf %select_n3A_1626, %add3A_1631 : vector<16xf32>
    %div3A_1633 = arith.divf %sub3A_1629, %add3A_1632 : vector<16xf32>
    %mul3A_1634 = arith.mulf %div3A_1633, %div3A_1633 : vector<16xf32>
    %mul3A_1635 = arith.constant 0.285714298 : f32
    %mul3A_1636 = vector.broadcast %mul3A_1635 : f32 to vector<16xf32>
    %mul3A_1637 = arith.mulf %mul3A_1634, %mul3A_1636 : vector<16xf32>
    %add3A_1638 = arith.constant 4.000000e-01 : f32
    %add3A_1639 = vector.broadcast %add3A_1638 : f32 to vector<16xf32>
    %add3A_1640 = arith.addf %add3A_1639, %mul3A_1637 : vector<16xf32>
    %mul3A_1641 = arith.mulf %mul3A_1634, %add3A_1640 : vector<16xf32>
    %add3A_1642 = arith.constant 0.666666686 : f32
    %add3A_1643 = vector.broadcast %add3A_1642 : f32 to vector<16xf32>
    %add3A_1644 = arith.addf %add3A_1643, %mul3A_1641 : vector<16xf32>
    %mul3A_1645 = arith.mulf %mul3A_1634, %add3A_1644 : vector<16xf32>
    %add3A_1646 = arith.constant 2.000000e+00 : f32
    %add3A_1647 = vector.broadcast %add3A_1646 : f32 to vector<16xf32>
    %add3A_1648 = arith.addf %add3A_1647, %mul3A_1645 : vector<16xf32>
    %mul3A_1649 = arith.mulf %div3A_1633, %add3A_1648 : vector<16xf32>
    %convert_element_type3A_1650 = arith.sitofp %select_n3A_1622 : vector<16xi32> to vector<16xf32>
    %mul3A_1651 = arith.constant 0.693147182 : f32
    %mul3A_1652 = vector.broadcast %mul3A_1651 : f32 to vector<16xf32>
    %mul3A_1653 = arith.mulf %convert_element_type3A_1650, %mul3A_1652 : vector<16xf32>
    %add3A_1654 = arith.addf %mul3A_1649, %mul3A_1653 : vector<16xf32>
    %mul3A_1655 = arith.mulf %get3A_1598, %add3A_1654 : vector<16xf32>
    %add3A_1656 = arith.addf %add3A_1595, %mul3A_1655 : vector<16xf32>
    %get3A_1657 = arith.constant 48 : index
    %get3A_1658 = tpu.vector_load %arg7[%get3A_1657] {strides = array<i32>} : memref<512xf32, #tpu.memory_space<vmem>>, vector<16xf32>,
    %get3A_1659 = vector.shape_cast %get3A_1658 : vector<16xf32> to vector<16xf32>
    %add3A_1660 = arith.constant 2.000000e-38 : f32
    %add3A_1661 = vector.broadcast %add3A_1660 : f32 to vector<16xf32>
    %add3A_1662 = arith.addf %get3A_1659, %add3A_1661 : vector<16xf32>
    %bitcast_convert_type3A_1663 = tpu.bitcast %add3A_1662 : vector<16xf32> -> vector<16xi32>
    %shift_right_logical3A_1664 = arith.constant 23 : i32
    %shift_right_logical3A_1665 = vector.broadcast %shift_right_logical3A_1664 : i32 to vector<16xi32>
    %shift_right_logical3A_1666 = arith.shrui %bitcast_convert_type3A_1663, %shift_right_logical3A_1665 : vector<16xi32>
    %sub3A_1667 = arith.constant 127 : i32
    %sub3A_1668 = vector.broadcast %sub3A_1667 : i32 to vector<16xi32>
    %sub3A_1669 = arith.subi %shift_right_logical3A_1666, %sub3A_1668 : vector<16xi32>
    %and3A_1670 = arith.constant 8388607 : i32
    %and3A_1671 = vector.broadcast %and3A_1670 : i32 to vector<16xi32>
    %and3A_1672 = arith.andi %bitcast_convert_type3A_1663, %and3A_1671 : vector<16xi32>
    %or3A_1673 = arith.constant 1065353216 : i32
    %or3A_1674 = vector.broadcast %or3A_1673 : i32 to vector<16xi32>
    %or3A_1675 = arith.ori %and3A_1672, %or3A_1674 : vector<16xi32>
    %bitcast_convert_type3A_1676 = tpu.bitcast %or3A_1675 : vector<16xi32> -> vector<16xf32>
    %ge3A_1677 = arith.constant 1.41421354 : f32
    %ge3A_1678 = vector.broadcast %ge3A_1677 : f32 to vector<16xf32>
    %ge3A_1679 = arith.cmpf oge, %bitcast_convert_type3A_1676, %ge3A_1678 : vector<16xf32>
    %add3A_1680 = arith.constant 1 : i32
    %add3A_1681 = vector.broadcast %add3A_1680 : i32 to vector<16xi32>
    %add3A_1682 = arith.addi %sub3A_1669, %add3A_1681 : vector<16xi32>
    %select_n3A_1683 = arith.select %ge3A_1679, %add3A_1682, %sub3A_1669 : vector<16xi1>, vector<16xi32>
    %mul3A_1684 = arith.constant 5.000000e-01 : f32
    %mul3A_1685 = vector.broadcast %mul3A_1684 : f32 to vector<16xf32>
    %mul3A_1686 = arith.mulf %bitcast_convert_type3A_1676, %mul3A_1685 : vector<16xf32>
    %select_n3A_1687 = arith.select %ge3A_1679, %mul3A_1686, %bitcast_convert_type3A_1676 : vector<16xi1>, vector<16xf32>
    %sub3A_1688 = arith.constant 1.000000e+00 : f32
    %sub3A_1689 = vector.broadcast %sub3A_1688 : f32 to vector<16xf32>
    %sub3A_1690 = arith.subf %select_n3A_1687, %sub3A_1689 : vector<16xf32>
    %add3A_1691 = arith.constant 1.000000e+00 : f32
    %add3A_1692 = vector.broadcast %add3A_1691 : f32 to vector<16xf32>
    %add3A_1693 = arith.addf %select_n3A_1687, %add3A_1692 : vector<16xf32>
    %div3A_1694 = arith.divf %sub3A_1690, %add3A_1693 : vector<16xf32>
    %mul3A_1695 = arith.mulf %div3A_1694, %div3A_1694 : vector<16xf32>
    %mul3A_1696 = arith.constant 0.285714298 : f32
    %mul3A_1697 = vector.broadcast %mul3A_1696 : f32 to vector<16xf32>
    %mul3A_1698 = arith.mulf %mul3A_1695, %mul3A_1697 : vector<16xf32>
    %add3A_1699 = arith.constant 4.000000e-01 : f32
    %add3A_1700 = vector.broadcast %add3A_1699 : f32 to vector<16xf32>
    %add3A_1701 = arith.addf %add3A_1700, %mul3A_1698 : vector<16xf32>
    %mul3A_1702 = arith.mulf %mul3A_1695, %add3A_1701 : vector<16xf32>
    %add3A_1703 = arith.constant 0.666666686 : f32
    %add3A_1704 = vector.broadcast %add3A_1703 : f32 to vector<16xf32>
    %add3A_1705 = arith.addf %add3A_1704, %mul3A_1702 : vector<16xf32>
    %mul3A_1706 = arith.mulf %mul3A_1695, %add3A_1705 : vector<16xf32>
    %add3A_1707 = arith.constant 2.000000e+00 : f32
    %add3A_1708 = vector.broadcast %add3A_1707 : f32 to vector<16xf32>
    %add3A_1709 = arith.addf %add3A_1708, %mul3A_1706 : vector<16xf32>
    %mul3A_1710 = arith.mulf %div3A_1694, %add3A_1709 : vector<16xf32>
    %convert_element_type3A_1711 = arith.sitofp %select_n3A_1683 : vector<16xi32> to vector<16xf32>
    %mul3A_1712 = arith.constant 0.693147182 : f32
    %mul3A_1713 = vector.broadcast %mul3A_1712 : f32 to vector<16xf32>
    %mul3A_1714 = arith.mulf %convert_element_type3A_1711, %mul3A_1713 : vector<16xf32>
    %add3A_1715 = arith.addf %mul3A_1710, %mul3A_1714 : vector<16xf32>
    %mul3A_1716 = arith.mulf %get3A_1659, %add3A_1715 : vector<16xf32>
    %add3A_1717 = arith.addf %add3A_1656, %mul3A_1716 : vector<16xf32>
    %get3A_1718 = arith.constant 64 : index
    %get3A_1719 = tpu.vector_load %arg7[%get3A_1718] {strides = array<i32>} : memref<512xf32, #tpu.memory_space<vmem>>, vector<16xf32>,
    %get3A_1720 = vector.shape_cast %get3A_1719 : vector<16xf32> to vector<16xf32>
    %add3A_1721 = arith.constant 2.000000e-38 : f32
    %add3A_1722 = vector.broadcast %add3A_1721 : f32 to vector<16xf32>
    %add3A_1723 = arith.addf %get3A_1720, %add3A_1722 : vector<16xf32>
    %bitcast_convert_type3A_1724 = tpu.bitcast %add3A_1723 : vector<16xf32> -> vector<16xi32>
    %shift_right_logical3A_1725 = arith.constant 23 : i32
    %shift_right_logical3A_1726 = vector.broadcast %shift_right_logical3A_1725 : i32 to vector<16xi32>
    %shift_right_logical3A_1727 = arith.shrui %bitcast_convert_type3A_1724, %shift_right_logical3A_1726 : vector<16xi32>
    %sub3A_1728 = arith.constant 127 : i32
    %sub3A_1729 = vector.broadcast %sub3A_1728 : i32 to vector<16xi32>
    %sub3A_1730 = arith.subi %shift_right_logical3A_1727, %sub3A_1729 : vector<16xi32>
    %and3A_1731 = arith.constant 8388607 : i32
    %and3A_1732 = vector.broadcast %and3A_1731 : i32 to vector<16xi32>
    %and3A_1733 = arith.andi %bitcast_convert_type3A_1724, %and3A_1732 : vector<16xi32>
    %or3A_1734 = arith.constant 1065353216 : i32
    %or3A_1735 = vector.broadcast %or3A_1734 : i32 to vector<16xi32>
    %or3A_1736 = arith.ori %and3A_1733, %or3A_1735 : vector<16xi32>
    %bitcast_convert_type3A_1737 = tpu.bitcast %or3A_1736 : vector<16xi32> -> vector<16xf32>
    %ge3A_1738 = arith.constant 1.41421354 : f32
    %ge3A_1739 = vector.broadcast %ge3A_1738 : f32 to vector<16xf32>
    %ge3A_1740 = arith.cmpf oge, %bitcast_convert_type3A_1737, %ge3A_1739 : vector<16xf32>
    %add3A_1741 = arith.constant 1 : i32
    %add3A_1742 = vector.broadcast %add3A_1741 : i32 to vector<16xi32>
    %add3A_1743 = arith.addi %sub3A_1730, %add3A_1742 : vector<16xi32>
    %select_n3A_1744 = arith.select %ge3A_1740, %add3A_1743, %sub3A_1730 : vector<16xi1>, vector<16xi32>
    %mul3A_1745 = arith.constant 5.000000e-01 : f32
    %mul3A_1746 = vector.broadcast %mul3A_1745 : f32 to vector<16xf32>
    %mul3A_1747 = arith.mulf %bitcast_convert_type3A_1737, %mul3A_1746 : vector<16xf32>
    %select_n3A_1748 = arith.select %ge3A_1740, %mul3A_1747, %bitcast_convert_type3A_1737 : vector<16xi1>, vector<16xf32>
    %sub3A_1749 = arith.constant 1.000000e+00 : f32
    %sub3A_1750 = vector.broadcast %sub3A_1749 : f32 to vector<16xf32>
    %sub3A_1751 = arith.subf %select_n3A_1748, %sub3A_1750 : vector<16xf32>
    %add3A_1752 = arith.constant 1.000000e+00 : f32
    %add3A_1753 = vector.broadcast %add3A_1752 : f32 to vector<16xf32>
    %add3A_1754 = arith.addf %select_n3A_1748, %add3A_1753 : vector<16xf32>
    %div3A_1755 = arith.divf %sub3A_1751, %add3A_1754 : vector<16xf32>
    %mul3A_1756 = arith.mulf %div3A_1755, %div3A_1755 : vector<16xf32>
    %mul3A_1757 = arith.constant 0.285714298 : f32
    %mul3A_1758 = vector.broadcast %mul3A_1757 : f32 to vector<16xf32>
    %mul3A_1759 = arith.mulf %mul3A_1756, %mul3A_1758 : vector<16xf32>
    %add3A_1760 = arith.constant 4.000000e-01 : f32
    %add3A_1761 = vector.broadcast %add3A_1760 : f32 to vector<16xf32>
    %add3A_1762 = arith.addf %add3A_1761, %mul3A_1759 : vector<16xf32>
    %mul3A_1763 = arith.mulf %mul3A_1756, %add3A_1762 : vector<16xf32>
    %add3A_1764 = arith.constant 0.666666686 : f32
    %add3A_1765 = vector.broadcast %add3A_1764 : f32 to vector<16xf32>
    %add3A_1766 = arith.addf %add3A_1765, %mul3A_1763 : vector<16xf32>
    %mul3A_1767 = arith.mulf %mul3A_1756, %add3A_1766 : vector<16xf32>
    %add3A_1768 = arith.constant 2.000000e+00 : f32
    %add3A_1769 = vector.broadcast %add3A_1768 : f32 to vector<16xf32>
    %add3A_1770 = arith.addf %add3A_1769, %mul3A_1767 : vector<16xf32>
    %mul3A_1771 = arith.mulf %div3A_1755, %add3A_1770 : vector<16xf32>
    %convert_element_type3A_1772 = arith.sitofp %select_n3A_1744 : vector<16xi32> to vector<16xf32>
    %mul3A_1773 = arith.constant 0.693147182 : f32
    %mul3A_1774 = vector.broadcast %mul3A_1773 : f32 to vector<16xf32>
    %mul3A_1775 = arith.mulf %convert_element_type3A_1772, %mul3A_1774 : vector<16xf32>
    %add3A_1776 = arith.addf %mul3A_1771, %mul3A_1775 : vector<16xf32>
    %mul3A_1777 = arith.mulf %get3A_1720, %add3A_1776 : vector<16xf32>
    %add3A_1778 = arith.addf %add3A_1717, %mul3A_1777 : vector<16xf32>
    %get3A_1779 = arith.constant 80 : index
    %get3A_1780 = tpu.vector_load %arg7[%get3A_1779] {strides = array<i32>} : memref<512xf32, #tpu.memory_space<vmem>>, vector<16xf32>,
    %get3A_1781 = vector.shape_cast %get3A_1780 : vector<16xf32> to vector<16xf32>
    %add3A_1782 = arith.constant 2.000000e-38 : f32
    %add3A_1783 = vector.broadcast %add3A_1782 : f32 to vector<16xf32>
    %add3A_1784 = arith.addf %get3A_1781, %add3A_1783 : vector<16xf32>
    %bitcast_convert_type3A_1785 = tpu.bitcast %add3A_1784 : vector<16xf32> -> vector<16xi32>
    %shift_right_logical3A_1786 = arith.constant 23 : i32
    %shift_right_logical3A_1787 = vector.broadcast %shift_right_logical3A_1786 : i32 to vector<16xi32>
    %shift_right_logical3A_1788 = arith.shrui %bitcast_convert_type3A_1785, %shift_right_logical3A_1787 : vector<16xi32>
    %sub3A_1789 = arith.constant 127 : i32
    %sub3A_1790 = vector.broadcast %sub3A_1789 : i32 to vector<16xi32>
    %sub3A_1791 = arith.subi %shift_right_logical3A_1788, %sub3A_1790 : vector<16xi32>
    %and3A_1792 = arith.constant 8388607 : i32
    %and3A_1793 = vector.broadcast %and3A_1792 : i32 to vector<16xi32>
    %and3A_1794 = arith.andi %bitcast_convert_type3A_1785, %and3A_1793 : vector<16xi32>
    %or3A_1795 = arith.constant 1065353216 : i32
    %or3A_1796 = vector.broadcast %or3A_1795 : i32 to vector<16xi32>
    %or3A_1797 = arith.ori %and3A_1794, %or3A_1796 : vector<16xi32>
    %bitcast_convert_type3A_1798 = tpu.bitcast %or3A_1797 : vector<16xi32> -> vector<16xf32>
    %ge3A_1799 = arith.constant 1.41421354 : f32
    %ge3A_1800 = vector.broadcast %ge3A_1799 : f32 to vector<16xf32>
    %ge3A_1801 = arith.cmpf oge, %bitcast_convert_type3A_1798, %ge3A_1800 : vector<16xf32>
    %add3A_1802 = arith.constant 1 : i32
    %add3A_1803 = vector.broadcast %add3A_1802 : i32 to vector<16xi32>
    %add3A_1804 = arith.addi %sub3A_1791, %add3A_1803 : vector<16xi32>
    %select_n3A_1805 = arith.select %ge3A_1801, %add3A_1804, %sub3A_1791 : vector<16xi1>, vector<16xi32>
    %mul3A_1806 = arith.constant 5.000000e-01 : f32
    %mul3A_1807 = vector.broadcast %mul3A_1806 : f32 to vector<16xf32>
    %mul3A_1808 = arith.mulf %bitcast_convert_type3A_1798, %mul3A_1807 : vector<16xf32>
    %select_n3A_1809 = arith.select %ge3A_1801, %mul3A_1808, %bitcast_convert_type3A_1798 : vector<16xi1>, vector<16xf32>
    %sub3A_1810 = arith.constant 1.000000e+00 : f32
    %sub3A_1811 = vector.broadcast %sub3A_1810 : f32 to vector<16xf32>
    %sub3A_1812 = arith.subf %select_n3A_1809, %sub3A_1811 : vector<16xf32>
    %add3A_1813 = arith.constant 1.000000e+00 : f32
    %add3A_1814 = vector.broadcast %add3A_1813 : f32 to vector<16xf32>
    %add3A_1815 = arith.addf %select_n3A_1809, %add3A_1814 : vector<16xf32>
    %div3A_1816 = arith.divf %sub3A_1812, %add3A_1815 : vector<16xf32>
    %mul3A_1817 = arith.mulf %div3A_1816, %div3A_1816 : vector<16xf32>
    %mul3A_1818 = arith.constant 0.285714298 : f32
    %mul3A_1819 = vector.broadcast %mul3A_1818 : f32 to vector<16xf32>
    %mul3A_1820 = arith.mulf %mul3A_1817, %mul3A_1819 : vector<16xf32>
    %add3A_1821 = arith.constant 4.000000e-01 : f32
    %add3A_1822 = vector.broadcast %add3A_1821 : f32 to vector<16xf32>
    %add3A_1823 = arith.addf %add3A_1822, %mul3A_1820 : vector<16xf32>
    %mul3A_1824 = arith.mulf %mul3A_1817, %add3A_1823 : vector<16xf32>
    %add3A_1825 = arith.constant 0.666666686 : f32
    %add3A_1826 = vector.broadcast %add3A_1825 : f32 to vector<16xf32>
    %add3A_1827 = arith.addf %add3A_1826, %mul3A_1824 : vector<16xf32>
    %mul3A_1828 = arith.mulf %mul3A_1817, %add3A_1827 : vector<16xf32>
    %add3A_1829 = arith.constant 2.000000e+00 : f32
    %add3A_1830 = vector.broadcast %add3A_1829 : f32 to vector<16xf32>
    %add3A_1831 = arith.addf %add3A_1830, %mul3A_1828 : vector<16xf32>
    %mul3A_1832 = arith.mulf %div3A_1816, %add3A_1831 : vector<16xf32>
    %convert_element_type3A_1833 = arith.sitofp %select_n3A_1805 : vector<16xi32> to vector<16xf32>
    %mul3A_1834 = arith.constant 0.693147182 : f32
    %mul3A_1835 = vector.broadcast %mul3A_1834 : f32 to vector<16xf32>
    %mul3A_1836 = arith.mulf %convert_element_type3A_1833, %mul3A_1835 : vector<16xf32>
    %add3A_1837 = arith.addf %mul3A_1832, %mul3A_1836 : vector<16xf32>
    %mul3A_1838 = arith.mulf %get3A_1781, %add3A_1837 : vector<16xf32>
    %add3A_1839 = arith.addf %add3A_1778, %mul3A_1838 : vector<16xf32>
    %get3A_1840 = arith.constant 96 : index
    %get3A_1841 = tpu.vector_load %arg7[%get3A_1840] {strides = array<i32>} : memref<512xf32, #tpu.memory_space<vmem>>, vector<16xf32>,
    %get3A_1842 = vector.shape_cast %get3A_1841 : vector<16xf32> to vector<16xf32>
    %add3A_1843 = arith.constant 2.000000e-38 : f32
    %add3A_1844 = vector.broadcast %add3A_1843 : f32 to vector<16xf32>
    %add3A_1845 = arith.addf %get3A_1842, %add3A_1844 : vector<16xf32>
    %bitcast_convert_type3A_1846 = tpu.bitcast %add3A_1845 : vector<16xf32> -> vector<16xi32>
    %shift_right_logical3A_1847 = arith.constant 23 : i32
    %shift_right_logical3A_1848 = vector.broadcast %shift_right_logical3A_1847 : i32 to vector<16xi32>
    %shift_right_logical3A_1849 = arith.shrui %bitcast_convert_type3A_1846, %shift_right_logical3A_1848 : vector<16xi32>
    %sub3A_1850 = arith.constant 127 : i32
    %sub3A_1851 = vector.broadcast %sub3A_1850 : i32 to vector<16xi32>
    %sub3A_1852 = arith.subi %shift_right_logical3A_1849, %sub3A_1851 : vector<16xi32>
    %and3A_1853 = arith.constant 8388607 : i32
    %and3A_1854 = vector.broadcast %and3A_1853 : i32 to vector<16xi32>
    %and3A_1855 = arith.andi %bitcast_convert_type3A_1846, %and3A_1854 : vector<16xi32>
    %or3A_1856 = arith.constant 1065353216 : i32
    %or3A_1857 = vector.broadcast %or3A_1856 : i32 to vector<16xi32>
    %or3A_1858 = arith.ori %and3A_1855, %or3A_1857 : vector<16xi32>
    %bitcast_convert_type3A_1859 = tpu.bitcast %or3A_1858 : vector<16xi32> -> vector<16xf32>
    %ge3A_1860 = arith.constant 1.41421354 : f32
    %ge3A_1861 = vector.broadcast %ge3A_1860 : f32 to vector<16xf32>
    %ge3A_1862 = arith.cmpf oge, %bitcast_convert_type3A_1859, %ge3A_1861 : vector<16xf32>
    %add3A_1863 = arith.constant 1 : i32
    %add3A_1864 = vector.broadcast %add3A_1863 : i32 to vector<16xi32>
    %add3A_1865 = arith.addi %sub3A_1852, %add3A_1864 : vector<16xi32>
    %select_n3A_1866 = arith.select %ge3A_1862, %add3A_1865, %sub3A_1852 : vector<16xi1>, vector<16xi32>
    %mul3A_1867 = arith.constant 5.000000e-01 : f32
    %mul3A_1868 = vector.broadcast %mul3A_1867 : f32 to vector<16xf32>
    %mul3A_1869 = arith.mulf %bitcast_convert_type3A_1859, %mul3A_1868 : vector<16xf32>
    %select_n3A_1870 = arith.select %ge3A_1862, %mul3A_1869, %bitcast_convert_type3A_1859 : vector<16xi1>, vector<16xf32>
    %sub3A_1871 = arith.constant 1.000000e+00 : f32
    %sub3A_1872 = vector.broadcast %sub3A_1871 : f32 to vector<16xf32>
    %sub3A_1873 = arith.subf %select_n3A_1870, %sub3A_1872 : vector<16xf32>
    %add3A_1874 = arith.constant 1.000000e+00 : f32
    %add3A_1875 = vector.broadcast %add3A_1874 : f32 to vector<16xf32>
    %add3A_1876 = arith.addf %select_n3A_1870, %add3A_1875 : vector<16xf32>
    %div3A_1877 = arith.divf %sub3A_1873, %add3A_1876 : vector<16xf32>
    %mul3A_1878 = arith.mulf %div3A_1877, %div3A_1877 : vector<16xf32>
    %mul3A_1879 = arith.constant 0.285714298 : f32
    %mul3A_1880 = vector.broadcast %mul3A_1879 : f32 to vector<16xf32>
    %mul3A_1881 = arith.mulf %mul3A_1878, %mul3A_1880 : vector<16xf32>
    %add3A_1882 = arith.constant 4.000000e-01 : f32
    %add3A_1883 = vector.broadcast %add3A_1882 : f32 to vector<16xf32>
    %add3A_1884 = arith.addf %add3A_1883, %mul3A_1881 : vector<16xf32>
    %mul3A_1885 = arith.mulf %mul3A_1878, %add3A_1884 : vector<16xf32>
    %add3A_1886 = arith.constant 0.666666686 : f32
    %add3A_1887 = vector.broadcast %add3A_1886 : f32 to vector<16xf32>
    %add3A_1888 = arith.addf %add3A_1887, %mul3A_1885 : vector<16xf32>
    %mul3A_1889 = arith.mulf %mul3A_1878, %add3A_1888 : vector<16xf32>
    %add3A_1890 = arith.constant 2.000000e+00 : f32
    %add3A_1891 = vector.broadcast %add3A_1890 : f32 to vector<16xf32>
    %add3A_1892 = arith.addf %add3A_1891, %mul3A_1889 : vector<16xf32>
    %mul3A_1893 = arith.mulf %div3A_1877, %add3A_1892 : vector<16xf32>
    %convert_element_type3A_1894 = arith.sitofp %select_n3A_1866 : vector<16xi32> to vector<16xf32>
    %mul3A_1895 = arith.constant 0.693147182 : f32
    %mul3A_1896 = vector.broadcast %mul3A_1895 : f32 to vector<16xf32>
    %mul3A_1897 = arith.mulf %convert_element_type3A_1894, %mul3A_1896 : vector<16xf32>
    %add3A_1898 = arith.addf %mul3A_1893, %mul3A_1897 : vector<16xf32>
    %mul3A_1899 = arith.mulf %get3A_1842, %add3A_1898 : vector<16xf32>
    %add3A_1900 = arith.addf %add3A_1839, %mul3A_1899 : vector<16xf32>
    %get3A_1901 = arith.constant 112 : index
    %get3A_1902 = tpu.vector_load %arg7[%get3A_1901] {strides = array<i32>} : memref<512xf32, #tpu.memory_space<vmem>>, vector<16xf32>,
    %get3A_1903 = vector.shape_cast %get3A_1902 : vector<16xf32> to vector<16xf32>
    %add3A_1904 = arith.constant 2.000000e-38 : f32
    %add3A_1905 = vector.broadcast %add3A_1904 : f32 to vector<16xf32>
    %add3A_1906 = arith.addf %get3A_1903, %add3A_1905 : vector<16xf32>
    %bitcast_convert_type3A_1907 = tpu.bitcast %add3A_1906 : vector<16xf32> -> vector<16xi32>
    %shift_right_logical3A_1908 = arith.constant 23 : i32
    %shift_right_logical3A_1909 = vector.broadcast %shift_right_logical3A_1908 : i32 to vector<16xi32>
    %shift_right_logical3A_1910 = arith.shrui %bitcast_convert_type3A_1907, %shift_right_logical3A_1909 : vector<16xi32>
    %sub3A_1911 = arith.constant 127 : i32
    %sub3A_1912 = vector.broadcast %sub3A_1911 : i32 to vector<16xi32>
    %sub3A_1913 = arith.subi %shift_right_logical3A_1910, %sub3A_1912 : vector<16xi32>
    %and3A_1914 = arith.constant 8388607 : i32
    %and3A_1915 = vector.broadcast %and3A_1914 : i32 to vector<16xi32>
    %and3A_1916 = arith.andi %bitcast_convert_type3A_1907, %and3A_1915 : vector<16xi32>
    %or3A_1917 = arith.constant 1065353216 : i32
    %or3A_1918 = vector.broadcast %or3A_1917 : i32 to vector<16xi32>
    %or3A_1919 = arith.ori %and3A_1916, %or3A_1918 : vector<16xi32>
    %bitcast_convert_type3A_1920 = tpu.bitcast %or3A_1919 : vector<16xi32> -> vector<16xf32>
    %ge3A_1921 = arith.constant 1.41421354 : f32
    %ge3A_1922 = vector.broadcast %ge3A_1921 : f32 to vector<16xf32>
    %ge3A_1923 = arith.cmpf oge, %bitcast_convert_type3A_1920, %ge3A_1922 : vector<16xf32>
    %add3A_1924 = arith.constant 1 : i32
    %add3A_1925 = vector.broadcast %add3A_1924 : i32 to vector<16xi32>
    %add3A_1926 = arith.addi %sub3A_1913, %add3A_1925 : vector<16xi32>
    %select_n3A_1927 = arith.select %ge3A_1923, %add3A_1926, %sub3A_1913 : vector<16xi1>, vector<16xi32>
    %mul3A_1928 = arith.constant 5.000000e-01 : f32
    %mul3A_1929 = vector.broadcast %mul3A_1928 : f32 to vector<16xf32>
    %mul3A_1930 = arith.mulf %bitcast_convert_type3A_1920, %mul3A_1929 : vector<16xf32>
    %select_n3A_1931 = arith.select %ge3A_1923, %mul3A_1930, %bitcast_convert_type3A_1920 : vector<16xi1>, vector<16xf32>
    %sub3A_1932 = arith.constant 1.000000e+00 : f32
    %sub3A_1933 = vector.broadcast %sub3A_1932 : f32 to vector<16xf32>
    %sub3A_1934 = arith.subf %select_n3A_1931, %sub3A_1933 : vector<16xf32>
    %add3A_1935 = arith.constant 1.000000e+00 : f32
    %add3A_1936 = vector.broadcast %add3A_1935 : f32 to vector<16xf32>
    %add3A_1937 = arith.addf %select_n3A_1931, %add3A_1936 : vector<16xf32>
    %div3A_1938 = arith.divf %sub3A_1934, %add3A_1937 : vector<16xf32>
    %mul3A_1939 = arith.mulf %div3A_1938, %div3A_1938 : vector<16xf32>
    %mul3A_1940 = arith.constant 0.285714298 : f32
    %mul3A_1941 = vector.broadcast %mul3A_1940 : f32 to vector<16xf32>
    %mul3A_1942 = arith.mulf %mul3A_1939, %mul3A_1941 : vector<16xf32>
    %add3A_1943 = arith.constant 4.000000e-01 : f32
    %add3A_1944 = vector.broadcast %add3A_1943 : f32 to vector<16xf32>
    %add3A_1945 = arith.addf %add3A_1944, %mul3A_1942 : vector<16xf32>
    %mul3A_1946 = arith.mulf %mul3A_1939, %add3A_1945 : vector<16xf32>
    %add3A_1947 = arith.constant 0.666666686 : f32
    %add3A_1948 = vector.broadcast %add3A_1947 : f32 to vector<16xf32>
    %add3A_1949 = arith.addf %add3A_1948, %mul3A_1946 : vector<16xf32>
    %mul3A_1950 = arith.mulf %mul3A_1939, %add3A_1949 : vector<16xf32>
    %add3A_1951 = arith.constant 2.000000e+00 : f32
    %add3A_1952 = vector.broadcast %add3A_1951 : f32 to vector<16xf32>
    %add3A_1953 = arith.addf %add3A_1952, %mul3A_1950 : vector<16xf32>
    %mul3A_1954 = arith.mulf %div3A_1938, %add3A_1953 : vector<16xf32>
    %convert_element_type3A_1955 = arith.sitofp %select_n3A_1927 : vector<16xi32> to vector<16xf32>
    %mul3A_1956 = arith.constant 0.693147182 : f32
    %mul3A_1957 = vector.broadcast %mul3A_1956 : f32 to vector<16xf32>
    %mul3A_1958 = arith.mulf %convert_element_type3A_1955, %mul3A_1957 : vector<16xf32>
    %add3A_1959 = arith.addf %mul3A_1954, %mul3A_1958 : vector<16xf32>
    %mul3A_1960 = arith.mulf %get3A_1903, %add3A_1959 : vector<16xf32>
    %add3A_1961 = arith.addf %add3A_1900, %mul3A_1960 : vector<16xf32>
    %get3A_1962 = arith.constant 128 : index
    %get3A_1963 = tpu.vector_load %arg7[%get3A_1962] {strides = array<i32>} : memref<512xf32, #tpu.memory_space<vmem>>, vector<16xf32>,
    %get3A_1964 = vector.shape_cast %get3A_1963 : vector<16xf32> to vector<16xf32>
    %add3A_1965 = arith.constant 2.000000e-38 : f32
    %add3A_1966 = vector.broadcast %add3A_1965 : f32 to vector<16xf32>
    %add3A_1967 = arith.addf %get3A_1964, %add3A_1966 : vector<16xf32>
    %bitcast_convert_type3A_1968 = tpu.bitcast %add3A_1967 : vector<16xf32> -> vector<16xi32>
    %shift_right_logical3A_1969 = arith.constant 23 : i32
    %shift_right_logical3A_1970 = vector.broadcast %shift_right_logical3A_1969 : i32 to vector<16xi32>
    %shift_right_logical3A_1971 = arith.shrui %bitcast_convert_type3A_1968, %shift_right_logical3A_1970 : vector<16xi32>
    %sub3A_1972 = arith.constant 127 : i32
    %sub3A_1973 = vector.broadcast %sub3A_1972 : i32 to vector<16xi32>
    %sub3A_1974 = arith.subi %shift_right_logical3A_1971, %sub3A_1973 : vector<16xi32>
    %and3A_1975 = arith.constant 8388607 : i32
    %and3A_1976 = vector.broadcast %and3A_1975 : i32 to vector<16xi32>
    %and3A_1977 = arith.andi %bitcast_convert_type3A_1968, %and3A_1976 : vector<16xi32>
    %or3A_1978 = arith.constant 1065353216 : i32
    %or3A_1979 = vector.broadcast %or3A_1978 : i32 to vector<16xi32>
    %or3A_1980 = arith.ori %and3A_1977, %or3A_1979 : vector<16xi32>
    %bitcast_convert_type3A_1981 = tpu.bitcast %or3A_1980 : vector<16xi32> -> vector<16xf32>
    %ge3A_1982 = arith.constant 1.41421354 : f32
    %ge3A_1983 = vector.broadcast %ge3A_1982 : f32 to vector<16xf32>
    %ge3A_1984 = arith.cmpf oge, %bitcast_convert_type3A_1981, %ge3A_1983 : vector<16xf32>
    %add3A_1985 = arith.constant 1 : i32
    %add3A_1986 = vector.broadcast %add3A_1985 : i32 to vector<16xi32>
    %add3A_1987 = arith.addi %sub3A_1974, %add3A_1986 : vector<16xi32>
    %select_n3A_1988 = arith.select %ge3A_1984, %add3A_1987, %sub3A_1974 : vector<16xi1>, vector<16xi32>
    %mul3A_1989 = arith.constant 5.000000e-01 : f32
    %mul3A_1990 = vector.broadcast %mul3A_1989 : f32 to vector<16xf32>
    %mul3A_1991 = arith.mulf %bitcast_convert_type3A_1981, %mul3A_1990 : vector<16xf32>
    %select_n3A_1992 = arith.select %ge3A_1984, %mul3A_1991, %bitcast_convert_type3A_1981 : vector<16xi1>, vector<16xf32>
    %sub3A_1993 = arith.constant 1.000000e+00 : f32
    %sub3A_1994 = vector.broadcast %sub3A_1993 : f32 to vector<16xf32>
    %sub3A_1995 = arith.subf %select_n3A_1992, %sub3A_1994 : vector<16xf32>
    %add3A_1996 = arith.constant 1.000000e+00 : f32
    %add3A_1997 = vector.broadcast %add3A_1996 : f32 to vector<16xf32>
    %add3A_1998 = arith.addf %select_n3A_1992, %add3A_1997 : vector<16xf32>
    %div3A_1999 = arith.divf %sub3A_1995, %add3A_1998 : vector<16xf32>
    %mul3A_2000 = arith.mulf %div3A_1999, %div3A_1999 : vector<16xf32>
    %mul3A_2001 = arith.constant 0.285714298 : f32
    %mul3A_2002 = vector.broadcast %mul3A_2001 : f32 to vector<16xf32>
    %mul3A_2003 = arith.mulf %mul3A_2000, %mul3A_2002 : vector<16xf32>
    %add3A_2004 = arith.constant 4.000000e-01 : f32
    %add3A_2005 = vector.broadcast %add3A_2004 : f32 to vector<16xf32>
    %add3A_2006 = arith.addf %add3A_2005, %mul3A_2003 : vector<16xf32>
    %mul3A_2007 = arith.mulf %mul3A_2000, %add3A_2006 : vector<16xf32>
    %add3A_2008 = arith.constant 0.666666686 : f32
    %add3A_2009 = vector.broadcast %add3A_2008 : f32 to vector<16xf32>
    %add3A_2010 = arith.addf %add3A_2009, %mul3A_2007 : vector<16xf32>
    %mul3A_2011 = arith.mulf %mul3A_2000, %add3A_2010 : vector<16xf32>
    %add3A_2012 = arith.constant 2.000000e+00 : f32
    %add3A_2013 = vector.broadcast %add3A_2012 : f32 to vector<16xf32>
    %add3A_2014 = arith.addf %add3A_2013, %mul3A_2011 : vector<16xf32>
    %mul3A_2015 = arith.mulf %div3A_1999, %add3A_2014 : vector<16xf32>
    %convert_element_type3A_2016 = arith.sitofp %select_n3A_1988 : vector<16xi32> to vector<16xf32>
    %mul3A_2017 = arith.constant 0.693147182 : f32
    %mul3A_2018 = vector.broadcast %mul3A_2017 : f32 to vector<16xf32>
    %mul3A_2019 = arith.mulf %convert_element_type3A_2016, %mul3A_2018 : vector<16xf32>
    %add3A_2020 = arith.addf %mul3A_2015, %mul3A_2019 : vector<16xf32>
    %mul3A_2021 = arith.mulf %get3A_1964, %add3A_2020 : vector<16xf32>
    %add3A_2022 = arith.addf %add3A_1961, %mul3A_2021 : vector<16xf32>
    %get3A_2023 = arith.constant 144 : index
    %get3A_2024 = tpu.vector_load %arg7[%get3A_2023] {strides = array<i32>} : memref<512xf32, #tpu.memory_space<vmem>>, vector<16xf32>,
    %get3A_2025 = vector.shape_cast %get3A_2024 : vector<16xf32> to vector<16xf32>
    %add3A_2026 = arith.constant 2.000000e-38 : f32
    %add3A_2027 = vector.broadcast %add3A_2026 : f32 to vector<16xf32>
    %add3A_2028 = arith.addf %get3A_2025, %add3A_2027 : vector<16xf32>
    %bitcast_convert_type3A_2029 = tpu.bitcast %add3A_2028 : vector<16xf32> -> vector<16xi32>
    %shift_right_logical3A_2030 = arith.constant 23 : i32
    %shift_right_logical3A_2031 = vector.broadcast %shift_right_logical3A_2030 : i32 to vector<16xi32>
    %shift_right_logical3A_2032 = arith.shrui %bitcast_convert_type3A_2029, %shift_right_logical3A_2031 : vector<16xi32>
    %sub3A_2033 = arith.constant 127 : i32
    %sub3A_2034 = vector.broadcast %sub3A_2033 : i32 to vector<16xi32>
    %sub3A_2035 = arith.subi %shift_right_logical3A_2032, %sub3A_2034 : vector<16xi32>
    %and3A_2036 = arith.constant 8388607 : i32
    %and3A_2037 = vector.broadcast %and3A_2036 : i32 to vector<16xi32>
    %and3A_2038 = arith.andi %bitcast_convert_type3A_2029, %and3A_2037 : vector<16xi32>
    %or3A_2039 = arith.constant 1065353216 : i32
    %or3A_2040 = vector.broadcast %or3A_2039 : i32 to vector<16xi32>
    %or3A_2041 = arith.ori %and3A_2038, %or3A_2040 : vector<16xi32>
    %bitcast_convert_type3A_2042 = tpu.bitcast %or3A_2041 : vector<16xi32> -> vector<16xf32>
    %ge3A_2043 = arith.constant 1.41421354 : f32
    %ge3A_2044 = vector.broadcast %ge3A_2043 : f32 to vector<16xf32>
    %ge3A_2045 = arith.cmpf oge, %bitcast_convert_type3A_2042, %ge3A_2044 : vector<16xf32>
    %add3A_2046 = arith.constant 1 : i32
    %add3A_2047 = vector.broadcast %add3A_2046 : i32 to vector<16xi32>
    %add3A_2048 = arith.addi %sub3A_2035, %add3A_2047 : vector<16xi32>
    %select_n3A_2049 = arith.select %ge3A_2045, %add3A_2048, %sub3A_2035 : vector<16xi1>, vector<16xi32>
    %mul3A_2050 = arith.constant 5.000000e-01 : f32
    %mul3A_2051 = vector.broadcast %mul3A_2050 : f32 to vector<16xf32>
    %mul3A_2052 = arith.mulf %bitcast_convert_type3A_2042, %mul3A_2051 : vector<16xf32>
    %select_n3A_2053 = arith.select %ge3A_2045, %mul3A_2052, %bitcast_convert_type3A_2042 : vector<16xi1>, vector<16xf32>
    %sub3A_2054 = arith.constant 1.000000e+00 : f32
    %sub3A_2055 = vector.broadcast %sub3A_2054 : f32 to vector<16xf32>
    %sub3A_2056 = arith.subf %select_n3A_2053, %sub3A_2055 : vector<16xf32>
    %add3A_2057 = arith.constant 1.000000e+00 : f32
    %add3A_2058 = vector.broadcast %add3A_2057 : f32 to vector<16xf32>
    %add3A_2059 = arith.addf %select_n3A_2053, %add3A_2058 : vector<16xf32>
    %div3A_2060 = arith.divf %sub3A_2056, %add3A_2059 : vector<16xf32>
    %mul3A_2061 = arith.mulf %div3A_2060, %div3A_2060 : vector<16xf32>
    %mul3A_2062 = arith.constant 0.285714298 : f32
    %mul3A_2063 = vector.broadcast %mul3A_2062 : f32 to vector<16xf32>
    %mul3A_2064 = arith.mulf %mul3A_2061, %mul3A_2063 : vector<16xf32>
    %add3A_2065 = arith.constant 4.000000e-01 : f32
    %add3A_2066 = vector.broadcast %add3A_2065 : f32 to vector<16xf32>
    %add3A_2067 = arith.addf %add3A_2066, %mul3A_2064 : vector<16xf32>
    %mul3A_2068 = arith.mulf %mul3A_2061, %add3A_2067 : vector<16xf32>
    %add3A_2069 = arith.constant 0.666666686 : f32
    %add3A_2070 = vector.broadcast %add3A_2069 : f32 to vector<16xf32>
    %add3A_2071 = arith.addf %add3A_2070, %mul3A_2068 : vector<16xf32>
    %mul3A_2072 = arith.mulf %mul3A_2061, %add3A_2071 : vector<16xf32>
    %add3A_2073 = arith.constant 2.000000e+00 : f32
    %add3A_2074 = vector.broadcast %add3A_2073 : f32 to vector<16xf32>
    %add3A_2075 = arith.addf %add3A_2074, %mul3A_2072 : vector<16xf32>
    %mul3A_2076 = arith.mulf %div3A_2060, %add3A_2075 : vector<16xf32>
    %convert_element_type3A_2077 = arith.sitofp %select_n3A_2049 : vector<16xi32> to vector<16xf32>
    %mul3A_2078 = arith.constant 0.693147182 : f32
    %mul3A_2079 = vector.broadcast %mul3A_2078 : f32 to vector<16xf32>
    %mul3A_2080 = arith.mulf %convert_element_type3A_2077, %mul3A_2079 : vector<16xf32>
    %add3A_2081 = arith.addf %mul3A_2076, %mul3A_2080 : vector<16xf32>
    %mul3A_2082 = arith.mulf %get3A_2025, %add3A_2081 : vector<16xf32>
    %add3A_2083 = arith.addf %add3A_2022, %mul3A_2082 : vector<16xf32>
    %get3A_2084 = arith.constant 160 : index
    %get3A_2085 = tpu.vector_load %arg7[%get3A_2084] {strides = array<i32>} : memref<512xf32, #tpu.memory_space<vmem>>, vector<16xf32>,
    %get3A_2086 = vector.shape_cast %get3A_2085 : vector<16xf32> to vector<16xf32>
    %add3A_2087 = arith.constant 2.000000e-38 : f32
    %add3A_2088 = vector.broadcast %add3A_2087 : f32 to vector<16xf32>
    %add3A_2089 = arith.addf %get3A_2086, %add3A_2088 : vector<16xf32>
    %bitcast_convert_type3A_2090 = tpu.bitcast %add3A_2089 : vector<16xf32> -> vector<16xi32>
    %shift_right_logical3A_2091 = arith.constant 23 : i32
    %shift_right_logical3A_2092 = vector.broadcast %shift_right_logical3A_2091 : i32 to vector<16xi32>
    %shift_right_logical3A_2093 = arith.shrui %bitcast_convert_type3A_2090, %shift_right_logical3A_2092 : vector<16xi32>
    %sub3A_2094 = arith.constant 127 : i32
    %sub3A_2095 = vector.broadcast %sub3A_2094 : i32 to vector<16xi32>
    %sub3A_2096 = arith.subi %shift_right_logical3A_2093, %sub3A_2095 : vector<16xi32>
    %and3A_2097 = arith.constant 8388607 : i32
    %and3A_2098 = vector.broadcast %and3A_2097 : i32 to vector<16xi32>
    %and3A_2099 = arith.andi %bitcast_convert_type3A_2090, %and3A_2098 : vector<16xi32>
    %or3A_2100 = arith.constant 1065353216 : i32
    %or3A_2101 = vector.broadcast %or3A_2100 : i32 to vector<16xi32>
    %or3A_2102 = arith.ori %and3A_2099, %or3A_2101 : vector<16xi32>
    %bitcast_convert_type3A_2103 = tpu.bitcast %or3A_2102 : vector<16xi32> -> vector<16xf32>
    %ge3A_2104 = arith.constant 1.41421354 : f32
    %ge3A_2105 = vector.broadcast %ge3A_2104 : f32 to vector<16xf32>
    %ge3A_2106 = arith.cmpf oge, %bitcast_convert_type3A_2103, %ge3A_2105 : vector<16xf32>
    %add3A_2107 = arith.constant 1 : i32
    %add3A_2108 = vector.broadcast %add3A_2107 : i32 to vector<16xi32>
    %add3A_2109 = arith.addi %sub3A_2096, %add3A_2108 : vector<16xi32>
    %select_n3A_2110 = arith.select %ge3A_2106, %add3A_2109, %sub3A_2096 : vector<16xi1>, vector<16xi32>
    %mul3A_2111 = arith.constant 5.000000e-01 : f32
    %mul3A_2112 = vector.broadcast %mul3A_2111 : f32 to vector<16xf32>
    %mul3A_2113 = arith.mulf %bitcast_convert_type3A_2103, %mul3A_2112 : vector<16xf32>
    %select_n3A_2114 = arith.select %ge3A_2106, %mul3A_2113, %bitcast_convert_type3A_2103 : vector<16xi1>, vector<16xf32>
    %sub3A_2115 = arith.constant 1.000000e+00 : f32
    %sub3A_2116 = vector.broadcast %sub3A_2115 : f32 to vector<16xf32>
    %sub3A_2117 = arith.subf %select_n3A_2114, %sub3A_2116 : vector<16xf32>
    %add3A_2118 = arith.constant 1.000000e+00 : f32
    %add3A_2119 = vector.broadcast %add3A_2118 : f32 to vector<16xf32>
    %add3A_2120 = arith.addf %select_n3A_2114, %add3A_2119 : vector<16xf32>
    %div3A_2121 = arith.divf %sub3A_2117, %add3A_2120 : vector<16xf32>
    %mul3A_2122 = arith.mulf %div3A_2121, %div3A_2121 : vector<16xf32>
    %mul3A_2123 = arith.constant 0.285714298 : f32
    %mul3A_2124 = vector.broadcast %mul3A_2123 : f32 to vector<16xf32>
    %mul3A_2125 = arith.mulf %mul3A_2122, %mul3A_2124 : vector<16xf32>
    %add3A_2126 = arith.constant 4.000000e-01 : f32
    %add3A_2127 = vector.broadcast %add3A_2126 : f32 to vector<16xf32>
    %add3A_2128 = arith.addf %add3A_2127, %mul3A_2125 : vector<16xf32>
    %mul3A_2129 = arith.mulf %mul3A_2122, %add3A_2128 : vector<16xf32>
    %add3A_2130 = arith.constant 0.666666686 : f32
    %add3A_2131 = vector.broadcast %add3A_2130 : f32 to vector<16xf32>
    %add3A_2132 = arith.addf %add3A_2131, %mul3A_2129 : vector<16xf32>
    %mul3A_2133 = arith.mulf %mul3A_2122, %add3A_2132 : vector<16xf32>
    %add3A_2134 = arith.constant 2.000000e+00 : f32
    %add3A_2135 = vector.broadcast %add3A_2134 : f32 to vector<16xf32>
    %add3A_2136 = arith.addf %add3A_2135, %mul3A_2133 : vector<16xf32>
    %mul3A_2137 = arith.mulf %div3A_2121, %add3A_2136 : vector<16xf32>
    %convert_element_type3A_2138 = arith.sitofp %select_n3A_2110 : vector<16xi32> to vector<16xf32>
    %mul3A_2139 = arith.constant 0.693147182 : f32
    %mul3A_2140 = vector.broadcast %mul3A_2139 : f32 to vector<16xf32>
    %mul3A_2141 = arith.mulf %convert_element_type3A_2138, %mul3A_2140 : vector<16xf32>
    %add3A_2142 = arith.addf %mul3A_2137, %mul3A_2141 : vector<16xf32>
    %mul3A_2143 = arith.mulf %get3A_2086, %add3A_2142 : vector<16xf32>
    %add3A_2144 = arith.addf %add3A_2083, %mul3A_2143 : vector<16xf32>
    %get3A_2145 = arith.constant 176 : index
    %get3A_2146 = tpu.vector_load %arg7[%get3A_2145] {strides = array<i32>} : memref<512xf32, #tpu.memory_space<vmem>>, vector<16xf32>,
    %get3A_2147 = vector.shape_cast %get3A_2146 : vector<16xf32> to vector<16xf32>
    %add3A_2148 = arith.constant 2.000000e-38 : f32
    %add3A_2149 = vector.broadcast %add3A_2148 : f32 to vector<16xf32>
    %add3A_2150 = arith.addf %get3A_2147, %add3A_2149 : vector<16xf32>
    %bitcast_convert_type3A_2151 = tpu.bitcast %add3A_2150 : vector<16xf32> -> vector<16xi32>
    %shift_right_logical3A_2152 = arith.constant 23 : i32
    %shift_right_logical3A_2153 = vector.broadcast %shift_right_logical3A_2152 : i32 to vector<16xi32>
    %shift_right_logical3A_2154 = arith.shrui %bitcast_convert_type3A_2151, %shift_right_logical3A_2153 : vector<16xi32>
    %sub3A_2155 = arith.constant 127 : i32
    %sub3A_2156 = vector.broadcast %sub3A_2155 : i32 to vector<16xi32>
    %sub3A_2157 = arith.subi %shift_right_logical3A_2154, %sub3A_2156 : vector<16xi32>
    %and3A_2158 = arith.constant 8388607 : i32
    %and3A_2159 = vector.broadcast %and3A_2158 : i32 to vector<16xi32>
    %and3A_2160 = arith.andi %bitcast_convert_type3A_2151, %and3A_2159 : vector<16xi32>
    %or3A_2161 = arith.constant 1065353216 : i32
    %or3A_2162 = vector.broadcast %or3A_2161 : i32 to vector<16xi32>
    %or3A_2163 = arith.ori %and3A_2160, %or3A_2162 : vector<16xi32>
    %bitcast_convert_type3A_2164 = tpu.bitcast %or3A_2163 : vector<16xi32> -> vector<16xf32>
    %ge3A_2165 = arith.constant 1.41421354 : f32
    %ge3A_2166 = vector.broadcast %ge3A_2165 : f32 to vector<16xf32>
    %ge3A_2167 = arith.cmpf oge, %bitcast_convert_type3A_2164, %ge3A_2166 : vector<16xf32>
    %add3A_2168 = arith.constant 1 : i32
    %add3A_2169 = vector.broadcast %add3A_2168 : i32 to vector<16xi32>
    %add3A_2170 = arith.addi %sub3A_2157, %add3A_2169 : vector<16xi32>
    %select_n3A_2171 = arith.select %ge3A_2167, %add3A_2170, %sub3A_2157 : vector<16xi1>, vector<16xi32>
    %mul3A_2172 = arith.constant 5.000000e-01 : f32
    %mul3A_2173 = vector.broadcast %mul3A_2172 : f32 to vector<16xf32>
    %mul3A_2174 = arith.mulf %bitcast_convert_type3A_2164, %mul3A_2173 : vector<16xf32>
    %select_n3A_2175 = arith.select %ge3A_2167, %mul3A_2174, %bitcast_convert_type3A_2164 : vector<16xi1>, vector<16xf32>
    %sub3A_2176 = arith.constant 1.000000e+00 : f32
    %sub3A_2177 = vector.broadcast %sub3A_2176 : f32 to vector<16xf32>
    %sub3A_2178 = arith.subf %select_n3A_2175, %sub3A_2177 : vector<16xf32>
    %add3A_2179 = arith.constant 1.000000e+00 : f32
    %add3A_2180 = vector.broadcast %add3A_2179 : f32 to vector<16xf32>
    %add3A_2181 = arith.addf %select_n3A_2175, %add3A_2180 : vector<16xf32>
    %div3A_2182 = arith.divf %sub3A_2178, %add3A_2181 : vector<16xf32>
    %mul3A_2183 = arith.mulf %div3A_2182, %div3A_2182 : vector<16xf32>
    %mul3A_2184 = arith.constant 0.285714298 : f32
    %mul3A_2185 = vector.broadcast %mul3A_2184 : f32 to vector<16xf32>
    %mul3A_2186 = arith.mulf %mul3A_2183, %mul3A_2185 : vector<16xf32>
    %add3A_2187 = arith.constant 4.000000e-01 : f32
    %add3A_2188 = vector.broadcast %add3A_2187 : f32 to vector<16xf32>
    %add3A_2189 = arith.addf %add3A_2188, %mul3A_2186 : vector<16xf32>
    %mul3A_2190 = arith.mulf %mul3A_2183, %add3A_2189 : vector<16xf32>
    %add3A_2191 = arith.constant 0.666666686 : f32
    %add3A_2192 = vector.broadcast %add3A_2191 : f32 to vector<16xf32>
    %add3A_2193 = arith.addf %add3A_2192, %mul3A_2190 : vector<16xf32>
    %mul3A_2194 = arith.mulf %mul3A_2183, %add3A_2193 : vector<16xf32>
    %add3A_2195 = arith.constant 2.000000e+00 : f32
    %add3A_2196 = vector.broadcast %add3A_2195 : f32 to vector<16xf32>
    %add3A_2197 = arith.addf %add3A_2196, %mul3A_2194 : vector<16xf32>
    %mul3A_2198 = arith.mulf %div3A_2182, %add3A_2197 : vector<16xf32>
    %convert_element_type3A_2199 = arith.sitofp %select_n3A_2171 : vector<16xi32> to vector<16xf32>
    %mul3A_2200 = arith.constant 0.693147182 : f32
    %mul3A_2201 = vector.broadcast %mul3A_2200 : f32 to vector<16xf32>
    %mul3A_2202 = arith.mulf %convert_element_type3A_2199, %mul3A_2201 : vector<16xf32>
    %add3A_2203 = arith.addf %mul3A_2198, %mul3A_2202 : vector<16xf32>
    %mul3A_2204 = arith.mulf %get3A_2147, %add3A_2203 : vector<16xf32>
    %add3A_2205 = arith.addf %add3A_2144, %mul3A_2204 : vector<16xf32>
    %get3A_2206 = arith.constant 192 : index
    %get3A_2207 = tpu.vector_load %arg7[%get3A_2206] {strides = array<i32>} : memref<512xf32, #tpu.memory_space<vmem>>, vector<16xf32>,
    %get3A_2208 = vector.shape_cast %get3A_2207 : vector<16xf32> to vector<16xf32>
    %add3A_2209 = arith.constant 2.000000e-38 : f32
    %add3A_2210 = vector.broadcast %add3A_2209 : f32 to vector<16xf32>
    %add3A_2211 = arith.addf %get3A_2208, %add3A_2210 : vector<16xf32>
    %bitcast_convert_type3A_2212 = tpu.bitcast %add3A_2211 : vector<16xf32> -> vector<16xi32>
    %shift_right_logical3A_2213 = arith.constant 23 : i32
    %shift_right_logical3A_2214 = vector.broadcast %shift_right_logical3A_2213 : i32 to vector<16xi32>
    %shift_right_logical3A_2215 = arith.shrui %bitcast_convert_type3A_2212, %shift_right_logical3A_2214 : vector<16xi32>
    %sub3A_2216 = arith.constant 127 : i32
    %sub3A_2217 = vector.broadcast %sub3A_2216 : i32 to vector<16xi32>
    %sub3A_2218 = arith.subi %shift_right_logical3A_2215, %sub3A_2217 : vector<16xi32>
    %and3A_2219 = arith.constant 8388607 : i32
    %and3A_2220 = vector.broadcast %and3A_2219 : i32 to vector<16xi32>
    %and3A_2221 = arith.andi %bitcast_convert_type3A_2212, %and3A_2220 : vector<16xi32>
    %or3A_2222 = arith.constant 1065353216 : i32
    %or3A_2223 = vector.broadcast %or3A_2222 : i32 to vector<16xi32>
    %or3A_2224 = arith.ori %and3A_2221, %or3A_2223 : vector<16xi32>
    %bitcast_convert_type3A_2225 = tpu.bitcast %or3A_2224 : vector<16xi32> -> vector<16xf32>
    %ge3A_2226 = arith.constant 1.41421354 : f32
    %ge3A_2227 = vector.broadcast %ge3A_2226 : f32 to vector<16xf32>
    %ge3A_2228 = arith.cmpf oge, %bitcast_convert_type3A_2225, %ge3A_2227 : vector<16xf32>
    %add3A_2229 = arith.constant 1 : i32
    %add3A_2230 = vector.broadcast %add3A_2229 : i32 to vector<16xi32>
    %add3A_2231 = arith.addi %sub3A_2218, %add3A_2230 : vector<16xi32>
    %select_n3A_2232 = arith.select %ge3A_2228, %add3A_2231, %sub3A_2218 : vector<16xi1>, vector<16xi32>
    %mul3A_2233 = arith.constant 5.000000e-01 : f32
    %mul3A_2234 = vector.broadcast %mul3A_2233 : f32 to vector<16xf32>
    %mul3A_2235 = arith.mulf %bitcast_convert_type3A_2225, %mul3A_2234 : vector<16xf32>
    %select_n3A_2236 = arith.select %ge3A_2228, %mul3A_2235, %bitcast_convert_type3A_2225 : vector<16xi1>, vector<16xf32>
    %sub3A_2237 = arith.constant 1.000000e+00 : f32
    %sub3A_2238 = vector.broadcast %sub3A_2237 : f32 to vector<16xf32>
    %sub3A_2239 = arith.subf %select_n3A_2236, %sub3A_2238 : vector<16xf32>
    %add3A_2240 = arith.constant 1.000000e+00 : f32
    %add3A_2241 = vector.broadcast %add3A_2240 : f32 to vector<16xf32>
    %add3A_2242 = arith.addf %select_n3A_2236, %add3A_2241 : vector<16xf32>
    %div3A_2243 = arith.divf %sub3A_2239, %add3A_2242 : vector<16xf32>
    %mul3A_2244 = arith.mulf %div3A_2243, %div3A_2243 : vector<16xf32>
    %mul3A_2245 = arith.constant 0.285714298 : f32
    %mul3A_2246 = vector.broadcast %mul3A_2245 : f32 to vector<16xf32>
    %mul3A_2247 = arith.mulf %mul3A_2244, %mul3A_2246 : vector<16xf32>
    %add3A_2248 = arith.constant 4.000000e-01 : f32
    %add3A_2249 = vector.broadcast %add3A_2248 : f32 to vector<16xf32>
    %add3A_2250 = arith.addf %add3A_2249, %mul3A_2247 : vector<16xf32>
    %mul3A_2251 = arith.mulf %mul3A_2244, %add3A_2250 : vector<16xf32>
    %add3A_2252 = arith.constant 0.666666686 : f32
    %add3A_2253 = vector.broadcast %add3A_2252 : f32 to vector<16xf32>
    %add3A_2254 = arith.addf %add3A_2253, %mul3A_2251 : vector<16xf32>
    %mul3A_2255 = arith.mulf %mul3A_2244, %add3A_2254 : vector<16xf32>
    %add3A_2256 = arith.constant 2.000000e+00 : f32
    %add3A_2257 = vector.broadcast %add3A_2256 : f32 to vector<16xf32>
    %add3A_2258 = arith.addf %add3A_2257, %mul3A_2255 : vector<16xf32>
    %mul3A_2259 = arith.mulf %div3A_2243, %add3A_2258 : vector<16xf32>
    %convert_element_type3A_2260 = arith.sitofp %select_n3A_2232 : vector<16xi32> to vector<16xf32>
    %mul3A_2261 = arith.constant 0.693147182 : f32
    %mul3A_2262 = vector.broadcast %mul3A_2261 : f32 to vector<16xf32>
    %mul3A_2263 = arith.mulf %convert_element_type3A_2260, %mul3A_2262 : vector<16xf32>
    %add3A_2264 = arith.addf %mul3A_2259, %mul3A_2263 : vector<16xf32>
    %mul3A_2265 = arith.mulf %get3A_2208, %add3A_2264 : vector<16xf32>
    %add3A_2266 = arith.addf %add3A_2205, %mul3A_2265 : vector<16xf32>
    %get3A_2267 = arith.constant 208 : index
    %get3A_2268 = tpu.vector_load %arg7[%get3A_2267] {strides = array<i32>} : memref<512xf32, #tpu.memory_space<vmem>>, vector<16xf32>,
    %get3A_2269 = vector.shape_cast %get3A_2268 : vector<16xf32> to vector<16xf32>
    %add3A_2270 = arith.constant 2.000000e-38 : f32
    %add3A_2271 = vector.broadcast %add3A_2270 : f32 to vector<16xf32>
    %add3A_2272 = arith.addf %get3A_2269, %add3A_2271 : vector<16xf32>
    %bitcast_convert_type3A_2273 = tpu.bitcast %add3A_2272 : vector<16xf32> -> vector<16xi32>
    %shift_right_logical3A_2274 = arith.constant 23 : i32
    %shift_right_logical3A_2275 = vector.broadcast %shift_right_logical3A_2274 : i32 to vector<16xi32>
    %shift_right_logical3A_2276 = arith.shrui %bitcast_convert_type3A_2273, %shift_right_logical3A_2275 : vector<16xi32>
    %sub3A_2277 = arith.constant 127 : i32
    %sub3A_2278 = vector.broadcast %sub3A_2277 : i32 to vector<16xi32>
    %sub3A_2279 = arith.subi %shift_right_logical3A_2276, %sub3A_2278 : vector<16xi32>
    %and3A_2280 = arith.constant 8388607 : i32
    %and3A_2281 = vector.broadcast %and3A_2280 : i32 to vector<16xi32>
    %and3A_2282 = arith.andi %bitcast_convert_type3A_2273, %and3A_2281 : vector<16xi32>
    %or3A_2283 = arith.constant 1065353216 : i32
    %or3A_2284 = vector.broadcast %or3A_2283 : i32 to vector<16xi32>
    %or3A_2285 = arith.ori %and3A_2282, %or3A_2284 : vector<16xi32>
    %bitcast_convert_type3A_2286 = tpu.bitcast %or3A_2285 : vector<16xi32> -> vector<16xf32>
    %ge3A_2287 = arith.constant 1.41421354 : f32
    %ge3A_2288 = vector.broadcast %ge3A_2287 : f32 to vector<16xf32>
    %ge3A_2289 = arith.cmpf oge, %bitcast_convert_type3A_2286, %ge3A_2288 : vector<16xf32>
    %add3A_2290 = arith.constant 1 : i32
    %add3A_2291 = vector.broadcast %add3A_2290 : i32 to vector<16xi32>
    %add3A_2292 = arith.addi %sub3A_2279, %add3A_2291 : vector<16xi32>
    %select_n3A_2293 = arith.select %ge3A_2289, %add3A_2292, %sub3A_2279 : vector<16xi1>, vector<16xi32>
    %mul3A_2294 = arith.constant 5.000000e-01 : f32
    %mul3A_2295 = vector.broadcast %mul3A_2294 : f32 to vector<16xf32>
    %mul3A_2296 = arith.mulf %bitcast_convert_type3A_2286, %mul3A_2295 : vector<16xf32>
    %select_n3A_2297 = arith.select %ge3A_2289, %mul3A_2296, %bitcast_convert_type3A_2286 : vector<16xi1>, vector<16xf32>
    %sub3A_2298 = arith.constant 1.000000e+00 : f32
    %sub3A_2299 = vector.broadcast %sub3A_2298 : f32 to vector<16xf32>
    %sub3A_2300 = arith.subf %select_n3A_2297, %sub3A_2299 : vector<16xf32>
    %add3A_2301 = arith.constant 1.000000e+00 : f32
    %add3A_2302 = vector.broadcast %add3A_2301 : f32 to vector<16xf32>
    %add3A_2303 = arith.addf %select_n3A_2297, %add3A_2302 : vector<16xf32>
    %div3A_2304 = arith.divf %sub3A_2300, %add3A_2303 : vector<16xf32>
    %mul3A_2305 = arith.mulf %div3A_2304, %div3A_2304 : vector<16xf32>
    %mul3A_2306 = arith.constant 0.285714298 : f32
    %mul3A_2307 = vector.broadcast %mul3A_2306 : f32 to vector<16xf32>
    %mul3A_2308 = arith.mulf %mul3A_2305, %mul3A_2307 : vector<16xf32>
    %add3A_2309 = arith.constant 4.000000e-01 : f32
    %add3A_2310 = vector.broadcast %add3A_2309 : f32 to vector<16xf32>
    %add3A_2311 = arith.addf %add3A_2310, %mul3A_2308 : vector<16xf32>
    %mul3A_2312 = arith.mulf %mul3A_2305, %add3A_2311 : vector<16xf32>
    %add3A_2313 = arith.constant 0.666666686 : f32
    %add3A_2314 = vector.broadcast %add3A_2313 : f32 to vector<16xf32>
    %add3A_2315 = arith.addf %add3A_2314, %mul3A_2312 : vector<16xf32>
    %mul3A_2316 = arith.mulf %mul3A_2305, %add3A_2315 : vector<16xf32>
    %add3A_2317 = arith.constant 2.000000e+00 : f32
    %add3A_2318 = vector.broadcast %add3A_2317 : f32 to vector<16xf32>
    %add3A_2319 = arith.addf %add3A_2318, %mul3A_2316 : vector<16xf32>
    %mul3A_2320 = arith.mulf %div3A_2304, %add3A_2319 : vector<16xf32>
    %convert_element_type3A_2321 = arith.sitofp %select_n3A_2293 : vector<16xi32> to vector<16xf32>
    %mul3A_2322 = arith.constant 0.693147182 : f32
    %mul3A_2323 = vector.broadcast %mul3A_2322 : f32 to vector<16xf32>
    %mul3A_2324 = arith.mulf %convert_element_type3A_2321, %mul3A_2323 : vector<16xf32>
    %add3A_2325 = arith.addf %mul3A_2320, %mul3A_2324 : vector<16xf32>
    %mul3A_2326 = arith.mulf %get3A_2269, %add3A_2325 : vector<16xf32>
    %add3A_2327 = arith.addf %add3A_2266, %mul3A_2326 : vector<16xf32>
    %get3A_2328 = arith.constant 224 : index
    %get3A_2329 = tpu.vector_load %arg7[%get3A_2328] {strides = array<i32>} : memref<512xf32, #tpu.memory_space<vmem>>, vector<16xf32>,
    %get3A_2330 = vector.shape_cast %get3A_2329 : vector<16xf32> to vector<16xf32>
    %add3A_2331 = arith.constant 2.000000e-38 : f32
    %add3A_2332 = vector.broadcast %add3A_2331 : f32 to vector<16xf32>
    %add3A_2333 = arith.addf %get3A_2330, %add3A_2332 : vector<16xf32>
    %bitcast_convert_type3A_2334 = tpu.bitcast %add3A_2333 : vector<16xf32> -> vector<16xi32>
    %shift_right_logical3A_2335 = arith.constant 23 : i32
    %shift_right_logical3A_2336 = vector.broadcast %shift_right_logical3A_2335 : i32 to vector<16xi32>
    %shift_right_logical3A_2337 = arith.shrui %bitcast_convert_type3A_2334, %shift_right_logical3A_2336 : vector<16xi32>
    %sub3A_2338 = arith.constant 127 : i32
    %sub3A_2339 = vector.broadcast %sub3A_2338 : i32 to vector<16xi32>
    %sub3A_2340 = arith.subi %shift_right_logical3A_2337, %sub3A_2339 : vector<16xi32>
    %and3A_2341 = arith.constant 8388607 : i32
    %and3A_2342 = vector.broadcast %and3A_2341 : i32 to vector<16xi32>
    %and3A_2343 = arith.andi %bitcast_convert_type3A_2334, %and3A_2342 : vector<16xi32>
    %or3A_2344 = arith.constant 1065353216 : i32
    %or3A_2345 = vector.broadcast %or3A_2344 : i32 to vector<16xi32>
    %or3A_2346 = arith.ori %and3A_2343, %or3A_2345 : vector<16xi32>
    %bitcast_convert_type3A_2347 = tpu.bitcast %or3A_2346 : vector<16xi32> -> vector<16xf32>
    %ge3A_2348 = arith.constant 1.41421354 : f32
    %ge3A_2349 = vector.broadcast %ge3A_2348 : f32 to vector<16xf32>
    %ge3A_2350 = arith.cmpf oge, %bitcast_convert_type3A_2347, %ge3A_2349 : vector<16xf32>
    %add3A_2351 = arith.constant 1 : i32
    %add3A_2352 = vector.broadcast %add3A_2351 : i32 to vector<16xi32>
    %add3A_2353 = arith.addi %sub3A_2340, %add3A_2352 : vector<16xi32>
    %select_n3A_2354 = arith.select %ge3A_2350, %add3A_2353, %sub3A_2340 : vector<16xi1>, vector<16xi32>
    %mul3A_2355 = arith.constant 5.000000e-01 : f32
    %mul3A_2356 = vector.broadcast %mul3A_2355 : f32 to vector<16xf32>
    %mul3A_2357 = arith.mulf %bitcast_convert_type3A_2347, %mul3A_2356 : vector<16xf32>
    %select_n3A_2358 = arith.select %ge3A_2350, %mul3A_2357, %bitcast_convert_type3A_2347 : vector<16xi1>, vector<16xf32>
    %sub3A_2359 = arith.constant 1.000000e+00 : f32
    %sub3A_2360 = vector.broadcast %sub3A_2359 : f32 to vector<16xf32>
    %sub3A_2361 = arith.subf %select_n3A_2358, %sub3A_2360 : vector<16xf32>
    %add3A_2362 = arith.constant 1.000000e+00 : f32
    %add3A_2363 = vector.broadcast %add3A_2362 : f32 to vector<16xf32>
    %add3A_2364 = arith.addf %select_n3A_2358, %add3A_2363 : vector<16xf32>
    %div3A_2365 = arith.divf %sub3A_2361, %add3A_2364 : vector<16xf32>
    %mul3A_2366 = arith.mulf %div3A_2365, %div3A_2365 : vector<16xf32>
    %mul3A_2367 = arith.constant 0.285714298 : f32
    %mul3A_2368 = vector.broadcast %mul3A_2367 : f32 to vector<16xf32>
    %mul3A_2369 = arith.mulf %mul3A_2366, %mul3A_2368 : vector<16xf32>
    %add3A_2370 = arith.constant 4.000000e-01 : f32
    %add3A_2371 = vector.broadcast %add3A_2370 : f32 to vector<16xf32>
    %add3A_2372 = arith.addf %add3A_2371, %mul3A_2369 : vector<16xf32>
    %mul3A_2373 = arith.mulf %mul3A_2366, %add3A_2372 : vector<16xf32>
    %add3A_2374 = arith.constant 0.666666686 : f32
    %add3A_2375 = vector.broadcast %add3A_2374 : f32 to vector<16xf32>
    %add3A_2376 = arith.addf %add3A_2375, %mul3A_2373 : vector<16xf32>
    %mul3A_2377 = arith.mulf %mul3A_2366, %add3A_2376 : vector<16xf32>
    %add3A_2378 = arith.constant 2.000000e+00 : f32
    %add3A_2379 = vector.broadcast %add3A_2378 : f32 to vector<16xf32>
    %add3A_2380 = arith.addf %add3A_2379, %mul3A_2377 : vector<16xf32>
    %mul3A_2381 = arith.mulf %div3A_2365, %add3A_2380 : vector<16xf32>
    %convert_element_type3A_2382 = arith.sitofp %select_n3A_2354 : vector<16xi32> to vector<16xf32>
    %mul3A_2383 = arith.constant 0.693147182 : f32
    %mul3A_2384 = vector.broadcast %mul3A_2383 : f32 to vector<16xf32>
    %mul3A_2385 = arith.mulf %convert_element_type3A_2382, %mul3A_2384 : vector<16xf32>
    %add3A_2386 = arith.addf %mul3A_2381, %mul3A_2385 : vector<16xf32>
    %mul3A_2387 = arith.mulf %get3A_2330, %add3A_2386 : vector<16xf32>
    %add3A_2388 = arith.addf %add3A_2327, %mul3A_2387 : vector<16xf32>
    %get3A_2389 = arith.constant 240 : index
    %get3A_2390 = tpu.vector_load %arg7[%get3A_2389] {strides = array<i32>} : memref<512xf32, #tpu.memory_space<vmem>>, vector<16xf32>,
    %get3A_2391 = vector.shape_cast %get3A_2390 : vector<16xf32> to vector<16xf32>
    %add3A_2392 = arith.constant 2.000000e-38 : f32
    %add3A_2393 = vector.broadcast %add3A_2392 : f32 to vector<16xf32>
    %add3A_2394 = arith.addf %get3A_2391, %add3A_2393 : vector<16xf32>
    %bitcast_convert_type3A_2395 = tpu.bitcast %add3A_2394 : vector<16xf32> -> vector<16xi32>
    %shift_right_logical3A_2396 = arith.constant 23 : i32
    %shift_right_logical3A_2397 = vector.broadcast %shift_right_logical3A_2396 : i32 to vector<16xi32>
    %shift_right_logical3A_2398 = arith.shrui %bitcast_convert_type3A_2395, %shift_right_logical3A_2397 : vector<16xi32>
    %sub3A_2399 = arith.constant 127 : i32
    %sub3A_2400 = vector.broadcast %sub3A_2399 : i32 to vector<16xi32>
    %sub3A_2401 = arith.subi %shift_right_logical3A_2398, %sub3A_2400 : vector<16xi32>
    %and3A_2402 = arith.constant 8388607 : i32
    %and3A_2403 = vector.broadcast %and3A_2402 : i32 to vector<16xi32>
    %and3A_2404 = arith.andi %bitcast_convert_type3A_2395, %and3A_2403 : vector<16xi32>
    %or3A_2405 = arith.constant 1065353216 : i32
    %or3A_2406 = vector.broadcast %or3A_2405 : i32 to vector<16xi32>
    %or3A_2407 = arith.ori %and3A_2404, %or3A_2406 : vector<16xi32>
    %bitcast_convert_type3A_2408 = tpu.bitcast %or3A_2407 : vector<16xi32> -> vector<16xf32>
    %ge3A_2409 = arith.constant 1.41421354 : f32
    %ge3A_2410 = vector.broadcast %ge3A_2409 : f32 to vector<16xf32>
    %ge3A_2411 = arith.cmpf oge, %bitcast_convert_type3A_2408, %ge3A_2410 : vector<16xf32>
    %add3A_2412 = arith.constant 1 : i32
    %add3A_2413 = vector.broadcast %add3A_2412 : i32 to vector<16xi32>
    %add3A_2414 = arith.addi %sub3A_2401, %add3A_2413 : vector<16xi32>
    %select_n3A_2415 = arith.select %ge3A_2411, %add3A_2414, %sub3A_2401 : vector<16xi1>, vector<16xi32>
    %mul3A_2416 = arith.constant 5.000000e-01 : f32
    %mul3A_2417 = vector.broadcast %mul3A_2416 : f32 to vector<16xf32>
    %mul3A_2418 = arith.mulf %bitcast_convert_type3A_2408, %mul3A_2417 : vector<16xf32>
    %select_n3A_2419 = arith.select %ge3A_2411, %mul3A_2418, %bitcast_convert_type3A_2408 : vector<16xi1>, vector<16xf32>
    %sub3A_2420 = arith.constant 1.000000e+00 : f32
    %sub3A_2421 = vector.broadcast %sub3A_2420 : f32 to vector<16xf32>
    %sub3A_2422 = arith.subf %select_n3A_2419, %sub3A_2421 : vector<16xf32>
    %add3A_2423 = arith.constant 1.000000e+00 : f32
    %add3A_2424 = vector.broadcast %add3A_2423 : f32 to vector<16xf32>
    %add3A_2425 = arith.addf %select_n3A_2419, %add3A_2424 : vector<16xf32>
    %div3A_2426 = arith.divf %sub3A_2422, %add3A_2425 : vector<16xf32>
    %mul3A_2427 = arith.mulf %div3A_2426, %div3A_2426 : vector<16xf32>
    %mul3A_2428 = arith.constant 0.285714298 : f32
    %mul3A_2429 = vector.broadcast %mul3A_2428 : f32 to vector<16xf32>
    %mul3A_2430 = arith.mulf %mul3A_2427, %mul3A_2429 : vector<16xf32>
    %add3A_2431 = arith.constant 4.000000e-01 : f32
    %add3A_2432 = vector.broadcast %add3A_2431 : f32 to vector<16xf32>
    %add3A_2433 = arith.addf %add3A_2432, %mul3A_2430 : vector<16xf32>
    %mul3A_2434 = arith.mulf %mul3A_2427, %add3A_2433 : vector<16xf32>
    %add3A_2435 = arith.constant 0.666666686 : f32
    %add3A_2436 = vector.broadcast %add3A_2435 : f32 to vector<16xf32>
    %add3A_2437 = arith.addf %add3A_2436, %mul3A_2434 : vector<16xf32>
    %mul3A_2438 = arith.mulf %mul3A_2427, %add3A_2437 : vector<16xf32>
    %add3A_2439 = arith.constant 2.000000e+00 : f32
    %add3A_2440 = vector.broadcast %add3A_2439 : f32 to vector<16xf32>
    %add3A_2441 = arith.addf %add3A_2440, %mul3A_2438 : vector<16xf32>
    %mul3A_2442 = arith.mulf %div3A_2426, %add3A_2441 : vector<16xf32>
    %convert_element_type3A_2443 = arith.sitofp %select_n3A_2415 : vector<16xi32> to vector<16xf32>
    %mul3A_2444 = arith.constant 0.693147182 : f32
    %mul3A_2445 = vector.broadcast %mul3A_2444 : f32 to vector<16xf32>
    %mul3A_2446 = arith.mulf %convert_element_type3A_2443, %mul3A_2445 : vector<16xf32>
    %add3A_2447 = arith.addf %mul3A_2442, %mul3A_2446 : vector<16xf32>
    %mul3A_2448 = arith.mulf %get3A_2391, %add3A_2447 : vector<16xf32>
    %add3A_2449 = arith.addf %add3A_2388, %mul3A_2448 : vector<16xf32>
    %get3A_2450 = arith.constant 256 : index
    %get3A_2451 = tpu.vector_load %arg7[%get3A_2450] {strides = array<i32>} : memref<512xf32, #tpu.memory_space<vmem>>, vector<16xf32>,
    %get3A_2452 = vector.shape_cast %get3A_2451 : vector<16xf32> to vector<16xf32>
    %add3A_2453 = arith.constant 2.000000e-38 : f32
    %add3A_2454 = vector.broadcast %add3A_2453 : f32 to vector<16xf32>
    %add3A_2455 = arith.addf %get3A_2452, %add3A_2454 : vector<16xf32>
    %bitcast_convert_type3A_2456 = tpu.bitcast %add3A_2455 : vector<16xf32> -> vector<16xi32>
    %shift_right_logical3A_2457 = arith.constant 23 : i32
    %shift_right_logical3A_2458 = vector.broadcast %shift_right_logical3A_2457 : i32 to vector<16xi32>
    %shift_right_logical3A_2459 = arith.shrui %bitcast_convert_type3A_2456, %shift_right_logical3A_2458 : vector<16xi32>
    %sub3A_2460 = arith.constant 127 : i32
    %sub3A_2461 = vector.broadcast %sub3A_2460 : i32 to vector<16xi32>
    %sub3A_2462 = arith.subi %shift_right_logical3A_2459, %sub3A_2461 : vector<16xi32>
    %and3A_2463 = arith.constant 8388607 : i32
    %and3A_2464 = vector.broadcast %and3A_2463 : i32 to vector<16xi32>
    %and3A_2465 = arith.andi %bitcast_convert_type3A_2456, %and3A_2464 : vector<16xi32>
    %or3A_2466 = arith.constant 1065353216 : i32
    %or3A_2467 = vector.broadcast %or3A_2466 : i32 to vector<16xi32>
    %or3A_2468 = arith.ori %and3A_2465, %or3A_2467 : vector<16xi32>
    %bitcast_convert_type3A_2469 = tpu.bitcast %or3A_2468 : vector<16xi32> -> vector<16xf32>
    %ge3A_2470 = arith.constant 1.41421354 : f32
    %ge3A_2471 = vector.broadcast %ge3A_2470 : f32 to vector<16xf32>
    %ge3A_2472 = arith.cmpf oge, %bitcast_convert_type3A_2469, %ge3A_2471 : vector<16xf32>
    %add3A_2473 = arith.constant 1 : i32
    %add3A_2474 = vector.broadcast %add3A_2473 : i32 to vector<16xi32>
    %add3A_2475 = arith.addi %sub3A_2462, %add3A_2474 : vector<16xi32>
    %select_n3A_2476 = arith.select %ge3A_2472, %add3A_2475, %sub3A_2462 : vector<16xi1>, vector<16xi32>
    %mul3A_2477 = arith.constant 5.000000e-01 : f32
    %mul3A_2478 = vector.broadcast %mul3A_2477 : f32 to vector<16xf32>
    %mul3A_2479 = arith.mulf %bitcast_convert_type3A_2469, %mul3A_2478 : vector<16xf32>
    %select_n3A_2480 = arith.select %ge3A_2472, %mul3A_2479, %bitcast_convert_type3A_2469 : vector<16xi1>, vector<16xf32>
    %sub3A_2481 = arith.constant 1.000000e+00 : f32
    %sub3A_2482 = vector.broadcast %sub3A_2481 : f32 to vector<16xf32>
    %sub3A_2483 = arith.subf %select_n3A_2480, %sub3A_2482 : vector<16xf32>
    %add3A_2484 = arith.constant 1.000000e+00 : f32
    %add3A_2485 = vector.broadcast %add3A_2484 : f32 to vector<16xf32>
    %add3A_2486 = arith.addf %select_n3A_2480, %add3A_2485 : vector<16xf32>
    %div3A_2487 = arith.divf %sub3A_2483, %add3A_2486 : vector<16xf32>
    %mul3A_2488 = arith.mulf %div3A_2487, %div3A_2487 : vector<16xf32>
    %mul3A_2489 = arith.constant 0.285714298 : f32
    %mul3A_2490 = vector.broadcast %mul3A_2489 : f32 to vector<16xf32>
    %mul3A_2491 = arith.mulf %mul3A_2488, %mul3A_2490 : vector<16xf32>
    %add3A_2492 = arith.constant 4.000000e-01 : f32
    %add3A_2493 = vector.broadcast %add3A_2492 : f32 to vector<16xf32>
    %add3A_2494 = arith.addf %add3A_2493, %mul3A_2491 : vector<16xf32>
    %mul3A_2495 = arith.mulf %mul3A_2488, %add3A_2494 : vector<16xf32>
    %add3A_2496 = arith.constant 0.666666686 : f32
    %add3A_2497 = vector.broadcast %add3A_2496 : f32 to vector<16xf32>
    %add3A_2498 = arith.addf %add3A_2497, %mul3A_2495 : vector<16xf32>
    %mul3A_2499 = arith.mulf %mul3A_2488, %add3A_2498 : vector<16xf32>
    %add3A_2500 = arith.constant 2.000000e+00 : f32
    %add3A_2501 = vector.broadcast %add3A_2500 : f32 to vector<16xf32>
    %add3A_2502 = arith.addf %add3A_2501, %mul3A_2499 : vector<16xf32>
    %mul3A_2503 = arith.mulf %div3A_2487, %add3A_2502 : vector<16xf32>
    %convert_element_type3A_2504 = arith.sitofp %select_n3A_2476 : vector<16xi32> to vector<16xf32>
    %mul3A_2505 = arith.constant 0.693147182 : f32
    %mul3A_2506 = vector.broadcast %mul3A_2505 : f32 to vector<16xf32>
    %mul3A_2507 = arith.mulf %convert_element_type3A_2504, %mul3A_2506 : vector<16xf32>
    %add3A_2508 = arith.addf %mul3A_2503, %mul3A_2507 : vector<16xf32>
    %mul3A_2509 = arith.mulf %get3A_2452, %add3A_2508 : vector<16xf32>
    %add3A_2510 = arith.addf %add3A_2449, %mul3A_2509 : vector<16xf32>
    %get3A_2511 = arith.constant 272 : index
    %get3A_2512 = tpu.vector_load %arg7[%get3A_2511] {strides = array<i32>} : memref<512xf32, #tpu.memory_space<vmem>>, vector<16xf32>,
    %get3A_2513 = vector.shape_cast %get3A_2512 : vector<16xf32> to vector<16xf32>
    %add3A_2514 = arith.constant 2.000000e-38 : f32
    %add3A_2515 = vector.broadcast %add3A_2514 : f32 to vector<16xf32>
    %add3A_2516 = arith.addf %get3A_2513, %add3A_2515 : vector<16xf32>
    %bitcast_convert_type3A_2517 = tpu.bitcast %add3A_2516 : vector<16xf32> -> vector<16xi32>
    %shift_right_logical3A_2518 = arith.constant 23 : i32
    %shift_right_logical3A_2519 = vector.broadcast %shift_right_logical3A_2518 : i32 to vector<16xi32>
    %shift_right_logical3A_2520 = arith.shrui %bitcast_convert_type3A_2517, %shift_right_logical3A_2519 : vector<16xi32>
    %sub3A_2521 = arith.constant 127 : i32
    %sub3A_2522 = vector.broadcast %sub3A_2521 : i32 to vector<16xi32>
    %sub3A_2523 = arith.subi %shift_right_logical3A_2520, %sub3A_2522 : vector<16xi32>
    %and3A_2524 = arith.constant 8388607 : i32
    %and3A_2525 = vector.broadcast %and3A_2524 : i32 to vector<16xi32>
    %and3A_2526 = arith.andi %bitcast_convert_type3A_2517, %and3A_2525 : vector<16xi32>
    %or3A_2527 = arith.constant 1065353216 : i32
    %or3A_2528 = vector.broadcast %or3A_2527 : i32 to vector<16xi32>
    %or3A_2529 = arith.ori %and3A_2526, %or3A_2528 : vector<16xi32>
    %bitcast_convert_type3A_2530 = tpu.bitcast %or3A_2529 : vector<16xi32> -> vector<16xf32>
    %ge3A_2531 = arith.constant 1.41421354 : f32
    %ge3A_2532 = vector.broadcast %ge3A_2531 : f32 to vector<16xf32>
    %ge3A_2533 = arith.cmpf oge, %bitcast_convert_type3A_2530, %ge3A_2532 : vector<16xf32>
    %add3A_2534 = arith.constant 1 : i32
    %add3A_2535 = vector.broadcast %add3A_2534 : i32 to vector<16xi32>
    %add3A_2536 = arith.addi %sub3A_2523, %add3A_2535 : vector<16xi32>
    %select_n3A_2537 = arith.select %ge3A_2533, %add3A_2536, %sub3A_2523 : vector<16xi1>, vector<16xi32>
    %mul3A_2538 = arith.constant 5.000000e-01 : f32
    %mul3A_2539 = vector.broadcast %mul3A_2538 : f32 to vector<16xf32>
    %mul3A_2540 = arith.mulf %bitcast_convert_type3A_2530, %mul3A_2539 : vector<16xf32>
    %select_n3A_2541 = arith.select %ge3A_2533, %mul3A_2540, %bitcast_convert_type3A_2530 : vector<16xi1>, vector<16xf32>
    %sub3A_2542 = arith.constant 1.000000e+00 : f32
    %sub3A_2543 = vector.broadcast %sub3A_2542 : f32 to vector<16xf32>
    %sub3A_2544 = arith.subf %select_n3A_2541, %sub3A_2543 : vector<16xf32>
    %add3A_2545 = arith.constant 1.000000e+00 : f32
    %add3A_2546 = vector.broadcast %add3A_2545 : f32 to vector<16xf32>
    %add3A_2547 = arith.addf %select_n3A_2541, %add3A_2546 : vector<16xf32>
    %div3A_2548 = arith.divf %sub3A_2544, %add3A_2547 : vector<16xf32>
    %mul3A_2549 = arith.mulf %div3A_2548, %div3A_2548 : vector<16xf32>
    %mul3A_2550 = arith.constant 0.285714298 : f32
    %mul3A_2551 = vector.broadcast %mul3A_2550 : f32 to vector<16xf32>
    %mul3A_2552 = arith.mulf %mul3A_2549, %mul3A_2551 : vector<16xf32>
    %add3A_2553 = arith.constant 4.000000e-01 : f32
    %add3A_2554 = vector.broadcast %add3A_2553 : f32 to vector<16xf32>
    %add3A_2555 = arith.addf %add3A_2554, %mul3A_2552 : vector<16xf32>
    %mul3A_2556 = arith.mulf %mul3A_2549, %add3A_2555 : vector<16xf32>
    %add3A_2557 = arith.constant 0.666666686 : f32
    %add3A_2558 = vector.broadcast %add3A_2557 : f32 to vector<16xf32>
    %add3A_2559 = arith.addf %add3A_2558, %mul3A_2556 : vector<16xf32>
    %mul3A_2560 = arith.mulf %mul3A_2549, %add3A_2559 : vector<16xf32>
    %add3A_2561 = arith.constant 2.000000e+00 : f32
    %add3A_2562 = vector.broadcast %add3A_2561 : f32 to vector<16xf32>
    %add3A_2563 = arith.addf %add3A_2562, %mul3A_2560 : vector<16xf32>
    %mul3A_2564 = arith.mulf %div3A_2548, %add3A_2563 : vector<16xf32>
    %convert_element_type3A_2565 = arith.sitofp %select_n3A_2537 : vector<16xi32> to vector<16xf32>
    %mul3A_2566 = arith.constant 0.693147182 : f32
    %mul3A_2567 = vector.broadcast %mul3A_2566 : f32 to vector<16xf32>
    %mul3A_2568 = arith.mulf %convert_element_type3A_2565, %mul3A_2567 : vector<16xf32>
    %add3A_2569 = arith.addf %mul3A_2564, %mul3A_2568 : vector<16xf32>
    %mul3A_2570 = arith.mulf %get3A_2513, %add3A_2569 : vector<16xf32>
    %add3A_2571 = arith.addf %add3A_2510, %mul3A_2570 : vector<16xf32>
    %get3A_2572 = arith.constant 288 : index
    %get3A_2573 = tpu.vector_load %arg7[%get3A_2572] {strides = array<i32>} : memref<512xf32, #tpu.memory_space<vmem>>, vector<16xf32>,
    %get3A_2574 = vector.shape_cast %get3A_2573 : vector<16xf32> to vector<16xf32>
    %add3A_2575 = arith.constant 2.000000e-38 : f32
    %add3A_2576 = vector.broadcast %add3A_2575 : f32 to vector<16xf32>
    %add3A_2577 = arith.addf %get3A_2574, %add3A_2576 : vector<16xf32>
    %bitcast_convert_type3A_2578 = tpu.bitcast %add3A_2577 : vector<16xf32> -> vector<16xi32>
    %shift_right_logical3A_2579 = arith.constant 23 : i32
    %shift_right_logical3A_2580 = vector.broadcast %shift_right_logical3A_2579 : i32 to vector<16xi32>
    %shift_right_logical3A_2581 = arith.shrui %bitcast_convert_type3A_2578, %shift_right_logical3A_2580 : vector<16xi32>
    %sub3A_2582 = arith.constant 127 : i32
    %sub3A_2583 = vector.broadcast %sub3A_2582 : i32 to vector<16xi32>
    %sub3A_2584 = arith.subi %shift_right_logical3A_2581, %sub3A_2583 : vector<16xi32>
    %and3A_2585 = arith.constant 8388607 : i32
    %and3A_2586 = vector.broadcast %and3A_2585 : i32 to vector<16xi32>
    %and3A_2587 = arith.andi %bitcast_convert_type3A_2578, %and3A_2586 : vector<16xi32>
    %or3A_2588 = arith.constant 1065353216 : i32
    %or3A_2589 = vector.broadcast %or3A_2588 : i32 to vector<16xi32>
    %or3A_2590 = arith.ori %and3A_2587, %or3A_2589 : vector<16xi32>
    %bitcast_convert_type3A_2591 = tpu.bitcast %or3A_2590 : vector<16xi32> -> vector<16xf32>
    %ge3A_2592 = arith.constant 1.41421354 : f32
    %ge3A_2593 = vector.broadcast %ge3A_2592 : f32 to vector<16xf32>
    %ge3A_2594 = arith.cmpf oge, %bitcast_convert_type3A_2591, %ge3A_2593 : vector<16xf32>
    %add3A_2595 = arith.constant 1 : i32
    %add3A_2596 = vector.broadcast %add3A_2595 : i32 to vector<16xi32>
    %add3A_2597 = arith.addi %sub3A_2584, %add3A_2596 : vector<16xi32>
    %select_n3A_2598 = arith.select %ge3A_2594, %add3A_2597, %sub3A_2584 : vector<16xi1>, vector<16xi32>
    %mul3A_2599 = arith.constant 5.000000e-01 : f32
    %mul3A_2600 = vector.broadcast %mul3A_2599 : f32 to vector<16xf32>
    %mul3A_2601 = arith.mulf %bitcast_convert_type3A_2591, %mul3A_2600 : vector<16xf32>
    %select_n3A_2602 = arith.select %ge3A_2594, %mul3A_2601, %bitcast_convert_type3A_2591 : vector<16xi1>, vector<16xf32>
    %sub3A_2603 = arith.constant 1.000000e+00 : f32
    %sub3A_2604 = vector.broadcast %sub3A_2603 : f32 to vector<16xf32>
    %sub3A_2605 = arith.subf %select_n3A_2602, %sub3A_2604 : vector<16xf32>
    %add3A_2606 = arith.constant 1.000000e+00 : f32
    %add3A_2607 = vector.broadcast %add3A_2606 : f32 to vector<16xf32>
    %add3A_2608 = arith.addf %select_n3A_2602, %add3A_2607 : vector<16xf32>
    %div3A_2609 = arith.divf %sub3A_2605, %add3A_2608 : vector<16xf32>
    %mul3A_2610 = arith.mulf %div3A_2609, %div3A_2609 : vector<16xf32>
    %mul3A_2611 = arith.constant 0.285714298 : f32
    %mul3A_2612 = vector.broadcast %mul3A_2611 : f32 to vector<16xf32>
    %mul3A_2613 = arith.mulf %mul3A_2610, %mul3A_2612 : vector<16xf32>
    %add3A_2614 = arith.constant 4.000000e-01 : f32
    %add3A_2615 = vector.broadcast %add3A_2614 : f32 to vector<16xf32>
    %add3A_2616 = arith.addf %add3A_2615, %mul3A_2613 : vector<16xf32>
    %mul3A_2617 = arith.mulf %mul3A_2610, %add3A_2616 : vector<16xf32>
    %add3A_2618 = arith.constant 0.666666686 : f32
    %add3A_2619 = vector.broadcast %add3A_2618 : f32 to vector<16xf32>
    %add3A_2620 = arith.addf %add3A_2619, %mul3A_2617 : vector<16xf32>
    %mul3A_2621 = arith.mulf %mul3A_2610, %add3A_2620 : vector<16xf32>
    %add3A_2622 = arith.constant 2.000000e+00 : f32
    %add3A_2623 = vector.broadcast %add3A_2622 : f32 to vector<16xf32>
    %add3A_2624 = arith.addf %add3A_2623, %mul3A_2621 : vector<16xf32>
    %mul3A_2625 = arith.mulf %div3A_2609, %add3A_2624 : vector<16xf32>
    %convert_element_type3A_2626 = arith.sitofp %select_n3A_2598 : vector<16xi32> to vector<16xf32>
    %mul3A_2627 = arith.constant 0.693147182 : f32
    %mul3A_2628 = vector.broadcast %mul3A_2627 : f32 to vector<16xf32>
    %mul3A_2629 = arith.mulf %convert_element_type3A_2626, %mul3A_2628 : vector<16xf32>
    %add3A_2630 = arith.addf %mul3A_2625, %mul3A_2629 : vector<16xf32>
    %mul3A_2631 = arith.mulf %get3A_2574, %add3A_2630 : vector<16xf32>
    %add3A_2632 = arith.addf %add3A_2571, %mul3A_2631 : vector<16xf32>
    %get3A_2633 = arith.constant 304 : index
    %get3A_2634 = tpu.vector_load %arg7[%get3A_2633] {strides = array<i32>} : memref<512xf32, #tpu.memory_space<vmem>>, vector<16xf32>,
    %get3A_2635 = vector.shape_cast %get3A_2634 : vector<16xf32> to vector<16xf32>
    %add3A_2636 = arith.constant 2.000000e-38 : f32
    %add3A_2637 = vector.broadcast %add3A_2636 : f32 to vector<16xf32>
    %add3A_2638 = arith.addf %get3A_2635, %add3A_2637 : vector<16xf32>
    %bitcast_convert_type3A_2639 = tpu.bitcast %add3A_2638 : vector<16xf32> -> vector<16xi32>
    %shift_right_logical3A_2640 = arith.constant 23 : i32
    %shift_right_logical3A_2641 = vector.broadcast %shift_right_logical3A_2640 : i32 to vector<16xi32>
    %shift_right_logical3A_2642 = arith.shrui %bitcast_convert_type3A_2639, %shift_right_logical3A_2641 : vector<16xi32>
    %sub3A_2643 = arith.constant 127 : i32
    %sub3A_2644 = vector.broadcast %sub3A_2643 : i32 to vector<16xi32>
    %sub3A_2645 = arith.subi %shift_right_logical3A_2642, %sub3A_2644 : vector<16xi32>
    %and3A_2646 = arith.constant 8388607 : i32
    %and3A_2647 = vector.broadcast %and3A_2646 : i32 to vector<16xi32>
    %and3A_2648 = arith.andi %bitcast_convert_type3A_2639, %and3A_2647 : vector<16xi32>
    %or3A_2649 = arith.constant 1065353216 : i32
    %or3A_2650 = vector.broadcast %or3A_2649 : i32 to vector<16xi32>
    %or3A_2651 = arith.ori %and3A_2648, %or3A_2650 : vector<16xi32>
    %bitcast_convert_type3A_2652 = tpu.bitcast %or3A_2651 : vector<16xi32> -> vector<16xf32>
    %ge3A_2653 = arith.constant 1.41421354 : f32
    %ge3A_2654 = vector.broadcast %ge3A_2653 : f32 to vector<16xf32>
    %ge3A_2655 = arith.cmpf oge, %bitcast_convert_type3A_2652, %ge3A_2654 : vector<16xf32>
    %add3A_2656 = arith.constant 1 : i32
    %add3A_2657 = vector.broadcast %add3A_2656 : i32 to vector<16xi32>
    %add3A_2658 = arith.addi %sub3A_2645, %add3A_2657 : vector<16xi32>
    %select_n3A_2659 = arith.select %ge3A_2655, %add3A_2658, %sub3A_2645 : vector<16xi1>, vector<16xi32>
    %mul3A_2660 = arith.constant 5.000000e-01 : f32
    %mul3A_2661 = vector.broadcast %mul3A_2660 : f32 to vector<16xf32>
    %mul3A_2662 = arith.mulf %bitcast_convert_type3A_2652, %mul3A_2661 : vector<16xf32>
    %select_n3A_2663 = arith.select %ge3A_2655, %mul3A_2662, %bitcast_convert_type3A_2652 : vector<16xi1>, vector<16xf32>
    %sub3A_2664 = arith.constant 1.000000e+00 : f32
    %sub3A_2665 = vector.broadcast %sub3A_2664 : f32 to vector<16xf32>
    %sub3A_2666 = arith.subf %select_n3A_2663, %sub3A_2665 : vector<16xf32>
    %add3A_2667 = arith.constant 1.000000e+00 : f32
    %add3A_2668 = vector.broadcast %add3A_2667 : f32 to vector<16xf32>
    %add3A_2669 = arith.addf %select_n3A_2663, %add3A_2668 : vector<16xf32>
    %div3A_2670 = arith.divf %sub3A_2666, %add3A_2669 : vector<16xf32>
    %mul3A_2671 = arith.mulf %div3A_2670, %div3A_2670 : vector<16xf32>
    %mul3A_2672 = arith.constant 0.285714298 : f32
    %mul3A_2673 = vector.broadcast %mul3A_2672 : f32 to vector<16xf32>
    %mul3A_2674 = arith.mulf %mul3A_2671, %mul3A_2673 : vector<16xf32>
    %add3A_2675 = arith.constant 4.000000e-01 : f32
    %add3A_2676 = vector.broadcast %add3A_2675 : f32 to vector<16xf32>
    %add3A_2677 = arith.addf %add3A_2676, %mul3A_2674 : vector<16xf32>
    %mul3A_2678 = arith.mulf %mul3A_2671, %add3A_2677 : vector<16xf32>
    %add3A_2679 = arith.constant 0.666666686 : f32
    %add3A_2680 = vector.broadcast %add3A_2679 : f32 to vector<16xf32>
    %add3A_2681 = arith.addf %add3A_2680, %mul3A_2678 : vector<16xf32>
    %mul3A_2682 = arith.mulf %mul3A_2671, %add3A_2681 : vector<16xf32>
    %add3A_2683 = arith.constant 2.000000e+00 : f32
    %add3A_2684 = vector.broadcast %add3A_2683 : f32 to vector<16xf32>
    %add3A_2685 = arith.addf %add3A_2684, %mul3A_2682 : vector<16xf32>
    %mul3A_2686 = arith.mulf %div3A_2670, %add3A_2685 : vector<16xf32>
    %convert_element_type3A_2687 = arith.sitofp %select_n3A_2659 : vector<16xi32> to vector<16xf32>
    %mul3A_2688 = arith.constant 0.693147182 : f32
    %mul3A_2689 = vector.broadcast %mul3A_2688 : f32 to vector<16xf32>
    %mul3A_2690 = arith.mulf %convert_element_type3A_2687, %mul3A_2689 : vector<16xf32>
    %add3A_2691 = arith.addf %mul3A_2686, %mul3A_2690 : vector<16xf32>
    %mul3A_2692 = arith.mulf %get3A_2635, %add3A_2691 : vector<16xf32>
    %add3A_2693 = arith.addf %add3A_2632, %mul3A_2692 : vector<16xf32>
    %get3A_2694 = arith.constant 320 : index
    %get3A_2695 = tpu.vector_load %arg7[%get3A_2694] {strides = array<i32>} : memref<512xf32, #tpu.memory_space<vmem>>, vector<16xf32>,
    %get3A_2696 = vector.shape_cast %get3A_2695 : vector<16xf32> to vector<16xf32>
    %add3A_2697 = arith.constant 2.000000e-38 : f32
    %add3A_2698 = vector.broadcast %add3A_2697 : f32 to vector<16xf32>
    %add3A_2699 = arith.addf %get3A_2696, %add3A_2698 : vector<16xf32>
    %bitcast_convert_type3A_2700 = tpu.bitcast %add3A_2699 : vector<16xf32> -> vector<16xi32>
    %shift_right_logical3A_2701 = arith.constant 23 : i32
    %shift_right_logical3A_2702 = vector.broadcast %shift_right_logical3A_2701 : i32 to vector<16xi32>
    %shift_right_logical3A_2703 = arith.shrui %bitcast_convert_type3A_2700, %shift_right_logical3A_2702 : vector<16xi32>
    %sub3A_2704 = arith.constant 127 : i32
    %sub3A_2705 = vector.broadcast %sub3A_2704 : i32 to vector<16xi32>
    %sub3A_2706 = arith.subi %shift_right_logical3A_2703, %sub3A_2705 : vector<16xi32>
    %and3A_2707 = arith.constant 8388607 : i32
    %and3A_2708 = vector.broadcast %and3A_2707 : i32 to vector<16xi32>
    %and3A_2709 = arith.andi %bitcast_convert_type3A_2700, %and3A_2708 : vector<16xi32>
    %or3A_2710 = arith.constant 1065353216 : i32
    %or3A_2711 = vector.broadcast %or3A_2710 : i32 to vector<16xi32>
    %or3A_2712 = arith.ori %and3A_2709, %or3A_2711 : vector<16xi32>
    %bitcast_convert_type3A_2713 = tpu.bitcast %or3A_2712 : vector<16xi32> -> vector<16xf32>
    %ge3A_2714 = arith.constant 1.41421354 : f32
    %ge3A_2715 = vector.broadcast %ge3A_2714 : f32 to vector<16xf32>
    %ge3A_2716 = arith.cmpf oge, %bitcast_convert_type3A_2713, %ge3A_2715 : vector<16xf32>
    %add3A_2717 = arith.constant 1 : i32
    %add3A_2718 = vector.broadcast %add3A_2717 : i32 to vector<16xi32>
    %add3A_2719 = arith.addi %sub3A_2706, %add3A_2718 : vector<16xi32>
    %select_n3A_2720 = arith.select %ge3A_2716, %add3A_2719, %sub3A_2706 : vector<16xi1>, vector<16xi32>
    %mul3A_2721 = arith.constant 5.000000e-01 : f32
    %mul3A_2722 = vector.broadcast %mul3A_2721 : f32 to vector<16xf32>
    %mul3A_2723 = arith.mulf %bitcast_convert_type3A_2713, %mul3A_2722 : vector<16xf32>
    %select_n3A_2724 = arith.select %ge3A_2716, %mul3A_2723, %bitcast_convert_type3A_2713 : vector<16xi1>, vector<16xf32>
    %sub3A_2725 = arith.constant 1.000000e+00 : f32
    %sub3A_2726 = vector.broadcast %sub3A_2725 : f32 to vector<16xf32>
    %sub3A_2727 = arith.subf %select_n3A_2724, %sub3A_2726 : vector<16xf32>
    %add3A_2728 = arith.constant 1.000000e+00 : f32
    %add3A_2729 = vector.broadcast %add3A_2728 : f32 to vector<16xf32>
    %add3A_2730 = arith.addf %select_n3A_2724, %add3A_2729 : vector<16xf32>
    %div3A_2731 = arith.divf %sub3A_2727, %add3A_2730 : vector<16xf32>
    %mul3A_2732 = arith.mulf %div3A_2731, %div3A_2731 : vector<16xf32>
    %mul3A_2733 = arith.constant 0.285714298 : f32
    %mul3A_2734 = vector.broadcast %mul3A_2733 : f32 to vector<16xf32>
    %mul3A_2735 = arith.mulf %mul3A_2732, %mul3A_2734 : vector<16xf32>
    %add3A_2736 = arith.constant 4.000000e-01 : f32
    %add3A_2737 = vector.broadcast %add3A_2736 : f32 to vector<16xf32>
    %add3A_2738 = arith.addf %add3A_2737, %mul3A_2735 : vector<16xf32>
    %mul3A_2739 = arith.mulf %mul3A_2732, %add3A_2738 : vector<16xf32>
    %add3A_2740 = arith.constant 0.666666686 : f32
    %add3A_2741 = vector.broadcast %add3A_2740 : f32 to vector<16xf32>
    %add3A_2742 = arith.addf %add3A_2741, %mul3A_2739 : vector<16xf32>
    %mul3A_2743 = arith.mulf %mul3A_2732, %add3A_2742 : vector<16xf32>
    %add3A_2744 = arith.constant 2.000000e+00 : f32
    %add3A_2745 = vector.broadcast %add3A_2744 : f32 to vector<16xf32>
    %add3A_2746 = arith.addf %add3A_2745, %mul3A_2743 : vector<16xf32>
    %mul3A_2747 = arith.mulf %div3A_2731, %add3A_2746 : vector<16xf32>
    %convert_element_type3A_2748 = arith.sitofp %select_n3A_2720 : vector<16xi32> to vector<16xf32>
    %mul3A_2749 = arith.constant 0.693147182 : f32
    %mul3A_2750 = vector.broadcast %mul3A_2749 : f32 to vector<16xf32>
    %mul3A_2751 = arith.mulf %convert_element_type3A_2748, %mul3A_2750 : vector<16xf32>
    %add3A_2752 = arith.addf %mul3A_2747, %mul3A_2751 : vector<16xf32>
    %mul3A_2753 = arith.mulf %get3A_2696, %add3A_2752 : vector<16xf32>
    %add3A_2754 = arith.addf %add3A_2693, %mul3A_2753 : vector<16xf32>
    %get3A_2755 = arith.constant 336 : index
    %get3A_2756 = tpu.vector_load %arg7[%get3A_2755] {strides = array<i32>} : memref<512xf32, #tpu.memory_space<vmem>>, vector<16xf32>,
    %get3A_2757 = vector.shape_cast %get3A_2756 : vector<16xf32> to vector<16xf32>
    %add3A_2758 = arith.constant 2.000000e-38 : f32
    %add3A_2759 = vector.broadcast %add3A_2758 : f32 to vector<16xf32>
    %add3A_2760 = arith.addf %get3A_2757, %add3A_2759 : vector<16xf32>
    %bitcast_convert_type3A_2761 = tpu.bitcast %add3A_2760 : vector<16xf32> -> vector<16xi32>
    %shift_right_logical3A_2762 = arith.constant 23 : i32
    %shift_right_logical3A_2763 = vector.broadcast %shift_right_logical3A_2762 : i32 to vector<16xi32>
    %shift_right_logical3A_2764 = arith.shrui %bitcast_convert_type3A_2761, %shift_right_logical3A_2763 : vector<16xi32>
    %sub3A_2765 = arith.constant 127 : i32
    %sub3A_2766 = vector.broadcast %sub3A_2765 : i32 to vector<16xi32>
    %sub3A_2767 = arith.subi %shift_right_logical3A_2764, %sub3A_2766 : vector<16xi32>
    %and3A_2768 = arith.constant 8388607 : i32
    %and3A_2769 = vector.broadcast %and3A_2768 : i32 to vector<16xi32>
    %and3A_2770 = arith.andi %bitcast_convert_type3A_2761, %and3A_2769 : vector<16xi32>
    %or3A_2771 = arith.constant 1065353216 : i32
    %or3A_2772 = vector.broadcast %or3A_2771 : i32 to vector<16xi32>
    %or3A_2773 = arith.ori %and3A_2770, %or3A_2772 : vector<16xi32>
    %bitcast_convert_type3A_2774 = tpu.bitcast %or3A_2773 : vector<16xi32> -> vector<16xf32>
    %ge3A_2775 = arith.constant 1.41421354 : f32
    %ge3A_2776 = vector.broadcast %ge3A_2775 : f32 to vector<16xf32>
    %ge3A_2777 = arith.cmpf oge, %bitcast_convert_type3A_2774, %ge3A_2776 : vector<16xf32>
    %add3A_2778 = arith.constant 1 : i32
    %add3A_2779 = vector.broadcast %add3A_2778 : i32 to vector<16xi32>
    %add3A_2780 = arith.addi %sub3A_2767, %add3A_2779 : vector<16xi32>
    %select_n3A_2781 = arith.select %ge3A_2777, %add3A_2780, %sub3A_2767 : vector<16xi1>, vector<16xi32>
    %mul3A_2782 = arith.constant 5.000000e-01 : f32
    %mul3A_2783 = vector.broadcast %mul3A_2782 : f32 to vector<16xf32>
    %mul3A_2784 = arith.mulf %bitcast_convert_type3A_2774, %mul3A_2783 : vector<16xf32>
    %select_n3A_2785 = arith.select %ge3A_2777, %mul3A_2784, %bitcast_convert_type3A_2774 : vector<16xi1>, vector<16xf32>
    %sub3A_2786 = arith.constant 1.000000e+00 : f32
    %sub3A_2787 = vector.broadcast %sub3A_2786 : f32 to vector<16xf32>
    %sub3A_2788 = arith.subf %select_n3A_2785, %sub3A_2787 : vector<16xf32>
    %add3A_2789 = arith.constant 1.000000e+00 : f32
    %add3A_2790 = vector.broadcast %add3A_2789 : f32 to vector<16xf32>
    %add3A_2791 = arith.addf %select_n3A_2785, %add3A_2790 : vector<16xf32>
    %div3A_2792 = arith.divf %sub3A_2788, %add3A_2791 : vector<16xf32>
    %mul3A_2793 = arith.mulf %div3A_2792, %div3A_2792 : vector<16xf32>
    %mul3A_2794 = arith.constant 0.285714298 : f32
    %mul3A_2795 = vector.broadcast %mul3A_2794 : f32 to vector<16xf32>
    %mul3A_2796 = arith.mulf %mul3A_2793, %mul3A_2795 : vector<16xf32>
    %add3A_2797 = arith.constant 4.000000e-01 : f32
    %add3A_2798 = vector.broadcast %add3A_2797 : f32 to vector<16xf32>
    %add3A_2799 = arith.addf %add3A_2798, %mul3A_2796 : vector<16xf32>
    %mul3A_2800 = arith.mulf %mul3A_2793, %add3A_2799 : vector<16xf32>
    %add3A_2801 = arith.constant 0.666666686 : f32
    %add3A_2802 = vector.broadcast %add3A_2801 : f32 to vector<16xf32>
    %add3A_2803 = arith.addf %add3A_2802, %mul3A_2800 : vector<16xf32>
    %mul3A_2804 = arith.mulf %mul3A_2793, %add3A_2803 : vector<16xf32>
    %add3A_2805 = arith.constant 2.000000e+00 : f32
    %add3A_2806 = vector.broadcast %add3A_2805 : f32 to vector<16xf32>
    %add3A_2807 = arith.addf %add3A_2806, %mul3A_2804 : vector<16xf32>
    %mul3A_2808 = arith.mulf %div3A_2792, %add3A_2807 : vector<16xf32>
    %convert_element_type3A_2809 = arith.sitofp %select_n3A_2781 : vector<16xi32> to vector<16xf32>
    %mul3A_2810 = arith.constant 0.693147182 : f32
    %mul3A_2811 = vector.broadcast %mul3A_2810 : f32 to vector<16xf32>
    %mul3A_2812 = arith.mulf %convert_element_type3A_2809, %mul3A_2811 : vector<16xf32>
    %add3A_2813 = arith.addf %mul3A_2808, %mul3A_2812 : vector<16xf32>
    %mul3A_2814 = arith.mulf %get3A_2757, %add3A_2813 : vector<16xf32>
    %add3A_2815 = arith.addf %add3A_2754, %mul3A_2814 : vector<16xf32>
    %get3A_2816 = arith.constant 352 : index
    %get3A_2817 = tpu.vector_load %arg7[%get3A_2816] {strides = array<i32>} : memref<512xf32, #tpu.memory_space<vmem>>, vector<16xf32>,
    %get3A_2818 = vector.shape_cast %get3A_2817 : vector<16xf32> to vector<16xf32>
    %add3A_2819 = arith.constant 2.000000e-38 : f32
    %add3A_2820 = vector.broadcast %add3A_2819 : f32 to vector<16xf32>
    %add3A_2821 = arith.addf %get3A_2818, %add3A_2820 : vector<16xf32>
    %bitcast_convert_type3A_2822 = tpu.bitcast %add3A_2821 : vector<16xf32> -> vector<16xi32>
    %shift_right_logical3A_2823 = arith.constant 23 : i32
    %shift_right_logical3A_2824 = vector.broadcast %shift_right_logical3A_2823 : i32 to vector<16xi32>
    %shift_right_logical3A_2825 = arith.shrui %bitcast_convert_type3A_2822, %shift_right_logical3A_2824 : vector<16xi32>
    %sub3A_2826 = arith.constant 127 : i32
    %sub3A_2827 = vector.broadcast %sub3A_2826 : i32 to vector<16xi32>
    %sub3A_2828 = arith.subi %shift_right_logical3A_2825, %sub3A_2827 : vector<16xi32>
    %and3A_2829 = arith.constant 8388607 : i32
    %and3A_2830 = vector.broadcast %and3A_2829 : i32 to vector<16xi32>
    %and3A_2831 = arith.andi %bitcast_convert_type3A_2822, %and3A_2830 : vector<16xi32>
    %or3A_2832 = arith.constant 1065353216 : i32
    %or3A_2833 = vector.broadcast %or3A_2832 : i32 to vector<16xi32>
    %or3A_2834 = arith.ori %and3A_2831, %or3A_2833 : vector<16xi32>
    %bitcast_convert_type3A_2835 = tpu.bitcast %or3A_2834 : vector<16xi32> -> vector<16xf32>
    %ge3A_2836 = arith.constant 1.41421354 : f32
    %ge3A_2837 = vector.broadcast %ge3A_2836 : f32 to vector<16xf32>
    %ge3A_2838 = arith.cmpf oge, %bitcast_convert_type3A_2835, %ge3A_2837 : vector<16xf32>
    %add3A_2839 = arith.constant 1 : i32
    %add3A_2840 = vector.broadcast %add3A_2839 : i32 to vector<16xi32>
    %add3A_2841 = arith.addi %sub3A_2828, %add3A_2840 : vector<16xi32>
    %select_n3A_2842 = arith.select %ge3A_2838, %add3A_2841, %sub3A_2828 : vector<16xi1>, vector<16xi32>
    %mul3A_2843 = arith.constant 5.000000e-01 : f32
    %mul3A_2844 = vector.broadcast %mul3A_2843 : f32 to vector<16xf32>
    %mul3A_2845 = arith.mulf %bitcast_convert_type3A_2835, %mul3A_2844 : vector<16xf32>
    %select_n3A_2846 = arith.select %ge3A_2838, %mul3A_2845, %bitcast_convert_type3A_2835 : vector<16xi1>, vector<16xf32>
    %sub3A_2847 = arith.constant 1.000000e+00 : f32
    %sub3A_2848 = vector.broadcast %sub3A_2847 : f32 to vector<16xf32>
    %sub3A_2849 = arith.subf %select_n3A_2846, %sub3A_2848 : vector<16xf32>
    %add3A_2850 = arith.constant 1.000000e+00 : f32
    %add3A_2851 = vector.broadcast %add3A_2850 : f32 to vector<16xf32>
    %add3A_2852 = arith.addf %select_n3A_2846, %add3A_2851 : vector<16xf32>
    %div3A_2853 = arith.divf %sub3A_2849, %add3A_2852 : vector<16xf32>
    %mul3A_2854 = arith.mulf %div3A_2853, %div3A_2853 : vector<16xf32>
    %mul3A_2855 = arith.constant 0.285714298 : f32
    %mul3A_2856 = vector.broadcast %mul3A_2855 : f32 to vector<16xf32>
    %mul3A_2857 = arith.mulf %mul3A_2854, %mul3A_2856 : vector<16xf32>
    %add3A_2858 = arith.constant 4.000000e-01 : f32
    %add3A_2859 = vector.broadcast %add3A_2858 : f32 to vector<16xf32>
    %add3A_2860 = arith.addf %add3A_2859, %mul3A_2857 : vector<16xf32>
    %mul3A_2861 = arith.mulf %mul3A_2854, %add3A_2860 : vector<16xf32>
    %add3A_2862 = arith.constant 0.666666686 : f32
    %add3A_2863 = vector.broadcast %add3A_2862 : f32 to vector<16xf32>
    %add3A_2864 = arith.addf %add3A_2863, %mul3A_2861 : vector<16xf32>
    %mul3A_2865 = arith.mulf %mul3A_2854, %add3A_2864 : vector<16xf32>
    %add3A_2866 = arith.constant 2.000000e+00 : f32
    %add3A_2867 = vector.broadcast %add3A_2866 : f32 to vector<16xf32>
    %add3A_2868 = arith.addf %add3A_2867, %mul3A_2865 : vector<16xf32>
    %mul3A_2869 = arith.mulf %div3A_2853, %add3A_2868 : vector<16xf32>
    %convert_element_type3A_2870 = arith.sitofp %select_n3A_2842 : vector<16xi32> to vector<16xf32>
    %mul3A_2871 = arith.constant 0.693147182 : f32
    %mul3A_2872 = vector.broadcast %mul3A_2871 : f32 to vector<16xf32>
    %mul3A_2873 = arith.mulf %convert_element_type3A_2870, %mul3A_2872 : vector<16xf32>
    %add3A_2874 = arith.addf %mul3A_2869, %mul3A_2873 : vector<16xf32>
    %mul3A_2875 = arith.mulf %get3A_2818, %add3A_2874 : vector<16xf32>
    %add3A_2876 = arith.addf %add3A_2815, %mul3A_2875 : vector<16xf32>
    %get3A_2877 = arith.constant 368 : index
    %get3A_2878 = tpu.vector_load %arg7[%get3A_2877] {strides = array<i32>} : memref<512xf32, #tpu.memory_space<vmem>>, vector<16xf32>,
    %get3A_2879 = vector.shape_cast %get3A_2878 : vector<16xf32> to vector<16xf32>
    %add3A_2880 = arith.constant 2.000000e-38 : f32
    %add3A_2881 = vector.broadcast %add3A_2880 : f32 to vector<16xf32>
    %add3A_2882 = arith.addf %get3A_2879, %add3A_2881 : vector<16xf32>
    %bitcast_convert_type3A_2883 = tpu.bitcast %add3A_2882 : vector<16xf32> -> vector<16xi32>
    %shift_right_logical3A_2884 = arith.constant 23 : i32
    %shift_right_logical3A_2885 = vector.broadcast %shift_right_logical3A_2884 : i32 to vector<16xi32>
    %shift_right_logical3A_2886 = arith.shrui %bitcast_convert_type3A_2883, %shift_right_logical3A_2885 : vector<16xi32>
    %sub3A_2887 = arith.constant 127 : i32
    %sub3A_2888 = vector.broadcast %sub3A_2887 : i32 to vector<16xi32>
    %sub3A_2889 = arith.subi %shift_right_logical3A_2886, %sub3A_2888 : vector<16xi32>
    %and3A_2890 = arith.constant 8388607 : i32
    %and3A_2891 = vector.broadcast %and3A_2890 : i32 to vector<16xi32>
    %and3A_2892 = arith.andi %bitcast_convert_type3A_2883, %and3A_2891 : vector<16xi32>
    %or3A_2893 = arith.constant 1065353216 : i32
    %or3A_2894 = vector.broadcast %or3A_2893 : i32 to vector<16xi32>
    %or3A_2895 = arith.ori %and3A_2892, %or3A_2894 : vector<16xi32>
    %bitcast_convert_type3A_2896 = tpu.bitcast %or3A_2895 : vector<16xi32> -> vector<16xf32>
    %ge3A_2897 = arith.constant 1.41421354 : f32
    %ge3A_2898 = vector.broadcast %ge3A_2897 : f32 to vector<16xf32>
    %ge3A_2899 = arith.cmpf oge, %bitcast_convert_type3A_2896, %ge3A_2898 : vector<16xf32>
    %add3A_2900 = arith.constant 1 : i32
    %add3A_2901 = vector.broadcast %add3A_2900 : i32 to vector<16xi32>
    %add3A_2902 = arith.addi %sub3A_2889, %add3A_2901 : vector<16xi32>
    %select_n3A_2903 = arith.select %ge3A_2899, %add3A_2902, %sub3A_2889 : vector<16xi1>, vector<16xi32>
    %mul3A_2904 = arith.constant 5.000000e-01 : f32
    %mul3A_2905 = vector.broadcast %mul3A_2904 : f32 to vector<16xf32>
    %mul3A_2906 = arith.mulf %bitcast_convert_type3A_2896, %mul3A_2905 : vector<16xf32>
    %select_n3A_2907 = arith.select %ge3A_2899, %mul3A_2906, %bitcast_convert_type3A_2896 : vector<16xi1>, vector<16xf32>
    %sub3A_2908 = arith.constant 1.000000e+00 : f32
    %sub3A_2909 = vector.broadcast %sub3A_2908 : f32 to vector<16xf32>
    %sub3A_2910 = arith.subf %select_n3A_2907, %sub3A_2909 : vector<16xf32>
    %add3A_2911 = arith.constant 1.000000e+00 : f32
    %add3A_2912 = vector.broadcast %add3A_2911 : f32 to vector<16xf32>
    %add3A_2913 = arith.addf %select_n3A_2907, %add3A_2912 : vector<16xf32>
    %div3A_2914 = arith.divf %sub3A_2910, %add3A_2913 : vector<16xf32>
    %mul3A_2915 = arith.mulf %div3A_2914, %div3A_2914 : vector<16xf32>
    %mul3A_2916 = arith.constant 0.285714298 : f32
    %mul3A_2917 = vector.broadcast %mul3A_2916 : f32 to vector<16xf32>
    %mul3A_2918 = arith.mulf %mul3A_2915, %mul3A_2917 : vector<16xf32>
    %add3A_2919 = arith.constant 4.000000e-01 : f32
    %add3A_2920 = vector.broadcast %add3A_2919 : f32 to vector<16xf32>
    %add3A_2921 = arith.addf %add3A_2920, %mul3A_2918 : vector<16xf32>
    %mul3A_2922 = arith.mulf %mul3A_2915, %add3A_2921 : vector<16xf32>
    %add3A_2923 = arith.constant 0.666666686 : f32
    %add3A_2924 = vector.broadcast %add3A_2923 : f32 to vector<16xf32>
    %add3A_2925 = arith.addf %add3A_2924, %mul3A_2922 : vector<16xf32>
    %mul3A_2926 = arith.mulf %mul3A_2915, %add3A_2925 : vector<16xf32>
    %add3A_2927 = arith.constant 2.000000e+00 : f32
    %add3A_2928 = vector.broadcast %add3A_2927 : f32 to vector<16xf32>
    %add3A_2929 = arith.addf %add3A_2928, %mul3A_2926 : vector<16xf32>
    %mul3A_2930 = arith.mulf %div3A_2914, %add3A_2929 : vector<16xf32>
    %convert_element_type3A_2931 = arith.sitofp %select_n3A_2903 : vector<16xi32> to vector<16xf32>
    %mul3A_2932 = arith.constant 0.693147182 : f32
    %mul3A_2933 = vector.broadcast %mul3A_2932 : f32 to vector<16xf32>
    %mul3A_2934 = arith.mulf %convert_element_type3A_2931, %mul3A_2933 : vector<16xf32>
    %add3A_2935 = arith.addf %mul3A_2930, %mul3A_2934 : vector<16xf32>
    %mul3A_2936 = arith.mulf %get3A_2879, %add3A_2935 : vector<16xf32>
    %add3A_2937 = arith.addf %add3A_2876, %mul3A_2936 : vector<16xf32>
    %get3A_2938 = arith.constant 384 : index
    %get3A_2939 = tpu.vector_load %arg7[%get3A_2938] {strides = array<i32>} : memref<512xf32, #tpu.memory_space<vmem>>, vector<16xf32>,
    %get3A_2940 = vector.shape_cast %get3A_2939 : vector<16xf32> to vector<16xf32>
    %add3A_2941 = arith.constant 2.000000e-38 : f32
    %add3A_2942 = vector.broadcast %add3A_2941 : f32 to vector<16xf32>
    %add3A_2943 = arith.addf %get3A_2940, %add3A_2942 : vector<16xf32>
    %bitcast_convert_type3A_2944 = tpu.bitcast %add3A_2943 : vector<16xf32> -> vector<16xi32>
    %shift_right_logical3A_2945 = arith.constant 23 : i32
    %shift_right_logical3A_2946 = vector.broadcast %shift_right_logical3A_2945 : i32 to vector<16xi32>
    %shift_right_logical3A_2947 = arith.shrui %bitcast_convert_type3A_2944, %shift_right_logical3A_2946 : vector<16xi32>
    %sub3A_2948 = arith.constant 127 : i32
    %sub3A_2949 = vector.broadcast %sub3A_2948 : i32 to vector<16xi32>
    %sub3A_2950 = arith.subi %shift_right_logical3A_2947, %sub3A_2949 : vector<16xi32>
    %and3A_2951 = arith.constant 8388607 : i32
    %and3A_2952 = vector.broadcast %and3A_2951 : i32 to vector<16xi32>
    %and3A_2953 = arith.andi %bitcast_convert_type3A_2944, %and3A_2952 : vector<16xi32>
    %or3A_2954 = arith.constant 1065353216 : i32
    %or3A_2955 = vector.broadcast %or3A_2954 : i32 to vector<16xi32>
    %or3A_2956 = arith.ori %and3A_2953, %or3A_2955 : vector<16xi32>
    %bitcast_convert_type3A_2957 = tpu.bitcast %or3A_2956 : vector<16xi32> -> vector<16xf32>
    %ge3A_2958 = arith.constant 1.41421354 : f32
    %ge3A_2959 = vector.broadcast %ge3A_2958 : f32 to vector<16xf32>
    %ge3A_2960 = arith.cmpf oge, %bitcast_convert_type3A_2957, %ge3A_2959 : vector<16xf32>
    %add3A_2961 = arith.constant 1 : i32
    %add3A_2962 = vector.broadcast %add3A_2961 : i32 to vector<16xi32>
    %add3A_2963 = arith.addi %sub3A_2950, %add3A_2962 : vector<16xi32>
    %select_n3A_2964 = arith.select %ge3A_2960, %add3A_2963, %sub3A_2950 : vector<16xi1>, vector<16xi32>
    %mul3A_2965 = arith.constant 5.000000e-01 : f32
    %mul3A_2966 = vector.broadcast %mul3A_2965 : f32 to vector<16xf32>
    %mul3A_2967 = arith.mulf %bitcast_convert_type3A_2957, %mul3A_2966 : vector<16xf32>
    %select_n3A_2968 = arith.select %ge3A_2960, %mul3A_2967, %bitcast_convert_type3A_2957 : vector<16xi1>, vector<16xf32>
    %sub3A_2969 = arith.constant 1.000000e+00 : f32
    %sub3A_2970 = vector.broadcast %sub3A_2969 : f32 to vector<16xf32>
    %sub3A_2971 = arith.subf %select_n3A_2968, %sub3A_2970 : vector<16xf32>
    %add3A_2972 = arith.constant 1.000000e+00 : f32
    %add3A_2973 = vector.broadcast %add3A_2972 : f32 to vector<16xf32>
    %add3A_2974 = arith.addf %select_n3A_2968, %add3A_2973 : vector<16xf32>
    %div3A_2975 = arith.divf %sub3A_2971, %add3A_2974 : vector<16xf32>
    %mul3A_2976 = arith.mulf %div3A_2975, %div3A_2975 : vector<16xf32>
    %mul3A_2977 = arith.constant 0.285714298 : f32
    %mul3A_2978 = vector.broadcast %mul3A_2977 : f32 to vector<16xf32>
    %mul3A_2979 = arith.mulf %mul3A_2976, %mul3A_2978 : vector<16xf32>
    %add3A_2980 = arith.constant 4.000000e-01 : f32
    %add3A_2981 = vector.broadcast %add3A_2980 : f32 to vector<16xf32>
    %add3A_2982 = arith.addf %add3A_2981, %mul3A_2979 : vector<16xf32>
    %mul3A_2983 = arith.mulf %mul3A_2976, %add3A_2982 : vector<16xf32>
    %add3A_2984 = arith.constant 0.666666686 : f32
    %add3A_2985 = vector.broadcast %add3A_2984 : f32 to vector<16xf32>
    %add3A_2986 = arith.addf %add3A_2985, %mul3A_2983 : vector<16xf32>
    %mul3A_2987 = arith.mulf %mul3A_2976, %add3A_2986 : vector<16xf32>
    %add3A_2988 = arith.constant 2.000000e+00 : f32
    %add3A_2989 = vector.broadcast %add3A_2988 : f32 to vector<16xf32>
    %add3A_2990 = arith.addf %add3A_2989, %mul3A_2987 : vector<16xf32>
    %mul3A_2991 = arith.mulf %div3A_2975, %add3A_2990 : vector<16xf32>
    %convert_element_type3A_2992 = arith.sitofp %select_n3A_2964 : vector<16xi32> to vector<16xf32>
    %mul3A_2993 = arith.constant 0.693147182 : f32
    %mul3A_2994 = vector.broadcast %mul3A_2993 : f32 to vector<16xf32>
    %mul3A_2995 = arith.mulf %convert_element_type3A_2992, %mul3A_2994 : vector<16xf32>
    %add3A_2996 = arith.addf %mul3A_2991, %mul3A_2995 : vector<16xf32>
    %mul3A_2997 = arith.mulf %get3A_2940, %add3A_2996 : vector<16xf32>
    %add3A_2998 = arith.addf %add3A_2937, %mul3A_2997 : vector<16xf32>
    %get3A_2999 = arith.constant 400 : index
    %get3A_3000 = tpu.vector_load %arg7[%get3A_2999] {strides = array<i32>} : memref<512xf32, #tpu.memory_space<vmem>>, vector<16xf32>,
    %get3A_3001 = vector.shape_cast %get3A_3000 : vector<16xf32> to vector<16xf32>
    %add3A_3002 = arith.constant 2.000000e-38 : f32
    %add3A_3003 = vector.broadcast %add3A_3002 : f32 to vector<16xf32>
    %add3A_3004 = arith.addf %get3A_3001, %add3A_3003 : vector<16xf32>
    %bitcast_convert_type3A_3005 = tpu.bitcast %add3A_3004 : vector<16xf32> -> vector<16xi32>
    %shift_right_logical3A_3006 = arith.constant 23 : i32
    %shift_right_logical3A_3007 = vector.broadcast %shift_right_logical3A_3006 : i32 to vector<16xi32>
    %shift_right_logical3A_3008 = arith.shrui %bitcast_convert_type3A_3005, %shift_right_logical3A_3007 : vector<16xi32>
    %sub3A_3009 = arith.constant 127 : i32
    %sub3A_3010 = vector.broadcast %sub3A_3009 : i32 to vector<16xi32>
    %sub3A_3011 = arith.subi %shift_right_logical3A_3008, %sub3A_3010 : vector<16xi32>
    %and3A_3012 = arith.constant 8388607 : i32
    %and3A_3013 = vector.broadcast %and3A_3012 : i32 to vector<16xi32>
    %and3A_3014 = arith.andi %bitcast_convert_type3A_3005, %and3A_3013 : vector<16xi32>
    %or3A_3015 = arith.constant 1065353216 : i32
    %or3A_3016 = vector.broadcast %or3A_3015 : i32 to vector<16xi32>
    %or3A_3017 = arith.ori %and3A_3014, %or3A_3016 : vector<16xi32>
    %bitcast_convert_type3A_3018 = tpu.bitcast %or3A_3017 : vector<16xi32> -> vector<16xf32>
    %ge3A_3019 = arith.constant 1.41421354 : f32
    %ge3A_3020 = vector.broadcast %ge3A_3019 : f32 to vector<16xf32>
    %ge3A_3021 = arith.cmpf oge, %bitcast_convert_type3A_3018, %ge3A_3020 : vector<16xf32>
    %add3A_3022 = arith.constant 1 : i32
    %add3A_3023 = vector.broadcast %add3A_3022 : i32 to vector<16xi32>
    %add3A_3024 = arith.addi %sub3A_3011, %add3A_3023 : vector<16xi32>
    %select_n3A_3025 = arith.select %ge3A_3021, %add3A_3024, %sub3A_3011 : vector<16xi1>, vector<16xi32>
    %mul3A_3026 = arith.constant 5.000000e-01 : f32
    %mul3A_3027 = vector.broadcast %mul3A_3026 : f32 to vector<16xf32>
    %mul3A_3028 = arith.mulf %bitcast_convert_type3A_3018, %mul3A_3027 : vector<16xf32>
    %select_n3A_3029 = arith.select %ge3A_3021, %mul3A_3028, %bitcast_convert_type3A_3018 : vector<16xi1>, vector<16xf32>
    %sub3A_3030 = arith.constant 1.000000e+00 : f32
    %sub3A_3031 = vector.broadcast %sub3A_3030 : f32 to vector<16xf32>
    %sub3A_3032 = arith.subf %select_n3A_3029, %sub3A_3031 : vector<16xf32>
    %add3A_3033 = arith.constant 1.000000e+00 : f32
    %add3A_3034 = vector.broadcast %add3A_3033 : f32 to vector<16xf32>
    %add3A_3035 = arith.addf %select_n3A_3029, %add3A_3034 : vector<16xf32>
    %div3A_3036 = arith.divf %sub3A_3032, %add3A_3035 : vector<16xf32>
    %mul3A_3037 = arith.mulf %div3A_3036, %div3A_3036 : vector<16xf32>
    %mul3A_3038 = arith.constant 0.285714298 : f32
    %mul3A_3039 = vector.broadcast %mul3A_3038 : f32 to vector<16xf32>
    %mul3A_3040 = arith.mulf %mul3A_3037, %mul3A_3039 : vector<16xf32>
    %add3A_3041 = arith.constant 4.000000e-01 : f32
    %add3A_3042 = vector.broadcast %add3A_3041 : f32 to vector<16xf32>
    %add3A_3043 = arith.addf %add3A_3042, %mul3A_3040 : vector<16xf32>
    %mul3A_3044 = arith.mulf %mul3A_3037, %add3A_3043 : vector<16xf32>
    %add3A_3045 = arith.constant 0.666666686 : f32
    %add3A_3046 = vector.broadcast %add3A_3045 : f32 to vector<16xf32>
    %add3A_3047 = arith.addf %add3A_3046, %mul3A_3044 : vector<16xf32>
    %mul3A_3048 = arith.mulf %mul3A_3037, %add3A_3047 : vector<16xf32>
    %add3A_3049 = arith.constant 2.000000e+00 : f32
    %add3A_3050 = vector.broadcast %add3A_3049 : f32 to vector<16xf32>
    %add3A_3051 = arith.addf %add3A_3050, %mul3A_3048 : vector<16xf32>
    %mul3A_3052 = arith.mulf %div3A_3036, %add3A_3051 : vector<16xf32>
    %convert_element_type3A_3053 = arith.sitofp %select_n3A_3025 : vector<16xi32> to vector<16xf32>
    %mul3A_3054 = arith.constant 0.693147182 : f32
    %mul3A_3055 = vector.broadcast %mul3A_3054 : f32 to vector<16xf32>
    %mul3A_3056 = arith.mulf %convert_element_type3A_3053, %mul3A_3055 : vector<16xf32>
    %add3A_3057 = arith.addf %mul3A_3052, %mul3A_3056 : vector<16xf32>
    %mul3A_3058 = arith.mulf %get3A_3001, %add3A_3057 : vector<16xf32>
    %add3A_3059 = arith.addf %add3A_2998, %mul3A_3058 : vector<16xf32>
    %get3A_3060 = arith.constant 416 : index
    %get3A_3061 = tpu.vector_load %arg7[%get3A_3060] {strides = array<i32>} : memref<512xf32, #tpu.memory_space<vmem>>, vector<16xf32>,
    %get3A_3062 = vector.shape_cast %get3A_3061 : vector<16xf32> to vector<16xf32>
    %add3A_3063 = arith.constant 2.000000e-38 : f32
    %add3A_3064 = vector.broadcast %add3A_3063 : f32 to vector<16xf32>
    %add3A_3065 = arith.addf %get3A_3062, %add3A_3064 : vector<16xf32>
    %bitcast_convert_type3A_3066 = tpu.bitcast %add3A_3065 : vector<16xf32> -> vector<16xi32>
    %shift_right_logical3A_3067 = arith.constant 23 : i32
    %shift_right_logical3A_3068 = vector.broadcast %shift_right_logical3A_3067 : i32 to vector<16xi32>
    %shift_right_logical3A_3069 = arith.shrui %bitcast_convert_type3A_3066, %shift_right_logical3A_3068 : vector<16xi32>
    %sub3A_3070 = arith.constant 127 : i32
    %sub3A_3071 = vector.broadcast %sub3A_3070 : i32 to vector<16xi32>
    %sub3A_3072 = arith.subi %shift_right_logical3A_3069, %sub3A_3071 : vector<16xi32>
    %and3A_3073 = arith.constant 8388607 : i32
    %and3A_3074 = vector.broadcast %and3A_3073 : i32 to vector<16xi32>
    %and3A_3075 = arith.andi %bitcast_convert_type3A_3066, %and3A_3074 : vector<16xi32>
    %or3A_3076 = arith.constant 1065353216 : i32
    %or3A_3077 = vector.broadcast %or3A_3076 : i32 to vector<16xi32>
    %or3A_3078 = arith.ori %and3A_3075, %or3A_3077 : vector<16xi32>
    %bitcast_convert_type3A_3079 = tpu.bitcast %or3A_3078 : vector<16xi32> -> vector<16xf32>
    %ge3A_3080 = arith.constant 1.41421354 : f32
    %ge3A_3081 = vector.broadcast %ge3A_3080 : f32 to vector<16xf32>
    %ge3A_3082 = arith.cmpf oge, %bitcast_convert_type3A_3079, %ge3A_3081 : vector<16xf32>
    %add3A_3083 = arith.constant 1 : i32
    %add3A_3084 = vector.broadcast %add3A_3083 : i32 to vector<16xi32>
    %add3A_3085 = arith.addi %sub3A_3072, %add3A_3084 : vector<16xi32>
    %select_n3A_3086 = arith.select %ge3A_3082, %add3A_3085, %sub3A_3072 : vector<16xi1>, vector<16xi32>
    %mul3A_3087 = arith.constant 5.000000e-01 : f32
    %mul3A_3088 = vector.broadcast %mul3A_3087 : f32 to vector<16xf32>
    %mul3A_3089 = arith.mulf %bitcast_convert_type3A_3079, %mul3A_3088 : vector<16xf32>
    %select_n3A_3090 = arith.select %ge3A_3082, %mul3A_3089, %bitcast_convert_type3A_3079 : vector<16xi1>, vector<16xf32>
    %sub3A_3091 = arith.constant 1.000000e+00 : f32
    %sub3A_3092 = vector.broadcast %sub3A_3091 : f32 to vector<16xf32>
    %sub3A_3093 = arith.subf %select_n3A_3090, %sub3A_3092 : vector<16xf32>
    %add3A_3094 = arith.constant 1.000000e+00 : f32
    %add3A_3095 = vector.broadcast %add3A_3094 : f32 to vector<16xf32>
    %add3A_3096 = arith.addf %select_n3A_3090, %add3A_3095 : vector<16xf32>
    %div3A_3097 = arith.divf %sub3A_3093, %add3A_3096 : vector<16xf32>
    %mul3A_3098 = arith.mulf %div3A_3097, %div3A_3097 : vector<16xf32>
    %mul3A_3099 = arith.constant 0.285714298 : f32
    %mul3A_3100 = vector.broadcast %mul3A_3099 : f32 to vector<16xf32>
    %mul3A_3101 = arith.mulf %mul3A_3098, %mul3A_3100 : vector<16xf32>
    %add3A_3102 = arith.constant 4.000000e-01 : f32
    %add3A_3103 = vector.broadcast %add3A_3102 : f32 to vector<16xf32>
    %add3A_3104 = arith.addf %add3A_3103, %mul3A_3101 : vector<16xf32>
    %mul3A_3105 = arith.mulf %mul3A_3098, %add3A_3104 : vector<16xf32>
    %add3A_3106 = arith.constant 0.666666686 : f32
    %add3A_3107 = vector.broadcast %add3A_3106 : f32 to vector<16xf32>
    %add3A_3108 = arith.addf %add3A_3107, %mul3A_3105 : vector<16xf32>
    %mul3A_3109 = arith.mulf %mul3A_3098, %add3A_3108 : vector<16xf32>
    %add3A_3110 = arith.constant 2.000000e+00 : f32
    %add3A_3111 = vector.broadcast %add3A_3110 : f32 to vector<16xf32>
    %add3A_3112 = arith.addf %add3A_3111, %mul3A_3109 : vector<16xf32>
    %mul3A_3113 = arith.mulf %div3A_3097, %add3A_3112 : vector<16xf32>
    %convert_element_type3A_3114 = arith.sitofp %select_n3A_3086 : vector<16xi32> to vector<16xf32>
    %mul3A_3115 = arith.constant 0.693147182 : f32
    %mul3A_3116 = vector.broadcast %mul3A_3115 : f32 to vector<16xf32>
    %mul3A_3117 = arith.mulf %convert_element_type3A_3114, %mul3A_3116 : vector<16xf32>
    %add3A_3118 = arith.addf %mul3A_3113, %mul3A_3117 : vector<16xf32>
    %mul3A_3119 = arith.mulf %get3A_3062, %add3A_3118 : vector<16xf32>
    %add3A_3120 = arith.addf %add3A_3059, %mul3A_3119 : vector<16xf32>
    %get3A_3121 = arith.constant 432 : index
    %get3A_3122 = tpu.vector_load %arg7[%get3A_3121] {strides = array<i32>} : memref<512xf32, #tpu.memory_space<vmem>>, vector<16xf32>,
    %get3A_3123 = vector.shape_cast %get3A_3122 : vector<16xf32> to vector<16xf32>
    %add3A_3124 = arith.constant 2.000000e-38 : f32
    %add3A_3125 = vector.broadcast %add3A_3124 : f32 to vector<16xf32>
    %add3A_3126 = arith.addf %get3A_3123, %add3A_3125 : vector<16xf32>
    %bitcast_convert_type3A_3127 = tpu.bitcast %add3A_3126 : vector<16xf32> -> vector<16xi32>
    %shift_right_logical3A_3128 = arith.constant 23 : i32
    %shift_right_logical3A_3129 = vector.broadcast %shift_right_logical3A_3128 : i32 to vector<16xi32>
    %shift_right_logical3A_3130 = arith.shrui %bitcast_convert_type3A_3127, %shift_right_logical3A_3129 : vector<16xi32>
    %sub3A_3131 = arith.constant 127 : i32
    %sub3A_3132 = vector.broadcast %sub3A_3131 : i32 to vector<16xi32>
    %sub3A_3133 = arith.subi %shift_right_logical3A_3130, %sub3A_3132 : vector<16xi32>
    %and3A_3134 = arith.constant 8388607 : i32
    %and3A_3135 = vector.broadcast %and3A_3134 : i32 to vector<16xi32>
    %and3A_3136 = arith.andi %bitcast_convert_type3A_3127, %and3A_3135 : vector<16xi32>
    %or3A_3137 = arith.constant 1065353216 : i32
    %or3A_3138 = vector.broadcast %or3A_3137 : i32 to vector<16xi32>
    %or3A_3139 = arith.ori %and3A_3136, %or3A_3138 : vector<16xi32>
    %bitcast_convert_type3A_3140 = tpu.bitcast %or3A_3139 : vector<16xi32> -> vector<16xf32>
    %ge3A_3141 = arith.constant 1.41421354 : f32
    %ge3A_3142 = vector.broadcast %ge3A_3141 : f32 to vector<16xf32>
    %ge3A_3143 = arith.cmpf oge, %bitcast_convert_type3A_3140, %ge3A_3142 : vector<16xf32>
    %add3A_3144 = arith.constant 1 : i32
    %add3A_3145 = vector.broadcast %add3A_3144 : i32 to vector<16xi32>
    %add3A_3146 = arith.addi %sub3A_3133, %add3A_3145 : vector<16xi32>
    %select_n3A_3147 = arith.select %ge3A_3143, %add3A_3146, %sub3A_3133 : vector<16xi1>, vector<16xi32>
    %mul3A_3148 = arith.constant 5.000000e-01 : f32
    %mul3A_3149 = vector.broadcast %mul3A_3148 : f32 to vector<16xf32>
    %mul3A_3150 = arith.mulf %bitcast_convert_type3A_3140, %mul3A_3149 : vector<16xf32>
    %select_n3A_3151 = arith.select %ge3A_3143, %mul3A_3150, %bitcast_convert_type3A_3140 : vector<16xi1>, vector<16xf32>
    %sub3A_3152 = arith.constant 1.000000e+00 : f32
    %sub3A_3153 = vector.broadcast %sub3A_3152 : f32 to vector<16xf32>
    %sub3A_3154 = arith.subf %select_n3A_3151, %sub3A_3153 : vector<16xf32>
    %add3A_3155 = arith.constant 1.000000e+00 : f32
    %add3A_3156 = vector.broadcast %add3A_3155 : f32 to vector<16xf32>
    %add3A_3157 = arith.addf %select_n3A_3151, %add3A_3156 : vector<16xf32>
    %div3A_3158 = arith.divf %sub3A_3154, %add3A_3157 : vector<16xf32>
    %mul3A_3159 = arith.mulf %div3A_3158, %div3A_3158 : vector<16xf32>
    %mul3A_3160 = arith.constant 0.285714298 : f32
    %mul3A_3161 = vector.broadcast %mul3A_3160 : f32 to vector<16xf32>
    %mul3A_3162 = arith.mulf %mul3A_3159, %mul3A_3161 : vector<16xf32>
    %add3A_3163 = arith.constant 4.000000e-01 : f32
    %add3A_3164 = vector.broadcast %add3A_3163 : f32 to vector<16xf32>
    %add3A_3165 = arith.addf %add3A_3164, %mul3A_3162 : vector<16xf32>
    %mul3A_3166 = arith.mulf %mul3A_3159, %add3A_3165 : vector<16xf32>
    %add3A_3167 = arith.constant 0.666666686 : f32
    %add3A_3168 = vector.broadcast %add3A_3167 : f32 to vector<16xf32>
    %add3A_3169 = arith.addf %add3A_3168, %mul3A_3166 : vector<16xf32>
    %mul3A_3170 = arith.mulf %mul3A_3159, %add3A_3169 : vector<16xf32>
    %add3A_3171 = arith.constant 2.000000e+00 : f32
    %add3A_3172 = vector.broadcast %add3A_3171 : f32 to vector<16xf32>
    %add3A_3173 = arith.addf %add3A_3172, %mul3A_3170 : vector<16xf32>
    %mul3A_3174 = arith.mulf %div3A_3158, %add3A_3173 : vector<16xf32>
    %convert_element_type3A_3175 = arith.sitofp %select_n3A_3147 : vector<16xi32> to vector<16xf32>
    %mul3A_3176 = arith.constant 0.693147182 : f32
    %mul3A_3177 = vector.broadcast %mul3A_3176 : f32 to vector<16xf32>
    %mul3A_3178 = arith.mulf %convert_element_type3A_3175, %mul3A_3177 : vector<16xf32>
    %add3A_3179 = arith.addf %mul3A_3174, %mul3A_3178 : vector<16xf32>
    %mul3A_3180 = arith.mulf %get3A_3123, %add3A_3179 : vector<16xf32>
    %add3A_3181 = arith.addf %add3A_3120, %mul3A_3180 : vector<16xf32>
    %get3A_3182 = arith.constant 448 : index
    %get3A_3183 = tpu.vector_load %arg7[%get3A_3182] {strides = array<i32>} : memref<512xf32, #tpu.memory_space<vmem>>, vector<16xf32>,
    %get3A_3184 = vector.shape_cast %get3A_3183 : vector<16xf32> to vector<16xf32>
    %add3A_3185 = arith.constant 2.000000e-38 : f32
    %add3A_3186 = vector.broadcast %add3A_3185 : f32 to vector<16xf32>
    %add3A_3187 = arith.addf %get3A_3184, %add3A_3186 : vector<16xf32>
    %bitcast_convert_type3A_3188 = tpu.bitcast %add3A_3187 : vector<16xf32> -> vector<16xi32>
    %shift_right_logical3A_3189 = arith.constant 23 : i32
    %shift_right_logical3A_3190 = vector.broadcast %shift_right_logical3A_3189 : i32 to vector<16xi32>
    %shift_right_logical3A_3191 = arith.shrui %bitcast_convert_type3A_3188, %shift_right_logical3A_3190 : vector<16xi32>
    %sub3A_3192 = arith.constant 127 : i32
    %sub3A_3193 = vector.broadcast %sub3A_3192 : i32 to vector<16xi32>
    %sub3A_3194 = arith.subi %shift_right_logical3A_3191, %sub3A_3193 : vector<16xi32>
    %and3A_3195 = arith.constant 8388607 : i32
    %and3A_3196 = vector.broadcast %and3A_3195 : i32 to vector<16xi32>
    %and3A_3197 = arith.andi %bitcast_convert_type3A_3188, %and3A_3196 : vector<16xi32>
    %or3A_3198 = arith.constant 1065353216 : i32
    %or3A_3199 = vector.broadcast %or3A_3198 : i32 to vector<16xi32>
    %or3A_3200 = arith.ori %and3A_3197, %or3A_3199 : vector<16xi32>
    %bitcast_convert_type3A_3201 = tpu.bitcast %or3A_3200 : vector<16xi32> -> vector<16xf32>
    %ge3A_3202 = arith.constant 1.41421354 : f32
    %ge3A_3203 = vector.broadcast %ge3A_3202 : f32 to vector<16xf32>
    %ge3A_3204 = arith.cmpf oge, %bitcast_convert_type3A_3201, %ge3A_3203 : vector<16xf32>
    %add3A_3205 = arith.constant 1 : i32
    %add3A_3206 = vector.broadcast %add3A_3205 : i32 to vector<16xi32>
    %add3A_3207 = arith.addi %sub3A_3194, %add3A_3206 : vector<16xi32>
    %select_n3A_3208 = arith.select %ge3A_3204, %add3A_3207, %sub3A_3194 : vector<16xi1>, vector<16xi32>
    %mul3A_3209 = arith.constant 5.000000e-01 : f32
    %mul3A_3210 = vector.broadcast %mul3A_3209 : f32 to vector<16xf32>
    %mul3A_3211 = arith.mulf %bitcast_convert_type3A_3201, %mul3A_3210 : vector<16xf32>
    %select_n3A_3212 = arith.select %ge3A_3204, %mul3A_3211, %bitcast_convert_type3A_3201 : vector<16xi1>, vector<16xf32>
    %sub3A_3213 = arith.constant 1.000000e+00 : f32
    %sub3A_3214 = vector.broadcast %sub3A_3213 : f32 to vector<16xf32>
    %sub3A_3215 = arith.subf %select_n3A_3212, %sub3A_3214 : vector<16xf32>
    %add3A_3216 = arith.constant 1.000000e+00 : f32
    %add3A_3217 = vector.broadcast %add3A_3216 : f32 to vector<16xf32>
    %add3A_3218 = arith.addf %select_n3A_3212, %add3A_3217 : vector<16xf32>
    %div3A_3219 = arith.divf %sub3A_3215, %add3A_3218 : vector<16xf32>
    %mul3A_3220 = arith.mulf %div3A_3219, %div3A_3219 : vector<16xf32>
    %mul3A_3221 = arith.constant 0.285714298 : f32
    %mul3A_3222 = vector.broadcast %mul3A_3221 : f32 to vector<16xf32>
    %mul3A_3223 = arith.mulf %mul3A_3220, %mul3A_3222 : vector<16xf32>
    %add3A_3224 = arith.constant 4.000000e-01 : f32
    %add3A_3225 = vector.broadcast %add3A_3224 : f32 to vector<16xf32>
    %add3A_3226 = arith.addf %add3A_3225, %mul3A_3223 : vector<16xf32>
    %mul3A_3227 = arith.mulf %mul3A_3220, %add3A_3226 : vector<16xf32>
    %add3A_3228 = arith.constant 0.666666686 : f32
    %add3A_3229 = vector.broadcast %add3A_3228 : f32 to vector<16xf32>
    %add3A_3230 = arith.addf %add3A_3229, %mul3A_3227 : vector<16xf32>
    %mul3A_3231 = arith.mulf %mul3A_3220, %add3A_3230 : vector<16xf32>
    %add3A_3232 = arith.constant 2.000000e+00 : f32
    %add3A_3233 = vector.broadcast %add3A_3232 : f32 to vector<16xf32>
    %add3A_3234 = arith.addf %add3A_3233, %mul3A_3231 : vector<16xf32>
    %mul3A_3235 = arith.mulf %div3A_3219, %add3A_3234 : vector<16xf32>
    %convert_element_type3A_3236 = arith.sitofp %select_n3A_3208 : vector<16xi32> to vector<16xf32>
    %mul3A_3237 = arith.constant 0.693147182 : f32
    %mul3A_3238 = vector.broadcast %mul3A_3237 : f32 to vector<16xf32>
    %mul3A_3239 = arith.mulf %convert_element_type3A_3236, %mul3A_3238 : vector<16xf32>
    %add3A_3240 = arith.addf %mul3A_3235, %mul3A_3239 : vector<16xf32>
    %mul3A_3241 = arith.mulf %get3A_3184, %add3A_3240 : vector<16xf32>
    %add3A_3242 = arith.addf %add3A_3181, %mul3A_3241 : vector<16xf32>
    %get3A_3243 = arith.constant 464 : index
    %get3A_3244 = tpu.vector_load %arg7[%get3A_3243] {strides = array<i32>} : memref<512xf32, #tpu.memory_space<vmem>>, vector<16xf32>,
    %get3A_3245 = vector.shape_cast %get3A_3244 : vector<16xf32> to vector<16xf32>
    %add3A_3246 = arith.constant 2.000000e-38 : f32
    %add3A_3247 = vector.broadcast %add3A_3246 : f32 to vector<16xf32>
    %add3A_3248 = arith.addf %get3A_3245, %add3A_3247 : vector<16xf32>
    %bitcast_convert_type3A_3249 = tpu.bitcast %add3A_3248 : vector<16xf32> -> vector<16xi32>
    %shift_right_logical3A_3250 = arith.constant 23 : i32
    %shift_right_logical3A_3251 = vector.broadcast %shift_right_logical3A_3250 : i32 to vector<16xi32>
    %shift_right_logical3A_3252 = arith.shrui %bitcast_convert_type3A_3249, %shift_right_logical3A_3251 : vector<16xi32>
    %sub3A_3253 = arith.constant 127 : i32
    %sub3A_3254 = vector.broadcast %sub3A_3253 : i32 to vector<16xi32>
    %sub3A_3255 = arith.subi %shift_right_logical3A_3252, %sub3A_3254 : vector<16xi32>
    %and3A_3256 = arith.constant 8388607 : i32
    %and3A_3257 = vector.broadcast %and3A_3256 : i32 to vector<16xi32>
    %and3A_3258 = arith.andi %bitcast_convert_type3A_3249, %and3A_3257 : vector<16xi32>
    %or3A_3259 = arith.constant 1065353216 : i32
    %or3A_3260 = vector.broadcast %or3A_3259 : i32 to vector<16xi32>
    %or3A_3261 = arith.ori %and3A_3258, %or3A_3260 : vector<16xi32>
    %bitcast_convert_type3A_3262 = tpu.bitcast %or3A_3261 : vector<16xi32> -> vector<16xf32>
    %ge3A_3263 = arith.constant 1.41421354 : f32
    %ge3A_3264 = vector.broadcast %ge3A_3263 : f32 to vector<16xf32>
    %ge3A_3265 = arith.cmpf oge, %bitcast_convert_type3A_3262, %ge3A_3264 : vector<16xf32>
    %add3A_3266 = arith.constant 1 : i32
    %add3A_3267 = vector.broadcast %add3A_3266 : i32 to vector<16xi32>
    %add3A_3268 = arith.addi %sub3A_3255, %add3A_3267 : vector<16xi32>
    %select_n3A_3269 = arith.select %ge3A_3265, %add3A_3268, %sub3A_3255 : vector<16xi1>, vector<16xi32>
    %mul3A_3270 = arith.constant 5.000000e-01 : f32
    %mul3A_3271 = vector.broadcast %mul3A_3270 : f32 to vector<16xf32>
    %mul3A_3272 = arith.mulf %bitcast_convert_type3A_3262, %mul3A_3271 : vector<16xf32>
    %select_n3A_3273 = arith.select %ge3A_3265, %mul3A_3272, %bitcast_convert_type3A_3262 : vector<16xi1>, vector<16xf32>
    %sub3A_3274 = arith.constant 1.000000e+00 : f32
    %sub3A_3275 = vector.broadcast %sub3A_3274 : f32 to vector<16xf32>
    %sub3A_3276 = arith.subf %select_n3A_3273, %sub3A_3275 : vector<16xf32>
    %add3A_3277 = arith.constant 1.000000e+00 : f32
    %add3A_3278 = vector.broadcast %add3A_3277 : f32 to vector<16xf32>
    %add3A_3279 = arith.addf %select_n3A_3273, %add3A_3278 : vector<16xf32>
    %div3A_3280 = arith.divf %sub3A_3276, %add3A_3279 : vector<16xf32>
    %mul3A_3281 = arith.mulf %div3A_3280, %div3A_3280 : vector<16xf32>
    %mul3A_3282 = arith.constant 0.285714298 : f32
    %mul3A_3283 = vector.broadcast %mul3A_3282 : f32 to vector<16xf32>
    %mul3A_3284 = arith.mulf %mul3A_3281, %mul3A_3283 : vector<16xf32>
    %add3A_3285 = arith.constant 4.000000e-01 : f32
    %add3A_3286 = vector.broadcast %add3A_3285 : f32 to vector<16xf32>
    %add3A_3287 = arith.addf %add3A_3286, %mul3A_3284 : vector<16xf32>
    %mul3A_3288 = arith.mulf %mul3A_3281, %add3A_3287 : vector<16xf32>
    %add3A_3289 = arith.constant 0.666666686 : f32
    %add3A_3290 = vector.broadcast %add3A_3289 : f32 to vector<16xf32>
    %add3A_3291 = arith.addf %add3A_3290, %mul3A_3288 : vector<16xf32>
    %mul3A_3292 = arith.mulf %mul3A_3281, %add3A_3291 : vector<16xf32>
    %add3A_3293 = arith.constant 2.000000e+00 : f32
    %add3A_3294 = vector.broadcast %add3A_3293 : f32 to vector<16xf32>
    %add3A_3295 = arith.addf %add3A_3294, %mul3A_3292 : vector<16xf32>
    %mul3A_3296 = arith.mulf %div3A_3280, %add3A_3295 : vector<16xf32>
    %convert_element_type3A_3297 = arith.sitofp %select_n3A_3269 : vector<16xi32> to vector<16xf32>
    %mul3A_3298 = arith.constant 0.693147182 : f32
    %mul3A_3299 = vector.broadcast %mul3A_3298 : f32 to vector<16xf32>
    %mul3A_3300 = arith.mulf %convert_element_type3A_3297, %mul3A_3299 : vector<16xf32>
    %add3A_3301 = arith.addf %mul3A_3296, %mul3A_3300 : vector<16xf32>
    %mul3A_3302 = arith.mulf %get3A_3245, %add3A_3301 : vector<16xf32>
    %add3A_3303 = arith.addf %add3A_3242, %mul3A_3302 : vector<16xf32>
    %get3A_3304 = arith.constant 480 : index
    %get3A_3305 = tpu.vector_load %arg7[%get3A_3304] {strides = array<i32>} : memref<512xf32, #tpu.memory_space<vmem>>, vector<16xf32>,
    %get3A_3306 = vector.shape_cast %get3A_3305 : vector<16xf32> to vector<16xf32>
    %add3A_3307 = arith.constant 2.000000e-38 : f32
    %add3A_3308 = vector.broadcast %add3A_3307 : f32 to vector<16xf32>
    %add3A_3309 = arith.addf %get3A_3306, %add3A_3308 : vector<16xf32>
    %bitcast_convert_type3A_3310 = tpu.bitcast %add3A_3309 : vector<16xf32> -> vector<16xi32>
    %shift_right_logical3A_3311 = arith.constant 23 : i32
    %shift_right_logical3A_3312 = vector.broadcast %shift_right_logical3A_3311 : i32 to vector<16xi32>
    %shift_right_logical3A_3313 = arith.shrui %bitcast_convert_type3A_3310, %shift_right_logical3A_3312 : vector<16xi32>
    %sub3A_3314 = arith.constant 127 : i32
    %sub3A_3315 = vector.broadcast %sub3A_3314 : i32 to vector<16xi32>
    %sub3A_3316 = arith.subi %shift_right_logical3A_3313, %sub3A_3315 : vector<16xi32>
    %and3A_3317 = arith.constant 8388607 : i32
    %and3A_3318 = vector.broadcast %and3A_3317 : i32 to vector<16xi32>
    %and3A_3319 = arith.andi %bitcast_convert_type3A_3310, %and3A_3318 : vector<16xi32>
    %or3A_3320 = arith.constant 1065353216 : i32
    %or3A_3321 = vector.broadcast %or3A_3320 : i32 to vector<16xi32>
    %or3A_3322 = arith.ori %and3A_3319, %or3A_3321 : vector<16xi32>
    %bitcast_convert_type3A_3323 = tpu.bitcast %or3A_3322 : vector<16xi32> -> vector<16xf32>
    %ge3A_3324 = arith.constant 1.41421354 : f32
    %ge3A_3325 = vector.broadcast %ge3A_3324 : f32 to vector<16xf32>
    %ge3A_3326 = arith.cmpf oge, %bitcast_convert_type3A_3323, %ge3A_3325 : vector<16xf32>
    %add3A_3327 = arith.constant 1 : i32
    %add3A_3328 = vector.broadcast %add3A_3327 : i32 to vector<16xi32>
    %add3A_3329 = arith.addi %sub3A_3316, %add3A_3328 : vector<16xi32>
    %select_n3A_3330 = arith.select %ge3A_3326, %add3A_3329, %sub3A_3316 : vector<16xi1>, vector<16xi32>
    %mul3A_3331 = arith.constant 5.000000e-01 : f32
    %mul3A_3332 = vector.broadcast %mul3A_3331 : f32 to vector<16xf32>
    %mul3A_3333 = arith.mulf %bitcast_convert_type3A_3323, %mul3A_3332 : vector<16xf32>
    %select_n3A_3334 = arith.select %ge3A_3326, %mul3A_3333, %bitcast_convert_type3A_3323 : vector<16xi1>, vector<16xf32>
    %sub3A_3335 = arith.constant 1.000000e+00 : f32
    %sub3A_3336 = vector.broadcast %sub3A_3335 : f32 to vector<16xf32>
    %sub3A_3337 = arith.subf %select_n3A_3334, %sub3A_3336 : vector<16xf32>
    %add3A_3338 = arith.constant 1.000000e+00 : f32
    %add3A_3339 = vector.broadcast %add3A_3338 : f32 to vector<16xf32>
    %add3A_3340 = arith.addf %select_n3A_3334, %add3A_3339 : vector<16xf32>
    %div3A_3341 = arith.divf %sub3A_3337, %add3A_3340 : vector<16xf32>
    %mul3A_3342 = arith.mulf %div3A_3341, %div3A_3341 : vector<16xf32>
    %mul3A_3343 = arith.constant 0.285714298 : f32
    %mul3A_3344 = vector.broadcast %mul3A_3343 : f32 to vector<16xf32>
    %mul3A_3345 = arith.mulf %mul3A_3342, %mul3A_3344 : vector<16xf32>
    %add3A_3346 = arith.constant 4.000000e-01 : f32
    %add3A_3347 = vector.broadcast %add3A_3346 : f32 to vector<16xf32>
    %add3A_3348 = arith.addf %add3A_3347, %mul3A_3345 : vector<16xf32>
    %mul3A_3349 = arith.mulf %mul3A_3342, %add3A_3348 : vector<16xf32>
    %add3A_3350 = arith.constant 0.666666686 : f32
    %add3A_3351 = vector.broadcast %add3A_3350 : f32 to vector<16xf32>
    %add3A_3352 = arith.addf %add3A_3351, %mul3A_3349 : vector<16xf32>
    %mul3A_3353 = arith.mulf %mul3A_3342, %add3A_3352 : vector<16xf32>
    %add3A_3354 = arith.constant 2.000000e+00 : f32
    %add3A_3355 = vector.broadcast %add3A_3354 : f32 to vector<16xf32>
    %add3A_3356 = arith.addf %add3A_3355, %mul3A_3353 : vector<16xf32>
    %mul3A_3357 = arith.mulf %div3A_3341, %add3A_3356 : vector<16xf32>
    %convert_element_type3A_3358 = arith.sitofp %select_n3A_3330 : vector<16xi32> to vector<16xf32>
    %mul3A_3359 = arith.constant 0.693147182 : f32
    %mul3A_3360 = vector.broadcast %mul3A_3359 : f32 to vector<16xf32>
    %mul3A_3361 = arith.mulf %convert_element_type3A_3358, %mul3A_3360 : vector<16xf32>
    %add3A_3362 = arith.addf %mul3A_3357, %mul3A_3361 : vector<16xf32>
    %mul3A_3363 = arith.mulf %get3A_3306, %add3A_3362 : vector<16xf32>
    %add3A_3364 = arith.addf %add3A_3303, %mul3A_3363 : vector<16xf32>
    %get3A_3365 = arith.constant 496 : index
    %get3A_3366 = tpu.vector_load %arg7[%get3A_3365] {strides = array<i32>} : memref<512xf32, #tpu.memory_space<vmem>>, vector<16xf32>,
    %get3A_3367 = vector.shape_cast %get3A_3366 : vector<16xf32> to vector<16xf32>
    %add3A_3368 = arith.constant 2.000000e-38 : f32
    %add3A_3369 = vector.broadcast %add3A_3368 : f32 to vector<16xf32>
    %add3A_3370 = arith.addf %get3A_3367, %add3A_3369 : vector<16xf32>
    %bitcast_convert_type3A_3371 = tpu.bitcast %add3A_3370 : vector<16xf32> -> vector<16xi32>
    %shift_right_logical3A_3372 = arith.constant 23 : i32
    %shift_right_logical3A_3373 = vector.broadcast %shift_right_logical3A_3372 : i32 to vector<16xi32>
    %shift_right_logical3A_3374 = arith.shrui %bitcast_convert_type3A_3371, %shift_right_logical3A_3373 : vector<16xi32>
    %sub3A_3375 = arith.constant 127 : i32
    %sub3A_3376 = vector.broadcast %sub3A_3375 : i32 to vector<16xi32>
    %sub3A_3377 = arith.subi %shift_right_logical3A_3374, %sub3A_3376 : vector<16xi32>
    %and3A_3378 = arith.constant 8388607 : i32
    %and3A_3379 = vector.broadcast %and3A_3378 : i32 to vector<16xi32>
    %and3A_3380 = arith.andi %bitcast_convert_type3A_3371, %and3A_3379 : vector<16xi32>
    %or3A_3381 = arith.constant 1065353216 : i32
    %or3A_3382 = vector.broadcast %or3A_3381 : i32 to vector<16xi32>
    %or3A_3383 = arith.ori %and3A_3380, %or3A_3382 : vector<16xi32>
    %bitcast_convert_type3A_3384 = tpu.bitcast %or3A_3383 : vector<16xi32> -> vector<16xf32>
    %ge3A_3385 = arith.constant 1.41421354 : f32
    %ge3A_3386 = vector.broadcast %ge3A_3385 : f32 to vector<16xf32>
    %ge3A_3387 = arith.cmpf oge, %bitcast_convert_type3A_3384, %ge3A_3386 : vector<16xf32>
    %add3A_3388 = arith.constant 1 : i32
    %add3A_3389 = vector.broadcast %add3A_3388 : i32 to vector<16xi32>
    %add3A_3390 = arith.addi %sub3A_3377, %add3A_3389 : vector<16xi32>
    %select_n3A_3391 = arith.select %ge3A_3387, %add3A_3390, %sub3A_3377 : vector<16xi1>, vector<16xi32>
    %mul3A_3392 = arith.constant 5.000000e-01 : f32
    %mul3A_3393 = vector.broadcast %mul3A_3392 : f32 to vector<16xf32>
    %mul3A_3394 = arith.mulf %bitcast_convert_type3A_3384, %mul3A_3393 : vector<16xf32>
    %select_n3A_3395 = arith.select %ge3A_3387, %mul3A_3394, %bitcast_convert_type3A_3384 : vector<16xi1>, vector<16xf32>
    %sub3A_3396 = arith.constant 1.000000e+00 : f32
    %sub3A_3397 = vector.broadcast %sub3A_3396 : f32 to vector<16xf32>
    %sub3A_3398 = arith.subf %select_n3A_3395, %sub3A_3397 : vector<16xf32>
    %add3A_3399 = arith.constant 1.000000e+00 : f32
    %add3A_3400 = vector.broadcast %add3A_3399 : f32 to vector<16xf32>
    %add3A_3401 = arith.addf %select_n3A_3395, %add3A_3400 : vector<16xf32>
    %div3A_3402 = arith.divf %sub3A_3398, %add3A_3401 : vector<16xf32>
    %mul3A_3403 = arith.mulf %div3A_3402, %div3A_3402 : vector<16xf32>
    %mul3A_3404 = arith.constant 0.285714298 : f32
    %mul3A_3405 = vector.broadcast %mul3A_3404 : f32 to vector<16xf32>
    %mul3A_3406 = arith.mulf %mul3A_3403, %mul3A_3405 : vector<16xf32>
    %add3A_3407 = arith.constant 4.000000e-01 : f32
    %add3A_3408 = vector.broadcast %add3A_3407 : f32 to vector<16xf32>
    %add3A_3409 = arith.addf %add3A_3408, %mul3A_3406 : vector<16xf32>
    %mul3A_3410 = arith.mulf %mul3A_3403, %add3A_3409 : vector<16xf32>
    %add3A_3411 = arith.constant 0.666666686 : f32
    %add3A_3412 = vector.broadcast %add3A_3411 : f32 to vector<16xf32>
    %add3A_3413 = arith.addf %add3A_3412, %mul3A_3410 : vector<16xf32>
    %mul3A_3414 = arith.mulf %mul3A_3403, %add3A_3413 : vector<16xf32>
    %add3A_3415 = arith.constant 2.000000e+00 : f32
    %add3A_3416 = vector.broadcast %add3A_3415 : f32 to vector<16xf32>
    %add3A_3417 = arith.addf %add3A_3416, %mul3A_3414 : vector<16xf32>
    %mul3A_3418 = arith.mulf %div3A_3402, %add3A_3417 : vector<16xf32>
    %convert_element_type3A_3419 = arith.sitofp %select_n3A_3391 : vector<16xi32> to vector<16xf32>
    %mul3A_3420 = arith.constant 0.693147182 : f32
    %mul3A_3421 = vector.broadcast %mul3A_3420 : f32 to vector<16xf32>
    %mul3A_3422 = arith.mulf %convert_element_type3A_3419, %mul3A_3421 : vector<16xf32>
    %add3A_3423 = arith.addf %mul3A_3418, %mul3A_3422 : vector<16xf32>
    %mul3A_3424 = arith.mulf %get3A_3367, %add3A_3423 : vector<16xf32>
    %add3A_3425 = arith.addf %add3A_3364, %mul3A_3424 : vector<16xf32>
    %swap3A_3426 = arith.constant 16 : index
    %swap3A_3427 = tpu.vector_load %arg10[%swap3A_3426] {strides = array<i32>} : memref<32xf32, #tpu.memory_space<vmem>>, vector<16xf32>,
    %swap3A_3428 = vector.shape_cast %swap3A_3427 : vector<16xf32> to vector<16xf32>
    %swap3A_3429 = vector.shape_cast %add3A_3425 : vector<16xf32> to vector<16xf32>
    tpu.vector_store %arg10[%swap3A_3426], %swap3A_3429 {strides = array<i32>} : memref<32xf32, #tpu.memory_space<vmem>>, vector<16xf32>,
    "tpu.region"() ({
      %run_scoped3A = tpu.sem_alloc : memref<!tpu.dma_semaphore, #tpu.memory_space<semaphore_mem>>
      %dma_start3A_3436 = arith.constant 0 : i32
      %dma_start3A_3437 = tpu.memref_slice %arg12[%dma_start3A_3436] : memref<32xf32, #tpu.memory_space<vmem_shared>> -> memref<32xf32, #tpu.memory_space<vmem_shared>>
      tpu.enqueue_indirect_dma source(%arg10 : memref<32xf32, #tpu.memory_space<vmem>>) target(%dma_start3A_3437 : memref<32xf32, #tpu.memory_space<vmem_shared>>) offsets(%arg9 : memref<32xi32, #tpu.memory_space<vmem>>) semaphore(%run_scoped3A : memref<!tpu.dma_semaphore, #tpu.memory_space<semaphore_mem>>) {add = true}
      %dma_wait3A_3438 = arith.constant 0 : i32
      %dma_wait3A_3439 = tpu.memref_slice %arg12[%dma_wait3A_3438] : memref<32xf32, #tpu.memory_space<vmem_shared>> -> memref<32xf32, #tpu.memory_space<vmem_shared>>
      tpu.wait_indirect_dma semaphore(%run_scoped3A : memref<!tpu.dma_semaphore, #tpu.memory_space<semaphore_mem>>) src(%arg10 : memref<32xf32, #tpu.memory_space<vmem>>) dst(%dma_wait3A_3439 : memref<32xf32, #tpu.memory_space<vmem_shared>>)
      tpu.yield
    }) : () -> ()
    %barrier3A_3430 = arith.constant 0 : index
    tpu.barrier barrier_id(%barrier3A_3430)
    %eq3A_3431 = arith.constant 0 : i32
    %eq3A_3432 = arith.cmpi eq, %arg1, %eq3A_3431 : i32
    %convert_element_type3A_3433 = arith.extui %eq3A_3432 : i1 to i32
    %cond3A_3434 = arith.constant 0 : i32
    %cond3A_3435 = arith.cmpi ne, %convert_element_type3A_3433, %cond3A_3434 : i32
    scf.if %cond3A_3435 {
      "tpu.region"() ({
        %run_scoped3A = tpu.sem_alloc : memref<!tpu.dma_semaphore, #tpu.memory_space<semaphore_mem>>
        %dma_start3A_3635 = arith.constant 0 : i32
        %dma_start3A_3636 = tpu.memref_slice %arg7[%dma_start3A_3635] : memref<512xf32, #tpu.memory_space<vmem>> -> memref<32xf32, #tpu.memory_space<vmem>>
        %dma_start3A_3637 = arith.constant 0 : i32
        %dma_start3A_3638 = tpu.memref_slice %arg7[%dma_start3A_3637] : memref<512xf32, #tpu.memory_space<vmem>> -> memref<32xf32, #tpu.memory_space<vmem>>
        tpu.enqueue_dma source(%arg12 : memref<32xf32, #tpu.memory_space<vmem_shared>>) target(%dma_start3A_3638 : memref<32xf32, #tpu.memory_space<vmem>>) target_semaphore(%run_scoped3A : memref<!tpu.dma_semaphore, #tpu.memory_space<semaphore_mem>>)
        %dma_wait3A_3639 = arith.constant 0 : i32
        %dma_wait3A_3640 = tpu.memref_slice %arg7[%dma_wait3A_3639] : memref<512xf32, #tpu.memory_space<vmem>> -> memref<32xf32, #tpu.memory_space<vmem>>
        %dma_wait3A_3641 = arith.constant 0 : i32
        %dma_wait3A_3642 = tpu.memref_slice %arg7[%dma_wait3A_3641] : memref<512xf32, #tpu.memory_space<vmem>> -> memref<32xf32, #tpu.memory_space<vmem>>
        tpu.wait_dma2 semaphore(%run_scoped3A : memref<!tpu.dma_semaphore, #tpu.memory_space<semaphore_mem>>) src(%arg12 : memref<32xf32, #tpu.memory_space<vmem_shared>>) dst(%dma_wait3A_3642 : memref<32xf32, #tpu.memory_space<vmem>>)
        tpu.yield
      }) : () -> ()
      %get3A_3436 = arith.constant 0 : index
      %get3A_3437 = tpu.vector_load %arg7[%get3A_3436] {strides = array<i32>} : memref<512xf32, #tpu.memory_space<vmem>>, vector<16xf32>,
      %get3A_3438 = vector.shape_cast %get3A_3437 : vector<16xf32> to vector<16xf32>
      %slice3A = vector.extract_strided_slice %get3A_3438 {offsets = [0], sizes = [1], strides = [1]} : vector<16xf32> to vector<1xf32>
      %squeeze3A = vector.extract %slice3A[0] : f32 from vector<1xf32>
      %broadcast_in_dim3A_3439 = vector.broadcast %squeeze3A : f32 to vector<16xf32>
      %slice3A_3440 = vector.extract_strided_slice %get3A_3438 {offsets = [1], sizes = [1], strides = [1]} : vector<16xf32> to vector<1xf32>
      %squeeze3A_3441 = vector.extract %slice3A_3440[0] : f32 from vector<1xf32>
      %broadcast_in_dim3A_3442 = vector.broadcast %squeeze3A_3441 : f32 to vector<16xf32>
      %add3A_3443 = arith.addf %broadcast_in_dim3A_3439, %broadcast_in_dim3A_3442 : vector<16xf32>
      %slice3A_3444 = vector.extract_strided_slice %get3A_3438 {offsets = [2], sizes = [1], strides = [1]} : vector<16xf32> to vector<1xf32>
      %squeeze3A_3445 = vector.extract %slice3A_3444[0] : f32 from vector<1xf32>
      %broadcast_in_dim3A_3446 = vector.broadcast %squeeze3A_3445 : f32 to vector<16xf32>
      %add3A_3447 = arith.addf %add3A_3443, %broadcast_in_dim3A_3446 : vector<16xf32>
      %slice3A_3448 = vector.extract_strided_slice %get3A_3438 {offsets = [3], sizes = [1], strides = [1]} : vector<16xf32> to vector<1xf32>
      %squeeze3A_3449 = vector.extract %slice3A_3448[0] : f32 from vector<1xf32>
      %broadcast_in_dim3A_3450 = vector.broadcast %squeeze3A_3449 : f32 to vector<16xf32>
      %add3A_3451 = arith.addf %add3A_3447, %broadcast_in_dim3A_3450 : vector<16xf32>
      %slice3A_3452 = vector.extract_strided_slice %get3A_3438 {offsets = [4], sizes = [1], strides = [1]} : vector<16xf32> to vector<1xf32>
      %squeeze3A_3453 = vector.extract %slice3A_3452[0] : f32 from vector<1xf32>
      %broadcast_in_dim3A_3454 = vector.broadcast %squeeze3A_3453 : f32 to vector<16xf32>
      %add3A_3455 = arith.addf %add3A_3451, %broadcast_in_dim3A_3454 : vector<16xf32>
      %slice3A_3456 = vector.extract_strided_slice %get3A_3438 {offsets = [5], sizes = [1], strides = [1]} : vector<16xf32> to vector<1xf32>
      %squeeze3A_3457 = vector.extract %slice3A_3456[0] : f32 from vector<1xf32>
      %broadcast_in_dim3A_3458 = vector.broadcast %squeeze3A_3457 : f32 to vector<16xf32>
      %add3A_3459 = arith.addf %add3A_3455, %broadcast_in_dim3A_3458 : vector<16xf32>
      %slice3A_3460 = vector.extract_strided_slice %get3A_3438 {offsets = [6], sizes = [1], strides = [1]} : vector<16xf32> to vector<1xf32>
      %squeeze3A_3461 = vector.extract %slice3A_3460[0] : f32 from vector<1xf32>
      %broadcast_in_dim3A_3462 = vector.broadcast %squeeze3A_3461 : f32 to vector<16xf32>
      %add3A_3463 = arith.addf %add3A_3459, %broadcast_in_dim3A_3462 : vector<16xf32>
      %slice3A_3464 = vector.extract_strided_slice %get3A_3438 {offsets = [7], sizes = [1], strides = [1]} : vector<16xf32> to vector<1xf32>
      %squeeze3A_3465 = vector.extract %slice3A_3464[0] : f32 from vector<1xf32>
      %broadcast_in_dim3A_3466 = vector.broadcast %squeeze3A_3465 : f32 to vector<16xf32>
      %add3A_3467 = arith.addf %add3A_3463, %broadcast_in_dim3A_3466 : vector<16xf32>
      %slice3A_3468 = vector.extract_strided_slice %get3A_3438 {offsets = [8], sizes = [1], strides = [1]} : vector<16xf32> to vector<1xf32>
      %squeeze3A_3469 = vector.extract %slice3A_3468[0] : f32 from vector<1xf32>
      %broadcast_in_dim3A_3470 = vector.broadcast %squeeze3A_3469 : f32 to vector<16xf32>
      %add3A_3471 = arith.addf %add3A_3467, %broadcast_in_dim3A_3470 : vector<16xf32>
      %slice3A_3472 = vector.extract_strided_slice %get3A_3438 {offsets = [9], sizes = [1], strides = [1]} : vector<16xf32> to vector<1xf32>
      %squeeze3A_3473 = vector.extract %slice3A_3472[0] : f32 from vector<1xf32>
      %broadcast_in_dim3A_3474 = vector.broadcast %squeeze3A_3473 : f32 to vector<16xf32>
      %add3A_3475 = arith.addf %add3A_3471, %broadcast_in_dim3A_3474 : vector<16xf32>
      %slice3A_3476 = vector.extract_strided_slice %get3A_3438 {offsets = [10], sizes = [1], strides = [1]} : vector<16xf32> to vector<1xf32>
      %squeeze3A_3477 = vector.extract %slice3A_3476[0] : f32 from vector<1xf32>
      %broadcast_in_dim3A_3478 = vector.broadcast %squeeze3A_3477 : f32 to vector<16xf32>
      %add3A_3479 = arith.addf %add3A_3475, %broadcast_in_dim3A_3478 : vector<16xf32>
      %slice3A_3480 = vector.extract_strided_slice %get3A_3438 {offsets = [11], sizes = [1], strides = [1]} : vector<16xf32> to vector<1xf32>
      %squeeze3A_3481 = vector.extract %slice3A_3480[0] : f32 from vector<1xf32>
      %broadcast_in_dim3A_3482 = vector.broadcast %squeeze3A_3481 : f32 to vector<16xf32>
      %add3A_3483 = arith.addf %add3A_3479, %broadcast_in_dim3A_3482 : vector<16xf32>
      %slice3A_3484 = vector.extract_strided_slice %get3A_3438 {offsets = [12], sizes = [1], strides = [1]} : vector<16xf32> to vector<1xf32>
      %squeeze3A_3485 = vector.extract %slice3A_3484[0] : f32 from vector<1xf32>
      %broadcast_in_dim3A_3486 = vector.broadcast %squeeze3A_3485 : f32 to vector<16xf32>
      %add3A_3487 = arith.addf %add3A_3483, %broadcast_in_dim3A_3486 : vector<16xf32>
      %slice3A_3488 = vector.extract_strided_slice %get3A_3438 {offsets = [13], sizes = [1], strides = [1]} : vector<16xf32> to vector<1xf32>
      %squeeze3A_3489 = vector.extract %slice3A_3488[0] : f32 from vector<1xf32>
      %broadcast_in_dim3A_3490 = vector.broadcast %squeeze3A_3489 : f32 to vector<16xf32>
      %add3A_3491 = arith.addf %add3A_3487, %broadcast_in_dim3A_3490 : vector<16xf32>
      %slice3A_3492 = vector.extract_strided_slice %get3A_3438 {offsets = [14], sizes = [1], strides = [1]} : vector<16xf32> to vector<1xf32>
      %squeeze3A_3493 = vector.extract %slice3A_3492[0] : f32 from vector<1xf32>
      %broadcast_in_dim3A_3494 = vector.broadcast %squeeze3A_3493 : f32 to vector<16xf32>
      %add3A_3495 = arith.addf %add3A_3491, %broadcast_in_dim3A_3494 : vector<16xf32>
      %slice3A_3496 = vector.extract_strided_slice %get3A_3438 {offsets = [15], sizes = [1], strides = [1]} : vector<16xf32> to vector<1xf32>
      %squeeze3A_3497 = vector.extract %slice3A_3496[0] : f32 from vector<1xf32>
      %broadcast_in_dim3A_3498 = vector.broadcast %squeeze3A_3497 : f32 to vector<16xf32>
      %add3A_3499 = arith.addf %add3A_3495, %broadcast_in_dim3A_3498 : vector<16xf32>
      %get3A_3500 = arith.constant 16 : index
      %get3A_3501 = tpu.vector_load %arg7[%get3A_3500] {strides = array<i32>} : memref<512xf32, #tpu.memory_space<vmem>>, vector<16xf32>,
      %get3A_3502 = vector.shape_cast %get3A_3501 : vector<16xf32> to vector<16xf32>
      %slice3A_3503 = vector.extract_strided_slice %get3A_3502 {offsets = [0], sizes = [1], strides = [1]} : vector<16xf32> to vector<1xf32>
      %squeeze3A_3504 = vector.extract %slice3A_3503[0] : f32 from vector<1xf32>
      %broadcast_in_dim3A_3505 = vector.broadcast %squeeze3A_3504 : f32 to vector<16xf32>
      %slice3A_3506 = vector.extract_strided_slice %get3A_3502 {offsets = [1], sizes = [1], strides = [1]} : vector<16xf32> to vector<1xf32>
      %squeeze3A_3507 = vector.extract %slice3A_3506[0] : f32 from vector<1xf32>
      %broadcast_in_dim3A_3508 = vector.broadcast %squeeze3A_3507 : f32 to vector<16xf32>
      %add3A_3509 = arith.addf %broadcast_in_dim3A_3505, %broadcast_in_dim3A_3508 : vector<16xf32>
      %slice3A_3510 = vector.extract_strided_slice %get3A_3502 {offsets = [2], sizes = [1], strides = [1]} : vector<16xf32> to vector<1xf32>
      %squeeze3A_3511 = vector.extract %slice3A_3510[0] : f32 from vector<1xf32>
      %broadcast_in_dim3A_3512 = vector.broadcast %squeeze3A_3511 : f32 to vector<16xf32>
      %add3A_3513 = arith.addf %add3A_3509, %broadcast_in_dim3A_3512 : vector<16xf32>
      %slice3A_3514 = vector.extract_strided_slice %get3A_3502 {offsets = [3], sizes = [1], strides = [1]} : vector<16xf32> to vector<1xf32>
      %squeeze3A_3515 = vector.extract %slice3A_3514[0] : f32 from vector<1xf32>
      %broadcast_in_dim3A_3516 = vector.broadcast %squeeze3A_3515 : f32 to vector<16xf32>
      %add3A_3517 = arith.addf %add3A_3513, %broadcast_in_dim3A_3516 : vector<16xf32>
      %slice3A_3518 = vector.extract_strided_slice %get3A_3502 {offsets = [4], sizes = [1], strides = [1]} : vector<16xf32> to vector<1xf32>
      %squeeze3A_3519 = vector.extract %slice3A_3518[0] : f32 from vector<1xf32>
      %broadcast_in_dim3A_3520 = vector.broadcast %squeeze3A_3519 : f32 to vector<16xf32>
      %add3A_3521 = arith.addf %add3A_3517, %broadcast_in_dim3A_3520 : vector<16xf32>
      %slice3A_3522 = vector.extract_strided_slice %get3A_3502 {offsets = [5], sizes = [1], strides = [1]} : vector<16xf32> to vector<1xf32>
      %squeeze3A_3523 = vector.extract %slice3A_3522[0] : f32 from vector<1xf32>
      %broadcast_in_dim3A_3524 = vector.broadcast %squeeze3A_3523 : f32 to vector<16xf32>
      %add3A_3525 = arith.addf %add3A_3521, %broadcast_in_dim3A_3524 : vector<16xf32>
      %slice3A_3526 = vector.extract_strided_slice %get3A_3502 {offsets = [6], sizes = [1], strides = [1]} : vector<16xf32> to vector<1xf32>
      %squeeze3A_3527 = vector.extract %slice3A_3526[0] : f32 from vector<1xf32>
      %broadcast_in_dim3A_3528 = vector.broadcast %squeeze3A_3527 : f32 to vector<16xf32>
      %add3A_3529 = arith.addf %add3A_3525, %broadcast_in_dim3A_3528 : vector<16xf32>
      %slice3A_3530 = vector.extract_strided_slice %get3A_3502 {offsets = [7], sizes = [1], strides = [1]} : vector<16xf32> to vector<1xf32>
      %squeeze3A_3531 = vector.extract %slice3A_3530[0] : f32 from vector<1xf32>
      %broadcast_in_dim3A_3532 = vector.broadcast %squeeze3A_3531 : f32 to vector<16xf32>
      %add3A_3533 = arith.addf %add3A_3529, %broadcast_in_dim3A_3532 : vector<16xf32>
      %slice3A_3534 = vector.extract_strided_slice %get3A_3502 {offsets = [8], sizes = [1], strides = [1]} : vector<16xf32> to vector<1xf32>
      %squeeze3A_3535 = vector.extract %slice3A_3534[0] : f32 from vector<1xf32>
      %broadcast_in_dim3A_3536 = vector.broadcast %squeeze3A_3535 : f32 to vector<16xf32>
      %add3A_3537 = arith.addf %add3A_3533, %broadcast_in_dim3A_3536 : vector<16xf32>
      %slice3A_3538 = vector.extract_strided_slice %get3A_3502 {offsets = [9], sizes = [1], strides = [1]} : vector<16xf32> to vector<1xf32>
      %squeeze3A_3539 = vector.extract %slice3A_3538[0] : f32 from vector<1xf32>
      %broadcast_in_dim3A_3540 = vector.broadcast %squeeze3A_3539 : f32 to vector<16xf32>
      %add3A_3541 = arith.addf %add3A_3537, %broadcast_in_dim3A_3540 : vector<16xf32>
      %slice3A_3542 = vector.extract_strided_slice %get3A_3502 {offsets = [10], sizes = [1], strides = [1]} : vector<16xf32> to vector<1xf32>
      %squeeze3A_3543 = vector.extract %slice3A_3542[0] : f32 from vector<1xf32>
      %broadcast_in_dim3A_3544 = vector.broadcast %squeeze3A_3543 : f32 to vector<16xf32>
      %add3A_3545 = arith.addf %add3A_3541, %broadcast_in_dim3A_3544 : vector<16xf32>
      %slice3A_3546 = vector.extract_strided_slice %get3A_3502 {offsets = [11], sizes = [1], strides = [1]} : vector<16xf32> to vector<1xf32>
      %squeeze3A_3547 = vector.extract %slice3A_3546[0] : f32 from vector<1xf32>
      %broadcast_in_dim3A_3548 = vector.broadcast %squeeze3A_3547 : f32 to vector<16xf32>
      %add3A_3549 = arith.addf %add3A_3545, %broadcast_in_dim3A_3548 : vector<16xf32>
      %slice3A_3550 = vector.extract_strided_slice %get3A_3502 {offsets = [12], sizes = [1], strides = [1]} : vector<16xf32> to vector<1xf32>
      %squeeze3A_3551 = vector.extract %slice3A_3550[0] : f32 from vector<1xf32>
      %broadcast_in_dim3A_3552 = vector.broadcast %squeeze3A_3551 : f32 to vector<16xf32>
      %add3A_3553 = arith.addf %add3A_3549, %broadcast_in_dim3A_3552 : vector<16xf32>
      %slice3A_3554 = vector.extract_strided_slice %get3A_3502 {offsets = [13], sizes = [1], strides = [1]} : vector<16xf32> to vector<1xf32>
      %squeeze3A_3555 = vector.extract %slice3A_3554[0] : f32 from vector<1xf32>
      %broadcast_in_dim3A_3556 = vector.broadcast %squeeze3A_3555 : f32 to vector<16xf32>
      %add3A_3557 = arith.addf %add3A_3553, %broadcast_in_dim3A_3556 : vector<16xf32>
      %slice3A_3558 = vector.extract_strided_slice %get3A_3502 {offsets = [14], sizes = [1], strides = [1]} : vector<16xf32> to vector<1xf32>
      %squeeze3A_3559 = vector.extract %slice3A_3558[0] : f32 from vector<1xf32>
      %broadcast_in_dim3A_3560 = vector.broadcast %squeeze3A_3559 : f32 to vector<16xf32>
      %add3A_3561 = arith.addf %add3A_3557, %broadcast_in_dim3A_3560 : vector<16xf32>
      %slice3A_3562 = vector.extract_strided_slice %get3A_3502 {offsets = [15], sizes = [1], strides = [1]} : vector<16xf32> to vector<1xf32>
      %squeeze3A_3563 = vector.extract %slice3A_3562[0] : f32 from vector<1xf32>
      %broadcast_in_dim3A_3564 = vector.broadcast %squeeze3A_3563 : f32 to vector<16xf32>
      %add3A_3565 = arith.addf %add3A_3561, %broadcast_in_dim3A_3564 : vector<16xf32>
      %add3A_3566 = arith.constant 9.99999971E-10 : f32
      %add3A_3567 = vector.broadcast %add3A_3566 : f32 to vector<16xf32>
      %add3A_3568 = arith.addf %add3A_3499, %add3A_3567 : vector<16xf32>
      %div3A_3569 = arith.constant 1.000000e+00 : f32
      %div3A_3570 = vector.broadcast %div3A_3569 : f32 to vector<16xf32>
      %div3A_3571 = arith.divf %div3A_3570, %add3A_3568 : vector<16xf32>
      %mul3A_3572 = arith.constant 1.000000e-01 : f32
      %mul3A_3573 = vector.broadcast %mul3A_3572 : f32 to vector<16xf32>
      %mul3A_3574 = arith.mulf %mul3A_3573, %div3A_3571 : vector<16xf32>
      %bitcast_convert_type3A_3575 = tpu.bitcast %div3A_3571 : vector<16xf32> -> vector<16xi32>
      %shift_right_logical3A_3576 = arith.constant 23 : i32
      %shift_right_logical3A_3577 = vector.broadcast %shift_right_logical3A_3576 : i32 to vector<16xi32>
      %shift_right_logical3A_3578 = arith.shrui %bitcast_convert_type3A_3575, %shift_right_logical3A_3577 : vector<16xi32>
      %sub3A_3579 = arith.constant 127 : i32
      %sub3A_3580 = vector.broadcast %sub3A_3579 : i32 to vector<16xi32>
      %sub3A_3581 = arith.subi %shift_right_logical3A_3578, %sub3A_3580 : vector<16xi32>
      %and3A_3582 = arith.constant 8388607 : i32
      %and3A_3583 = vector.broadcast %and3A_3582 : i32 to vector<16xi32>
      %and3A_3584 = arith.andi %bitcast_convert_type3A_3575, %and3A_3583 : vector<16xi32>
      %or3A_3585 = arith.constant 1065353216 : i32
      %or3A_3586 = vector.broadcast %or3A_3585 : i32 to vector<16xi32>
      %or3A_3587 = arith.ori %and3A_3584, %or3A_3586 : vector<16xi32>
      %bitcast_convert_type3A_3588 = tpu.bitcast %or3A_3587 : vector<16xi32> -> vector<16xf32>
      %ge3A_3589 = arith.constant 1.41421354 : f32
      %ge3A_3590 = vector.broadcast %ge3A_3589 : f32 to vector<16xf32>
      %ge3A_3591 = arith.cmpf oge, %bitcast_convert_type3A_3588, %ge3A_3590 : vector<16xf32>
      %add3A_3592 = arith.constant 1 : i32
      %add3A_3593 = vector.broadcast %add3A_3592 : i32 to vector<16xi32>
      %add3A_3594 = arith.addi %sub3A_3581, %add3A_3593 : vector<16xi32>
      %select_n3A_3595 = arith.select %ge3A_3591, %add3A_3594, %sub3A_3581 : vector<16xi1>, vector<16xi32>
      %mul3A_3596 = arith.constant 5.000000e-01 : f32
      %mul3A_3597 = vector.broadcast %mul3A_3596 : f32 to vector<16xf32>
      %mul3A_3598 = arith.mulf %bitcast_convert_type3A_3588, %mul3A_3597 : vector<16xf32>
      %select_n3A_3599 = arith.select %ge3A_3591, %mul3A_3598, %bitcast_convert_type3A_3588 : vector<16xi1>, vector<16xf32>
      %sub3A_3600 = arith.constant 1.000000e+00 : f32
      %sub3A_3601 = vector.broadcast %sub3A_3600 : f32 to vector<16xf32>
      %sub3A_3602 = arith.subf %select_n3A_3599, %sub3A_3601 : vector<16xf32>
      %add3A_3603 = arith.constant 1.000000e+00 : f32
      %add3A_3604 = vector.broadcast %add3A_3603 : f32 to vector<16xf32>
      %add3A_3605 = arith.addf %select_n3A_3599, %add3A_3604 : vector<16xf32>
      %div3A_3606 = arith.divf %sub3A_3602, %add3A_3605 : vector<16xf32>
      %mul3A_3607 = arith.mulf %div3A_3606, %div3A_3606 : vector<16xf32>
      %mul3A_3608 = arith.constant 0.285714298 : f32
      %mul3A_3609 = vector.broadcast %mul3A_3608 : f32 to vector<16xf32>
      %mul3A_3610 = arith.mulf %mul3A_3607, %mul3A_3609 : vector<16xf32>
      %add3A_3611 = arith.constant 4.000000e-01 : f32
      %add3A_3612 = vector.broadcast %add3A_3611 : f32 to vector<16xf32>
      %add3A_3613 = arith.addf %add3A_3612, %mul3A_3610 : vector<16xf32>
      %mul3A_3614 = arith.mulf %mul3A_3607, %add3A_3613 : vector<16xf32>
      %add3A_3615 = arith.constant 0.666666686 : f32
      %add3A_3616 = vector.broadcast %add3A_3615 : f32 to vector<16xf32>
      %add3A_3617 = arith.addf %add3A_3616, %mul3A_3614 : vector<16xf32>
      %mul3A_3618 = arith.mulf %mul3A_3607, %add3A_3617 : vector<16xf32>
      %add3A_3619 = arith.constant 2.000000e+00 : f32
      %add3A_3620 = vector.broadcast %add3A_3619 : f32 to vector<16xf32>
      %add3A_3621 = arith.addf %add3A_3620, %mul3A_3618 : vector<16xf32>
      %mul3A_3622 = arith.mulf %div3A_3606, %add3A_3621 : vector<16xf32>
      %convert_element_type3A_3623 = arith.sitofp %select_n3A_3595 : vector<16xi32> to vector<16xf32>
      %mul3A_3624 = arith.constant 0.693147182 : f32
      %mul3A_3625 = vector.broadcast %mul3A_3624 : f32 to vector<16xf32>
      %mul3A_3626 = arith.mulf %convert_element_type3A_3623, %mul3A_3625 : vector<16xf32>
      %add3A_3627 = arith.addf %mul3A_3622, %mul3A_3626 : vector<16xf32>
      %mul3A_3628 = arith.mulf %add3A_3627, %add3A_3499 : vector<16xf32>
      %add3A_3629 = arith.addf %add3A_3565, %mul3A_3628 : vector<16xf32>
      %mul3A_3630 = arith.mulf %mul3A_3574, %add3A_3629 : vector<16xf32>
      %swap3A_3631 = arith.constant 0 : index
      %swap3A_3632 = tpu.vector_load %arg10[%swap3A_3631] {strides = array<i32>} : memref<32xf32, #tpu.memory_space<vmem>>, vector<16xf32>,
      %swap3A_3633 = vector.shape_cast %swap3A_3632 : vector<16xf32> to vector<16xf32>
      %swap3A_3634 = vector.shape_cast %mul3A_3630 : vector<16xf32> to vector<16xf32>
      tpu.vector_store %arg10[%swap3A_3631], %swap3A_3634 {strides = array<i32>} : memref<32xf32, #tpu.memory_space<vmem>>, vector<16xf32>,
      "tpu.region"() ({
        %run_scoped3A = tpu.sem_alloc : memref<!tpu.dma_semaphore, #tpu.memory_space<semaphore_mem>>
        %dma_start3A_3635 = arith.constant 0 : i32
        %dma_start3A_3636 = tpu.memref_slice %arg10[%dma_start3A_3635] : memref<32xf32, #tpu.memory_space<vmem>> -> memref<16xf32, #tpu.memory_space<vmem>>
        %dma_start3A_3637 = arith.constant 0 : i32
        %dma_start3A_3638 = tpu.memref_slice %arg10[%dma_start3A_3637] : memref<32xf32, #tpu.memory_space<vmem>> -> memref<16xf32, #tpu.memory_space<vmem>>
        tpu.enqueue_dma source(%dma_start3A_3638 : memref<16xf32, #tpu.memory_space<vmem>>) target(%arg4 : memref<16xf32, #tpu.memory_space<hbm>>) target_semaphore(%run_scoped3A : memref<!tpu.dma_semaphore, #tpu.memory_space<semaphore_mem>>)
        %dma_wait3A_3639 = arith.constant 0 : i32
        %dma_wait3A_3640 = tpu.memref_slice %arg10[%dma_wait3A_3639] : memref<32xf32, #tpu.memory_space<vmem>> -> memref<16xf32, #tpu.memory_space<vmem>>
        %dma_wait3A_3641 = arith.constant 0 : i32
        %dma_wait3A_3642 = tpu.memref_slice %arg10[%dma_wait3A_3641] : memref<32xf32, #tpu.memory_space<vmem>> -> memref<16xf32, #tpu.memory_space<vmem>>
        tpu.wait_dma2 semaphore(%run_scoped3A : memref<!tpu.dma_semaphore, #tpu.memory_space<semaphore_mem>>) src(%dma_wait3A_3642 : memref<16xf32, #tpu.memory_space<vmem>>) dst(%arg4 : memref<16xf32, #tpu.memory_space<hbm>>)
        tpu.yield
      }) : () -> ()
    } else {
    }
    return
  }
}

</mosaic_0001>

<sc_bundles>
// kernel: kernel.3.cloned.1.call-start
scs
__scs_entry_jumppad:
0x0: {  	(pc) =	sbr.rel $0x88, $3  }
0x1: {  	(tag) =	ssettag $0x0;
	lr =	simm.s32 $0x1  }
0x2: {  	[smem:$0x3F9F] =	sst lr;
	_ =	strace $0xD0000000  }
0x3: {  	_ = 	snop  }
0x4: {  	_ = 	snop  }
0x5: {  	_ = 	snop  }
0x6: {  	_ = 	snop  }
0x7: {  	_ = 	snop  }
__scs_overlays_trampoline_lowered:
0x8: {  	[smem:$0x3FAE] =	sst s0  }
0x9: {  	[smem:$0x3FAF] =	sst s1  }
0xa: {  	[smem:$0x3FB0] =	sst s2  }
0xb: {  	[smem:$0x3FB1] =	sst s3  }
0xc: {  	[smem:$0x3FB2] =	sst s4  }
0xd: {  	[smem:$0x3FB3] =	sst s5  }
0xe: {  	[smem:$0x3FB4] =	sst s6  }
0xf: {  	[smem:$0x3FB5] =	sst s7  }
0x10: {  	[smem:$0x3FB6] =	sst s8  }
0x11: {  	[smem:$0x3FB7] =	sst s9;
	s0 =	simm.s32 @!p0 $0x0  }
0x12: {  	s1 =	sld [smem:$0x3F9D];
	s0 =	simm.s32 @p0 $0x1  }
0x13: {  	[smem:$0x3FB8] =	sst s0;
	s0 =	simm.s32 @!p1 $0x0  }
0x14: {  	s2 =	sld [smem:$0x3F9C];
	s0 =	simm.s32 @p1 $0x1  }
0x15: {  	[smem:$0x3FB9] =	sst s0;
	s0 =	simm.s32 @!p2 $0x0  }
0x16: {  	s3 =	sld [smem:$0x3FDB];
	s0 =	simm.s32 @p2 $0x1  }
0x17: {  	s4 =	simm.s32 $0x1BF5;
	[smem:$0x3FBB] =	sst s0  }
0x18: {  	s0 =	sld [smem:$0x3F9E];
	_ =	swait.ge [sflag:s4], $0x0  }
0x19: {  	s7 =	sld [smem:$0x3F9F]  }
0x1a: {  	s8 =	sadd.s32 $0xFFFFE003, lr  }
0x1b: {  	s9 =	sadd.s32 $0xFFFFFEF7, lr;
	s5 =	simm.s32 $0xFFFFFFFF;
	p2 =	slt.u32 s8, $0xFFFFF086  }
0x1c: {  	p1 =	slt.u32 s9, $0xF7A;
	s5 =	simm.s32 @!p2 $0x0  }
0x1d: {  	s5 =	simm.s32 @p1 $0x1;
	p0 =	seq.s32 s7, s2  }
0x1e: {  	s7 =	smul.u32 @!p0 $0xF7A, s2;
	p2 =	seq.s32 @!p0 s5, $0x0  }
0x1f: {  	s9 =	smul.u32 $0xF7A, s1;
	s8 =	simm.s32 @!p0 $0x1BF5;
	p2 =	por !p2, p0  }
0x20: {  	[sflag:s8] =	ssyncset.s32 @!p0 $0xFFFFF086;
	s6 =	sadd.s32 @!p0 s3, s7;
	s7 =	simm.s32 @!p0 $0x108  }
0x21: {  	s3 =	sadd.s32 s3, s9;
	s6 =	sadd.s32 @!p0 $0x88, s6;
	s7 =	simm.s32 @p2 $0x1082  }
0x22: {  	[simem:s7], [sflag:s8] =	dma.local @!p0 [hbm:s6], $0xF7A  }
0x23: {  	s9 =	sor.u32 $0xD0000000, s2;
	s6 =	simm.s32 $0x108;
	_ =	swait.ge @!p0 [sflag:s8], $0x0  }
0x24: {  	s3 =	sadd.s32 $0x88, s3;
	s6 =	simm.s32 @!p1 $0x1082;
	[sflag:s4] =	ssyncset.s32 $0xFFFFF086  }
0x25: {  	[simem:s6], [sflag:s4] =	dma.local [hbm:s3], $0xF7A  }
0x26: {  	[smem:$0x3F9F] =	sst s1;
	(tag) =	ssettag s2;
	_ =	strace s9  }
0x27: {  	s1 =	sld [smem:$0x3FAF]  }
0x28: {  	s2 =	sld [smem:$0x3FB0]  }
0x29: {  	s4 =	sld [smem:$0x3FB2]  }
0x2a: {  	p0 =	seq.s32 s5, $0x0;
	s5 =	sld [smem:$0x3FB3]  }
0x2b: {  	s6 =	sld [smem:$0x3FB4]  }
0x2c: {  	s7 =	sld [smem:$0x3FB5]  }
0x2d: {  	s3 =	simm.s32 $0x108;
	s8 =	sld [smem:$0x3FB6]  }
0x2e: {  	s3 =	simm.s32 @!p0 $0x1082;
	s9 =	sld [smem:$0x3FB7]  }
0x2f: {  	lr =	sadd.s32 s0, s3;
	s0 =	sld [smem:$0x3FAE]  }
0x30: {  	s3 =	sld [smem:$0x3FB1]  }
0x31: {  	[smem:$0x3FBA] =	sst s10  }
0x32: {  	s10 =	sld [smem:$0x3FB8];
	_ =	sdelay $0x3  }
0x33: {  	p0 =	seq.s32 s10, $0x1;
	s10 =	sld [smem:$0x3FBA];
	_ =	sdelay $0x3  }
0x34: {  	[smem:$0x3FBA] =	sst s10  }
0x35: {  	s10 =	sld [smem:$0x3FB9];
	_ =	sdelay $0x3  }
0x36: {  	p1 =	seq.s32 s10, $0x1;
	s10 =	sld [smem:$0x3FBA];
	_ =	sdelay $0x3  }
0x37: {  	[smem:$0x3FBA] =	sst s10  }
0x38: {  	s10 =	sld [smem:$0x3FBB]  }
0x39: {  	_ = 	snop;
	(pc) =	sbr.ind lr, $3  }
0x3a: {  	_ = 	snop  }
0x3b: {  	_ = 	snop  }
0x3c: {  	p2 =	seq.s32 s10, $0x1;
	s10 =	sld [smem:$0x3FBA]  }
0x3d: {  	_ =	shalt  }
0x3e: {  	_ =	shalt  }
0x3f: {  	_ =	shalt  }
0x40: {  	_ =	shalt  }
0x41: {  	_ =	shalt  }
0x42: {  	_ =	shalt  }
0x43: {  	_ =	shalt  }
0x44: {  	_ =	shalt  }
0x45: {  	_ =	shalt  }
0x46: {  	_ =	shalt  }
0x47: {  	_ =	shalt  }
0x48: {  	_ =	shalt  }
0x49: {  	_ =	shalt  }
0x4a: {  	_ =	shalt  }
0x4b: {  	_ =	shalt  }
0x4c: {  	_ =	shalt  }
0x4d: {  	_ =	shalt  }
0x4e: {  	_ =	shalt  }
0x4f: {  	_ =	shalt  }
0x50: {  	_ =	shalt  }
0x51: {  	_ =	shalt  }
0x52: {  	_ =	shalt  }
0x53: {  	_ =	shalt  }
0x54: {  	_ =	shalt  }
0x55: {  	_ =	shalt  }
0x56: {  	_ =	shalt  }
0x57: {  	_ =	shalt  }
0x58: {  	_ =	shalt  }
0x59: {  	_ =	shalt  }
0x5a: {  	_ =	shalt  }
0x5b: {  	_ =	shalt  }
0x5c: {  	_ =	shalt  }
0x5d: {  	_ =	shalt  }
0x5e: {  	_ =	shalt  }
0x5f: {  	_ =	shalt  }
0x60: {  	_ =	shalt  }
0x61: {  	_ =	shalt  }
0x62: {  	_ =	shalt  }
0x63: {  	_ =	shalt  }
0x64: {  	_ =	shalt  }
0x65: {  	_ =	shalt  }
0x66: {  	_ =	shalt  }
0x67: {  	_ =	shalt  }
0x68: {  	_ =	shalt  }
0x69: {  	_ =	shalt  }
0x6a: {  	_ =	shalt  }
0x6b: {  	_ =	shalt  }
0x6c: {  	_ =	shalt  }
0x6d: {  	_ =	shalt  }
0x6e: {  	_ =	shalt  }
0x6f: {  	_ =	shalt  }
0x70: {  	_ =	shalt  }
0x71: {  	_ =	shalt  }
0x72: {  	_ =	shalt  }
0x73: {  	_ =	shalt  }
0x74: {  	_ =	shalt  }
0x75: {  	_ =	shalt  }
0x76: {  	_ =	shalt  }
0x77: {  	_ =	shalt  }
0x78: {  	_ =	shalt  }
0x79: {  	_ =	shalt  }
0x7a: {  	_ =	shalt  }
0x7b: {  	_ =	shalt  }
0x7c: {  	_ =	shalt  }
0x7d: {  	_ =	shalt  }
0x7e: {  	_ =	shalt  }
0x7f: {  	_ =	shalt  }
0x80: {  	_ =	shalt  }
0x81: {  	_ =	shalt  }
0x82: {  	_ =	shalt  }
0x83: {  	_ =	shalt  }
0x84: {  	_ =	shalt  }
0x85: {  	_ =	shalt  }
0x86: {  	_ =	shalt  }
0x87: {  	_ =	shalt  }
.Lfunc_end0:
.L_simem_size_0:
called_computation_lowered:
.L_overlay_start_0:
0x88: {  	s0 =	sld [smem:$0x3FD9]  }
0x89: {  	s1 =	sld [smem:$0x3FFE];
	_ =	sdelay $0x3  }
0x8a: {  	s0 =	sadd.s32 s1, s0  }
0x8b: {  	[smem:$0x3FC6] =	sst s0  }
0x8c: {  	_ = 	snop  }
0x8d: {  	s0 =	sld [smem:$0x3FC9]  }
0x8e: {  	s17 =	sld [smem:$0x3FC8]  }
0x8f: {  	s2 =	sld [smem:$0x3FD0];
	(tm) =	ssettm $0x1  }
0x90: {  	s3 =	sld [smem:$0x3FFB];
	_ =	sdelay $0x3  }
0x91: {  	_ =	strace s3  }
0x92: {  	s3 =	sld [smem:$0x3FFC];
	_ =	sdelay $0x3  }
0x93: {  	_ =	strace s3  }
0x94: {  	s3 =	sld [smem:$0x3FFD];
	_ =	sdelay $0x3  }
0x95: {  	_ =	strace s3  }
0x96: {  	_ =	strace $0x8FFFFFFF  }
0x97: {  	s18 =	sld [smem:$0x3FDB];
	_ =	sdelay $0x1  }
0x98: {  	s4 =	simm.s32 $_scs_section_size  }
0x99: {  	s5 =	simm.s32 $_size__tile_overlayer_lowered;
	s6 =	simm.s32 $_tile_overlayer_lowered  }
0x9a: {  	s21 =	simm.s32 $0x1BFF;
	s20 =	sshll.u32 s6, $0x1;
	s3 =	sadd.s32 s4, s18  }
0x9b: {  	s7 =	simm.s32 $0x0;
	s19 =	sshll.u32 s5, $0x1;
	s5 =	sadd.s32 s20, s3  }
0x9c: {  	[timem:s7], [sflag:s21] =	dma.local [hbm:s5], s19  }
0x9d: {  	_ =	swait.ge [sflag:s21], s19  }
0x9e: {  	s4 =	ssub.s32 $0x0, s19;
	[sflag:s21] =	ssyncset.done $0x0  }
0x9f: {  	[sflag:s21] =	ssyncadd.s32 s4;
	_ =	sdelay $0x1  }
0xa0: {  	s22 =	simm.s32 $0x1B8B  }
0xa1: {  	_ =	swait.ge [sflag:s22], $0x1  }
0xa2: {  	[sflag:s22] =	ssyncset.done $0x0  }
0xa3: {  	s23 =	simm.s32 $0x1B8E;
	[sflag:s22] =	ssyncadd.s32 $0xFFFFFFFF  }
0xa4: {  	s24 =	simm.s32 $execute0_lowered;
	[smem:$0x3FD2] =	sst s23  }
0xa5: {  	s4 =	sshll.u32 s24, $0x1;
	_ =	strace $0x80000046;
	[dreg:$0x1] =	wrdreg $0xFFFFFFFF  }
0xa6: {  	s25 =	simm.s32 $_size_execute0_lowered;
	s3 =	sadd.s32 s3, s4;
	[dreg:$0x0] =	wrdreg $0x0  }
0xa7: {  	s4 =	sshll.u32 s25, $0x1;
	[dreg:$0x2] =	wrdreg s3  }
0xa8: {  	[dreg:$0x3] =	wrdreg s4  }
0xa9: {  	[dreg:$0x4] =	wrdreg $0xC0  }
0xaa: {  	_ =	task [dreg:s7], $0x5FFFF  }
0xab: {  	[dreg:$0x1] =	wrdreg $0xFFFFFFFF  }
0xac: {  	[dreg:$0x0] =	wrdreg $0x60  }
0xad: {  	[dreg:$0x2] =	wrdreg s0  }
0xae: {  	[dreg:$0x3] =	wrdreg s17  }
0xaf: {  	[dreg:$0x4] =	wrdreg s2  }
0xb0: {  	[dreg:$0x5] =	wrdreg $0xD000  }
0xb1: {  	[dreg:$0x6] =	wrdreg $0xF000  }
0xb2: {  	[dreg:$0x7] =	wrdreg $0x9  }
0xb3: {  	_ =	task.clear_ibuf [dreg:s7], $0x8FFFF;
	_ =	strace $0x90000046  }
0xb4: {  	s26 =	simm.s32 $0x9;
	_ =	strace $0x80000048  }
0xb5: {  	_ =	swait.ge [sflag:s26], $0x1  }
0xb6: {  	[sflag:s26] =	ssyncadd.s32 $0xFFFFFFFF  }
0xb7: {  	_ =	strace $0x90000048  }
0xb8: {  	_ =	sfence  }
0xb9: {  	s28 =	sld [smem:$0x0];
	_ =	sdelay $0x1  }
0xba: {  	s29 =	srdreg.scid  }
0xbb: {  	s30 =	sshll.u32 s29, $0xD;
	s31 =	sshrl.u32 s29, $0x2  }
0xbc: {  	s1 =	sand.u32 $0x1, s29;
	s2 =	sand.u32 $0x4000, s30;
	s0 =	sadd.s32 s31, s28  }
0xbd: {  	s1 =	sor.u32 s2, s1;
	s0 =	sshll.u32 s0, $0x11  }
0xbe: {  	s0 =	sor.u32 s0, s1  }
0xbf: {  	s0 =	sadd.s32 $0x8F2B, s0  }
0xc0: {  	[sflag:s0] =	ssyncadd.remote.s32 $0x1  }
0xc1: {  	_ =	sfence.sel $0xFFFF  }
0xc2: {  	[dreg:$0x0] =	wrdreg $0xFFFFFFFF;
	(pc) =	sbr.abs _section_cstart, $3  }
0xc3: {  	[dreg:$0x1] =	wrdreg $0xFFFFFFFF  }
0xc4: {  	_ =	task.clear_ibuf [dreg:s7], $0x2FFFF;
	_ =	strace $0x9FFFFFFF  }
0xc5: {  	(tm) =	ssettm $0x7FFFFFFF  }
tec
execute0_lowered:
.L_overlay_start_1:
0x0: {  	(tag) =	ssettag $0x1  }
0x1: {  	s5 =	rddreg [dreg:$0x0]  }
0x2: {  	s4 =	rddreg [dreg:$0x1]  }
0x3: {  	s1 =	rddreg [dreg:$0x2]  }
0x4: {  	s6 =	rddreg [dreg:$0x3]  }
0x5: {  	s3 =	rddreg [dreg:$0x4];
	s2 =	simm.s32 $0x0  }
0x6: {  	v0 =	vimm.f32 $1.000000000e+00;
	[smem:$0x7FF] =	sst s2  }
0x7: {  	s0 =	rddreg [dreg:$0x5];
	_ =	strace $0x80000047;
	[tilespmem:$0x400] =	vst v0  }
0x8: {  	[tilespmem:$0x410] =	vst v0  }
0x9: {  	[tilespmem:$0x420] =	vst v0  }
0xa: {  	[tilespmem:$0x430] =	vst v0  }
0xb: {  	[tilespmem:$0x440] =	vst v0  }
0xc: {  	[tilespmem:$0x450] =	vst v0  }
0xd: {  	[tilespmem:$0x460] =	vst v0  }
0xe: {  	[tilespmem:$0x470] =	vst v0  }
0xf: {  	[tilespmem:$0x480] =	vst v0  }
0x10: {  	[tilespmem:$0x490] =	vst v0  }
0x11: {  	[tilespmem:$0x4A0] =	vst v0  }
0x12: {  	[tilespmem:$0x4B0] =	vst v0  }
0x13: {  	[tilespmem:$0x4C0] =	vst v0  }
0x14: {  	[tilespmem:$0x4D0] =	vst v0  }
0x15: {  	[tilespmem:$0x4E0] =	vst v0  }
0x16: {  	[tilespmem:$0x4F0] =	vst v0  }
0x17: {  	[tilespmem:$0x500] =	vst v0  }
0x18: {  	[tilespmem:$0x510] =	vst v0  }
0x19: {  	[tilespmem:$0x520] =	vst v0  }
0x1a: {  	[tilespmem:$0x530] =	vst v0  }
0x1b: {  	[tilespmem:$0x540] =	vst v0  }
0x1c: {  	[tilespmem:$0x550] =	vst v0  }
0x1d: {  	[tilespmem:$0x560] =	vst v0  }
0x1e: {  	[tilespmem:$0x570] =	vst v0  }
0x1f: {  	[tilespmem:$0x580] =	vst v0  }
0x20: {  	[tilespmem:$0x590] =	vst v0  }
0x21: {  	[tilespmem:$0x5A0] =	vst v0  }
0x22: {  	[tilespmem:$0x5B0] =	vst v0  }
0x23: {  	[tilespmem:$0x5C0] =	vst v0  }
0x24: {  	[tilespmem:$0x5D0] =	vst v0  }
0x25: {  	[tilespmem:$0x5E0] =	vst v0  }
0x26: {  	[tilespmem:$0x5F0] =	vst v0  }
0x27: {  	[tilespmem:$0x600] =	vst v0  }
0x28: {  	[tilespmem:$0x610] =	vst v0  }
0x29: {  	[tilespmem:$0x620] =	vst v0  }
0x2a: {  	[tilespmem:$0x630] =	vst v0  }
0x2b: {  	[tilespmem:$0x640] =	vst v0  }
0x2c: {  	[tilespmem:$0x650] =	vst v0  }
0x2d: {  	[tilespmem:$0x660] =	vst v0  }
0x2e: {  	[tilespmem:$0x670] =	vst v0  }
0x2f: {  	[tilespmem:$0x680] =	vst v0  }
0x30: {  	[tilespmem:$0x690] =	vst v0  }
0x31: {  	[tilespmem:$0x6A0] =	vst v0  }
0x32: {  	[tilespmem:$0x6B0] =	vst v0  }
0x33: {  	[tilespmem:$0x6C0] =	vst v0  }
0x34: {  	[tilespmem:$0x6D0] =	vst v0  }
0x35: {  	[tilespmem:$0x6E0] =	vst v0  }
0x36: {  	[tilespmem:$0x6F0] =	vst v0  }
0x37: {  	[tilespmem:$0x700] =	vst v0  }
0x38: {  	[tilespmem:$0x710] =	vst v0  }
0x39: {  	[tilespmem:$0x720] =	vst v0  }
0x3a: {  	[tilespmem:$0x730] =	vst v0  }
0x3b: {  	[tilespmem:$0x740] =	vst v0  }
0x3c: {  	[tilespmem:$0x750] =	vst v0  }
0x3d: {  	[tilespmem:$0x760] =	vst v0  }
0x3e: {  	[tilespmem:$0x770] =	vst v0  }
0x3f: {  	[tilespmem:$0x780] =	vst v0  }
0x40: {  	[tilespmem:$0x790] =	vst v0  }
0x41: {  	[tilespmem:$0x7A0] =	vst v0  }
0x42: {  	[tilespmem:$0x7B0] =	vst v0  }
0x43: {  	[tilespmem:$0x7C0] =	vst v0  }
0x44: {  	[tilespmem:$0x7D0] =	vst v0  }
0x45: {  	[tilespmem:$0x7E0] =	vst v0  }
0x46: {  	[tilespmem:$0x7F0] =	vst v0;
	v0 =	vimm.f32 $0.0e+00  }
0x47: {  	[tilespmem:$0x800] =	vst v0  }
0x48: {  	[tilespmem:$0x810] =	vst v0  }
0x49: {  	[tilespmem:$0x820] =	vst v0  }
0x4a: {  	[tilespmem:$0x830] =	vst v0  }
0x4b: {  	[tilespmem:$0x840] =	vst v0  }
0x4c: {  	[tilespmem:$0x850] =	vst v0  }
0x4d: {  	[tilespmem:$0x860] =	vst v0  }
0x4e: {  	[tilespmem:$0x870] =	vst v0  }
0x4f: {  	[tilespmem:$0x880] =	vst v0  }
0x50: {  	[tilespmem:$0x890] =	vst v0  }
0x51: {  	[tilespmem:$0x8A0] =	vst v0  }
0x52: {  	[tilespmem:$0x8B0] =	vst v0  }
0x53: {  	[tilespmem:$0x8C0] =	vst v0  }
0x54: {  	[tilespmem:$0x8D0] =	vst v0  }
0x55: {  	[tilespmem:$0x8E0] =	vst v0  }
0x56: {  	[tilespmem:$0x8F0] =	vst v0  }
0x57: {  	[tilespmem:$0x900] =	vst v0  }
0x58: {  	[tilespmem:$0x910] =	vst v0  }
0x59: {  	[tilespmem:$0x920] =	vst v0  }
0x5a: {  	[tilespmem:$0x930] =	vst v0  }
0x5b: {  	[tilespmem:$0x940] =	vst v0  }
0x5c: {  	[tilespmem:$0x950] =	vst v0  }
0x5d: {  	[tilespmem:$0x960] =	vst v0  }
0x5e: {  	[tilespmem:$0x970] =	vst v0  }
0x5f: {  	[tilespmem:$0x980] =	vst v0  }
0x60: {  	[tilespmem:$0x990] =	vst v0  }
0x61: {  	[tilespmem:$0x9A0] =	vst v0  }
0x62: {  	[tilespmem:$0x9B0] =	vst v0  }
0x63: {  	[tilespmem:$0x9C0] =	vst v0  }
0x64: {  	[tilespmem:$0x9D0] =	vst v0  }
0x65: {  	[tilespmem:$0x9E0] =	vst v0  }
0x66: {  	s8 =	stileid.u32;
	[tilespmem:$0x9F0] =	vst v0;
	v0 =	vlaneseq.u32  }
0x67: {  	s7 =	sshll.u32 s8, $0x7;
	[tilespmem:$0xC00] =	vst v0;
	v0 =	vor.u32 $0x10, v0  }
0x68: {  	s12 =	sshll.u32 s8, $0x6;
	s5 =	sadd.s32 s5, s7;
	[tilespmem:$0xC10] =	vst v0  }
0x69: {  	[tilespmem:s2], [sflag:$0x1] =	stream.linear.gather [hbm4b:s5+s2], $0x400, $0x38;
	[tilespmem:$0xF08] =	vst v63  }
0x6a: {  	s14 =	simm.s32 $0xA00;
	s13 =	sshll.u32 s8, $0x9;
	s4 =	sadd.s32 s4, s12  }
0x6b: {  	[tilespmem:s14], [sflag:$0x1] =	stream.linear.gather [hbm4b:s4+s2], $0x200, $0x38;
	[tilespmem:$0xF08] =	vst v63  }
0x6c: {  	s15 =	sadd.s32 s13, s6;
	s5 =	simm.s32 $0x800;
	s4 =	simm.s32 $0x2  }
0x6d: {  	[spmem:s15] =	stream.linear.scatter [tilespmem:s5], [sflag:$0x2], $0x200, $0x38;
	[tilespmem:$0xF08] =	vst v63  }
0x6e: {  	_ =	swait.ge [sflag:s4], $0x200  }
0x6f: {  	p0 =	sne.s32 s8, $0x0;
	[sflag:s4] =	ssyncset.done $0x0  }
0x70: {  	s8 =	simm.s32 @!p0 $0x800;
	[sflag:s4] =	ssyncadd.s32 $0xFFFFFE00  }
0x71: {  	[spmem:s3] =	stream.linear.scatter @!p0 [tilespmem:s8], [sflag:$0x2], $0x20, $0x38;
	[tilespmem:$0xF08] =	vst v63  }
0x72: {  	s8 =	simm.s32 @!p0 $0x2  }
0x73: {  	_ =	swait.ge @!p0 [sflag:s8], $0x20  }
0x74: {  	[sflag:s8] =	ssyncset.done @!p0 $0x0  }
0x75: {  	s16 =	simm.s32 $0x1;
	[sflag:s8] =	ssyncadd.s32 @!p0 $0xFFFFFFE0  }
0x76: {  	_ =	swait.ge [sflag:s16], $0x400  }
0x77: {  	[sflag:s16] =	ssyncset.done $0x0  }
0x78: {  	[sflag:s16] =	ssyncadd.s32 $0xFFFFFC00  }
0x79: {  	_ =	swait.ge [sflag:s16], $0x200  }
0x7a: {  	[sflag:s16] =	ssyncset.done $0x0  }
0x7b: {  	[sflag:s16] =	ssyncadd.s32 $0xFFFFFE00  }
0x7c: {  	s9 =	simm.s32 $0x80;
	s10 =	simm.s32 $0x400;
	[bflag:$0x0] =	sbarrier.arrive $0xFFFF  }
0x7d: {  	[spmem:s6] =	stream.indirect.scatter.add.f32 [tilespmem:s10], [sflag:$0x1], $0x1, s2, s9, $0xb8;
	[tilespmem:$0xF08] =	vst v63  }
0x7e: {  	s17 =	simm.s32 $0x480  }
0x7f: {  	[spmem:s6] =	stream.indirect.scatter.add.f32 [tilespmem:s17], [sflag:$0x1], $0x1, s9, s9, $0xb8;
	[tilespmem:$0xF08] =	vst v63  }
0x80: {  	s18 =	simm.s32 $0x100;
	s11 =	simm.s32 $0x500  }
0x81: {  	[spmem:s6] =	stream.indirect.scatter.add.f32 [tilespmem:s11], [sflag:$0x1], $0x1, s18, s9, $0xb8;
	[tilespmem:$0xF08] =	vst v63  }
0x82: {  	s19 =	simm.s32 $0x180;
	s20 =	simm.s32 $0x580  }
0x83: {  	[spmem:s6] =	stream.indirect.scatter.add.f32 [tilespmem:s20], [sflag:$0x1], $0x1, s19, s9, $0xb8;
	[tilespmem:$0xF08] =	vst v63  }
0x84: {  	s21 =	simm.s32 $0x200;
	s22 =	simm.s32 $0x600  }
0x85: {  	[spmem:s6] =	stream.indirect.scatter.add.f32 [tilespmem:s22], [sflag:$0x1], $0x1, s21, s9, $0xb8;
	[tilespmem:$0xF08] =	vst v63  }
0x86: {  	s23 =	simm.s32 $0x280;
	s24 =	simm.s32 $0x680  }
0x87: {  	[spmem:s6] =	stream.indirect.scatter.add.f32 [tilespmem:s24], [sflag:$0x1], $0x1, s23, s9, $0xb8;
	[tilespmem:$0xF08] =	vst v63  }
0x88: {  	s25 =	simm.s32 $0x300;
	s26 =	simm.s32 $0x700  }
0x89: {  	[spmem:s6] =	stream.indirect.scatter.add.f32 [tilespmem:s26], [sflag:$0x1], $0x1, s25, s9, $0xb8;
	[tilespmem:$0xF08] =	vst v63  }
0x8a: {  	s28 =	simm.s32 $0x380;
	s29 =	simm.s32 $0x780  }
0x8b: {  	[spmem:s6] =	stream.indirect.scatter.add.f32 [tilespmem:s29], [sflag:$0x1], $0x1, s28, s9, $0xb8;
	[tilespmem:$0xF08] =	vst v63  }
0x8c: {  	_ =	swait.ge [sflag:s16], $0x80  }
0x8d: {  	[sflag:s16] =	ssyncset.done $0x0  }
0x8e: {  	[sflag:s16] =	ssyncadd.s32 $0xFFFFFF80  }
0x8f: {  	_ =	swait.ge [sflag:s16], $0x80  }
0x90: {  	[sflag:s16] =	ssyncset.done $0x0  }
0x91: {  	[sflag:s16] =	ssyncadd.s32 $0xFFFFFF80  }
0x92: {  	_ =	swait.ge [sflag:s16], $0x80  }
0x93: {  	[sflag:s16] =	ssyncset.done $0x0  }
0x94: {  	[sflag:s16] =	ssyncadd.s32 $0xFFFFFF80  }
0x95: {  	_ =	swait.ge [sflag:s16], $0x80  }
0x96: {  	[sflag:s16] =	ssyncset.done $0x0  }
0x97: {  	[sflag:s16] =	ssyncadd.s32 $0xFFFFFF80  }
0x98: {  	_ =	swait.ge [sflag:s16], $0x80  }
0x99: {  	[sflag:s16] =	ssyncset.done $0x0  }
0x9a: {  	[sflag:s16] =	ssyncadd.s32 $0xFFFFFF80  }
0x9b: {  	_ =	swait.ge [sflag:s16], $0x80  }
0x9c: {  	[sflag:s16] =	ssyncset.done $0x0  }
0x9d: {  	[sflag:s16] =	ssyncadd.s32 $0xFFFFFF80  }
0x9e: {  	_ =	swait.ge [sflag:s16], $0x80  }
0x9f: {  	[sflag:s16] =	ssyncset.done $0x0  }
0xa0: {  	[sflag:s16] =	ssyncadd.s32 $0xFFFFFF80  }
0xa1: {  	_ =	swait.ge [sflag:s16], $0x80  }
0xa2: {  	[sflag:s16] =	ssyncset.done $0x0  }
0xa3: {  	[sflag:s16] =	ssyncadd.s32 $0xFFFFFF80  }
0xa4: {  	[bflag:$0x0] =	sbarrier.arrive $0xFFFF  }
0xa5: {  	[tilespmem:s5], [sflag:$0x2] =	stream.linear.gather [spmem:s15], $0x200, $0x38;
	[tilespmem:$0xF08] =	vst v63  }
0xa6: {  	_ =	swait.ge [sflag:s4], $0x200  }
0xa7: {  	[sflag:s4] =	ssyncset.done $0x0  }
0xa8: {  	[sflag:s4] =	ssyncadd.s32 $0xFFFFFE00  }
0xa9: {  	v0 =	vld [tilespmem:$0xA00]  }
0xaa: {  	v1 =	vld [tilespmem:$0x800]  }
0xab: {  	v2 =	vld [tilespmem:$0xA10]  }
0xac: {  	v3 =	vld [tilespmem:$0x810]  }
0xad: {  	v4 =	vld [tilespmem:$0xA20]  }
0xae: {  	v5 =	vld [tilespmem:$0x820]  }
0xaf: {  	v6 =	vld [tilespmem:$0xA30]  }
0xb0: {  	v36 =	vld [tilespmem:$0x840]  }
0xb1: {  	v10 =	vld [tilespmem:$0xA50]  }
0xb2: {  	v37 =	vld [tilespmem:$0x850]  }
0xb3: {  	v39 =	vld [tilespmem:$0xA60]  }
0xb4: {  	v40 =	vld [tilespmem:$0x860]  }
0xb5: {  	v11 =	vld [tilespmem:$0xA70]  }
0xb6: {  	v41 =	vld [tilespmem:$0x870]  }
0xb7: {  	v42 =	vld [tilespmem:$0xA80]  }
0xb8: {  	v12 =	vld [tilespmem:$0x880]  }
0xb9: {  	v13 =	vld [tilespmem:$0xA90]  }
0xba: {  	v45 =	vld [tilespmem:$0x890]  }
0xbb: {  	v46 =	vld [tilespmem:$0xAA0]  }
0xbc: {  	v48 =	vld [tilespmem:$0x8A0]  }
0xbd: {  	v49 =	vld [tilespmem:$0xAB0]  }
0xbe: {  	v52 =	vld [tilespmem:$0x8B0]  }
0xbf: {  	v53 =	vld [tilespmem:$0xAC0]  }
0xc0: {  	v55 =	vld [tilespmem:$0x8C0]  }
0xc1: {  	v56 =	vld [tilespmem:$0xAD0];
	v0 =	vmul.f32 $9.499999880e-01, v0;
	v1 =	vmul.f32 $3.051757860e-06, v1  }
0xc2: {  	v59 =	vld [tilespmem:$0x8D0];
	v35 =	vmul.f32 $3.051757860e-06, v5;
	v5 =	vmul.f32 $3.051757860e-06, v40  }
0xc3: {  	v62 =	vld [tilespmem:$0x8E0];
	v43 =	vmul.f32 $9.499999880e-01, v11;
	v44 =	vmul.f32 $3.051757860e-06, v41  }
0xc4: {  	v63 =	vld [tilespmem:$0xAF0];
	v47 =	vmul.f32 $3.051757860e-06, v12;
	v50 =	vmul.f32 $9.499999880e-01, v13  }
0xc5: {  	v33 =	vld [tilespmem:$0xB10];
	v51 =	vmul.f32 $3.051757860e-06, v45;
	v54 =	vmul.f32 $3.051757860e-06, v48  }
0xc6: {  	v26 =	vld [tilespmem:$0xB00];
	v57 =	vmul.f32 $9.499999880e-01, v49;
	v58 =	vmul.f32 $3.051757860e-06, v52  }
0xc7: {  	v31 =	vld [tilespmem:$0xB70];
	v61 =	vmul.f32 $3.051757860e-06, v55;
	v16 =	vmul.f32 $9.499999880e-01, v56  }
0xc8: {  	v7 =	vadd.f32 v1, v0;
	v0 =	vmul.f32 $9.499999880e-01, v2;
	v1 =	vmul.f32 $3.051757860e-06, v3;
	v2 =	vld [tilespmem:$0x830]  }
0xc9: {  	v28 =	vld [tilespmem:$0x940];
	v17 =	vmul.f32 $3.051757860e-06, v59;
	v32 =	vmul.f32 $3.051757860e-06, v62  }
0xca: {  	v11 =	vmul.f32 $9.499999880e-01, v33;
	v3 =	vadd.f32 $0.0e+00, v7;
	v8 =	vadd.f32 v1, v0;
	v0 =	vld [tilespmem:$0xA40]  }
0xcb: {  	v40 =	vld [tilespmem:$0xB30];
	v23 =	vadd.f32 v44, v43;
	v21 =	vadd.f32 v51, v50;
	v1 =	vmul.f32 $9.499999880e-01, v4  }
0xcc: {  	v52 =	vld [tilespmem:$0x960];
	v31 =	vmul.f32 $9.499999880e-01, v31;
	v19 =	vadd.f32 v58, v57;
	v9 =	vadd.f32 v8, v3  }
0xcd: {  	v33 =	vld [tilespmem:$0xB80];
	v3 =	vadd.f32 v35, v1;
	v1 =	vmul.f32 $9.499999880e-01, v6;
	v2 =	vmul.f32 $3.051757860e-06, v2  }
0xce: {  	v34 =	vld [tilespmem:$0x910];
	v17 =	vadd.f32 v17, v16;
	v51 =	vmul.f32 $3.051757860e-06, v28;
	v4 =	vmul.f32 $3.051757860e-06, v37  }
0xcf: {  	v50 =	vld [tilespmem:$0xB60];
	v1 =	vadd.f32 v2, v1;
	v0 =	vmul.f32 $9.499999880e-01, v0;
	v2 =	vmul.f32 $3.051757860e-06, v36  }
0xd0: {  	v60 =	vld [tilespmem:$0xAE0];
	[tilespmem:$0x800] =	vst v7;
	v37 =	vmul.f32 $9.499999880e-01, v26;
	v7 =	vmul.f32 $9.499999880e-01, v40;
	v38 =	vadd.f32 v3, v9  }
0xd1: {  	v27 =	vld [tilespmem:$0x900];
	v56 =	vmul.f32 $3.051757860e-06, v52;
	v0 =	vadd.f32 v2, v0;
	v2 =	vmul.f32 $9.499999880e-01, v10  }
0xd2: {  	v30 =	vld [tilespmem:$0x800];
	v58 =	vmul.f32 $9.499999880e-01, v33;
	v35 =	vmul.f32 $9.499999880e-01, v63;
	v6 =	vadd.f32 v1, v38  }
0xd3: {  	v41 =	vld [tilespmem:$0x930];
	v9 =	vmul.f32 $9.499999880e-01, v39;
	v2 =	vadd.f32 v4, v2;
	v4 =	vmul.f32 $9.499999880e-01, v42  }
0xd4: {  	v25 =	vld [tilespmem:$0x8F0];
	v39 =	vmul.f32 $3.051757860e-06, v34;
	[tilespmem:$0x820] =	vst v3;
	v3 =	vmul.f32 $9.499999880e-01, v50;
	v6 =	vadd.f32 v0, v6  }
0xd5: {  	v45 =	vld [tilespmem:$0xB50];
	v24 =	vadd.f32 v5, v9;
	v22 =	vadd.f32 v47, v4;
	v4 =	vmul.f32 $9.499999880e-01, v53  }
0xd6: {  	v59 =	vld [tilespmem:$0xBB0];
	v5 =	vmul.f32 $9.499999880e-01, v46;
	v15 =	vadd.f32 v39, v11;
	v6 =	vadd.f32 v2, v6  }
0xd7: {  	v62 =	vld [tilespmem:$0xBC0];
	[tilespmem:$0x810] =	vst v8;
	v18 =	vadd.f32 v61, v4;
	v4 =	vmul.f32 $3.051757860e-06, v27;
	v27 =	vadd.f32 $2.000000010e-38, v30  }
0xd8: {  	v26 =	vld [tilespmem:$0x810];
	v46 =	vmul.f32 $3.051757860e-06, v41;
	v8 =	vadd.f32 v56, v3;
	v6 =	vadd.f32 v24, v6  }
0xd9: {  	v34 =	vld [tilespmem:$0x980];
	v10 =	vmul.f32 $3.051757860e-06, v25;
	v20 =	vadd.f32 v54, v5;
	v42 =	vand.u32 $0x7FFFFF, v27  }
0xda: {  	v36 =	vld [tilespmem:$0xB20];
	v6 =	vadd.f32 v23, v6;
	v12 =	vadd.f32 v4, v37;
	v4 =	vor.u32 $0x3F800000, v42  }
0xdb: {  	v3 =	vld [tilespmem:$0xBA0];
	v5 =	vmul.f32 $9.499999880e-01, v60;
	v13 =	vadd.f32 v46, v7;
	v44 =	vmul.f32 $5.000000000e-01, v4  }
0xdc: {  	v25 =	vld [tilespmem:$0xB40];
	v16 =	vadd.f32 v10, v35;
	v6 =	vadd.f32 v22, v6;
	vm1 =	vge.f32 v4, $1.414213540e+00  }
0xdd: {  	v38 =	vld [tilespmem:$0x920];
	v9 =	vadd.f32 v32, v5;
	v32 =	vadd.f32 $2.000000010e-38, v26;
	v4 =	vsel vm1, v44, v4  }
0xde: {  	v33 =	vmul.f32 $9.499999880e-01, v59;
	v41 =	vld [tilespmem:$0x9C0];
	v6 =	vadd.f32 v21, v6;
	v48 =	vadd.f32 $1.000000000e+00, v4  }
0xdf: {  	v60 =	vmul.f32 $3.051757860e-06, v34;
	[tilespmem:$0x840] =	vst v0;
	v0 =	vimm.s32 $0xFFFFFF81;
	v5 =	vmul.f32 $9.499999880e-01, v36  }
0xe0: {  	v35 =	vld [tilespmem:$0x990];
	v54 =	vand.u32 $0x7FFFFF, v32;
	v6 =	vadd.f32 v20, v6;
	(erf) = vrcp.f32 v48  }
0xe1: {  	v36 =	vld [tilespmem:$0x9A0];
	v3 =	vmul.f32 $9.499999880e-01, v3;
	v49 =	vmul.f32 $9.499999880e-01, v25;
	v25 =	vor.u32 $0x3F800000, v54  }
0xe2: {  	v47 =	vld [tilespmem:$0x950];
	v43 =	vmul.f32 $3.051757860e-06, v38;
	v57 =	vmul.f32 $5.000000000e-01, v25;
	v6 =	vadd.f32 v19, v6  }
0xe3: {  	v53 =	vld [tilespmem:$0x970];
	v41 =	vmul.f32 $3.051757860e-06, v41;
	v32 =	vshrl.u32 v32, $0x17;
	vm0 =	vge.f32 v25, $1.414213540e+00  }
0xe4: {  	v55 =	vld [tilespmem:$0xB90];
	v14 =	vadd.f32 v43, v5;
	v28 =	vsel vm0, v57, v25;
	v6 =	vadd.f32 v18, v6  }
0xe5: {  	v29 =	vld [tilespmem:$0x820];
	[tilespmem:$0x830] =	vst v1;
	v5 =	vmul.f32 $9.499999880e-01, v45;
	v1 =	vmul.f32 $3.051757860e-06, v35;
	v38 =	vadd.f32 $1.000000000e+00, v28  }
0xe6: {  	v61 =	vld [tilespmem:$0x9B0];
	v35 =	vmul.f32 $9.499999880e-01, v62;
	v36 =	vmul.f32 $3.051757860e-06, v36;
	v6 =	vadd.f32 v17, v6  }
0xe7: {  	v11 =	vadd.f32 v51, v49;
	v10 =	vmul.f32 $3.051757860e-06, v47;
	(erf) = vrcp.f32 v38  }
0xe8: {  	v45 =	vld [tilespmem:$0xBD0];
	v7 =	vmul.f32 $3.051757860e-06, v53;
	v4 =	vadd.f32 $-1.000000000e+00, v4;
	v6 =	vadd.f32 v9, v6  }
0xe9: {  	v43 =	vshrl.u32 v27, $0x17;
	v28 =	vadd.f32 $-1.000000000e+00, v28;
	v10 =	vadd.f32 v10, v5;
	v37 =	vpop (erf)  }
0xea: {  	v53 =	vld [tilespmem:$0x9D0];
	v7 =	vadd.f32 v7, v31;
	v6 =	vadd.f32 v16, v6;
	v37 =	vmul.f32 v37, v4  }
0xeb: {  	v5 =	vmul.f32 $9.499999880e-01, v55;
	v34 =	vmul.f32 $3.051757860e-06, v61;
	v38 =	vadd.f32 $2.000000010e-38, v29  }
0xec: {  	v51 =	vsel vm1, $0xFFFFFF82, v0;
	v6 =	vadd.f32 v12, v6;
	v39 =	vmul.f32 v37, v37  }
0xed: {  	[tilespmem:$0x850] =	vst v2;
	v31 =	vld [tilespmem:$0x830];
	v2 =	vmul.f32 $9.499999880e-01, v45;
	v5 =	vadd.f32 v1, v5;
	v40 =	vand.u32 $0x7FFFFF, v38  }
0xee: {  	v40 =	vor.u32 $0x3F800000, v40;
	v6 =	vadd.f32 v15, v6;
	v42 =	vmul.f32 $2.857142980e-01, v39  }
0xef: {  	v59 =	vmul.f32 $3.051757860e-06, v53;
	v1 =	vmul.f32 $5.000000000e-01, v40;
	v4 =	vadd.f32 v36, v3  }
0xf0: {  	vm2 =	vge.f32 v40, $1.414213540e+00;
	v49 =	vpop (erf);
	v6 =	vadd.f32 v14, v6;
	v3 =	vadd.f32 $4.000000060e-01, v42  }
0xf1: {  	v2 =	vadd.f32 v59, v2;
	v63 =	vsel vm2, v1, v40;
	v42 =	vmul.f32 v49, v28;
	v28 =	vld [tilespmem:$0x850]  }
0xf2: {  	v40 =	vadd.f32 $2.000000010e-38, v31;
	v6 =	vadd.f32 v13, v6;
	v1 =	vmul.f32 v3, v39  }
0xf3: {  	v36 =	vadd.f32 $-1.000000000e+00, v63;
	v3 =	vadd.f32 $1.000000000e+00, v63;
	v44 =	vmul.f32 v42, v42  }
0xf4: {  	v38 =	vshrl.u32 v38, $0x17;
	v6 =	vadd.f32 v11, v6;
	v1 =	vadd.f32 $6.666666860e-01, v1  }
0xf5: {  	(erf) = vrcp.f32 v3;
	v3 =	vand.u32 $0x7FFFFF, v40;
	v47 =	vmul.f32 $2.857142980e-01, v44  }
0xf6: {  	v6 =	vadd.f32 v10, v6;
	v3 =	vor.u32 $0x3F800000, v3;
	v45 =	vadd.f32 $2.000000010e-38, v28  }
0xf7: {  	v1 =	vmul.f32 v1, v39;
	v50 =	vmul.f32 $5.000000000e-01, v3;
	vm3 =	vge.f32 v3, $1.414213540e+00  }
0xf8: {  	v39 =	vadd.s32 v43, v51;
	v56 =	vadd.f32 $4.000000060e-01, v47;
	v25 =	vadd.f32 v8, v6  }
0xf9: {  	v27 =	vld [tilespmem:$0x840];
	v6 =	vadd.f32 v60, v58;
	v39 =	vcvt.s32.f32 v39;
	v53 =	vand.u32 $0x7FFFFF, v45  }
0xfa: {  	v52 =	vadd.f32 $2.000000000e+00, v1;
	v46 =	vsel vm3, v50, v3;
	v3 =	vadd.f32 v34, v33  }
0xfb: {  	v1 =	vadd.f32 v41, v35;
	v57 =	vmul.f32 v56, v44;
	v50 =	vsel vm0, $0xFFFFFF82, v0  }
0xfc: {  	v56 =	vsel vm2, $0xFFFFFF82, v0;
	v48 =	vadd.f32 $1.000000000e+00, v46;
	v55 =	vmul.f32 $6.931471820e-01, v39  }
0xfd: {  	v49 =	vadd.f32 $-1.000000000e+00, v46;
	v32 =	vadd.s32 v32, v50;
	v54 =	vmul.f32 v52, v37  }
0xfe: {  	v25 =	vadd.f32 v7, v25;
	v37 =	vadd.f32 $2.000000010e-38, v27;
	(erf) = vrcp.f32 v48  }
0xff: {  	v38 =	vadd.s32 v38, v56;
	v61 =	vadd.f32 $6.666666860e-01, v57;
	v33 =	vadd.f32 v54, v55  }
0x100: {  	v32 =	vcvt.s32.f32 v32;
	v38 =	vcvt.s32.f32 v38;
	v60 =	vand.u32 $0x7FFFFF, v37;
	v58 =	vpop (erf)  }
0x101: {  	v62 =	vor.u32 $0x3F800000, v60;
	v35 =	vmul.f32 v58, v36;
	v30 =	vmul.f32 v33, v30  }
0x102: {  	v54 =	vor.u32 $0x3F800000, v53;
	v47 =	vmul.f32 $5.000000000e-01, v62;
	v33 =	vmul.f32 v61, v44  }
0x103: {  	[tilespmem:$0x860] =	vst v24;
	v32 =	vmul.f32 $6.931471820e-01, v32;
	vm9 =	vge.f32 v62, $1.414213540e+00;
	v63 =	vmul.f32 v35, v35  }
0x104: {  	v24 =	vld [tilespmem:$0x860];
	v38 =	vmul.f32 $6.931471820e-01, v38;
	v34 =	vsel vm9, v47, v62;
	v33 =	vadd.f32 $2.000000000e+00, v33  }
0x105: {  	v44 =	vmul.f32 $5.000000000e-01, v54;
	v51 =	vadd.f32 $1.000000000e+00, v34;
	v48 =	vmul.f32 $2.857142980e-01, v63  }
0x106: {  	v37 =	vshrl.u32 v37, $0x17;
	vm10 =	vge.f32 v54, $1.414213540e+00;
	v33 =	vmul.f32 v33, v42  }
0x107: {  	v42 =	vsel vm10, v44, v54;
	(erf) = vrcp.f32 v51;
	v41 =	vadd.f32 $4.000000060e-01, v48;
	v52 =	vpop (erf)  }
0x108: {  	v61 =	vsel vm3, $0xFFFFFF82, v0;
	v58 =	vadd.f32 $1.000000000e+00, v42;
	v43 =	vmul.f32 v52, v49  }
0x109: {  	v30 =	vadd.f32 $0.0e+00, v30;
	v44 =	vadd.f32 $2.000000010e-38, v24;
	v41 =	vmul.f32 v41, v63  }
0x10a: {  	[tilespmem:$0x880] =	vst v22;
	v32 =	vadd.f32 v33, v32;
	(erf) = vrcp.f32 v58;
	v55 =	vmul.f32 v43, v43  }
0x10b: {  	v22 =	vld [tilespmem:$0x880];
	v34 =	vadd.f32 $-1.000000000e+00, v34;
	v60 =	vand.u32 $0x7FFFFF, v44;
	v41 =	vadd.f32 $6.666666860e-01, v41  }
0x10c: {  	v48 =	vshrl.u32 v45, $0x17;
	v26 =	vmul.f32 v32, v26;
	v57 =	vmul.f32 $2.857142980e-01, v55  }
0x10d: {  	v49 =	vshrl.u32 v40, $0x17;
	v36 =	vmul.f32 v41, v63;
	v41 =	vor.u32 $0x3F800000, v60  }
0x10e: {  	v26 =	vadd.f32 v26, v30;
	v59 =	vadd.f32 $4.000000060e-01, v57;
	v63 =	vmul.f32 $5.000000000e-01, v41  }
0x10f: {  	vm11 =	vge.f32 v41, $1.414213540e+00;
	v57 =	vadd.f32 $-1.000000000e+00, v42;
	v36 =	vadd.f32 $2.000000000e+00, v36  }
0x110: {  	v42 =	vadd.f32 $2.000000010e-38, v22;
	v62 =	vpop (erf);
	v46 =	vmul.f32 v59, v55;
	v41 =	vsel vm11, v63, v41  }
0x111: {  	v34 =	vmul.f32 v62, v34;
	v35 =	vmul.f32 v36, v35;
	v50 =	vadd.f32 $1.000000000e+00, v41  }
0x112: {  	v36 =	vadd.s32 v49, v61;
	v54 =	vadd.f32 $-1.000000000e+00, v41;
	v49 =	vshrl.u32 v44, $0x17  }
0x113: {  	v46 =	vadd.f32 $6.666666860e-01, v46;
	v51 =	vmul.f32 v34, v34;
	v36 =	vcvt.s32.f32 v36;
	v59 =	vpop (erf)  }
0x114: {  	(erf) = vrcp.f32 v50;
	v35 =	vadd.f32 v35, v38;
	v33 =	vmul.f32 v59, v57  }
0x115: {  	[tilespmem:$0x870] =	vst v23;
	v57 =	vand.u32 $0x7FFFFF, v42;
	v59 =	vsel vm10, $0xFFFFFF82, v0;
	v39 =	vmul.f32 v46, v55  }
0x116: {  	v23 =	vld [tilespmem:$0x870];
	v50 =	vsel vm11, $0xFFFFFF82, v0;
	v56 =	vmul.f32 $2.857142980e-01, v51;
	v36 =	vmul.f32 $6.931471820e-01, v36  }
0x117: {  	v41 =	vor.u32 $0x3F800000, v57;
	v29 =	vmul.f32 v35, v29;
	v39 =	vadd.f32 $2.000000000e+00, v39  }
0x118: {  	v63 =	vmul.f32 v33, v33;
	v35 =	vsel vm9, $0xFFFFFF82, v0;
	vm13 =	vge.f32 v41, $1.414213540e+00  }
0x119: {  	v60 =	vadd.f32 $4.000000060e-01, v56;
	v35 =	vadd.s32 v37, v35;
	v58 =	vmul.f32 v39, v43  }
0x11a: {  	v37 =	vadd.s32 v48, v59;
	v53 =	vmul.f32 $2.857142980e-01, v63;
	v35 =	vcvt.s32.f32 v35  }
0x11b: {  	v37 =	vcvt.s32.f32 v37;
	v61 =	vadd.f32 v58, v36;
	v36 =	vadd.f32 $2.000000010e-38, v23  }
0x11c: {  	v26 =	vadd.f32 v29, v26;
	v62 =	vmul.f32 v60, v51;
	v39 =	vadd.f32 $4.000000060e-01, v53  }
0x11d: {  	v35 =	vmul.f32 $6.931471820e-01, v35;
	v53 =	vadd.f32 v6, v25;
	v52 =	vand.u32 $0x7FFFFF, v36  }
0x11e: {  	[tilespmem:$0x8B0] =	vst v19;
	v30 =	vadd.f32 $6.666666860e-01, v62;
	v39 =	vmul.f32 v39, v63;
	v38 =	vor.u32 $0x3F800000, v52  }
0x11f: {  	[tilespmem:$0x8A0] =	vst v20;
	v20 =	vadd.f32 v5, v53;
	v31 =	vmul.f32 v61, v31;
	v55 =	vmul.f32 $5.000000000e-01, v38  }
0x120: {  	[tilespmem:$0x890] =	vst v21;
	v19 =	vld [tilespmem:$0x8B0];
	v30 =	vmul.f32 v30, v51;
	v56 =	vpop (erf);
	v39 =	vadd.f32 $6.666666860e-01, v39;
	vm12 =	vge.f32 v38, $1.414213540e+00  }
0x121: {  	v21 =	vld [tilespmem:$0x890];
	v61 =	vmul.f32 $5.000000000e-01, v41;
	v40 =	vmul.f32 v56, v54;
	v38 =	vsel vm12, v55, v38  }
0x122: {  	v45 =	vshrl.u32 v36, $0x17;
	v32 =	vmul.f32 v39, v63;
	v58 =	vadd.f32 $1.000000000e+00, v38  }
0x123: {  	v30 =	vadd.f32 $2.000000000e+00, v30;
	v41 =	vsel vm13, v61, v41;
	v60 =	vmul.f32 v40, v40  }
0x124: {  	v63 =	vadd.f32 $1.000000000e+00, v41;
	v32 =	vadd.f32 $2.000000000e+00, v32;
	(erf) = vrcp.f32 v58  }
0x125: {  	v36 =	vadd.f32 $2.000000010e-38, v19;
	v30 =	vmul.f32 v30, v34;
	v62 =	vmul.f32 $2.857142980e-01, v60  }
0x126: {  	v32 =	vmul.f32 v32, v33;
	v33 =	vadd.f32 $2.000000010e-38, v21;
	(erf) = vrcp.f32 v63  }
0x127: {  	v59 =	vmul.f32 $6.931471820e-01, v37;
	v26 =	vadd.f32 v31, v26;
	v43 =	vadd.f32 $4.000000060e-01, v62  }
0x128: {  	v39 =	vadd.s32 v49, v50;
	v30 =	vadd.f32 v30, v35;
	v51 =	vand.u32 $0x7FFFFF, v33  }
0x129: {  	v25 =	vld [tilespmem:$0x8A0];
	v39 =	vcvt.s32.f32 v39;
	v34 =	vmul.f32 v43, v60;
	v43 =	vor.u32 $0x3F800000, v51  }
0x12a: {  	v46 =	vsel vm12, $0xFFFFFF82, v0;
	v27 =	vmul.f32 v30, v27;
	v54 =	vmul.f32 $5.000000000e-01, v43  }
0x12b: {  	v31 =	vadd.s32 v45, v46;
	v38 =	vadd.f32 $-1.000000000e+00, v38;
	vm14 =	vge.f32 v43, $1.414213540e+00  }
0x12c: {  	v61 =	vadd.f32 v32, v59;
	v26 =	vadd.f32 v27, v26;
	v43 =	vsel vm14, v54, v43  }
0x12d: {  	v31 =	vcvt.s32.f32 v31;
	v34 =	vadd.f32 $6.666666860e-01, v34;
	v57 =	vadd.f32 $1.000000000e+00, v43;
	v52 =	vpop (erf)  }
0x12e: {  	v27 =	vmul.f32 v61, v28;
	v28 =	vadd.f32 $2.000000010e-38, v25;
	v38 =	vmul.f32 v52, v38  }
0x12f: {  	v55 =	vadd.f32 $-1.000000000e+00, v41;
	v34 =	vmul.f32 v34, v60;
	v56 =	vpop (erf);
	(erf) = vrcp.f32 v57  }
0x130: {  	v60 =	vmul.f32 $6.931471820e-01, v39;
	v47 =	vand.u32 $0x7FFFFF, v28;
	v44 =	vmul.f32 v38, v38  }
0x131: {  	v54 =	vshrl.u32 v42, $0x17;
	v26 =	vadd.f32 v27, v26;
	v35 =	vor.u32 $0x3F800000, v47  }
0x132: {  	v34 =	vadd.f32 $2.000000000e+00, v34;
	v49 =	vmul.f32 $5.000000000e-01, v35;
	v58 =	vmul.f32 $2.857142980e-01, v44  }
0x133: {  	v48 =	vadd.f32 $-1.000000000e+00, v43;
	vm15 =	vge.f32 v35, $1.414213540e+00;
	v41 =	vmul.f32 v56, v55  }
0x134: {  	v34 =	vmul.f32 v34, v40;
	v35 =	vsel vm15, v49, v35;
	v29 =	vadd.f32 $4.000000060e-01, v58  }
0x135: {  	v49 =	vsel vm14, $0xFFFFFF82, v0;
	v53 =	vadd.f32 $1.000000000e+00, v35;
	v63 =	vmul.f32 v41, v41  }
0x136: {  	v56 =	vand.u32 $0x7FFFFF, v36;
	v47 =	vadd.f32 $-1.000000000e+00, v35;
	v29 =	vmul.f32 v29, v44  }
0x137: {  	v62 =	vadd.f32 v34, v60;
	v57 =	vor.u32 $0x3F800000, v56;
	v40 =	vmul.f32 $2.857142980e-01, v63  }
0x138: {  	(erf) = vrcp.f32 v53;
	v60 =	vmul.f32 $5.000000000e-01, v57;
	v50 =	vpop (erf);
	v39 =	vadd.f32 $6.666666860e-01, v29  }
0x139: {  	v30 =	vmul.f32 v62, v24;
	v29 =	vadd.f32 $4.000000060e-01, v40;
	v34 =	vmul.f32 v50, v48  }
0x13a: {  	vm8 =	vge.f32 v57, $1.414213540e+00;
	v62 =	vmul.f32 $6.931471820e-01, v31;
	v24 =	vmul.f32 v39, v44  }
0x13b: {  	v58 =	vsel vm13, $0xFFFFFF82, v0;
	v29 =	vmul.f32 v29, v63;
	v55 =	vmul.f32 v34, v34  }
0x13c: {  	v26 =	vadd.f32 v30, v26;
	v48 =	vshrl.u32 v33, $0x17;
	v24 =	vadd.f32 $2.000000000e+00, v24  }
0x13d: {  	v52 =	vadd.f32 $6.666666860e-01, v29;
	v59 =	vmul.f32 $2.857142980e-01, v55;
	v29 =	vsel vm8, v60, v57  }
0x13e: {  	[tilespmem:$0x8D0] =	vst v17;
	v32 =	vadd.s32 v54, v58;
	v17 =	vadd.s32 v48, v49;
	v44 =	vadd.f32 $1.000000000e+00, v29  }
0x13f: {  	v61 =	vld [tilespmem:$0xBE0];
	v51 =	vmul.f32 v24, v38;
	v24 =	vmul.f32 v52, v63;
	v40 =	vadd.f32 $4.000000060e-01, v59  }
0x140: {  	v58 =	vshrl.u32 v28, $0x17;
	v17 =	vcvt.s32.f32 v17;
	v63 =	vcvt.s32.f32 v32  }
0x141: {  	v57 =	vld [tilespmem:$0x9E0];
	(erf) = vrcp.f32 v44;
	v24 =	vadd.f32 $2.000000000e+00, v24;
	v40 =	vmul.f32 v40, v55  }
0x142: {  	[tilespmem:$0x8C0] =	vst v18;
	v17 =	vmul.f32 $6.931471820e-01, v17;
	v29 =	vadd.f32 $-1.000000000e+00, v29;
	v18 =	vadd.f32 v51, v62  }
0x143: {  	v31 =	vmul.f32 $6.931471820e-01, v63;
	v45 =	vmul.f32 v24, v41;
	v24 =	vld [tilespmem:$0x8C0];
	v46 =	vadd.f32 $6.666666860e-01, v40  }
0x144: {  	v50 =	vpop (erf);
	v32 =	vmul.f32 $9.499999880e-01, v61;
	v62 =	vsel vm15, $0xFFFFFF82, v0;
	v18 =	vmul.f32 v18, v23;
	v23 =	vld [tilespmem:$0x8D0]  }
0x145: {  	v27 =	vadd.f32 v45, v31;
	v30 =	vmul.f32 v46, v55;
	v31 =	vmul.f32 v50, v47  }
0x146: {  	v18 =	vadd.f32 v18, v26;
	v45 =	vmul.f32 $3.051757860e-06, v57;
	v46 =	vadd.s32 v58, v62  }
0x147: {  	v48 =	vcvt.s32.f32 v46;
	v51 =	vadd.f32 $2.000000000e+00, v30;
	v52 =	vmul.f32 v31, v31  }
0x148: {  	[tilespmem:$0x8E0] =	vst v9;
	v22 =	vmul.f32 v27, v22;
	v9 =	vadd.f32 v45, v32;
	v33 =	vadd.f32 $2.000000010e-38, v24  }
0x149: {  	v37 =	vadd.f32 $2.000000010e-38, v23;
	v26 =	vmul.f32 v51, v34;
	v54 =	vmul.f32 $2.857142980e-01, v52  }
0x14a: {  	v56 =	vpop (erf);
	v18 =	vadd.f32 v22, v18;
	v22 =	vmul.f32 $6.931471820e-01, v48;
	v53 =	vand.u32 $0x7FFFFF, v33  }
0x14b: {  	v29 =	vmul.f32 v56, v29;
	v60 =	vand.u32 $0x7FFFFF, v37;
	v30 =	vor.u32 $0x3F800000, v53  }
0x14c: {  	v26 =	vadd.f32 v26, v17;
	v34 =	vadd.f32 $4.000000060e-01, v54;
	v35 =	vor.u32 $0x3F800000, v60  }
0x14d: {  	v54 =	vshrl.u32 v36, $0x17;
	v55 =	vmul.f32 $5.000000000e-01, v30;
	vm4 =	vge.f32 v30, $1.414213540e+00  }
0x14e: {  	v61 =	vmul.f32 v29, v29;
	v63 =	vmul.f32 $5.000000000e-01, v35;
	vm9 =	vge.f32 v35, $1.414213540e+00  }
0x14f: {  	v45 =	vld [tilespmem:$0x9F0];
	v34 =	vmul.f32 v34, v52;
	v21 =	vmul.f32 v26, v21;
	v30 =	vsel vm4, v55, v30  }
0x150: {  	[tilespmem:$0x8F0] =	vst v16;
	v17 =	vld [tilespmem:$0x8E0];
	v48 =	vsel vm4, $0xFFFFFF82, v0;
	v44 =	vmul.f32 $2.857142980e-01, v61;
	v59 =	vadd.f32 $1.000000000e+00, v30  }
0x151: {  	v28 =	vsel vm9, v63, v35;
	v34 =	vadd.f32 $6.666666860e-01, v34;
	v21 =	vadd.f32 v21, v18;
	v18 =	vld [tilespmem:$0x8F0]  }
0x152: {  	v62 =	vld [tilespmem:$0xBF0];
	v55 =	vsel vm8, $0xFFFFFF82, v0;
	v35 =	vadd.f32 $1.000000000e+00, v28;
	v47 =	vadd.f32 $4.000000060e-01, v44  }
0x153: {  	v53 =	vadd.f32 $-1.000000000e+00, v30;
	(erf) = vrcp.f32 v59;
	v27 =	vmul.f32 v34, v52  }
0x154: {  	v28 =	vadd.f32 $-1.000000000e+00, v28;
	v50 =	vmul.f32 v47, v61;
	(erf) = vrcp.f32 v35  }
0x155: {  	v58 =	vadd.s32 v54, v55;
	v49 =	vadd.f32 $2.000000000e+00, v27;
	v27 =	vadd.f32 $2.000000010e-38, v17  }
0x156: {  	v54 =	vmul.f32 $3.051757860e-06, v45;
	v52 =	vadd.f32 $6.666666860e-01, v50;
	v36 =	vadd.f32 $2.000000010e-38, v18  }
0x157: {  	v50 =	vmul.f32 $9.499999880e-01, v62;
	v51 =	vmul.f32 v49, v31;
	v57 =	vand.u32 $0x7FFFFF, v27  }
0x158: {  	v27 =	vshrl.u32 v27, $0x17;
	v26 =	vmul.f32 v52, v61;
	v16 =	vor.u32 $0x3F800000, v57  }
0x159: {  	[tilespmem:$0x920] =	vst v14;
	v43 =	vand.u32 $0x7FFFFF, v36;
	v52 =	vshrl.u32 v33, $0x17;
	v60 =	vmul.f32 $5.000000000e-01, v16  }
0x15a: {  	v14 =	vld [tilespmem:$0x920];
	v22 =	vadd.f32 v51, v22;
	vm10 =	vge.f32 v16, $1.414213540e+00;
	v44 =	vor.u32 $0x3F800000, v43  }
0x15b: {  	v26 =	vadd.f32 $2.000000000e+00, v26;
	v47 =	vmul.f32 $5.000000000e-01, v44;
	v31 =	vsel vm10, v60, v16  }
0x15c: {  	v22 =	vmul.f32 v22, v25;
	v25 =	vcvt.s32.f32 v58;
	v56 =	vpop (erf);
	v41 =	vadd.f32 $1.000000000e+00, v31  }
0x15d: {  	vm11 =	vge.f32 v44, $1.414213540e+00;
	v63 =	vmul.f32 v26, v29;
	v32 =	vmul.f32 v56, v53;
	v35 =	vpop (erf)  }
0x15e: {  	v26 =	vmul.f32 v35, v28;
	(erf) = vrcp.f32 v41;
	v28 =	vsel vm11, v47, v44  }
0x15f: {  	v33 =	vadd.f32 $2.000000010e-38, v14;
	v59 =	vmul.f32 v32, v32;
	v53 =	vadd.f32 $1.000000000e+00, v28  }
0x160: {  	[tilespmem:$0x900] =	vst v12;
	v12 =	vadd.s32 v52, v48;
	v25 =	vmul.f32 $6.931471820e-01, v25;
	v35 =	vmul.f32 v26, v26  }
0x161: {  	v16 =	vadd.f32 v4, v20;
	v61 =	vmul.f32 $2.857142980e-01, v59;
	(erf) = vrcp.f32 v53  }
0x162: {  	v58 =	vadd.f32 $-1.000000000e+00, v31;
	v21 =	vadd.f32 v22, v21;
	v49 =	vmul.f32 $2.857142980e-01, v35  }
0x163: {  	v56 =	vcvt.s32.f32 v12;
	v25 =	vadd.f32 v63, v25;
	v42 =	vadd.f32 $4.000000060e-01, v61  }
0x164: {  	v63 =	vshrl.u32 v37, $0x17;
	v37 =	vsel vm9, $0xFFFFFF82, v0;
	v51 =	vadd.f32 $4.000000060e-01, v49  }
0x165: {  	v12 =	vadd.f32 v54, v50;
	v30 =	vadd.s32 v63, v37;
	v46 =	vmul.f32 v42, v59  }
0x166: {  	[tilespmem:$0x9B0] =	vst v3;
	v3 =	vadd.f32 v3, v16;
	v39 =	vcvt.s32.f32 v30;
	v55 =	vmul.f32 v51, v35  }
0x167: {  	v28 =	vadd.f32 $-1.000000000e+00, v28;
	v19 =	vmul.f32 v25, v19;
	v22 =	vadd.f32 $6.666666860e-01, v46;
	v60 =	vpop (erf)  }
0x168: {  	v29 =	vmul.f32 $6.931471820e-01, v39;
	v57 =	vadd.f32 $6.666666860e-01, v55;
	v62 =	vmul.f32 v60, v58  }
0x169: {  	v20 =	vld [tilespmem:$0x900];
	v19 =	vadd.f32 v19, v21;
	v22 =	vmul.f32 v22, v59;
	v59 =	vmul.f32 $6.931471820e-01, v56  }
0x16a: {  	v51 =	vsel vm10, $0xFFFFFF82, v0;
	v61 =	vmul.f32 v57, v35;
	v38 =	vmul.f32 v62, v62;
	v45 =	vpop (erf)  }
0x16b: {  	v57 =	vand.u32 $0x7FFFFF, v33;
	v22 =	vadd.f32 $2.000000000e+00, v22;
	v46 =	vmul.f32 v45, v28  }
0x16c: {  	v58 =	vor.u32 $0x3F800000, v57;
	v21 =	vadd.f32 $2.000000000e+00, v61;
	v41 =	vmul.f32 $2.857142980e-01, v38  }
0x16d: {  	[tilespmem:$0x910] =	vst v15;
	v60 =	vmul.f32 $5.000000000e-01, v58;
	v61 =	vsel vm11, $0xFFFFFF82, v0;
	vm14 =	vge.f32 v58, $1.414213540e+00  }
0x16e: {  	v15 =	vld [tilespmem:$0x910];
	v22 =	vmul.f32 v22, v32;
	v32 =	vadd.f32 $2.000000010e-38, v20;
	v50 =	vmul.f32 v46, v46  }
0x16f: {  	v57 =	vsel vm14, $0xFFFFFF82, v0;
	v21 =	vmul.f32 v21, v26;
	v44 =	vadd.f32 $4.000000060e-01, v41  }
0x170: {  	v31 =	vsel vm14, v60, v58;
	v22 =	vadd.f32 v22, v59;
	v40 =	vand.u32 $0x7FFFFF, v32  }
0x171: {  	v52 =	vmul.f32 $2.857142980e-01, v50;
	v63 =	vadd.f32 $1.000000000e+00, v31;
	v42 =	vor.u32 $0x3F800000, v40  }
0x172: {  	v32 =	vshrl.u32 v32, $0x17;
	v21 =	vadd.f32 v21, v29;
	v43 =	vmul.f32 $5.000000000e-01, v42  }
0x173: {  	v48 =	vmul.f32 v44, v38;
	v29 =	vadd.f32 $2.000000010e-38, v15;
	vm12 =	vge.f32 v42, $1.414213540e+00  }
0x174: {  	v22 =	vmul.f32 v22, v24;
	v24 =	vadd.s32 v27, v51;
	v47 =	vsel vm12, v43, v42  }
0x175: {  	v55 =	vadd.f32 $4.000000060e-01, v52;
	v53 =	vand.u32 $0x7FFFFF, v29;
	v49 =	vadd.f32 $1.000000000e+00, v47  }
0x176: {  	v21 =	vmul.f32 v21, v23;
	v24 =	vcvt.s32.f32 v24;
	v54 =	vor.u32 $0x3F800000, v53  }
0x177: {  	v45 =	vsel vm12, $0xFFFFFF82, v0;
	v56 =	vmul.f32 $5.000000000e-01, v54;
	(erf) = vrcp.f32 v49  }
0x178: {  	v29 =	vshrl.u32 v29, $0x17;
	v27 =	vmul.f32 v55, v50;
	vm13 =	vge.f32 v54, $1.414213540e+00  }
0x179: {  	v19 =	vadd.f32 v22, v19;
	v22 =	vadd.f32 $6.666666860e-01, v48;
	v30 =	vsel vm13, v56, v54  }
0x17a: {  	v32 =	vadd.s32 v32, v45;
	v27 =	vadd.f32 $6.666666860e-01, v27;
	v59 =	vadd.f32 $1.000000000e+00, v30  }
0x17b: {  	[tilespmem:$0x930] =	vst v13;
	v28 =	vadd.f32 $-1.000000000e+00, v47;
	v24 =	vmul.f32 $6.931471820e-01, v24;
	v22 =	vmul.f32 v22, v38  }
0x17c: {  	v13 =	vld [tilespmem:$0x930];
	v38 =	vshrl.u32 v36, $0x17;
	v23 =	vmul.f32 v27, v50;
	(erf) = vrcp.f32 v59  }
0x17d: {  	v39 =	vadd.s32 v38, v61;
	v22 =	vadd.f32 $2.000000000e+00, v22;
	(erf) = vrcp.f32 v63  }
0x17e: {  	v32 =	vcvt.s32.f32 v32;
	v42 =	vcvt.s32.f32 v39;
	v23 =	vadd.f32 $2.000000000e+00, v23  }
0x17f: {  	[tilespmem:$0x960] =	vst v8;
	v19 =	vadd.f32 v21, v19;
	v49 =	vadd.f32 $-1.000000000e+00, v31;
	v22 =	vmul.f32 v22, v62  }
0x180: {  	v8 =	vld [tilespmem:$0x960];
	v30 =	vadd.f32 $-1.000000000e+00, v30;
	v26 =	vmul.f32 $6.931471820e-01, v42;
	v23 =	vmul.f32 v23, v46;
	v62 =	vpop (erf)  }
0x181: {  	v39 =	vmul.f32 $6.931471820e-01, v32;
	v25 =	vmul.f32 v62, v28;
	v28 =	vadd.f32 $2.000000010e-38, v13  }
0x182: {  	v46 =	vsel vm13, $0xFFFFFF82, v0;
	v22 =	vadd.f32 v22, v24;
	v23 =	vadd.f32 v23, v26  }
0x183: {  	[tilespmem:$0x940] =	vst v11;
	v29 =	vadd.s32 v29, v46;
	v46 =	vshrl.u32 v33, $0x17;
	v41 =	vand.u32 $0x7FFFFF, v28  }
0x184: {  	v11 =	vld [tilespmem:$0x940];
	v17 =	vmul.f32 v22, v17;
	v18 =	vmul.f32 v23, v18;
	v43 =	vor.u32 $0x3F800000, v41  }
0x185: {  	v33 =	vadd.f32 $2.000000010e-38, v8;
	v40 =	vmul.f32 v25, v25;
	v47 =	vpop (erf);
	v35 =	vmul.f32 $5.000000000e-01, v43  }
0x186: {  	v17 =	vadd.f32 v17, v19;
	v24 =	vmul.f32 v47, v30;
	v51 =	vpop (erf);
	vm15 =	vge.f32 v43, $1.414213540e+00  }
0x187: {  	[tilespmem:$0x990] =	vst v5;
	v44 =	vmul.f32 $2.857142980e-01, v40;
	v52 =	vmul.f32 v51, v49;
	v27 =	vsel vm15, v35, v43  }
0x188: {  	v5 =	vld [tilespmem:$0x990];
	v17 =	vadd.f32 v18, v17;
	v50 =	vmul.f32 v24, v24;
	v48 =	vadd.f32 $1.000000000e+00, v27  }
0x189: {  	v30 =	vadd.f32 $2.000000010e-38, v11;
	v21 =	vadd.f32 $4.000000060e-01, v44;
	v55 =	vmul.f32 v52, v52  }
0x18a: {  	v28 =	vshrl.u32 v28, $0x17;
	v54 =	vmul.f32 $2.857142980e-01, v50;
	(erf) = vrcp.f32 v48  }
0x18b: {  	v41 =	vcvt.s32.f32 v29;
	v53 =	vand.u32 $0x7FFFFF, v30;
	v21 =	vmul.f32 v21, v40  }
0x18c: {  	v34 =	vshrl.u32 v30, $0x17;
	v58 =	vmul.f32 $2.857142980e-01, v55;
	v31 =	vadd.f32 $4.000000060e-01, v54  }
0x18d: {  	v30 =	vadd.f32 $2.000000010e-38, v5;
	v26 =	vor.u32 $0x3F800000, v53;
	v21 =	vadd.f32 $6.666666860e-01, v21  }
0x18e: {  	v56 =	vmul.f32 $5.000000000e-01, v26;
	v60 =	vadd.f32 $4.000000060e-01, v58;
	v31 =	vmul.f32 v31, v50  }
0x18f: {  	vm4 =	vge.f32 v26, $1.414213540e+00;
	v27 =	vadd.f32 $-1.000000000e+00, v27;
	v21 =	vmul.f32 v21, v40  }
0x190: {  	v26 =	vsel vm4, v56, v26;
	v62 =	vmul.f32 v60, v55;
	v31 =	vadd.f32 $6.666666860e-01, v31  }
0x191: {  	[tilespmem:$0x950] =	vst v10;
	v45 =	vmul.f32 $6.931471820e-01, v41;
	v59 =	vadd.f32 $1.000000000e+00, v26;
	v21 =	vadd.f32 $2.000000000e+00, v21  }
0x192: {  	v10 =	vld [tilespmem:$0x950];
	v26 =	vadd.f32 $-1.000000000e+00, v26;
	v19 =	vadd.f32 $6.666666860e-01, v62;
	v22 =	vmul.f32 v31, v50  }
0x193: {  	v50 =	vsel vm15, $0xFFFFFF82, v0;
	v21 =	vmul.f32 v21, v25;
	v61 =	vpop (erf);
	(erf) = vrcp.f32 v59  }
0x194: {  	v42 =	vmul.f32 v19, v55;
	v28 =	vadd.s32 v28, v50;
	v63 =	vmul.f32 v61, v27  }
0x195: {  	v55 =	vsel vm4, $0xFFFFFF82, v0;
	v22 =	vadd.f32 $2.000000000e+00, v22;
	v28 =	vcvt.s32.f32 v28  }
0x196: {  	v37 =	vadd.s32 v34, v55;
	v21 =	vadd.f32 v21, v39;
	v40 =	vmul.f32 v63, v63  }
0x197: {  	v18 =	vadd.f32 $2.000000000e+00, v42;
	v44 =	vmul.f32 v22, v24;
	v22 =	vadd.f32 $2.000000010e-38, v10  }
0x198: {  	v27 =	vadd.s32 v46, v57;
	v58 =	vmul.f32 $6.931471820e-01, v28;
	v43 =	vmul.f32 $2.857142980e-01, v40  }
0x199: {  	v20 =	vmul.f32 v21, v20;
	v18 =	vmul.f32 v18, v52;
	v52 =	vand.u32 $0x7FFFFF, v33  }
0x19a: {  	v47 =	vand.u32 $0x7FFFFF, v22;
	v35 =	vor.u32 $0x3F800000, v52;
	v19 =	vadd.f32 $4.000000060e-01, v43  }
0x19b: {  	v27 =	vcvt.s32.f32 v27;
	v29 =	vor.u32 $0x3F800000, v47;
	v54 =	vmul.f32 $5.000000000e-01, v35  }
0x19c: {  	[tilespmem:$0x970] =	vst v7;
	v21 =	vadd.f32 v44, v45;
	v49 =	vmul.f32 $5.000000000e-01, v29;
	v19 =	vmul.f32 v19, v40;
	v48 =	vpop (erf)  }
0x19d: {  	v7 =	vld [tilespmem:$0x970];
	v57 =	vmul.f32 $6.931471820e-01, v27;
	vm5 =	vge.f32 v29, $1.414213540e+00;
	v23 =	vmul.f32 v48, v26  }
0x19e: {  	v17 =	vadd.f32 v20, v17;
	v26 =	vsel vm5, v49, v29;
	v19 =	vadd.f32 $6.666666860e-01, v19  }
0x19f: {  	v20 =	vcvt.s32.f32 v37;
	v29 =	vadd.f32 $1.000000000e+00, v26;
	v51 =	vmul.f32 v23, v23  }
0x1a0: {  	v22 =	vshrl.u32 v22, $0x17;
	v15 =	vmul.f32 v21, v15;
	v19 =	vmul.f32 v19, v40  }
0x1a1: {  	vm6 =	vge.f32 v35, $1.414213540e+00;
	(erf) = vrcp.f32 v29;
	v53 =	vmul.f32 $2.857142980e-01, v51  }
0x1a2: {  	v21 =	vadd.f32 $2.000000010e-38, v7;
	v52 =	vsel vm6, $0xFFFFFF82, v0;
	v19 =	vadd.f32 $2.000000000e+00, v19  }
0x1a3: {  	v18 =	vadd.f32 v18, v57;
	v39 =	vsel vm5, $0xFFFFFF82, v0;
	v31 =	vadd.f32 $4.000000060e-01, v53  }
0x1a4: {  	v45 =	vmul.f32 $6.931471820e-01, v20;
	v61 =	vadd.f32 v15, v17;
	v19 =	vmul.f32 v19, v63  }
0x1a5: {  	v32 =	vand.u32 $0x7FFFFF, v21;
	v29 =	vsel vm6, v54, v35;
	v31 =	vmul.f32 v31, v51  }
0x1a6: {  	v22 =	vadd.s32 v22, v39;
	v56 =	vadd.f32 $1.000000000e+00, v29;
	v19 =	vadd.f32 v19, v58  }
0x1a7: {  	[tilespmem:$0x980] =	vst v6;
	v14 =	vmul.f32 v18, v14;
	v22 =	vcvt.s32.f32 v22;
	v59 =	vadd.f32 $6.666666860e-01, v31  }
0x1a8: {  	v21 =	vshrl.u32 v21, $0x17;
	(erf) = vrcp.f32 v56;
	v63 =	vmul.f32 v19, v13;
	v13 =	vld [tilespmem:$0x980]  }
0x1a9: {  	v62 =	vadd.f32 $-1.000000000e+00, v26;
	v35 =	vor.u32 $0x3F800000, v32;
	v60 =	vmul.f32 v59, v51  }
0x1aa: {  	v6 =	vadd.f32 v14, v61;
	v22 =	vmul.f32 $6.931471820e-01, v22;
	v38 =	vmul.f32 $5.000000000e-01, v35;
	v31 =	vpop (erf)  }
0x1ab: {  	v56 =	vand.u32 $0x7FFFFF, v30;
	v15 =	vmul.f32 v31, v62;
	v28 =	vadd.f32 $2.000000000e+00, v60  }
0x1ac: {  	vm7 =	vge.f32 v35, $1.414213540e+00;
	v41 =	vadd.f32 $-1.000000000e+00, v29;
	v58 =	vor.u32 $0x3F800000, v56  }
0x1ad: {  	v40 =	vmul.f32 v15, v15;
	v18 =	vmul.f32 v28, v23;
	v28 =	vadd.f32 $2.000000010e-38, v13  }
0x1ae: {  	v25 =	vmul.f32 $5.000000000e-01, v58;
	vm9 =	vge.f32 v58, $1.414213540e+00;
	v19 =	vsel vm7, v38, v35  }
0x1af: {  	v44 =	vadd.f32 $1.000000000e+00, v19;
	v42 =	vmul.f32 $2.857142980e-01, v40;
	v47 =	vand.u32 $0x7FFFFF, v28  }
0x1b0: {  	v19 =	vadd.f32 $-1.000000000e+00, v19;
	v62 =	vshrl.u32 v33, $0x17;
	v49 =	vor.u32 $0x3F800000, v47  }
0x1b1: {  	v43 =	vpop (erf);
	(erf) = vrcp.f32 v44;
	v23 =	vadd.f32 $4.000000060e-01, v42;
	v51 =	vmul.f32 $5.000000000e-01, v49  }
0x1b2: {  	v24 =	vadd.s32 v62, v52;
	v46 =	vmul.f32 v43, v41;
	vm8 =	vge.f32 v49, $1.414213540e+00  }
0x1b3: {  	v24 =	vcvt.s32.f32 v24;
	v50 =	vmul.f32 v23, v40;
	v23 =	vsel vm8, v51, v49  }
0x1b4: {  	v59 =	vsel vm7, $0xFFFFFF82, v0;
	v48 =	vmul.f32 v46, v46;
	v55 =	vadd.f32 $1.000000000e+00, v23  }
0x1b5: {  	v17 =	vadd.f32 v63, v6;
	v24 =	vmul.f32 $6.931471820e-01, v24;
	v14 =	vadd.f32 v18, v45  }
0x1b6: {  	v31 =	vshrl.u32 v30, $0x17;
	v53 =	vmul.f32 $2.857142980e-01, v48;
	(erf) = vrcp.f32 v55  }
0x1b7: {  	v28 =	vshrl.u32 v28, $0x17;
	v11 =	vmul.f32 v14, v11;
	v14 =	vsel vm9, v25, v58  }
0x1b8: {  	[tilespmem:$0x9A0] =	vst v4;
	v42 =	vsel vm8, $0xFFFFFF82, v0;
	v54 =	vadd.f32 $4.000000060e-01, v53;
	v18 =	vadd.f32 $6.666666860e-01, v50  }
0x1b9: {  	v6 =	vld [tilespmem:$0x9A0];
	v61 =	vadd.f32 $1.000000000e+00, v14;
	v14 =	vadd.f32 $-1.000000000e+00, v14;
	v56 =	vadd.s32 v28, v42  }
0x1ba: {  	v11 =	vadd.f32 v11, v17;
	v57 =	vmul.f32 v54, v48;
	v60 =	vpop (erf);
	v18 =	vmul.f32 v18, v40  }
0x1bb: {  	v37 =	vadd.f32 $-1.000000000e+00, v23;
	v27 =	vcvt.s32.f32 v56;
	v19 =	vmul.f32 v60, v19  }
0x1bc: {  	v4 =	vadd.f32 $6.666666860e-01, v57;
	(erf) = vrcp.f32 v61;
	v18 =	vadd.f32 $2.000000000e+00, v18  }
0x1bd: {  	v55 =	vsel vm9, $0xFFFFFF82, v0;
	v62 =	vmul.f32 $6.931471820e-01, v27;
	v63 =	vmul.f32 v19, v19  }
0x1be: {  	v4 =	vmul.f32 v4, v48;
	v15 =	vmul.f32 v18, v15;
	v18 =	vadd.f32 $2.000000010e-38, v6  }
0x1bf: {  	v32 =	vadd.s32 v31, v55;
	v48 =	vadd.s32 v21, v59;
	v36 =	vmul.f32 $2.857142980e-01, v63;
	v39 =	vpop (erf)  }
0x1c0: {  	v4 =	vadd.f32 $2.000000000e+00, v4;
	v38 =	vand.u32 $0x7FFFFF, v18;
	v40 =	vmul.f32 v39, v37  }
0x1c1: {  	v26 =	vadd.f32 $4.000000060e-01, v36;
	v15 =	vadd.f32 v15, v22;
	v23 =	vor.u32 $0x3F800000, v38  }
0x1c2: {  	v18 =	vshrl.u32 v18, $0x17;
	v41 =	vmul.f32 $5.000000000e-01, v23;
	v43 =	vmul.f32 v40, v40  }
0x1c3: {  	v20 =	vmul.f32 v4, v46;
	v26 =	vmul.f32 v26, v63;
	vm10 =	vge.f32 v23, $1.414213540e+00  }
0x1c4: {  	v4 =	vld [tilespmem:$0x9B0];
	v10 =	vmul.f32 v15, v10;
	v23 =	vsel vm10, v41, v23;
	v46 =	vmul.f32 $2.857142980e-01, v43  }
0x1c5: {  	v20 =	vadd.f32 v20, v24;
	v38 =	vsel vm10, $0xFFFFFF82, v0;
	v47 =	vpop (erf);
	v45 =	vadd.f32 $1.000000000e+00, v23  }
0x1c6: {  	v44 =	vadd.f32 $6.666666860e-01, v26;
	v14 =	vmul.f32 v47, v14;
	v24 =	vadd.f32 $4.000000060e-01, v46  }
0x1c7: {  	v11 =	vadd.f32 v10, v11;
	v20 =	vmul.f32 v20, v8;
	(erf) = vrcp.f32 v45  }
0x1c8: {  	v18 =	vadd.s32 v18, v38;
	v50 =	vmul.f32 v14, v14;
	v49 =	vmul.f32 v24, v43  }
0x1c9: {  	v8 =	vcvt.s32.f32 v48;
	v15 =	vmul.f32 v44, v63;
	v25 =	vadd.f32 $2.000000010e-38, v4  }
0x1ca: {  	v18 =	vcvt.s32.f32 v18;
	v53 =	vmul.f32 $2.857142980e-01, v50;
	v21 =	vadd.f32 $6.666666860e-01, v49  }
0x1cb: {  	[tilespmem:$0x9C0] =	vst v1;
	v60 =	vmul.f32 $6.931471820e-01, v8;
	v15 =	vadd.f32 $2.000000000e+00, v15;
	v51 =	vand.u32 $0x7FFFFF, v25  }
0x1cc: {  	v8 =	vld [tilespmem:$0x9C0];
	v52 =	vor.u32 $0x3F800000, v51;
	v26 =	vadd.f32 $4.000000060e-01, v53;
	v21 =	vmul.f32 v21, v43  }
0x1cd: {  	v23 =	vadd.f32 $-1.000000000e+00, v23;
	v15 =	vmul.f32 v15, v19;
	v54 =	vmul.f32 $5.000000000e-01, v52  }
0x1ce: {  	vm11 =	vge.f32 v52, $1.414213540e+00;
	v26 =	vmul.f32 v26, v50;
	v21 =	vadd.f32 $2.000000000e+00, v21  }
0x1cf: {  	v20 =	vadd.f32 v20, v11;
	v19 =	vsel vm11, v54, v52;
	v15 =	vadd.f32 v15, v60  }
0x1d0: {  	[tilespmem:$0x9E0] =	vst v9;
	v57 =	vadd.f32 $1.000000000e+00, v19;
	v61 =	vadd.f32 $6.666666860e-01, v26;
	v58 =	vpop (erf);
	v21 =	vmul.f32 v21, v40  }
0x1d1: {  	v15 =	vmul.f32 v15, v7;
	v7 =	vld [tilespmem:$0x9E0];
	v59 =	vmul.f32 v58, v23;
	v23 =	vadd.f32 $2.000000010e-38, v8  }
0x1d2: {  	v18 =	vmul.f32 $6.931471820e-01, v18;
	v22 =	vmul.f32 v61, v50;
	v10 =	vadd.f32 v21, v62  }
0x1d3: {  	[tilespmem:$0x9D0] =	vst v2;
	(erf) = vrcp.f32 v57;
	v63 =	vmul.f32 v59, v59;
	v37 =	vand.u32 $0x7FFFFF, v23  }
0x1d4: {  	v34 =	vadd.f32 $2.000000000e+00, v22;
	v22 =	vor.u32 $0x3F800000, v37;
	v13 =	vmul.f32 v10, v13;
	v10 =	vld [tilespmem:$0x9D0]  }
0x1d5: {  	[tilespmem:$0x9F0] =	vst v12;
	v19 =	vadd.f32 $-1.000000000e+00, v19;
	v43 =	vsel vm11, $0xFFFFFF82, v0;
	v41 =	vmul.f32 $5.000000000e-01, v22  }
0x1d6: {  	v27 =	vadd.f32 $2.000000010e-38, v7;
	v33 =	vmul.f32 $2.857142980e-01, v63;
	vm12 =	vge.f32 v22, $1.414213540e+00  }
0x1d7: {  	v11 =	vld [tilespmem:$0x9F0];
	v15 =	vadd.f32 v15, v20;
	v14 =	vmul.f32 v34, v14;
	v22 =	vsel vm12, v41, v22  }
0x1d8: {  	v47 =	vand.u32 $0x7FFFFF, v27;
	v35 =	vadd.f32 $4.000000060e-01, v33;
	v44 =	vadd.f32 $1.000000000e+00, v22  }
0x1d9: {  	v21 =	vcvt.s32.f32 v32;
	v34 =	vor.u32 $0x3F800000, v47;
	v24 =	vadd.f32 $2.000000010e-38, v10  }
0x1da: {  	v50 =	vsel vm12, $0xFFFFFF82, v0;
	v36 =	vmul.f32 v35, v63;
	(erf) = vrcp.f32 v44  }
0x1db: {  	v49 =	vmul.f32 $5.000000000e-01, v34;
	v21 =	vmul.f32 $6.931471820e-01, v21;
	v45 =	vand.u32 $0x7FFFFF, v24  }
0x1dc: {  	v39 =	vpop (erf);
	v40 =	vadd.f32 $6.666666860e-01, v36;
	v36 =	vadd.f32 $2.000000010e-38, v11;
	v32 =	vor.u32 $0x3F800000, v45  }
0x1dd: {  	vm14 =	vge.f32 v34, $1.414213540e+00;
	v19 =	vmul.f32 v39, v19;
	v48 =	vmul.f32 $5.000000000e-01, v32  }
0x1de: {  	v22 =	vadd.f32 $-1.000000000e+00, v22;
	v51 =	vand.u32 $0x7FFFFF, v36;
	vm13 =	vge.f32 v32, $1.414213540e+00  }
0x1df: {  	v42 =	vmul.f32 v19, v19;
	v35 =	vor.u32 $0x3F800000, v51;
	v31 =	vsel vm13, v48, v32  }
0x1e0: {  	v34 =	vsel vm14, v49, v34;
	v53 =	vmul.f32 $5.000000000e-01, v35;
	v32 =	vadd.f32 $1.000000000e+00, v31  }
0x1e1: {  	v52 =	vadd.f32 $1.000000000e+00, v34;
	v46 =	vmul.f32 $2.857142980e-01, v42;
	vm15 =	vge.f32 v35, $1.414213540e+00  }
0x1e2: {  	v26 =	vmul.f32 v40, v63;
	(erf) = vrcp.f32 v32;
	v32 =	vsel vm15, v53, v35  }
0x1e3: {  	v33 =	vadd.f32 $4.000000060e-01, v46;
	v55 =	vpop (erf);
	(erf) = vrcp.f32 v52;
	v35 =	vadd.f32 $1.000000000e+00, v32  }
0x1e4: {  	v62 =	vshrl.u32 v25, $0x17;
	v26 =	vadd.f32 $2.000000000e+00, v26;
	v20 =	vmul.f32 v55, v22  }
0x1e5: {  	v14 =	vadd.f32 v14, v21;
	v33 =	vmul.f32 v33, v42;
	(erf) = vrcp.f32 v35  }
0x1e6: {  	v13 =	vadd.f32 v13, v15;
	v17 =	vmul.f32 v26, v59;
	v59 =	vmul.f32 v20, v20  }
0x1e7: {  	v21 =	vadd.s32 v62, v43;
	v29 =	vadd.f32 $-1.000000000e+00, v34;
	v56 =	vadd.f32 $6.666666860e-01, v33  }
0x1e8: {  	v5 =	vmul.f32 v14, v5;
	v17 =	vadd.f32 v17, v18;
	v63 =	vmul.f32 $2.857142980e-01, v59  }
0x1e9: {  	v60 =	vadd.f32 $-1.000000000e+00, v31;
	v58 =	vmul.f32 v56, v42;
	v42 =	vshrl.u32 v23, $0x17  }
0x1ea: {  	v31 =	vcvt.s32.f32 v21;
	v22 =	vadd.s32 v42, v50;
	v33 =	vadd.f32 $4.000000060e-01, v63  }
0x1eb: {  	v6 =	vmul.f32 v17, v6;
	v15 =	vadd.f32 $2.000000000e+00, v58;
	v22 =	vcvt.s32.f32 v22;
	v61 =	vpop (erf)  }
0x1ec: {  	v57 =	vsel vm14, $0xFFFFFF82, v0;
	v21 =	vmul.f32 v33, v59;
	v14 =	vmul.f32 v61, v60;
	v30 =	vpop (erf)  }
0x1ed: {  	v15 =	vmul.f32 v15, v19;
	v35 =	vadd.f32 $-1.000000000e+00, v32;
	v17 =	vmul.f32 v30, v29  }
0x1ee: {  	v19 =	vmul.f32 $6.931471820e-01, v31;
	v21 =	vadd.f32 $6.666666860e-01, v21;
	v34 =	vmul.f32 v14, v14;
	v39 =	vpop (erf)  }
0x1ef: {  	v5 =	vadd.f32 v5, v13;
	v25 =	vmul.f32 v17, v17;
	v40 =	vmul.f32 v39, v35  }
0x1f0: {  	v54 =	vsel vm13, $0xFFFFFF82, v0;
	v18 =	vmul.f32 v21, v59;
	v38 =	vmul.f32 $2.857142980e-01, v34  }
0x1f1: {  	v5 =	vadd.f32 v6, v5;
	v41 =	vmul.f32 $2.857142980e-01, v25;
	v43 =	vmul.f32 v40, v40  }
0x1f2: {  	v47 =	vmul.f32 $6.931471820e-01, v22;
	v15 =	vadd.f32 v15, v19;
	v16 =	vadd.f32 $4.000000060e-01, v38  }
0x1f3: {  	v18 =	vadd.f32 $2.000000000e+00, v18;
	v19 =	vadd.f32 $4.000000060e-01, v41;
	v44 =	vmul.f32 $2.857142980e-01, v43  }
0x1f4: {  	v52 =	vshrl.u32 v24, $0x17;
	v4 =	vmul.f32 v15, v4;
	v16 =	vmul.f32 v16, v34  }
0x1f5: {  	v18 =	vmul.f32 v18, v20;
	v46 =	vmul.f32 v19, v25;
	v48 =	vadd.f32 $4.000000060e-01, v44  }
0x1f6: {  	v58 =	vsel vm15, $0xFFFFFF82, v0;
	v4 =	vadd.f32 v4, v5;
	v45 =	vadd.f32 $6.666666860e-01, v16  }
0x1f7: {  	v51 =	vadd.f32 v18, v47;
	v50 =	vadd.f32 $6.666666860e-01, v46;
	v53 =	vmul.f32 v48, v43  }
0x1f8: {  	v16 =	vadd.s32 v52, v54;
	v54 =	vshrl.u32 v27, $0x17;
	v49 =	vmul.f32 v45, v34  }
0x1f9: {  	v16 =	vcvt.s32.f32 v16;
	v13 =	vmul.f32 v50, v25;
	v18 =	vadd.f32 $6.666666860e-01, v53  }
0x1fa: {  	v8 =	vmul.f32 v51, v8;
	v55 =	vadd.s32 v54, v57;
	v5 =	vadd.f32 $2.000000000e+00, v49  }
0x1fb: {  	v16 =	vmul.f32 $6.931471820e-01, v16;
	v56 =	vmul.f32 v18, v43;
	v13 =	vadd.f32 $2.000000000e+00, v13  }
0x1fc: {  	v57 =	vshrl.u32 v36, $0x17;
	v5 =	vmul.f32 v5, v14;
	v14 =	vcvt.s32.f32 v55  }
0x1fd: {  	v59 =	vadd.s32 v57, v58;
	v13 =	vmul.f32 v13, v17;
	v15 =	vadd.f32 $2.000000000e+00, v56  }
0x1fe: {  	v5 =	vadd.f32 v5, v16;
	v14 =	vmul.f32 $6.931471820e-01, v14;
	v16 =	vcvt.s32.f32 v59  }
0x1ff: {  	v1 =	vadd.f32 v1, v3;
	v3 =	vadd.f32 v8, v4;
	v6 =	vmul.f32 v15, v40  }
0x200: {  	v60 =	vmul.f32 v5, v10;
	v61 =	vadd.f32 v13, v14;
	v62 =	vmul.f32 $6.931471820e-01, v16  }
0x201: {  	v1 =	vadd.f32 v2, v1  }
0x202: {  	v2 =	vadd.f32 v60, v3;
	v3 =	vmul.f32 v61, v7;
	v63 =	vadd.f32 v6, v62  }
0x203: {  	v1 =	vadd.f32 v9, v1  }
0x204: {  	v2 =	vadd.f32 v3, v2;
	v3 =	vmul.f32 v63, v11  }
0x205: {  	v1 =	vadd.f32 v12, v1  }
0x206: {  	v2 =	vadd.f32 v3, v2  }
0x207: {  	[tilespmem:$0xC80] =	vst v1  }
0x208: {  	s30 =	simm.s32 $0x20;
	s31 =	simm.s32 $0xC00;
	s6 =	simm.s32 $0xC80;
	[tilespmem:$0xC90] =	vst v2  }
0x209: {  	[spmem:s3] =	stream.indirect.scatter.add.f32 [tilespmem:s6], [sflag:$0x2], $0x1, s31, s30, $0xb8;
	[tilespmem:$0xF08] =	vst v63  }
0x20a: {  	_ =	swait.ge [sflag:s4], $0x20  }
0x20b: {  	[sflag:s4] =	ssyncset.done $0x0  }
0x20c: {  	[sflag:s4] =	ssyncadd.s32 $0xFFFFFFE0  }
0x20d: {  	[bflag:$0x0] =	sbarrier.arrive $0xFFFF  }
0x20e: {  	_ =	sfence.sel @p0 $0x180000  }
0x20f: {  	[bflag:$0x0] =	sbarrier.arrive @p0 $0xFFFF  }
0x210: {  	_ =	strace @p0 $0x90000047  }
0x211: {  	[bflag:$0x2] =	sbarrier.arrive @p0 $0xFFFF  }
0x212: {  	_ =	shalt @p0  }
.LBB2_1:
0x213: {  	[tilespmem:s5], [sflag:$0x2] =	stream.linear.gather [spmem:s3], $0x20, $0x38;
	[tilespmem:$0xF08] =	vst v63  }
0x214: {  	_ =	swait.ge [sflag:s4], $0x20  }
0x215: {  	[sflag:s4] =	ssyncset.done $0x0  }
0x216: {  	[sflag:s4] =	ssyncadd.s32 $0xFFFFFFE0  }
0x217: {  	v1 =	vld [tilespmem:$0x800];
	_ =	sdelay $0x4  }
0x218: {  	v2 =	vbroadcast v1, $0x0;
	v3 =	vbroadcast v1, $0x1;
	_ =	sdelay $0x1  }
0x219: {  	v31 =	vbroadcast v1, $0x2;
	v2 =	vadd.f32 v3, v2;
	_ =	sdelay $0x1  }
0x21a: {  	v32 =	vbroadcast v1, $0x3;
	v2 =	vadd.f32 v2, v31;
	_ =	sdelay $0x1  }
0x21b: {  	v33 =	vbroadcast v1, $0x4;
	v2 =	vadd.f32 v2, v32;
	_ =	sdelay $0x1  }
0x21c: {  	v34 =	vbroadcast v1, $0x5;
	v2 =	vadd.f32 v2, v33;
	_ =	sdelay $0x1  }
0x21d: {  	v35 =	vbroadcast v1, $0x6;
	v2 =	vadd.f32 v2, v34;
	_ =	sdelay $0x1  }
0x21e: {  	v36 =	vbroadcast v1, $0x7;
	v2 =	vadd.f32 v2, v35;
	_ =	sdelay $0x1  }
0x21f: {  	v37 =	vbroadcast v1, $0x8;
	v2 =	vadd.f32 v2, v36;
	_ =	sdelay $0x1  }
0x220: {  	v38 =	vbroadcast v1, $0x9;
	v2 =	vadd.f32 v2, v37;
	_ =	sdelay $0x1  }
0x221: {  	v39 =	vbroadcast v1, $0xA;
	v2 =	vadd.f32 v2, v38;
	_ =	sdelay $0x1  }
0x222: {  	v40 =	vbroadcast v1, $0xB;
	v2 =	vadd.f32 v2, v39;
	_ =	sdelay $0x1  }
0x223: {  	v41 =	vbroadcast v1, $0xC;
	v2 =	vadd.f32 v2, v40;
	_ =	sdelay $0x1  }
0x224: {  	v42 =	vbroadcast v1, $0xD;
	v2 =	vadd.f32 v2, v41;
	_ =	sdelay $0x1  }
0x225: {  	v43 =	vbroadcast v1, $0xE;
	v2 =	vadd.f32 v2, v42;
	_ =	sdelay $0x1  }
0x226: {  	v1 =	vbroadcast v1, $0xF;
	v2 =	vadd.f32 v2, v43;
	_ =	sdelay $0x1  }
0x227: {  	v1 =	vadd.f32 v2, v1;
	_ =	sdelay $0x1  }
0x228: {  	v2 =	vadd.f32 $9.999999710e-10, v1;
	_ =	sdelay $0x1  }
0x229: {  	(erf) = vrcp.f32 v2;
	_ =	sdelay $0x8  }
0x22a: {  	v2 =	vpop (erf)  }
0x22b: {  	v44 =	vand.u32 $0x7FFFFF, v2  }
0x22c: {  	v4 =	vld [tilespmem:$0x810];
	v3 =	vor.u32 $0x3F800000, v44  }
0x22d: {  	v5 =	vmul.f32 $5.000000000e-01, v3  }
0x22e: {  	vm0 =	vge.f32 v3, $1.414213540e+00  }
0x22f: {  	v3 =	vsel vm0, v5, v3  }
0x230: {  	v5 =	vadd.f32 $1.000000000e+00, v3  }
0x231: {  	v6 =	vbroadcast v4, $0x0  }
0x232: {  	v7 =	vbroadcast v4, $0x1;
	(erf) = vrcp.f32 v5;
	_ =	sdelay $0x1  }
0x233: {  	v46 =	vbroadcast v4, $0x2;
	v45 =	vadd.f32 v7, v6;
	_ =	sdelay $0x1  }
0x234: {  	v47 =	vbroadcast v4, $0x3;
	v5 =	vadd.f32 v45, v46;
	_ =	sdelay $0x1  }
0x235: {  	v48 =	vbroadcast v4, $0x4;
	v5 =	vadd.f32 v5, v47;
	_ =	sdelay $0x1  }
0x236: {  	v49 =	vbroadcast v4, $0x5;
	v3 =	vadd.f32 $-1.000000000e+00, v3;
	v5 =	vadd.f32 v5, v48  }
0x237: {  	v50 =	vpop (erf)  }
0x238: {  	v51 =	vbroadcast v4, $0x6;
	v5 =	vadd.f32 v5, v49;
	v3 =	vmul.f32 v50, v3;
	_ =	sdelay $0x1  }
0x239: {  	v52 =	vbroadcast v4, $0x7;
	v5 =	vadd.f32 v5, v51;
	v7 =	vmul.f32 v3, v3;
	_ =	sdelay $0x1  }
0x23a: {  	v53 =	vbroadcast v4, $0x8;
	v5 =	vadd.f32 v5, v52;
	v8 =	vmul.f32 $2.857142980e-01, v7;
	_ =	sdelay $0x1  }
0x23b: {  	v54 =	vbroadcast v4, $0x9;
	v5 =	vadd.f32 v5, v53;
	v8 =	vadd.f32 $4.000000060e-01, v8;
	_ =	sdelay $0x1  }
0x23c: {  	v55 =	vbroadcast v4, $0xA;
	v5 =	vadd.f32 v5, v54;
	v8 =	vmul.f32 v8, v7;
	_ =	sdelay $0x1  }
0x23d: {  	v56 =	vbroadcast v4, $0xB;
	v5 =	vadd.f32 v5, v55;
	v8 =	vadd.f32 $6.666666860e-01, v8  }
0x23e: {  	v58 =	vbroadcast v4, $0xC;
	v59 =	vshrl.u32 v2, $0x17  }
0x23f: {  	v0 =	vsel vm0, $0xFFFFFF82, v0;
	v5 =	vadd.f32 v5, v56;
	v57 =	vmul.f32 v8, v7  }
0x240: {  	v60 =	vbroadcast v4, $0xD;
	v0 =	vadd.s32 v59, v0  }
0x241: {  	v0 =	vcvt.s32.f32 v0;
	v5 =	vadd.f32 v5, v58;
	v6 =	vadd.f32 $2.000000000e+00, v57  }
0x242: {  	v61 =	vbroadcast v4, $0xE  }
0x243: {  	v0 =	vmul.f32 $6.931471820e-01, v0;
	v5 =	vadd.f32 v5, v60;
	v3 =	vmul.f32 v6, v3;
	_ =	sdelay $0x1  }
0x244: {  	v4 =	vbroadcast v4, $0xF;
	v5 =	vadd.f32 v5, v61;
	v0 =	vadd.f32 v3, v0;
	_ =	sdelay $0x1  }
0x245: {  	v62 =	vadd.f32 v5, v4;
	v0 =	vmul.f32 v0, v1;
	_ =	sdelay $0x1  }
0x246: {  	v63 =	vmul.f32 $1.000000010e-01, v2;
	v0 =	vadd.f32 v0, v62;
	_ =	sdelay $0x1  }
0x247: {  	v0 =	vmul.f32 v0, v63;
	_ =	sdelay $0x1  }
0x248: {  	[tilespmem:$0xC80] =	vst v0  }
0x249: {  	[hbm4b:s1+s2] =	stream.linear.scatter [tilespmem:s6], [sflag:$0x2], $0x10, $0x38;
	[tilespmem:$0xF08] =	vst v63  }
0x24a: {  	_ =	swait.ge [sflag:s4], $0x10  }
0x24b: {  	[sflag:s4] =	ssyncset.done $0x0  }
0x24c: {  	[sflag:s4] =	ssyncadd.s32 $0xFFFFFFF0  }
0x24d: {  	_ =	sfence.sel $0x180000  }
0x24e: {  	[bflag:$0x0] =	sbarrier.arrive $0xFFFF  }
0x24f: {  	_ =	strace $0x90000047  }
0x250: {  	s0 =	sadd.s32 $0x100000, s0;
	[bflag:$0x2] =	sbarrier.arrive $0xFFFF  }
0x251: {  	[sflag:s0] =	ssyncadd.tile.s32 $0x1;
	_ =	shalt  }
.Lfunc_end2:
_tile_overlayer_lowered:
.L_overlay_start_2:
0x252: {  	(tag) =	ssettag $0x2  }
0x253: {  	s0 =	rddreg [dreg:$0x0];
	s2 =	stileid.u32  }
0x254: {  	s1 =	rddreg [dreg:$0x1];
	p0 =	sne.s32 s2, $0x0  }
0x255: {  	s3 =	rddreg [dreg:$0x2];
	[bflag:$0x3] =	sbarrier.arrive $0xFFFF;
	s2 =	simm.s32 @!p0 $0x1C02  }
0x256: {  	[timem:s3], [sflag:s2] =	dma.local @!p0 [hbm:s0], s1  }
0x257: {  	s0 =	simm.s32 @!p0 $0x2  }
0x258: {  	_ =	swait.ge @!p0 [sflag:s0], s1  }
0x259: {  	s1 =	ssub.s32 @!p0 $0x0, s1;
	[sflag:s0] =	ssyncset.done @!p0 $0x0  }
0x25a: {  	[sflag:s0] =	ssyncadd.s32 @!p0 s1  }
0x25b: {  	[bflag:$0x3] =	sbarrier.arrive $0xFFFF  }
0x25c: {  	_ =	shalt  }

</sc_bundles>
